<compile_context>
chip_gen: v7x
topology: tpu7x:2x2x1
jax: 0.10.2.dev20260603
libtpu: 0.0.44.dev20260713+nightly
codegen_flags: <defaults>
</compile_context>

<pallas_src>
import functools

import jax
import jax.numpy as jnp
from jax import lax
from jax.experimental import pallas as pl
from jax.experimental.pallas import tpu as pltpu
from jax.experimental.pallas import tpu_sc as plsc

NUM_WORKERS = 32


def _gather_lmajor(idx, table, l_lo, n_l):
    b, l_dim = idx.shape
    v, d = table.shape
    bpw = b // NUM_WORKERS

    mesh = plsc.VectorSubcoreMesh(core_axis_name="c", subcore_axis_name="s")

    @functools.partial(
        pl.kernel,
        out_type=jax.ShapeDtypeStruct((n_l * b, d), jnp.float32),
        mesh=mesh,
        scratch_types=[
            pltpu.VMEM((bpw, l_dim), jnp.int32),
            pltpu.VMEM((2, bpw), jnp.int32),
            pltpu.VMEM((2, bpw, d), jnp.float32),
            pltpu.SemaphoreType.DMA,
            pltpu.SemaphoreType.DMA,
            pltpu.SemaphoreType.DMA,
        ],
        compiler_params=pltpu.CompilerParams(
            use_tc_tiling_on_sc=False, needs_layout_passes=False
        ),
    )
    def k(idx_hbm, table_hbm, out_hbm, idx_v, idxcol, bufg, gsem, osem0, osem1):
        wid = lax.axis_index("s") * 2 + lax.axis_index("c")
        b0 = wid * bpw
        pltpu.sync_copy(idx_hbm.at[pl.ds(b0, bpw)], idx_v)
        lanes = lax.iota(jnp.int32, 16)
        osems = (osem0, osem1)

        def build_idxcol(lidx, sel):
            lvec = jnp.full((16,), l_lo + lidx, jnp.int32)

            def bg(g, c):
                tau = lanes + g * 16
                beta = tau // 2 + (tau % 2) * 64
                idxcol[sel, pl.ds(g * 16, 16)] = plsc.load_gather(idx_v, [beta, lvec])
                return c

            lax.fori_loop(0, bpw // 16, bg, 0)

        def fire_gather(sel):
            pltpu.async_copy(table_hbm.at[idxcol.at[sel]], bufg.at[sel], gsem)

        def wait_gather(sel):
            pltpu.make_async_copy(
                table_hbm.at[idxcol.at[sel]], bufg.at[sel], gsem
            ).wait()

        def out_slice(lidx):
            return out_hbm.at[pl.ds(lidx * b + b0, bpw)]

        def fire_out(lidx, sel):
            pltpu.async_copy(bufg.at[sel], out_slice(lidx), osems[sel])

        def wait_out(lidx, sel):
            pltpu.make_async_copy(bufg.at[sel], out_slice(lidx), osems[sel]).wait()

        def step(lidx, sel, fire_next, wait_o):
            if fire_next:
                build_idxcol(lidx + 1, 1 - sel)
                fire_gather(1 - sel)
            wait_gather(sel)
            if wait_o:
                wait_out(lidx - 2, sel)
            fire_out(lidx, sel)

        build_idxcol(0, 0)
        fire_gather(0)
        step(0, 0, True, False)
        step(1, 1, True, False)

        def body(i, c):
            step(2 * i + 2, 0, True, True)
            step(2 * i + 3, 1, True, True)
            return c

        lax.fori_loop(0, (n_l - 4) // 2, body, 0)
        step(n_l - 2, 0, True, True)
        step(n_l - 1, 1, False, True)
        wait_out(n_l - 2, 0)
        wait_out(n_l - 1, 1)

    return k(idx, table)


def _retile_tc(g3, l_total, n_l, l_off, n_bi, acc=None):
    bi_per = 32
    lp = 2

    def tr(*refs):
        x_ref, o_ref = refs[0], refs[-1]
        for half in range(lp):
            x64 = x_ref[8 * bi_per * half : 8 * bi_per * (half + 1)].reshape(
                64 * bi_per, 128
            )
            for k in range(bi_per // 2):
                xk = x64[128 * k : 128 * (k + 1), :]
                xkt = xk.T
                even = jnp.concatenate([xkt[:64, :64], xkt[64:, :64]], axis=1)
                odd = jnp.concatenate([xkt[:64, 64:], xkt[64:, 64:]], axis=1)
                o_ref[half, :, 2 * k] = even.reshape(8, 8, 128)
                o_ref[half, :, 2 * k + 1] = odd.reshape(8, 8, 128)

    out_shape = jax.ShapeDtypeStruct((l_total, 8, n_bi, 8, 128), jnp.float32)
    in_specs = [
        pl.BlockSpec((8 * bi_per * lp, 8, 128), lambda l: (l, 0, 0))
    ]
    args = [g3]
    aliases = {}
    if acc is not None:
        in_specs.append(pl.BlockSpec(memory_space=pl.ANY))
        args.append(acc)
        aliases = {1: 0}
    return pl.pallas_call(
        tr,
        grid=(n_l // lp,),
        in_specs=in_specs,
        out_specs=pl.BlockSpec(
            (lp, 8, bi_per, 8, 128), lambda l: (l + l_off // lp, 0, 0, 0, 0)
        ),
        out_shape=out_shape,
        input_output_aliases=aliases,
    )(*args)


def kernel(token_ids, W):
    b, l = token_ids.shape
    v, d = W.shape
    idx = token_ids.astype(jnp.int32)
    n1 = (l // 2 + 1) // 2 * 2
    n2 = l - n1
    flat1 = _gather_lmajor(idx, W, 0, n1)
    flat2 = _gather_lmajor(idx, W, n1, n2)
    g3_1 = flat1.reshape(n1 * b * d // 1024, 8, 128)
    g3_2 = flat2.reshape(n2 * b * d // 1024, 8, 128)
    part = _retile_tc(g3_1, l, n1, 0, NUM_WORKERS)
    out5 = _retile_tc(g3_2, l, n2, n1, NUM_WORKERS, acc=part)
    y = jnp.transpose(out5, (2, 4, 0, 1, 3))
    return y.reshape(b, l, d)

# --- scband reference (transcript-rebuilt; emitter-appended) ---
"""Pipeline reference for scband-embedding-15393162789183 (READ-ONLY COPY).

The authoritative reference and input builder live on the scoring server;
editing this copy changes nothing except your own understanding.
"""

import jax, jax.numpy as jnp
import numpy as np

NUM_EMBEDDINGS = 100000
EMBEDDING_DIM = 64

def setup_inputs(seed: int = 0) -> dict:
    key = jax.random.key(seed)
    k_idx, k_w = jax.random.split(key)
    token_ids = jax.random.randint(k_idx, (4096, 50), 0, NUM_EMBEDDINGS, dtype=jnp.int64 if jax.config.jax_enable_x64 else jnp.int32)
    # trunc_normal_(mean=0, std=1, a=-3, b=3)
    W = jax.random.truncated_normal(k_w, -3.0, 3.0, (NUM_EMBEDDINGS, EMBEDDING_DIM), dtype=jnp.float32)
    return {"token_ids": token_ids, "W": W}

def reference(token_ids, W):
    # Embedding lookup: W[token_ids] -> [B, L, D]
    return jnp.take(W, token_ids, axis=0)

if __name__ == "__main__":
    import jax
    _d = setup_inputs()
    print(jax.jit(kernel)(*tuple(_d.values())))

</pallas_src>

<mosaic_0001>
#map = affine_map<(d0, d1) -> (0, 0)>
module attributes {stable_mosaic.version = 14 : i64} {
  func.func @k(%arg0: i32, %arg1: i32, %arg2: memref<4096x50xi32, #tpu.memory_space<hbm>>, %arg3: memref<100000x64xf32, #tpu.memory_space<hbm>>, %arg4: memref<98304x64xf32, #tpu.memory_space<hbm>>, %arg5: memref<128x50xi32, #tpu.memory_space<vmem>>, %arg6: memref<2x128xi32, #tpu.memory_space<vmem>>, %arg7: memref<2x128x64xf32, #tpu.memory_space<vmem>>, %arg8: memref<!tpu.dma_semaphore, #tpu.memory_space<semaphore_mem>>, %arg9: memref<!tpu.dma_semaphore, #tpu.memory_space<semaphore_mem>>, %arg10: memref<!tpu.dma_semaphore, #tpu.memory_space<semaphore_mem>>) attributes {dimension_semantics = [#tpu.dimension_semantics<core_parallel>, #tpu.dimension_semantics<subcore_parallel>], iteration_bounds = array<i64: 2, 16>, scalar_prefetch = 0 : i64, scratch_operands = 6 : i64, tpu.core_type = #tpu.core_type<sc_vector_subcore>, window_params = [{transform_indices = #map}, {transform_indices = #map}, {transform_indices = #map}]} {
    %mul3A = arith.constant 2 : i32
    %mul3A_0 = arith.muli %arg1, %mul3A : i32
    %add3A = arith.addi %mul3A_0, %arg0 : i32
    %mul3A_1 = arith.constant 128 : i32
    %mul3A_2 = arith.muli %add3A, %mul3A_1 : i32
    "tpu.region"() ({
      %run_scoped3A = tpu.sem_alloc : memref<!tpu.dma_semaphore, #tpu.memory_space<semaphore_mem>>
      %dma_start3A_253 = arith.constant 0 : i32
      %dma_start3A_254 = tpu.memref_slice %arg2[%mul3A_2, %dma_start3A_253] : memref<4096x50xi32, #tpu.memory_space<hbm>> -> memref<128x50xi32, #tpu.memory_space<hbm>>
      %dma_start3A_255 = arith.constant 0 : i32
      %dma_start3A_256 = tpu.memref_slice %arg2[%mul3A_2, %dma_start3A_255] : memref<4096x50xi32, #tpu.memory_space<hbm>> -> memref<128x50xi32, #tpu.memory_space<hbm>>
      tpu.enqueue_dma source(%dma_start3A_256 : memref<128x50xi32, #tpu.memory_space<hbm>>) target(%arg5 : memref<128x50xi32, #tpu.memory_space<vmem>>) target_semaphore(%run_scoped3A : memref<!tpu.dma_semaphore, #tpu.memory_space<semaphore_mem>>)
      %dma_wait3A_257 = arith.constant 0 : i32
      %dma_wait3A_258 = tpu.memref_slice %arg2[%mul3A_2, %dma_wait3A_257] : memref<4096x50xi32, #tpu.memory_space<hbm>> -> memref<128x50xi32, #tpu.memory_space<hbm>>
      %dma_wait3A_259 = arith.constant 0 : i32
      %dma_wait3A_260 = tpu.memref_slice %arg2[%mul3A_2, %dma_wait3A_259] : memref<4096x50xi32, #tpu.memory_space<hbm>> -> memref<128x50xi32, #tpu.memory_space<hbm>>
      tpu.wait_dma2 semaphore(%run_scoped3A : memref<!tpu.dma_semaphore, #tpu.memory_space<semaphore_mem>>) src(%dma_wait3A_260 : memref<128x50xi32, #tpu.memory_space<hbm>>) dst(%arg5 : memref<128x50xi32, #tpu.memory_space<vmem>>)
      tpu.yield
    }) : () -> ()
    %iota3A = tpu.iota {dimensions = array<i32: 0>} : vector<16xi32>
    %broadcast_in_dim3A = arith.constant 26 : i32
    %broadcast_in_dim3A_3 = vector.broadcast %broadcast_in_dim3A : i32 to vector<16xi32>
    %scan3A = arith.constant 0 : i32
    %scan3A_4 = arith.constant 0 : i32
    %scan3A_5 = arith.constant 8 : i32
    %scan3A_6 = arith.addi %scan3A_4, %scan3A_5 : i32
    %scan3A_7 = arith.constant 1 : i32
    scf.for %scan3A_253 = %scan3A_4 to %scan3A_6 step %scan3A_7  : i32 {
      %mul3A_254 = arith.constant 16 : i32
      %mul3A_255 = arith.muli %scan3A_253, %mul3A_254 : i32
      %add3A_256 = vector.broadcast %mul3A_255 : i32 to vector<16xi32>
      %add3A_257 = arith.addi %iota3A, %add3A_256 : vector<16xi32>
      %jit3A = arith.constant 2 : i32
      %div3A = vector.broadcast %jit3A : i32 to vector<16xi32>
      %div3A_258 = arith.divsi %add3A_257, %div3A : vector<16xi32>
      %sign3A = arith.constant 0 : i32
      %sign3A_259 = vector.broadcast %sign3A : i32 to vector<16xi32>
      %sign3A_260 = arith.cmpi sgt, %add3A_257, %sign3A_259 : vector<16xi32>
      %sign3A_261 = arith.extui %sign3A_260 : vector<16xi1> to vector<16xi32>
      %sign3A_262 = arith.constant 0 : i32
      %sign3A_263 = vector.broadcast %sign3A_262 : i32 to vector<16xi32>
      %sign3A_264 = arith.cmpi slt, %add3A_257, %sign3A_263 : vector<16xi32>
      %sign3A_265 = arith.extui %sign3A_264 : vector<16xi1> to vector<16xi32>
      %sign3A_266 = arith.subi %sign3A_261, %sign3A_265 : vector<16xi32>
      %sign3A_267 = arith.constant 0 : i32
      %sign3A_268 = arith.cmpi sgt, %jit3A, %sign3A_267 : i32
      %sign3A_269 = arith.extui %sign3A_268 : i1 to i32
      %sign3A_270 = arith.constant 0 : i32
      %sign3A_271 = arith.cmpi slt, %jit3A, %sign3A_270 : i32
      %sign3A_272 = arith.extui %sign3A_271 : i1 to i32
      %sign3A_273 = arith.subi %sign3A_269, %sign3A_272 : i32
      %ne3A = vector.broadcast %sign3A_273 : i32 to vector<16xi32>
      %ne3A_274 = arith.cmpi ne, %sign3A_266, %ne3A : vector<16xi32>
      %rem3A = vector.broadcast %jit3A : i32 to vector<16xi32>
      %rem3A_275 = arith.remsi %add3A_257, %rem3A : vector<16xi32>
      %ne3A_276 = arith.constant 0 : i32
      %ne3A_277 = vector.broadcast %ne3A_276 : i32 to vector<16xi32>
      %ne3A_278 = arith.cmpi ne, %rem3A_275, %ne3A_277 : vector<16xi32>
      %and3A = arith.andi %ne3A_274, %ne3A_278 : vector<16xi1>
      %sub3A = arith.constant 1 : i32
      %sub3A_279 = vector.broadcast %sub3A : i32 to vector<16xi32>
      %sub3A_280 = arith.subi %div3A_258, %sub3A_279 : vector<16xi32>
      %select_n3A = arith.select %and3A, %sub3A_280, %div3A_258 : vector<16xi1>, vector<16xi32>
      %jit3A_281 = arith.constant 2 : i32
      %eq3A = arith.constant 0 : i32
      %eq3A_282 = arith.cmpi eq, %jit3A_281, %eq3A : i32
      %jit3A_283 = arith.constant 1 : i32
      %select_n3A_284 = arith.select %eq3A_282, %jit3A_283, %jit3A_281 : i32
      %rem3A_285 = vector.broadcast %select_n3A_284 : i32 to vector<16xi32>
      %rem3A_286 = arith.remsi %add3A_257, %rem3A_285 : vector<16xi32>
      %ne3A_287 = arith.constant 0 : i32
      %ne3A_288 = vector.broadcast %ne3A_287 : i32 to vector<16xi32>
      %ne3A_289 = arith.cmpi ne, %rem3A_286, %ne3A_288 : vector<16xi32>
      %lt3A = arith.constant 0 : i32
      %lt3A_290 = vector.broadcast %lt3A : i32 to vector<16xi32>
      %lt3A_291 = arith.cmpi slt, %rem3A_286, %lt3A_290 : vector<16xi32>
      %lt3A_292 = arith.constant 0 : i32
      %lt3A_293 = arith.cmpi slt, %select_n3A_284, %lt3A_292 : i32
      %ne3A_294 = vector.broadcast %lt3A_293 : i1 to vector<16xi1>
      %ne3A_295 = vector.broadcast %ne3A_294 : vector<16xi1> to vector<16xi1>
      %ne3A_296 = arith.xori %lt3A_291, %ne3A_295 : vector<16xi1>
      %and3A_297 = arith.andi %ne3A_296, %ne3A_289 : vector<16xi1>
      %add3A_298 = vector.broadcast %select_n3A_284 : i32 to vector<16xi32>
      %add3A_299 = arith.addi %rem3A_286, %add3A_298 : vector<16xi32>
      %select_n3A_300 = arith.select %and3A_297, %add3A_299, %rem3A_286 : vector<16xi1>, vector<16xi32>
      %mul3A_301 = arith.constant 64 : i32
      %mul3A_302 = vector.broadcast %mul3A_301 : i32 to vector<16xi32>
      %mul3A_303 = arith.muli %select_n3A_300, %mul3A_302 : vector<16xi32>
      %add3A_304 = arith.addi %select_n3A, %mul3A_303 : vector<16xi32>
      %gather3A = tpu.vector_load_idx %arg5[%add3A_304, %broadcast_in_dim3A_3] : memref<128x50xi32, #tpu.memory_space<vmem>>[vector<16xi32>, vector<16xi32>], vector<16xi32>,
      %mul3A_305 = arith.constant 16 : i32
      %mul3A_306 = arith.muli %scan3A_253, %mul3A_305 : i32
      %swap3A = arith.constant 0 : i32
      %swap3A_307 = arith.index_cast %swap3A : i32 to index
      %swap3A_308 = arith.index_cast %mul3A_306 : i32 to index
      %swap3A_309 = tpu.vector_load %arg6[%swap3A_307, %swap3A_308] {strides = array<i32>} : memref<2x128xi32, #tpu.memory_space<vmem>>, vector<16xi32>,
      tpu.vector_store %arg6[%swap3A_307, %swap3A_308], %gather3A {strides = array<i32>} : memref<2x128xi32, #tpu.memory_space<vmem>>, vector<16xi32>,
    }
    %scan3A_8 = arith.constant 8 : i32
    %dma_start3A = arith.constant 0 : i32
    %dma_start3A_9 = arith.constant 0 : i32
    %dma_start3A_10 = arith.constant 0 : i32
    %dma_start3A_11 = arith.constant 0 : i32
    %dma_start3A_12 = tpu.memref_slice %arg7[%dma_start3A_9, %dma_start3A_10, %dma_start3A_11] : memref<2x128x64xf32, #tpu.memory_space<vmem>> -> memref<1x128x64xf32, #tpu.memory_space<vmem>>
    %dma_start3A_13 = tpu.memref_squeeze %dma_start3A_12 : memref<1x128x64xf32, #tpu.memory_space<vmem>> -> memref<128x64xf32, #tpu.memory_space<vmem>>
    %dma_start3A_14 = arith.constant 0 : i32
    %dma_start3A_15 = tpu.memref_slice %arg6[%dma_start3A, %dma_start3A_14] : memref<2x128xi32, #tpu.memory_space<vmem>> -> memref<1x128xi32, #tpu.memory_space<vmem>>
    %dma_start3A_16 = tpu.memref_squeeze %dma_start3A_15 : memref<1x128xi32, #tpu.memory_space<vmem>> -> memref<128xi32, #tpu.memory_space<vmem>>
    %dma_start3A_17 = arith.constant 0 : i32
    %dma_start3A_18 = arith.constant 0 : i32
    %dma_start3A_19 = tpu.memref_slice %arg3[%dma_start3A_17, %dma_start3A_18] : memref<100000x64xf32, #tpu.memory_space<hbm>> -> memref<100000x64xf32, #tpu.memory_space<hbm>>
    tpu.enqueue_indirect_dma source(%dma_start3A_19 : memref<100000x64xf32, #tpu.memory_space<hbm>>) target(%dma_start3A_13 : memref<128x64xf32, #tpu.memory_space<vmem>>) offsets(%dma_start3A_16 : memref<128xi32, #tpu.memory_space<vmem>>) semaphore(%arg8 : memref<!tpu.dma_semaphore, #tpu.memory_space<semaphore_mem>>)
    %broadcast_in_dim3A_20 = arith.constant 27 : i32
    %broadcast_in_dim3A_21 = vector.broadcast %broadcast_in_dim3A_20 : i32 to vector<16xi32>
    %scan3A_22 = arith.constant 0 : i32
    %scan3A_23 = arith.constant 0 : i32
    %scan3A_24 = arith.constant 8 : i32
    %scan3A_25 = arith.addi %scan3A_23, %scan3A_24 : i32
    %scan3A_26 = arith.constant 1 : i32
    scf.for %scan3A_253 = %scan3A_23 to %scan3A_25 step %scan3A_26  : i32 {
      %mul3A_254 = arith.constant 16 : i32
      %mul3A_255 = arith.muli %scan3A_253, %mul3A_254 : i32
      %add3A_256 = vector.broadcast %mul3A_255 : i32 to vector<16xi32>
      %add3A_257 = arith.addi %iota3A, %add3A_256 : vector<16xi32>
      %jit3A = arith.constant 2 : i32
      %div3A = vector.broadcast %jit3A : i32 to vector<16xi32>
      %div3A_258 = arith.divsi %add3A_257, %div3A : vector<16xi32>
      %sign3A = arith.constant 0 : i32
      %sign3A_259 = vector.broadcast %sign3A : i32 to vector<16xi32>
      %sign3A_260 = arith.cmpi sgt, %add3A_257, %sign3A_259 : vector<16xi32>
      %sign3A_261 = arith.extui %sign3A_260 : vector<16xi1> to vector<16xi32>
      %sign3A_262 = arith.constant 0 : i32
      %sign3A_263 = vector.broadcast %sign3A_262 : i32 to vector<16xi32>
      %sign3A_264 = arith.cmpi slt, %add3A_257, %sign3A_263 : vector<16xi32>
      %sign3A_265 = arith.extui %sign3A_264 : vector<16xi1> to vector<16xi32>
      %sign3A_266 = arith.subi %sign3A_261, %sign3A_265 : vector<16xi32>
      %sign3A_267 = arith.constant 0 : i32
      %sign3A_268 = arith.cmpi sgt, %jit3A, %sign3A_267 : i32
      %sign3A_269 = arith.extui %sign3A_268 : i1 to i32
      %sign3A_270 = arith.constant 0 : i32
      %sign3A_271 = arith.cmpi slt, %jit3A, %sign3A_270 : i32
      %sign3A_272 = arith.extui %sign3A_271 : i1 to i32
      %sign3A_273 = arith.subi %sign3A_269, %sign3A_272 : i32
      %ne3A = vector.broadcast %sign3A_273 : i32 to vector<16xi32>
      %ne3A_274 = arith.cmpi ne, %sign3A_266, %ne3A : vector<16xi32>
      %rem3A = vector.broadcast %jit3A : i32 to vector<16xi32>
      %rem3A_275 = arith.remsi %add3A_257, %rem3A : vector<16xi32>
      %ne3A_276 = arith.constant 0 : i32
      %ne3A_277 = vector.broadcast %ne3A_276 : i32 to vector<16xi32>
      %ne3A_278 = arith.cmpi ne, %rem3A_275, %ne3A_277 : vector<16xi32>
      %and3A = arith.andi %ne3A_274, %ne3A_278 : vector<16xi1>
      %sub3A = arith.constant 1 : i32
      %sub3A_279 = vector.broadcast %sub3A : i32 to vector<16xi32>
      %sub3A_280 = arith.subi %div3A_258, %sub3A_279 : vector<16xi32>
      %select_n3A = arith.select %and3A, %sub3A_280, %div3A_258 : vector<16xi1>, vector<16xi32>
      %jit3A_281 = arith.constant 2 : i32
      %eq3A = arith.constant 0 : i32
      %eq3A_282 = arith.cmpi eq, %jit3A_281, %eq3A : i32
      %jit3A_283 = arith.constant 1 : i32
      %select_n3A_284 = arith.select %eq3A_282, %jit3A_283, %jit3A_281 : i32
      %rem3A_285 = vector.broadcast %select_n3A_284 : i32 to vector<16xi32>
      %rem3A_286 = arith.remsi %add3A_257, %rem3A_285 : vector<16xi32>
      %ne3A_287 = arith.constant 0 : i32
      %ne3A_288 = vector.broadcast %ne3A_287 : i32 to vector<16xi32>
      %ne3A_289 = arith.cmpi ne, %rem3A_286, %ne3A_288 : vector<16xi32>
      %lt3A = arith.constant 0 : i32
      %lt3A_290 = vector.broadcast %lt3A : i32 to vector<16xi32>
      %lt3A_291 = arith.cmpi slt, %rem3A_286, %lt3A_290 : vector<16xi32>
      %lt3A_292 = arith.constant 0 : i32
      %lt3A_293 = arith.cmpi slt, %select_n3A_284, %lt3A_292 : i32
      %ne3A_294 = vector.broadcast %lt3A_293 : i1 to vector<16xi1>
      %ne3A_295 = vector.broadcast %ne3A_294 : vector<16xi1> to vector<16xi1>
      %ne3A_296 = arith.xori %lt3A_291, %ne3A_295 : vector<16xi1>
      %and3A_297 = arith.andi %ne3A_296, %ne3A_289 : vector<16xi1>
      %add3A_298 = vector.broadcast %select_n3A_284 : i32 to vector<16xi32>
      %add3A_299 = arith.addi %rem3A_286, %add3A_298 : vector<16xi32>
      %select_n3A_300 = arith.select %and3A_297, %add3A_299, %rem3A_286 : vector<16xi1>, vector<16xi32>
      %mul3A_301 = arith.constant 64 : i32
      %mul3A_302 = vector.broadcast %mul3A_301 : i32 to vector<16xi32>
      %mul3A_303 = arith.muli %select_n3A_300, %mul3A_302 : vector<16xi32>
      %add3A_304 = arith.addi %select_n3A, %mul3A_303 : vector<16xi32>
      %gather3A = tpu.vector_load_idx %arg5[%add3A_304, %broadcast_in_dim3A_21] : memref<128x50xi32, #tpu.memory_space<vmem>>[vector<16xi32>, vector<16xi32>], vector<16xi32>,
      %mul3A_305 = arith.constant 16 : i32
      %mul3A_306 = arith.muli %scan3A_253, %mul3A_305 : i32
      %swap3A = arith.constant 1 : i32
      %swap3A_307 = arith.index_cast %swap3A : i32 to index
      %swap3A_308 = arith.index_cast %mul3A_306 : i32 to index
      %swap3A_309 = tpu.vector_load %arg6[%swap3A_307, %swap3A_308] {strides = array<i32>} : memref<2x128xi32, #tpu.memory_space<vmem>>, vector<16xi32>,
      tpu.vector_store %arg6[%swap3A_307, %swap3A_308], %gather3A {strides = array<i32>} : memref<2x128xi32, #tpu.memory_space<vmem>>, vector<16xi32>,
    }
    %scan3A_27 = arith.constant 8 : i32
    %dma_start3A_28 = arith.constant 1 : i32
    %dma_start3A_29 = arith.constant 1 : i32
    %dma_start3A_30 = arith.constant 0 : i32
    %dma_start3A_31 = arith.constant 0 : i32
    %dma_start3A_32 = tpu.memref_slice %arg7[%dma_start3A_29, %dma_start3A_30, %dma_start3A_31] : memref<2x128x64xf32, #tpu.memory_space<vmem>> -> memref<1x128x64xf32, #tpu.memory_space<vmem>>
    %dma_start3A_33 = tpu.memref_squeeze %dma_start3A_32 : memref<1x128x64xf32, #tpu.memory_space<vmem>> -> memref<128x64xf32, #tpu.memory_space<vmem>>
    %dma_start3A_34 = arith.constant 0 : i32
    %dma_start3A_35 = tpu.memref_slice %arg6[%dma_start3A_28, %dma_start3A_34] : memref<2x128xi32, #tpu.memory_space<vmem>> -> memref<1x128xi32, #tpu.memory_space<vmem>>
    %dma_start3A_36 = tpu.memref_squeeze %dma_start3A_35 : memref<1x128xi32, #tpu.memory_space<vmem>> -> memref<128xi32, #tpu.memory_space<vmem>>
    %dma_start3A_37 = arith.constant 0 : i32
    %dma_start3A_38 = arith.constant 0 : i32
    %dma_start3A_39 = tpu.memref_slice %arg3[%dma_start3A_37, %dma_start3A_38] : memref<100000x64xf32, #tpu.memory_space<hbm>> -> memref<100000x64xf32, #tpu.memory_space<hbm>>
    tpu.enqueue_indirect_dma source(%dma_start3A_39 : memref<100000x64xf32, #tpu.memory_space<hbm>>) target(%dma_start3A_33 : memref<128x64xf32, #tpu.memory_space<vmem>>) offsets(%dma_start3A_36 : memref<128xi32, #tpu.memory_space<vmem>>) semaphore(%arg8 : memref<!tpu.dma_semaphore, #tpu.memory_space<semaphore_mem>>)
    %dma_wait3A = arith.constant 0 : i32
    %dma_wait3A_40 = arith.constant 0 : i32
    %dma_wait3A_41 = arith.constant 0 : i32
    %dma_wait3A_42 = arith.constant 0 : i32
    %dma_wait3A_43 = tpu.memref_slice %arg7[%dma_wait3A_40, %dma_wait3A_41, %dma_wait3A_42] : memref<2x128x64xf32, #tpu.memory_space<vmem>> -> memref<1x128x64xf32, #tpu.memory_space<vmem>>
    %dma_wait3A_44 = tpu.memref_squeeze %dma_wait3A_43 : memref<1x128x64xf32, #tpu.memory_space<vmem>> -> memref<128x64xf32, #tpu.memory_space<vmem>>
    %dma_wait3A_45 = arith.constant 0 : i32
    %dma_wait3A_46 = tpu.memref_slice %arg6[%dma_wait3A, %dma_wait3A_45] : memref<2x128xi32, #tpu.memory_space<vmem>> -> memref<1x128xi32, #tpu.memory_space<vmem>>
    %dma_wait3A_47 = tpu.memref_squeeze %dma_wait3A_46 : memref<1x128xi32, #tpu.memory_space<vmem>> -> memref<128xi32, #tpu.memory_space<vmem>>
    %dma_wait3A_48 = arith.constant 0 : i32
    %dma_wait3A_49 = arith.constant 0 : i32
    %dma_wait3A_50 = tpu.memref_slice %arg3[%dma_wait3A_48, %dma_wait3A_49] : memref<100000x64xf32, #tpu.memory_space<hbm>> -> memref<100000x64xf32, #tpu.memory_space<hbm>>
    tpu.wait_indirect_dma semaphore(%arg8 : memref<!tpu.dma_semaphore, #tpu.memory_space<semaphore_mem>>) src(%dma_wait3A_50 : memref<100000x64xf32, #tpu.memory_space<hbm>>) dst(%dma_wait3A_44 : memref<128x64xf32, #tpu.memory_space<vmem>>)
    %add3A_51 = arith.constant 0 : i32
    %add3A_52 = arith.addi %add3A_51, %mul3A_2 : i32
    %dma_start3A_53 = arith.constant 0 : i32
    %dma_start3A_54 = arith.constant 0 : i32
    %dma_start3A_55 = arith.constant 0 : i32
    %dma_start3A_56 = tpu.memref_slice %arg7[%dma_start3A_53, %dma_start3A_54, %dma_start3A_55] : memref<2x128x64xf32, #tpu.memory_space<vmem>> -> memref<1x128x64xf32, #tpu.memory_space<vmem>>
    %dma_start3A_57 = tpu.memref_squeeze %dma_start3A_56 : memref<1x128x64xf32, #tpu.memory_space<vmem>> -> memref<128x64xf32, #tpu.memory_space<vmem>>
    %dma_start3A_58 = arith.constant 0 : i32
    %dma_start3A_59 = tpu.memref_slice %arg4[%add3A_52, %dma_start3A_58] : memref<98304x64xf32, #tpu.memory_space<hbm>> -> memref<128x64xf32, #tpu.memory_space<hbm>>
    %dma_start3A_60 = arith.constant 0 : i32
    %dma_start3A_61 = tpu.memref_slice %arg4[%add3A_52, %dma_start3A_60] : memref<98304x64xf32, #tpu.memory_space<hbm>> -> memref<128x64xf32, #tpu.memory_space<hbm>>
    %dma_start3A_62 = arith.constant 0 : i32
    %dma_start3A_63 = arith.constant 0 : i32
    %dma_start3A_64 = tpu.memref_slice %arg7[%dma_start3A_53, %dma_start3A_62, %dma_start3A_63] : memref<2x128x64xf32, #tpu.memory_space<vmem>> -> memref<1x128x64xf32, #tpu.memory_space<vmem>>
    %dma_start3A_65 = tpu.memref_squeeze %dma_start3A_64 : memref<1x128x64xf32, #tpu.memory_space<vmem>> -> memref<128x64xf32, #tpu.memory_space<vmem>>
    tpu.enqueue_dma source(%dma_start3A_65 : memref<128x64xf32, #tpu.memory_space<vmem>>) target(%dma_start3A_61 : memref<128x64xf32, #tpu.memory_space<hbm>>) target_semaphore(%arg9 : memref<!tpu.dma_semaphore, #tpu.memory_space<semaphore_mem>>)
    %broadcast_in_dim3A_66 = arith.constant 28 : i32
    %broadcast_in_dim3A_67 = vector.broadcast %broadcast_in_dim3A_66 : i32 to vector<16xi32>
    %scan3A_68 = arith.constant 0 : i32
    %scan3A_69 = arith.constant 0 : i32
    %scan3A_70 = arith.constant 8 : i32
    %scan3A_71 = arith.addi %scan3A_69, %scan3A_70 : i32
    %scan3A_72 = arith.constant 1 : i32
    scf.for %scan3A_253 = %scan3A_69 to %scan3A_71 step %scan3A_72  : i32 {
      %mul3A_254 = arith.constant 16 : i32
      %mul3A_255 = arith.muli %scan3A_253, %mul3A_254 : i32
      %add3A_256 = vector.broadcast %mul3A_255 : i32 to vector<16xi32>
      %add3A_257 = arith.addi %iota3A, %add3A_256 : vector<16xi32>
      %jit3A = arith.constant 2 : i32
      %div3A = vector.broadcast %jit3A : i32 to vector<16xi32>
      %div3A_258 = arith.divsi %add3A_257, %div3A : vector<16xi32>
      %sign3A = arith.constant 0 : i32
      %sign3A_259 = vector.broadcast %sign3A : i32 to vector<16xi32>
      %sign3A_260 = arith.cmpi sgt, %add3A_257, %sign3A_259 : vector<16xi32>
      %sign3A_261 = arith.extui %sign3A_260 : vector<16xi1> to vector<16xi32>
      %sign3A_262 = arith.constant 0 : i32
      %sign3A_263 = vector.broadcast %sign3A_262 : i32 to vector<16xi32>
      %sign3A_264 = arith.cmpi slt, %add3A_257, %sign3A_263 : vector<16xi32>
      %sign3A_265 = arith.extui %sign3A_264 : vector<16xi1> to vector<16xi32>
      %sign3A_266 = arith.subi %sign3A_261, %sign3A_265 : vector<16xi32>
      %sign3A_267 = arith.constant 0 : i32
      %sign3A_268 = arith.cmpi sgt, %jit3A, %sign3A_267 : i32
      %sign3A_269 = arith.extui %sign3A_268 : i1 to i32
      %sign3A_270 = arith.constant 0 : i32
      %sign3A_271 = arith.cmpi slt, %jit3A, %sign3A_270 : i32
      %sign3A_272 = arith.extui %sign3A_271 : i1 to i32
      %sign3A_273 = arith.subi %sign3A_269, %sign3A_272 : i32
      %ne3A = vector.broadcast %sign3A_273 : i32 to vector<16xi32>
      %ne3A_274 = arith.cmpi ne, %sign3A_266, %ne3A : vector<16xi32>
      %rem3A = vector.broadcast %jit3A : i32 to vector<16xi32>
      %rem3A_275 = arith.remsi %add3A_257, %rem3A : vector<16xi32>
      %ne3A_276 = arith.constant 0 : i32
      %ne3A_277 = vector.broadcast %ne3A_276 : i32 to vector<16xi32>
      %ne3A_278 = arith.cmpi ne, %rem3A_275, %ne3A_277 : vector<16xi32>
      %and3A = arith.andi %ne3A_274, %ne3A_278 : vector<16xi1>
      %sub3A = arith.constant 1 : i32
      %sub3A_279 = vector.broadcast %sub3A : i32 to vector<16xi32>
      %sub3A_280 = arith.subi %div3A_258, %sub3A_279 : vector<16xi32>
      %select_n3A = arith.select %and3A, %sub3A_280, %div3A_258 : vector<16xi1>, vector<16xi32>
      %jit3A_281 = arith.constant 2 : i32
      %eq3A = arith.constant 0 : i32
      %eq3A_282 = arith.cmpi eq, %jit3A_281, %eq3A : i32
      %jit3A_283 = arith.constant 1 : i32
      %select_n3A_284 = arith.select %eq3A_282, %jit3A_283, %jit3A_281 : i32
      %rem3A_285 = vector.broadcast %select_n3A_284 : i32 to vector<16xi32>
      %rem3A_286 = arith.remsi %add3A_257, %rem3A_285 : vector<16xi32>
      %ne3A_287 = arith.constant 0 : i32
      %ne3A_288 = vector.broadcast %ne3A_287 : i32 to vector<16xi32>
      %ne3A_289 = arith.cmpi ne, %rem3A_286, %ne3A_288 : vector<16xi32>
      %lt3A = arith.constant 0 : i32
      %lt3A_290 = vector.broadcast %lt3A : i32 to vector<16xi32>
      %lt3A_291 = arith.cmpi slt, %rem3A_286, %lt3A_290 : vector<16xi32>
      %lt3A_292 = arith.constant 0 : i32
      %lt3A_293 = arith.cmpi slt, %select_n3A_284, %lt3A_292 : i32
      %ne3A_294 = vector.broadcast %lt3A_293 : i1 to vector<16xi1>
      %ne3A_295 = vector.broadcast %ne3A_294 : vector<16xi1> to vector<16xi1>
      %ne3A_296 = arith.xori %lt3A_291, %ne3A_295 : vector<16xi1>
      %and3A_297 = arith.andi %ne3A_296, %ne3A_289 : vector<16xi1>
      %add3A_298 = vector.broadcast %select_n3A_284 : i32 to vector<16xi32>
      %add3A_299 = arith.addi %rem3A_286, %add3A_298 : vector<16xi32>
      %select_n3A_300 = arith.select %and3A_297, %add3A_299, %rem3A_286 : vector<16xi1>, vector<16xi32>
      %mul3A_301 = arith.constant 64 : i32
      %mul3A_302 = vector.broadcast %mul3A_301 : i32 to vector<16xi32>
      %mul3A_303 = arith.muli %select_n3A_300, %mul3A_302 : vector<16xi32>
      %add3A_304 = arith.addi %select_n3A, %mul3A_303 : vector<16xi32>
      %gather3A = tpu.vector_load_idx %arg5[%add3A_304, %broadcast_in_dim3A_67] : memref<128x50xi32, #tpu.memory_space<vmem>>[vector<16xi32>, vector<16xi32>], vector<16xi32>,
      %mul3A_305 = arith.constant 16 : i32
      %mul3A_306 = arith.muli %scan3A_253, %mul3A_305 : i32
      %swap3A = arith.constant 0 : i32
      %swap3A_307 = arith.index_cast %swap3A : i32 to index
      %swap3A_308 = arith.index_cast %mul3A_306 : i32 to index
      %swap3A_309 = tpu.vector_load %arg6[%swap3A_307, %swap3A_308] {strides = array<i32>} : memref<2x128xi32, #tpu.memory_space<vmem>>, vector<16xi32>,
      tpu.vector_store %arg6[%swap3A_307, %swap3A_308], %gather3A {strides = array<i32>} : memref<2x128xi32, #tpu.memory_space<vmem>>, vector<16xi32>,
    }
    %scan3A_73 = arith.constant 8 : i32
    %dma_start3A_74 = arith.constant 0 : i32
    %dma_start3A_75 = arith.constant 0 : i32
    %dma_start3A_76 = arith.constant 0 : i32
    %dma_start3A_77 = arith.constant 0 : i32
    %dma_start3A_78 = tpu.memref_slice %arg7[%dma_start3A_75, %dma_start3A_76, %dma_start3A_77] : memref<2x128x64xf32, #tpu.memory_space<vmem>> -> memref<1x128x64xf32, #tpu.memory_space<vmem>>
    %dma_start3A_79 = tpu.memref_squeeze %dma_start3A_78 : memref<1x128x64xf32, #tpu.memory_space<vmem>> -> memref<128x64xf32, #tpu.memory_space<vmem>>
    %dma_start3A_80 = arith.constant 0 : i32
    %dma_start3A_81 = tpu.memref_slice %arg6[%dma_start3A_74, %dma_start3A_80] : memref<2x128xi32, #tpu.memory_space<vmem>> -> memref<1x128xi32, #tpu.memory_space<vmem>>
    %dma_start3A_82 = tpu.memref_squeeze %dma_start3A_81 : memref<1x128xi32, #tpu.memory_space<vmem>> -> memref<128xi32, #tpu.memory_space<vmem>>
    %dma_start3A_83 = arith.constant 0 : i32
    %dma_start3A_84 = arith.constant 0 : i32
    %dma_start3A_85 = tpu.memref_slice %arg3[%dma_start3A_83, %dma_start3A_84] : memref<100000x64xf32, #tpu.memory_space<hbm>> -> memref<100000x64xf32, #tpu.memory_space<hbm>>
    tpu.enqueue_indirect_dma source(%dma_start3A_85 : memref<100000x64xf32, #tpu.memory_space<hbm>>) target(%dma_start3A_79 : memref<128x64xf32, #tpu.memory_space<vmem>>) offsets(%dma_start3A_82 : memref<128xi32, #tpu.memory_space<vmem>>) semaphore(%arg8 : memref<!tpu.dma_semaphore, #tpu.memory_space<semaphore_mem>>)
    %dma_wait3A_86 = arith.constant 1 : i32
    %dma_wait3A_87 = arith.constant 1 : i32
    %dma_wait3A_88 = arith.constant 0 : i32
    %dma_wait3A_89 = arith.constant 0 : i32
    %dma_wait3A_90 = tpu.memref_slice %arg7[%dma_wait3A_87, %dma_wait3A_88, %dma_wait3A_89] : memref<2x128x64xf32, #tpu.memory_space<vmem>> -> memref<1x128x64xf32, #tpu.memory_space<vmem>>
    %dma_wait3A_91 = tpu.memref_squeeze %dma_wait3A_90 : memref<1x128x64xf32, #tpu.memory_space<vmem>> -> memref<128x64xf32, #tpu.memory_space<vmem>>
    %dma_wait3A_92 = arith.constant 0 : i32
    %dma_wait3A_93 = tpu.memref_slice %arg6[%dma_wait3A_86, %dma_wait3A_92] : memref<2x128xi32, #tpu.memory_space<vmem>> -> memref<1x128xi32, #tpu.memory_space<vmem>>
    %dma_wait3A_94 = tpu.memref_squeeze %dma_wait3A_93 : memref<1x128xi32, #tpu.memory_space<vmem>> -> memref<128xi32, #tpu.memory_space<vmem>>
    %dma_wait3A_95 = arith.constant 0 : i32
    %dma_wait3A_96 = arith.constant 0 : i32
    %dma_wait3A_97 = tpu.memref_slice %arg3[%dma_wait3A_95, %dma_wait3A_96] : memref<100000x64xf32, #tpu.memory_space<hbm>> -> memref<100000x64xf32, #tpu.memory_space<hbm>>
    tpu.wait_indirect_dma semaphore(%arg8 : memref<!tpu.dma_semaphore, #tpu.memory_space<semaphore_mem>>) src(%dma_wait3A_97 : memref<100000x64xf32, #tpu.memory_space<hbm>>) dst(%dma_wait3A_91 : memref<128x64xf32, #tpu.memory_space<vmem>>)
    %add3A_98 = arith.constant 4096 : i32
    %add3A_99 = arith.addi %add3A_98, %mul3A_2 : i32
    %dma_start3A_100 = arith.constant 1 : i32
    %dma_start3A_101 = arith.constant 0 : i32
    %dma_start3A_102 = arith.constant 0 : i32
    %dma_start3A_103 = tpu.memref_slice %arg7[%dma_start3A_100, %dma_start3A_101, %dma_start3A_102] : memref<2x128x64xf32, #tpu.memory_space<vmem>> -> memref<1x128x64xf32, #tpu.memory_space<vmem>>
    %dma_start3A_104 = tpu.memref_squeeze %dma_start3A_103 : memref<1x128x64xf32, #tpu.memory_space<vmem>> -> memref<128x64xf32, #tpu.memory_space<vmem>>
    %dma_start3A_105 = arith.constant 0 : i32
    %dma_start3A_106 = tpu.memref_slice %arg4[%add3A_99, %dma_start3A_105] : memref<98304x64xf32, #tpu.memory_space<hbm>> -> memref<128x64xf32, #tpu.memory_space<hbm>>
    %dma_start3A_107 = arith.constant 0 : i32
    %dma_start3A_108 = tpu.memref_slice %arg4[%add3A_99, %dma_start3A_107] : memref<98304x64xf32, #tpu.memory_space<hbm>> -> memref<128x64xf32, #tpu.memory_space<hbm>>
    %dma_start3A_109 = arith.constant 0 : i32
    %dma_start3A_110 = arith.constant 0 : i32
    %dma_start3A_111 = tpu.memref_slice %arg7[%dma_start3A_100, %dma_start3A_109, %dma_start3A_110] : memref<2x128x64xf32, #tpu.memory_space<vmem>> -> memref<1x128x64xf32, #tpu.memory_space<vmem>>
    %dma_start3A_112 = tpu.memref_squeeze %dma_start3A_111 : memref<1x128x64xf32, #tpu.memory_space<vmem>> -> memref<128x64xf32, #tpu.memory_space<vmem>>
    tpu.enqueue_dma source(%dma_start3A_112 : memref<128x64xf32, #tpu.memory_space<vmem>>) target(%dma_start3A_108 : memref<128x64xf32, #tpu.memory_space<hbm>>) target_semaphore(%arg10 : memref<!tpu.dma_semaphore, #tpu.memory_space<semaphore_mem>>)
    %scan3A_113 = arith.constant 0 : i32
    %scan3A_114 = arith.constant 0 : i32
    %scan3A_115 = arith.constant 10 : i32
    %scan3A_116 = arith.addi %scan3A_114, %scan3A_115 : i32
    %scan3A_117 = arith.constant 1 : i32
    scf.for %scan3A_253 = %scan3A_114 to %scan3A_116 step %scan3A_117  : i32 {
      %mul3A_254 = arith.constant 2 : i32
      %mul3A_255 = arith.muli %mul3A_254, %scan3A_253 : i32
      %add3A_256 = arith.constant 2 : i32
      %add3A_257 = arith.addi %mul3A_255, %add3A_256 : i32
      %add3A_258 = arith.constant 1 : i32
      %add3A_259 = arith.addi %add3A_257, %add3A_258 : i32
      %add3A_260 = arith.constant 26 : i32
      %add3A_261 = arith.addi %add3A_260, %add3A_259 : i32
      %broadcast_in_dim3A_262 = vector.broadcast %add3A_261 : i32 to vector<16xi32>
      %scan3A_263 = arith.constant 0 : i32
      %scan3A_264 = arith.constant 0 : i32
      %scan3A_265 = arith.constant 8 : i32
      %scan3A_266 = arith.addi %scan3A_264, %scan3A_265 : i32
      %scan3A_267 = arith.constant 1 : i32
      scf.for %scan3A_399 = %scan3A_264 to %scan3A_266 step %scan3A_267  : i32 {
        %mul3A_400 = arith.constant 16 : i32
        %mul3A_401 = arith.muli %scan3A_399, %mul3A_400 : i32
        %add3A_402 = vector.broadcast %mul3A_401 : i32 to vector<16xi32>
        %add3A_403 = arith.addi %iota3A, %add3A_402 : vector<16xi32>
        %jit3A = arith.constant 2 : i32
        %div3A = vector.broadcast %jit3A : i32 to vector<16xi32>
        %div3A_404 = arith.divsi %add3A_403, %div3A : vector<16xi32>
        %sign3A = arith.constant 0 : i32
        %sign3A_405 = vector.broadcast %sign3A : i32 to vector<16xi32>
        %sign3A_406 = arith.cmpi sgt, %add3A_403, %sign3A_405 : vector<16xi32>
        %sign3A_407 = arith.extui %sign3A_406 : vector<16xi1> to vector<16xi32>
        %sign3A_408 = arith.constant 0 : i32
        %sign3A_409 = vector.broadcast %sign3A_408 : i32 to vector<16xi32>
        %sign3A_410 = arith.cmpi slt, %add3A_403, %sign3A_409 : vector<16xi32>
        %sign3A_411 = arith.extui %sign3A_410 : vector<16xi1> to vector<16xi32>
        %sign3A_412 = arith.subi %sign3A_407, %sign3A_411 : vector<16xi32>
        %sign3A_413 = arith.constant 0 : i32
        %sign3A_414 = arith.cmpi sgt, %jit3A, %sign3A_413 : i32
        %sign3A_415 = arith.extui %sign3A_414 : i1 to i32
        %sign3A_416 = arith.constant 0 : i32
        %sign3A_417 = arith.cmpi slt, %jit3A, %sign3A_416 : i32
        %sign3A_418 = arith.extui %sign3A_417 : i1 to i32
        %sign3A_419 = arith.subi %sign3A_415, %sign3A_418 : i32
        %ne3A = vector.broadcast %sign3A_419 : i32 to vector<16xi32>
        %ne3A_420 = arith.cmpi ne, %sign3A_412, %ne3A : vector<16xi32>
        %rem3A = vector.broadcast %jit3A : i32 to vector<16xi32>
        %rem3A_421 = arith.remsi %add3A_403, %rem3A : vector<16xi32>
        %ne3A_422 = arith.constant 0 : i32
        %ne3A_423 = vector.broadcast %ne3A_422 : i32 to vector<16xi32>
        %ne3A_424 = arith.cmpi ne, %rem3A_421, %ne3A_423 : vector<16xi32>
        %and3A = arith.andi %ne3A_420, %ne3A_424 : vector<16xi1>
        %sub3A_425 = arith.constant 1 : i32
        %sub3A_426 = vector.broadcast %sub3A_425 : i32 to vector<16xi32>
        %sub3A_427 = arith.subi %div3A_404, %sub3A_426 : vector<16xi32>
        %select_n3A = arith.select %and3A, %sub3A_427, %div3A_404 : vector<16xi1>, vector<16xi32>
        %jit3A_428 = arith.constant 2 : i32
        %eq3A = arith.constant 0 : i32
        %eq3A_429 = arith.cmpi eq, %jit3A_428, %eq3A : i32
        %jit3A_430 = arith.constant 1 : i32
        %select_n3A_431 = arith.select %eq3A_429, %jit3A_430, %jit3A_428 : i32
        %rem3A_432 = vector.broadcast %select_n3A_431 : i32 to vector<16xi32>
        %rem3A_433 = arith.remsi %add3A_403, %rem3A_432 : vector<16xi32>
        %ne3A_434 = arith.constant 0 : i32
        %ne3A_435 = vector.broadcast %ne3A_434 : i32 to vector<16xi32>
        %ne3A_436 = arith.cmpi ne, %rem3A_433, %ne3A_435 : vector<16xi32>
        %lt3A = arith.constant 0 : i32
        %lt3A_437 = vector.broadcast %lt3A : i32 to vector<16xi32>
        %lt3A_438 = arith.cmpi slt, %rem3A_433, %lt3A_437 : vector<16xi32>
        %lt3A_439 = arith.constant 0 : i32
        %lt3A_440 = arith.cmpi slt, %select_n3A_431, %lt3A_439 : i32
        %ne3A_441 = vector.broadcast %lt3A_440 : i1 to vector<16xi1>
        %ne3A_442 = vector.broadcast %ne3A_441 : vector<16xi1> to vector<16xi1>
        %ne3A_443 = arith.xori %lt3A_438, %ne3A_442 : vector<16xi1>
        %and3A_444 = arith.andi %ne3A_443, %ne3A_436 : vector<16xi1>
        %add3A_445 = vector.broadcast %select_n3A_431 : i32 to vector<16xi32>
        %add3A_446 = arith.addi %rem3A_433, %add3A_445 : vector<16xi32>
        %select_n3A_447 = arith.select %and3A_444, %add3A_446, %rem3A_433 : vector<16xi1>, vector<16xi32>
        %mul3A_448 = arith.constant 64 : i32
        %mul3A_449 = vector.broadcast %mul3A_448 : i32 to vector<16xi32>
        %mul3A_450 = arith.muli %select_n3A_447, %mul3A_449 : vector<16xi32>
        %add3A_451 = arith.addi %select_n3A, %mul3A_450 : vector<16xi32>
        %gather3A = tpu.vector_load_idx %arg5[%add3A_451, %broadcast_in_dim3A_262] : memref<128x50xi32, #tpu.memory_space<vmem>>[vector<16xi32>, vector<16xi32>], vector<16xi32>,
        %mul3A_452 = arith.constant 16 : i32
        %mul3A_453 = arith.muli %scan3A_399, %mul3A_452 : i32
        %swap3A = arith.constant 1 : i32
        %swap3A_454 = arith.index_cast %swap3A : i32 to index
        %swap3A_455 = arith.index_cast %mul3A_453 : i32 to index
        %swap3A_456 = tpu.vector_load %arg6[%swap3A_454, %swap3A_455] {strides = array<i32>} : memref<2x128xi32, #tpu.memory_space<vmem>>, vector<16xi32>,
        tpu.vector_store %arg6[%swap3A_454, %swap3A_455], %gather3A {strides = array<i32>} : memref<2x128xi32, #tpu.memory_space<vmem>>, vector<16xi32>,
      }
      %scan3A_268 = arith.constant 8 : i32
      %dma_start3A_269 = arith.constant 1 : i32
      %dma_start3A_270 = arith.constant 1 : i32
      %dma_start3A_271 = arith.constant 0 : i32
      %dma_start3A_272 = arith.constant 0 : i32
      %dma_start3A_273 = tpu.memref_slice %arg7[%dma_start3A_270, %dma_start3A_271, %dma_start3A_272] : memref<2x128x64xf32, #tpu.memory_space<vmem>> -> memref<1x128x64xf32, #tpu.memory_space<vmem>>
      %dma_start3A_274 = tpu.memref_squeeze %dma_start3A_273 : memref<1x128x64xf32, #tpu.memory_space<vmem>> -> memref<128x64xf32, #tpu.memory_space<vmem>>
      %dma_start3A_275 = arith.constant 0 : i32
      %dma_start3A_276 = tpu.memref_slice %arg6[%dma_start3A_269, %dma_start3A_275] : memref<2x128xi32, #tpu.memory_space<vmem>> -> memref<1x128xi32, #tpu.memory_space<vmem>>
      %dma_start3A_277 = tpu.memref_squeeze %dma_start3A_276 : memref<1x128xi32, #tpu.memory_space<vmem>> -> memref<128xi32, #tpu.memory_space<vmem>>
      %dma_start3A_278 = arith.constant 0 : i32
      %dma_start3A_279 = arith.constant 0 : i32
      %dma_start3A_280 = tpu.memref_slice %arg3[%dma_start3A_278, %dma_start3A_279] : memref<100000x64xf32, #tpu.memory_space<hbm>> -> memref<100000x64xf32, #tpu.memory_space<hbm>>
      tpu.enqueue_indirect_dma source(%dma_start3A_280 : memref<100000x64xf32, #tpu.memory_space<hbm>>) target(%dma_start3A_274 : memref<128x64xf32, #tpu.memory_space<vmem>>) offsets(%dma_start3A_277 : memref<128xi32, #tpu.memory_space<vmem>>) semaphore(%arg8 : memref<!tpu.dma_semaphore, #tpu.memory_space<semaphore_mem>>)
      %dma_wait3A_281 = arith.constant 0 : i32
      %dma_wait3A_282 = arith.constant 0 : i32
      %dma_wait3A_283 = arith.constant 0 : i32
      %dma_wait3A_284 = arith.constant 0 : i32
      %dma_wait3A_285 = tpu.memref_slice %arg7[%dma_wait3A_282, %dma_wait3A_283, %dma_wait3A_284] : memref<2x128x64xf32, #tpu.memory_space<vmem>> -> memref<1x128x64xf32, #tpu.memory_space<vmem>>
      %dma_wait3A_286 = tpu.memref_squeeze %dma_wait3A_285 : memref<1x128x64xf32, #tpu.memory_space<vmem>> -> memref<128x64xf32, #tpu.memory_space<vmem>>
      %dma_wait3A_287 = arith.constant 0 : i32
      %dma_wait3A_288 = tpu.memref_slice %arg6[%dma_wait3A_281, %dma_wait3A_287] : memref<2x128xi32, #tpu.memory_space<vmem>> -> memref<1x128xi32, #tpu.memory_space<vmem>>
      %dma_wait3A_289 = tpu.memref_squeeze %dma_wait3A_288 : memref<1x128xi32, #tpu.memory_space<vmem>> -> memref<128xi32, #tpu.memory_space<vmem>>
      %dma_wait3A_290 = arith.constant 0 : i32
      %dma_wait3A_291 = arith.constant 0 : i32
      %dma_wait3A_292 = tpu.memref_slice %arg3[%dma_wait3A_290, %dma_wait3A_291] : memref<100000x64xf32, #tpu.memory_space<hbm>> -> memref<100000x64xf32, #tpu.memory_space<hbm>>
      tpu.wait_indirect_dma semaphore(%arg8 : memref<!tpu.dma_semaphore, #tpu.memory_space<semaphore_mem>>) src(%dma_wait3A_292 : memref<100000x64xf32, #tpu.memory_space<hbm>>) dst(%dma_wait3A_286 : memref<128x64xf32, #tpu.memory_space<vmem>>)
      %sub3A = arith.constant 2 : i32
      %sub3A_293 = arith.subi %add3A_257, %sub3A : i32
      %mul3A_294 = arith.constant 4096 : i32
      %mul3A_295 = arith.muli %sub3A_293, %mul3A_294 : i32
      %add3A_296 = arith.addi %mul3A_295, %mul3A_2 : i32
      %dma_wait3A_297 = arith.constant 0 : i32
      %dma_wait3A_298 = arith.constant 0 : i32
      %dma_wait3A_299 = arith.constant 0 : i32
      %dma_wait3A_300 = tpu.memref_slice %arg7[%dma_wait3A_297, %dma_wait3A_298, %dma_wait3A_299] : memref<2x128x64xf32, #tpu.memory_space<vmem>> -> memref<1x128x64xf32, #tpu.memory_space<vmem>>
      %dma_wait3A_301 = tpu.memref_squeeze %dma_wait3A_300 : memref<1x128x64xf32, #tpu.memory_space<vmem>> -> memref<128x64xf32, #tpu.memory_space<vmem>>
      %dma_wait3A_302 = arith.constant 0 : i32
      %dma_wait3A_303 = tpu.memref_slice %arg4[%add3A_296, %dma_wait3A_302] : memref<98304x64xf32, #tpu.memory_space<hbm>> -> memref<128x64xf32, #tpu.memory_space<hbm>>
      %dma_wait3A_304 = arith.constant 0 : i32
      %dma_wait3A_305 = tpu.memref_slice %arg4[%add3A_296, %dma_wait3A_304] : memref<98304x64xf32, #tpu.memory_space<hbm>> -> memref<128x64xf32, #tpu.memory_space<hbm>>
      %dma_wait3A_306 = arith.constant 0 : i32
      %dma_wait3A_307 = arith.constant 0 : i32
      %dma_wait3A_308 = tpu.memref_slice %arg7[%dma_wait3A_297, %dma_wait3A_306, %dma_wait3A_307] : memref<2x128x64xf32, #tpu.memory_space<vmem>> -> memref<1x128x64xf32, #tpu.memory_space<vmem>>
      %dma_wait3A_309 = tpu.memref_squeeze %dma_wait3A_308 : memref<1x128x64xf32, #tpu.memory_space<vmem>> -> memref<128x64xf32, #tpu.memory_space<vmem>>
      tpu.wait_dma2 semaphore(%arg9 : memref<!tpu.dma_semaphore, #tpu.memory_space<semaphore_mem>>) src(%dma_wait3A_309 : memref<128x64xf32, #tpu.memory_space<vmem>>) dst(%dma_wait3A_305 : memref<128x64xf32, #tpu.memory_space<hbm>>)
      %mul3A_310 = arith.constant 4096 : i32
      %mul3A_311 = arith.muli %add3A_257, %mul3A_310 : i32
      %add3A_312 = arith.addi %mul3A_311, %mul3A_2 : i32
      %dma_start3A_313 = arith.constant 0 : i32
      %dma_start3A_314 = arith.constant 0 : i32
      %dma_start3A_315 = arith.constant 0 : i32
      %dma_start3A_316 = tpu.memref_slice %arg7[%dma_start3A_313, %dma_start3A_314, %dma_start3A_315] : memref<2x128x64xf32, #tpu.memory_space<vmem>> -> memref<1x128x64xf32, #tpu.memory_space<vmem>>
      %dma_start3A_317 = tpu.memref_squeeze %dma_start3A_316 : memref<1x128x64xf32, #tpu.memory_space<vmem>> -> memref<128x64xf32, #tpu.memory_space<vmem>>
      %dma_start3A_318 = arith.constant 0 : i32
      %dma_start3A_319 = tpu.memref_slice %arg4[%add3A_312, %dma_start3A_318] : memref<98304x64xf32, #tpu.memory_space<hbm>> -> memref<128x64xf32, #tpu.memory_space<hbm>>
      %dma_start3A_320 = arith.constant 0 : i32
      %dma_start3A_321 = tpu.memref_slice %arg4[%add3A_312, %dma_start3A_320] : memref<98304x64xf32, #tpu.memory_space<hbm>> -> memref<128x64xf32, #tpu.memory_space<hbm>>
      %dma_start3A_322 = arith.constant 0 : i32
      %dma_start3A_323 = arith.constant 0 : i32
      %dma_start3A_324 = tpu.memref_slice %arg7[%dma_start3A_313, %dma_start3A_322, %dma_start3A_323] : memref<2x128x64xf32, #tpu.memory_space<vmem>> -> memref<1x128x64xf32, #tpu.memory_space<vmem>>
      %dma_start3A_325 = tpu.memref_squeeze %dma_start3A_324 : memref<1x128x64xf32, #tpu.memory_space<vmem>> -> memref<128x64xf32, #tpu.memory_space<vmem>>
      tpu.enqueue_dma source(%dma_start3A_325 : memref<128x64xf32, #tpu.memory_space<vmem>>) target(%dma_start3A_321 : memref<128x64xf32, #tpu.memory_space<hbm>>) target_semaphore(%arg9 : memref<!tpu.dma_semaphore, #tpu.memory_space<semaphore_mem>>)
      %mul3A_326 = arith.constant 2 : i32
      %mul3A_327 = arith.muli %mul3A_326, %scan3A_253 : i32
      %add3A_328 = arith.constant 3 : i32
      %add3A_329 = arith.addi %mul3A_327, %add3A_328 : i32
      %add3A_330 = arith.constant 1 : i32
      %add3A_331 = arith.addi %add3A_329, %add3A_330 : i32
      %add3A_332 = arith.constant 26 : i32
      %add3A_333 = arith.addi %add3A_332, %add3A_331 : i32
      %broadcast_in_dim3A_334 = vector.broadcast %add3A_333 : i32 to vector<16xi32>
      %scan3A_335 = arith.constant 0 : i32
      %scan3A_336 = arith.constant 0 : i32
      %scan3A_337 = arith.constant 8 : i32
      %scan3A_338 = arith.addi %scan3A_336, %scan3A_337 : i32
      %scan3A_339 = arith.constant 1 : i32
      scf.for %scan3A_399 = %scan3A_336 to %scan3A_338 step %scan3A_339  : i32 {
        %mul3A_400 = arith.constant 16 : i32
        %mul3A_401 = arith.muli %scan3A_399, %mul3A_400 : i32
        %add3A_402 = vector.broadcast %mul3A_401 : i32 to vector<16xi32>
        %add3A_403 = arith.addi %iota3A, %add3A_402 : vector<16xi32>
        %jit3A = arith.constant 2 : i32
        %div3A = vector.broadcast %jit3A : i32 to vector<16xi32>
        %div3A_404 = arith.divsi %add3A_403, %div3A : vector<16xi32>
        %sign3A = arith.constant 0 : i32
        %sign3A_405 = vector.broadcast %sign3A : i32 to vector<16xi32>
        %sign3A_406 = arith.cmpi sgt, %add3A_403, %sign3A_405 : vector<16xi32>
        %sign3A_407 = arith.extui %sign3A_406 : vector<16xi1> to vector<16xi32>
        %sign3A_408 = arith.constant 0 : i32
        %sign3A_409 = vector.broadcast %sign3A_408 : i32 to vector<16xi32>
        %sign3A_410 = arith.cmpi slt, %add3A_403, %sign3A_409 : vector<16xi32>
        %sign3A_411 = arith.extui %sign3A_410 : vector<16xi1> to vector<16xi32>
        %sign3A_412 = arith.subi %sign3A_407, %sign3A_411 : vector<16xi32>
        %sign3A_413 = arith.constant 0 : i32
        %sign3A_414 = arith.cmpi sgt, %jit3A, %sign3A_413 : i32
        %sign3A_415 = arith.extui %sign3A_414 : i1 to i32
        %sign3A_416 = arith.constant 0 : i32
        %sign3A_417 = arith.cmpi slt, %jit3A, %sign3A_416 : i32
        %sign3A_418 = arith.extui %sign3A_417 : i1 to i32
        %sign3A_419 = arith.subi %sign3A_415, %sign3A_418 : i32
        %ne3A = vector.broadcast %sign3A_419 : i32 to vector<16xi32>
        %ne3A_420 = arith.cmpi ne, %sign3A_412, %ne3A : vector<16xi32>
        %rem3A = vector.broadcast %jit3A : i32 to vector<16xi32>
        %rem3A_421 = arith.remsi %add3A_403, %rem3A : vector<16xi32>
        %ne3A_422 = arith.constant 0 : i32
        %ne3A_423 = vector.broadcast %ne3A_422 : i32 to vector<16xi32>
        %ne3A_424 = arith.cmpi ne, %rem3A_421, %ne3A_423 : vector<16xi32>
        %and3A = arith.andi %ne3A_420, %ne3A_424 : vector<16xi1>
        %sub3A_425 = arith.constant 1 : i32
        %sub3A_426 = vector.broadcast %sub3A_425 : i32 to vector<16xi32>
        %sub3A_427 = arith.subi %div3A_404, %sub3A_426 : vector<16xi32>
        %select_n3A = arith.select %and3A, %sub3A_427, %div3A_404 : vector<16xi1>, vector<16xi32>
        %jit3A_428 = arith.constant 2 : i32
        %eq3A = arith.constant 0 : i32
        %eq3A_429 = arith.cmpi eq, %jit3A_428, %eq3A : i32
        %jit3A_430 = arith.constant 1 : i32
        %select_n3A_431 = arith.select %eq3A_429, %jit3A_430, %jit3A_428 : i32
        %rem3A_432 = vector.broadcast %select_n3A_431 : i32 to vector<16xi32>
        %rem3A_433 = arith.remsi %add3A_403, %rem3A_432 : vector<16xi32>
        %ne3A_434 = arith.constant 0 : i32
        %ne3A_435 = vector.broadcast %ne3A_434 : i32 to vector<16xi32>
        %ne3A_436 = arith.cmpi ne, %rem3A_433, %ne3A_435 : vector<16xi32>
        %lt3A = arith.constant 0 : i32
        %lt3A_437 = vector.broadcast %lt3A : i32 to vector<16xi32>
        %lt3A_438 = arith.cmpi slt, %rem3A_433, %lt3A_437 : vector<16xi32>
        %lt3A_439 = arith.constant 0 : i32
        %lt3A_440 = arith.cmpi slt, %select_n3A_431, %lt3A_439 : i32
        %ne3A_441 = vector.broadcast %lt3A_440 : i1 to vector<16xi1>
        %ne3A_442 = vector.broadcast %ne3A_441 : vector<16xi1> to vector<16xi1>
        %ne3A_443 = arith.xori %lt3A_438, %ne3A_442 : vector<16xi1>
        %and3A_444 = arith.andi %ne3A_443, %ne3A_436 : vector<16xi1>
        %add3A_445 = vector.broadcast %select_n3A_431 : i32 to vector<16xi32>
        %add3A_446 = arith.addi %rem3A_433, %add3A_445 : vector<16xi32>
        %select_n3A_447 = arith.select %and3A_444, %add3A_446, %rem3A_433 : vector<16xi1>, vector<16xi32>
        %mul3A_448 = arith.constant 64 : i32
        %mul3A_449 = vector.broadcast %mul3A_448 : i32 to vector<16xi32>
        %mul3A_450 = arith.muli %select_n3A_447, %mul3A_449 : vector<16xi32>
        %add3A_451 = arith.addi %select_n3A, %mul3A_450 : vector<16xi32>
        %gather3A = tpu.vector_load_idx %arg5[%add3A_451, %broadcast_in_dim3A_334] : memref<128x50xi32, #tpu.memory_space<vmem>>[vector<16xi32>, vector<16xi32>], vector<16xi32>,
        %mul3A_452 = arith.constant 16 : i32
        %mul3A_453 = arith.muli %scan3A_399, %mul3A_452 : i32
        %swap3A = arith.constant 0 : i32
        %swap3A_454 = arith.index_cast %swap3A : i32 to index
        %swap3A_455 = arith.index_cast %mul3A_453 : i32 to index
        %swap3A_456 = tpu.vector_load %arg6[%swap3A_454, %swap3A_455] {strides = array<i32>} : memref<2x128xi32, #tpu.memory_space<vmem>>, vector<16xi32>,
        tpu.vector_store %arg6[%swap3A_454, %swap3A_455], %gather3A {strides = array<i32>} : memref<2x128xi32, #tpu.memory_space<vmem>>, vector<16xi32>,
      }
      %scan3A_340 = arith.constant 8 : i32
      %dma_start3A_341 = arith.constant 0 : i32
      %dma_start3A_342 = arith.constant 0 : i32
      %dma_start3A_343 = arith.constant 0 : i32
      %dma_start3A_344 = arith.constant 0 : i32
      %dma_start3A_345 = tpu.memref_slice %arg7[%dma_start3A_342, %dma_start3A_343, %dma_start3A_344] : memref<2x128x64xf32, #tpu.memory_space<vmem>> -> memref<1x128x64xf32, #tpu.memory_space<vmem>>
      %dma_start3A_346 = tpu.memref_squeeze %dma_start3A_345 : memref<1x128x64xf32, #tpu.memory_space<vmem>> -> memref<128x64xf32, #tpu.memory_space<vmem>>
      %dma_start3A_347 = arith.constant 0 : i32
      %dma_start3A_348 = tpu.memref_slice %arg6[%dma_start3A_341, %dma_start3A_347] : memref<2x128xi32, #tpu.memory_space<vmem>> -> memref<1x128xi32, #tpu.memory_space<vmem>>
      %dma_start3A_349 = tpu.memref_squeeze %dma_start3A_348 : memref<1x128xi32, #tpu.memory_space<vmem>> -> memref<128xi32, #tpu.memory_space<vmem>>
      %dma_start3A_350 = arith.constant 0 : i32
      %dma_start3A_351 = arith.constant 0 : i32
      %dma_start3A_352 = tpu.memref_slice %arg3[%dma_start3A_350, %dma_start3A_351] : memref<100000x64xf32, #tpu.memory_space<hbm>> -> memref<100000x64xf32, #tpu.memory_space<hbm>>
      tpu.enqueue_indirect_dma source(%dma_start3A_352 : memref<100000x64xf32, #tpu.memory_space<hbm>>) target(%dma_start3A_346 : memref<128x64xf32, #tpu.memory_space<vmem>>) offsets(%dma_start3A_349 : memref<128xi32, #tpu.memory_space<vmem>>) semaphore(%arg8 : memref<!tpu.dma_semaphore, #tpu.memory_space<semaphore_mem>>)
      %dma_wait3A_353 = arith.constant 1 : i32
      %dma_wait3A_354 = arith.constant 1 : i32
      %dma_wait3A_355 = arith.constant 0 : i32
      %dma_wait3A_356 = arith.constant 0 : i32
      %dma_wait3A_357 = tpu.memref_slice %arg7[%dma_wait3A_354, %dma_wait3A_355, %dma_wait3A_356] : memref<2x128x64xf32, #tpu.memory_space<vmem>> -> memref<1x128x64xf32, #tpu.memory_space<vmem>>
      %dma_wait3A_358 = tpu.memref_squeeze %dma_wait3A_357 : memref<1x128x64xf32, #tpu.memory_space<vmem>> -> memref<128x64xf32, #tpu.memory_space<vmem>>
      %dma_wait3A_359 = arith.constant 0 : i32
      %dma_wait3A_360 = tpu.memref_slice %arg6[%dma_wait3A_353, %dma_wait3A_359] : memref<2x128xi32, #tpu.memory_space<vmem>> -> memref<1x128xi32, #tpu.memory_space<vmem>>
      %dma_wait3A_361 = tpu.memref_squeeze %dma_wait3A_360 : memref<1x128xi32, #tpu.memory_space<vmem>> -> memref<128xi32, #tpu.memory_space<vmem>>
      %dma_wait3A_362 = arith.constant 0 : i32
      %dma_wait3A_363 = arith.constant 0 : i32
      %dma_wait3A_364 = tpu.memref_slice %arg3[%dma_wait3A_362, %dma_wait3A_363] : memref<100000x64xf32, #tpu.memory_space<hbm>> -> memref<100000x64xf32, #tpu.memory_space<hbm>>
      tpu.wait_indirect_dma semaphore(%arg8 : memref<!tpu.dma_semaphore, #tpu.memory_space<semaphore_mem>>) src(%dma_wait3A_364 : memref<100000x64xf32, #tpu.memory_space<hbm>>) dst(%dma_wait3A_358 : memref<128x64xf32, #tpu.memory_space<vmem>>)
      %sub3A_365 = arith.constant 2 : i32
      %sub3A_366 = arith.subi %add3A_329, %sub3A_365 : i32
      %mul3A_367 = arith.constant 4096 : i32
      %mul3A_368 = arith.muli %sub3A_366, %mul3A_367 : i32
      %add3A_369 = arith.addi %mul3A_368, %mul3A_2 : i32
      %dma_wait3A_370 = arith.constant 1 : i32
      %dma_wait3A_371 = arith.constant 0 : i32
      %dma_wait3A_372 = arith.constant 0 : i32
      %dma_wait3A_373 = tpu.memref_slice %arg7[%dma_wait3A_370, %dma_wait3A_371, %dma_wait3A_372] : memref<2x128x64xf32, #tpu.memory_space<vmem>> -> memref<1x128x64xf32, #tpu.memory_space<vmem>>
      %dma_wait3A_374 = tpu.memref_squeeze %dma_wait3A_373 : memref<1x128x64xf32, #tpu.memory_space<vmem>> -> memref<128x64xf32, #tpu.memory_space<vmem>>
      %dma_wait3A_375 = arith.constant 0 : i32
      %dma_wait3A_376 = tpu.memref_slice %arg4[%add3A_369, %dma_wait3A_375] : memref<98304x64xf32, #tpu.memory_space<hbm>> -> memref<128x64xf32, #tpu.memory_space<hbm>>
      %dma_wait3A_377 = arith.constant 0 : i32
      %dma_wait3A_378 = tpu.memref_slice %arg4[%add3A_369, %dma_wait3A_377] : memref<98304x64xf32, #tpu.memory_space<hbm>> -> memref<128x64xf32, #tpu.memory_space<hbm>>
      %dma_wait3A_379 = arith.constant 0 : i32
      %dma_wait3A_380 = arith.constant 0 : i32
      %dma_wait3A_381 = tpu.memref_slice %arg7[%dma_wait3A_370, %dma_wait3A_379, %dma_wait3A_380] : memref<2x128x64xf32, #tpu.memory_space<vmem>> -> memref<1x128x64xf32, #tpu.memory_space<vmem>>
      %dma_wait3A_382 = tpu.memref_squeeze %dma_wait3A_381 : memref<1x128x64xf32, #tpu.memory_space<vmem>> -> memref<128x64xf32, #tpu.memory_space<vmem>>
      tpu.wait_dma2 semaphore(%arg10 : memref<!tpu.dma_semaphore, #tpu.memory_space<semaphore_mem>>) src(%dma_wait3A_382 : memref<128x64xf32, #tpu.memory_space<vmem>>) dst(%dma_wait3A_378 : memref<128x64xf32, #tpu.memory_space<hbm>>)
      %mul3A_383 = arith.constant 4096 : i32
      %mul3A_384 = arith.muli %add3A_329, %mul3A_383 : i32
      %add3A_385 = arith.addi %mul3A_384, %mul3A_2 : i32
      %dma_start3A_386 = arith.constant 1 : i32
      %dma_start3A_387 = arith.constant 0 : i32
      %dma_start3A_388 = arith.constant 0 : i32
      %dma_start3A_389 = tpu.memref_slice %arg7[%dma_start3A_386, %dma_start3A_387, %dma_start3A_388] : memref<2x128x64xf32, #tpu.memory_space<vmem>> -> memref<1x128x64xf32, #tpu.memory_space<vmem>>
      %dma_start3A_390 = tpu.memref_squeeze %dma_start3A_389 : memref<1x128x64xf32, #tpu.memory_space<vmem>> -> memref<128x64xf32, #tpu.memory_space<vmem>>
      %dma_start3A_391 = arith.constant 0 : i32
      %dma_start3A_392 = tpu.memref_slice %arg4[%add3A_385, %dma_start3A_391] : memref<98304x64xf32, #tpu.memory_space<hbm>> -> memref<128x64xf32, #tpu.memory_space<hbm>>
      %dma_start3A_393 = arith.constant 0 : i32
      %dma_start3A_394 = tpu.memref_slice %arg4[%add3A_385, %dma_start3A_393] : memref<98304x64xf32, #tpu.memory_space<hbm>> -> memref<128x64xf32, #tpu.memory_space<hbm>>
      %dma_start3A_395 = arith.constant 0 : i32
      %dma_start3A_396 = arith.constant 0 : i32
      %dma_start3A_397 = tpu.memref_slice %arg7[%dma_start3A_386, %dma_start3A_395, %dma_start3A_396] : memref<2x128x64xf32, #tpu.memory_space<vmem>> -> memref<1x128x64xf32, #tpu.memory_space<vmem>>
      %dma_start3A_398 = tpu.memref_squeeze %dma_start3A_397 : memref<1x128x64xf32, #tpu.memory_space<vmem>> -> memref<128x64xf32, #tpu.memory_space<vmem>>
      tpu.enqueue_dma source(%dma_start3A_398 : memref<128x64xf32, #tpu.memory_space<vmem>>) target(%dma_start3A_394 : memref<128x64xf32, #tpu.memory_space<hbm>>) target_semaphore(%arg10 : memref<!tpu.dma_semaphore, #tpu.memory_space<semaphore_mem>>)
    }
    %scan3A_118 = arith.constant 10 : i32
    %broadcast_in_dim3A_119 = arith.constant 49 : i32
    %broadcast_in_dim3A_120 = vector.broadcast %broadcast_in_dim3A_119 : i32 to vector<16xi32>
    %scan3A_121 = arith.constant 0 : i32
    %scan3A_122 = arith.constant 0 : i32
    %scan3A_123 = arith.constant 8 : i32
    %scan3A_124 = arith.addi %scan3A_122, %scan3A_123 : i32
    %scan3A_125 = arith.constant 1 : i32
    scf.for %scan3A_253 = %scan3A_122 to %scan3A_124 step %scan3A_125  : i32 {
      %mul3A_254 = arith.constant 16 : i32
      %mul3A_255 = arith.muli %scan3A_253, %mul3A_254 : i32
      %add3A_256 = vector.broadcast %mul3A_255 : i32 to vector<16xi32>
      %add3A_257 = arith.addi %iota3A, %add3A_256 : vector<16xi32>
      %jit3A = arith.constant 2 : i32
      %div3A = vector.broadcast %jit3A : i32 to vector<16xi32>
      %div3A_258 = arith.divsi %add3A_257, %div3A : vector<16xi32>
      %sign3A = arith.constant 0 : i32
      %sign3A_259 = vector.broadcast %sign3A : i32 to vector<16xi32>
      %sign3A_260 = arith.cmpi sgt, %add3A_257, %sign3A_259 : vector<16xi32>
      %sign3A_261 = arith.extui %sign3A_260 : vector<16xi1> to vector<16xi32>
      %sign3A_262 = arith.constant 0 : i32
      %sign3A_263 = vector.broadcast %sign3A_262 : i32 to vector<16xi32>
      %sign3A_264 = arith.cmpi slt, %add3A_257, %sign3A_263 : vector<16xi32>
      %sign3A_265 = arith.extui %sign3A_264 : vector<16xi1> to vector<16xi32>
      %sign3A_266 = arith.subi %sign3A_261, %sign3A_265 : vector<16xi32>
      %sign3A_267 = arith.constant 0 : i32
      %sign3A_268 = arith.cmpi sgt, %jit3A, %sign3A_267 : i32
      %sign3A_269 = arith.extui %sign3A_268 : i1 to i32
      %sign3A_270 = arith.constant 0 : i32
      %sign3A_271 = arith.cmpi slt, %jit3A, %sign3A_270 : i32
      %sign3A_272 = arith.extui %sign3A_271 : i1 to i32
      %sign3A_273 = arith.subi %sign3A_269, %sign3A_272 : i32
      %ne3A = vector.broadcast %sign3A_273 : i32 to vector<16xi32>
      %ne3A_274 = arith.cmpi ne, %sign3A_266, %ne3A : vector<16xi32>
      %rem3A = vector.broadcast %jit3A : i32 to vector<16xi32>
      %rem3A_275 = arith.remsi %add3A_257, %rem3A : vector<16xi32>
      %ne3A_276 = arith.constant 0 : i32
      %ne3A_277 = vector.broadcast %ne3A_276 : i32 to vector<16xi32>
      %ne3A_278 = arith.cmpi ne, %rem3A_275, %ne3A_277 : vector<16xi32>
      %and3A = arith.andi %ne3A_274, %ne3A_278 : vector<16xi1>
      %sub3A = arith.constant 1 : i32
      %sub3A_279 = vector.broadcast %sub3A : i32 to vector<16xi32>
      %sub3A_280 = arith.subi %div3A_258, %sub3A_279 : vector<16xi32>
      %select_n3A = arith.select %and3A, %sub3A_280, %div3A_258 : vector<16xi1>, vector<16xi32>
      %jit3A_281 = arith.constant 2 : i32
      %eq3A = arith.constant 0 : i32
      %eq3A_282 = arith.cmpi eq, %jit3A_281, %eq3A : i32
      %jit3A_283 = arith.constant 1 : i32
      %select_n3A_284 = arith.select %eq3A_282, %jit3A_283, %jit3A_281 : i32
      %rem3A_285 = vector.broadcast %select_n3A_284 : i32 to vector<16xi32>
      %rem3A_286 = arith.remsi %add3A_257, %rem3A_285 : vector<16xi32>
      %ne3A_287 = arith.constant 0 : i32
      %ne3A_288 = vector.broadcast %ne3A_287 : i32 to vector<16xi32>
      %ne3A_289 = arith.cmpi ne, %rem3A_286, %ne3A_288 : vector<16xi32>
      %lt3A = arith.constant 0 : i32
      %lt3A_290 = vector.broadcast %lt3A : i32 to vector<16xi32>
      %lt3A_291 = arith.cmpi slt, %rem3A_286, %lt3A_290 : vector<16xi32>
      %lt3A_292 = arith.constant 0 : i32
      %lt3A_293 = arith.cmpi slt, %select_n3A_284, %lt3A_292 : i32
      %ne3A_294 = vector.broadcast %lt3A_293 : i1 to vector<16xi1>
      %ne3A_295 = vector.broadcast %ne3A_294 : vector<16xi1> to vector<16xi1>
      %ne3A_296 = arith.xori %lt3A_291, %ne3A_295 : vector<16xi1>
      %and3A_297 = arith.andi %ne3A_296, %ne3A_289 : vector<16xi1>
      %add3A_298 = vector.broadcast %select_n3A_284 : i32 to vector<16xi32>
      %add3A_299 = arith.addi %rem3A_286, %add3A_298 : vector<16xi32>
      %select_n3A_300 = arith.select %and3A_297, %add3A_299, %rem3A_286 : vector<16xi1>, vector<16xi32>
      %mul3A_301 = arith.constant 64 : i32
      %mul3A_302 = vector.broadcast %mul3A_301 : i32 to vector<16xi32>
      %mul3A_303 = arith.muli %select_n3A_300, %mul3A_302 : vector<16xi32>
      %add3A_304 = arith.addi %select_n3A, %mul3A_303 : vector<16xi32>
      %gather3A = tpu.vector_load_idx %arg5[%add3A_304, %broadcast_in_dim3A_120] : memref<128x50xi32, #tpu.memory_space<vmem>>[vector<16xi32>, vector<16xi32>], vector<16xi32>,
      %mul3A_305 = arith.constant 16 : i32
      %mul3A_306 = arith.muli %scan3A_253, %mul3A_305 : i32
      %swap3A = arith.constant 1 : i32
      %swap3A_307 = arith.index_cast %swap3A : i32 to index
      %swap3A_308 = arith.index_cast %mul3A_306 : i32 to index
      %swap3A_309 = tpu.vector_load %arg6[%swap3A_307, %swap3A_308] {strides = array<i32>} : memref<2x128xi32, #tpu.memory_space<vmem>>, vector<16xi32>,
      tpu.vector_store %arg6[%swap3A_307, %swap3A_308], %gather3A {strides = array<i32>} : memref<2x128xi32, #tpu.memory_space<vmem>>, vector<16xi32>,
    }
    %scan3A_126 = arith.constant 8 : i32
    %dma_start3A_127 = arith.constant 1 : i32
    %dma_start3A_128 = arith.constant 1 : i32
    %dma_start3A_129 = arith.constant 0 : i32
    %dma_start3A_130 = arith.constant 0 : i32
    %dma_start3A_131 = tpu.memref_slice %arg7[%dma_start3A_128, %dma_start3A_129, %dma_start3A_130] : memref<2x128x64xf32, #tpu.memory_space<vmem>> -> memref<1x128x64xf32, #tpu.memory_space<vmem>>
    %dma_start3A_132 = tpu.memref_squeeze %dma_start3A_131 : memref<1x128x64xf32, #tpu.memory_space<vmem>> -> memref<128x64xf32, #tpu.memory_space<vmem>>
    %dma_start3A_133 = arith.constant 0 : i32
    %dma_start3A_134 = tpu.memref_slice %arg6[%dma_start3A_127, %dma_start3A_133] : memref<2x128xi32, #tpu.memory_space<vmem>> -> memref<1x128xi32, #tpu.memory_space<vmem>>
    %dma_start3A_135 = tpu.memref_squeeze %dma_start3A_134 : memref<1x128xi32, #tpu.memory_space<vmem>> -> memref<128xi32, #tpu.memory_space<vmem>>
    %dma_start3A_136 = arith.constant 0 : i32
    %dma_start3A_137 = arith.constant 0 : i32
    %dma_start3A_138 = tpu.memref_slice %arg3[%dma_start3A_136, %dma_start3A_137] : memref<100000x64xf32, #tpu.memory_space<hbm>> -> memref<100000x64xf32, #tpu.memory_space<hbm>>
    tpu.enqueue_indirect_dma source(%dma_start3A_138 : memref<100000x64xf32, #tpu.memory_space<hbm>>) target(%dma_start3A_132 : memref<128x64xf32, #tpu.memory_space<vmem>>) offsets(%dma_start3A_135 : memref<128xi32, #tpu.memory_space<vmem>>) semaphore(%arg8 : memref<!tpu.dma_semaphore, #tpu.memory_space<semaphore_mem>>)
    %dma_wait3A_139 = arith.constant 0 : i32
    %dma_wait3A_140 = arith.constant 0 : i32
    %dma_wait3A_141 = arith.constant 0 : i32
    %dma_wait3A_142 = arith.constant 0 : i32
    %dma_wait3A_143 = tpu.memref_slice %arg7[%dma_wait3A_140, %dma_wait3A_141, %dma_wait3A_142] : memref<2x128x64xf32, #tpu.memory_space<vmem>> -> memref<1x128x64xf32, #tpu.memory_space<vmem>>
    %dma_wait3A_144 = tpu.memref_squeeze %dma_wait3A_143 : memref<1x128x64xf32, #tpu.memory_space<vmem>> -> memref<128x64xf32, #tpu.memory_space<vmem>>
    %dma_wait3A_145 = arith.constant 0 : i32
    %dma_wait3A_146 = tpu.memref_slice %arg6[%dma_wait3A_139, %dma_wait3A_145] : memref<2x128xi32, #tpu.memory_space<vmem>> -> memref<1x128xi32, #tpu.memory_space<vmem>>
    %dma_wait3A_147 = tpu.memref_squeeze %dma_wait3A_146 : memref<1x128xi32, #tpu.memory_space<vmem>> -> memref<128xi32, #tpu.memory_space<vmem>>
    %dma_wait3A_148 = arith.constant 0 : i32
    %dma_wait3A_149 = arith.constant 0 : i32
    %dma_wait3A_150 = tpu.memref_slice %arg3[%dma_wait3A_148, %dma_wait3A_149] : memref<100000x64xf32, #tpu.memory_space<hbm>> -> memref<100000x64xf32, #tpu.memory_space<hbm>>
    tpu.wait_indirect_dma semaphore(%arg8 : memref<!tpu.dma_semaphore, #tpu.memory_space<semaphore_mem>>) src(%dma_wait3A_150 : memref<100000x64xf32, #tpu.memory_space<hbm>>) dst(%dma_wait3A_144 : memref<128x64xf32, #tpu.memory_space<vmem>>)
    %add3A_151 = arith.constant 81920 : i32
    %add3A_152 = arith.addi %add3A_151, %mul3A_2 : i32
    %dma_wait3A_153 = arith.constant 0 : i32
    %dma_wait3A_154 = arith.constant 0 : i32
    %dma_wait3A_155 = arith.constant 0 : i32
    %dma_wait3A_156 = tpu.memref_slice %arg7[%dma_wait3A_153, %dma_wait3A_154, %dma_wait3A_155] : memref<2x128x64xf32, #tpu.memory_space<vmem>> -> memref<1x128x64xf32, #tpu.memory_space<vmem>>
    %dma_wait3A_157 = tpu.memref_squeeze %dma_wait3A_156 : memref<1x128x64xf32, #tpu.memory_space<vmem>> -> memref<128x64xf32, #tpu.memory_space<vmem>>
    %dma_wait3A_158 = arith.constant 0 : i32
    %dma_wait3A_159 = tpu.memref_slice %arg4[%add3A_152, %dma_wait3A_158] : memref<98304x64xf32, #tpu.memory_space<hbm>> -> memref<128x64xf32, #tpu.memory_space<hbm>>
    %dma_wait3A_160 = arith.constant 0 : i32
    %dma_wait3A_161 = tpu.memref_slice %arg4[%add3A_152, %dma_wait3A_160] : memref<98304x64xf32, #tpu.memory_space<hbm>> -> memref<128x64xf32, #tpu.memory_space<hbm>>
    %dma_wait3A_162 = arith.constant 0 : i32
    %dma_wait3A_163 = arith.constant 0 : i32
    %dma_wait3A_164 = tpu.memref_slice %arg7[%dma_wait3A_153, %dma_wait3A_162, %dma_wait3A_163] : memref<2x128x64xf32, #tpu.memory_space<vmem>> -> memref<1x128x64xf32, #tpu.memory_space<vmem>>
    %dma_wait3A_165 = tpu.memref_squeeze %dma_wait3A_164 : memref<1x128x64xf32, #tpu.memory_space<vmem>> -> memref<128x64xf32, #tpu.memory_space<vmem>>
    tpu.wait_dma2 semaphore(%arg9 : memref<!tpu.dma_semaphore, #tpu.memory_space<semaphore_mem>>) src(%dma_wait3A_165 : memref<128x64xf32, #tpu.memory_space<vmem>>) dst(%dma_wait3A_161 : memref<128x64xf32, #tpu.memory_space<hbm>>)
    %add3A_166 = arith.constant 90112 : i32
    %add3A_167 = arith.addi %add3A_166, %mul3A_2 : i32
    %dma_start3A_168 = arith.constant 0 : i32
    %dma_start3A_169 = arith.constant 0 : i32
    %dma_start3A_170 = arith.constant 0 : i32
    %dma_start3A_171 = tpu.memref_slice %arg7[%dma_start3A_168, %dma_start3A_169, %dma_start3A_170] : memref<2x128x64xf32, #tpu.memory_space<vmem>> -> memref<1x128x64xf32, #tpu.memory_space<vmem>>
    %dma_start3A_172 = tpu.memref_squeeze %dma_start3A_171 : memref<1x128x64xf32, #tpu.memory_space<vmem>> -> memref<128x64xf32, #tpu.memory_space<vmem>>
    %dma_start3A_173 = arith.constant 0 : i32
    %dma_start3A_174 = tpu.memref_slice %arg4[%add3A_167, %dma_start3A_173] : memref<98304x64xf32, #tpu.memory_space<hbm>> -> memref<128x64xf32, #tpu.memory_space<hbm>>
    %dma_start3A_175 = arith.constant 0 : i32
    %dma_start3A_176 = tpu.memref_slice %arg4[%add3A_167, %dma_start3A_175] : memref<98304x64xf32, #tpu.memory_space<hbm>> -> memref<128x64xf32, #tpu.memory_space<hbm>>
    %dma_start3A_177 = arith.constant 0 : i32
    %dma_start3A_178 = arith.constant 0 : i32
    %dma_start3A_179 = tpu.memref_slice %arg7[%dma_start3A_168, %dma_start3A_177, %dma_start3A_178] : memref<2x128x64xf32, #tpu.memory_space<vmem>> -> memref<1x128x64xf32, #tpu.memory_space<vmem>>
    %dma_start3A_180 = tpu.memref_squeeze %dma_start3A_179 : memref<1x128x64xf32, #tpu.memory_space<vmem>> -> memref<128x64xf32, #tpu.memory_space<vmem>>
    tpu.enqueue_dma source(%dma_start3A_180 : memref<128x64xf32, #tpu.memory_space<vmem>>) target(%dma_start3A_176 : memref<128x64xf32, #tpu.memory_space<hbm>>) target_semaphore(%arg9 : memref<!tpu.dma_semaphore, #tpu.memory_space<semaphore_mem>>)
    %dma_wait3A_181 = arith.constant 1 : i32
    %dma_wait3A_182 = arith.constant 1 : i32
    %dma_wait3A_183 = arith.constant 0 : i32
    %dma_wait3A_184 = arith.constant 0 : i32
    %dma_wait3A_185 = tpu.memref_slice %arg7[%dma_wait3A_182, %dma_wait3A_183, %dma_wait3A_184] : memref<2x128x64xf32, #tpu.memory_space<vmem>> -> memref<1x128x64xf32, #tpu.memory_space<vmem>>
    %dma_wait3A_186 = tpu.memref_squeeze %dma_wait3A_185 : memref<1x128x64xf32, #tpu.memory_space<vmem>> -> memref<128x64xf32, #tpu.memory_space<vmem>>
    %dma_wait3A_187 = arith.constant 0 : i32
    %dma_wait3A_188 = tpu.memref_slice %arg6[%dma_wait3A_181, %dma_wait3A_187] : memref<2x128xi32, #tpu.memory_space<vmem>> -> memref<1x128xi32, #tpu.memory_space<vmem>>
    %dma_wait3A_189 = tpu.memref_squeeze %dma_wait3A_188 : memref<1x128xi32, #tpu.memory_space<vmem>> -> memref<128xi32, #tpu.memory_space<vmem>>
    %dma_wait3A_190 = arith.constant 0 : i32
    %dma_wait3A_191 = arith.constant 0 : i32
    %dma_wait3A_192 = tpu.memref_slice %arg3[%dma_wait3A_190, %dma_wait3A_191] : memref<100000x64xf32, #tpu.memory_space<hbm>> -> memref<100000x64xf32, #tpu.memory_space<hbm>>
    tpu.wait_indirect_dma semaphore(%arg8 : memref<!tpu.dma_semaphore, #tpu.memory_space<semaphore_mem>>) src(%dma_wait3A_192 : memref<100000x64xf32, #tpu.memory_space<hbm>>) dst(%dma_wait3A_186 : memref<128x64xf32, #tpu.memory_space<vmem>>)
    %add3A_193 = arith.constant 86016 : i32
    %add3A_194 = arith.addi %add3A_193, %mul3A_2 : i32
    %dma_wait3A_195 = arith.constant 1 : i32
    %dma_wait3A_196 = arith.constant 0 : i32
    %dma_wait3A_197 = arith.constant 0 : i32
    %dma_wait3A_198 = tpu.memref_slice %arg7[%dma_wait3A_195, %dma_wait3A_196, %dma_wait3A_197] : memref<2x128x64xf32, #tpu.memory_space<vmem>> -> memref<1x128x64xf32, #tpu.memory_space<vmem>>
    %dma_wait3A_199 = tpu.memref_squeeze %dma_wait3A_198 : memref<1x128x64xf32, #tpu.memory_space<vmem>> -> memref<128x64xf32, #tpu.memory_space<vmem>>
    %dma_wait3A_200 = arith.constant 0 : i32
    %dma_wait3A_201 = tpu.memref_slice %arg4[%add3A_194, %dma_wait3A_200] : memref<98304x64xf32, #tpu.memory_space<hbm>> -> memref<128x64xf32, #tpu.memory_space<hbm>>
    %dma_wait3A_202 = arith.constant 0 : i32
    %dma_wait3A_203 = tpu.memref_slice %arg4[%add3A_194, %dma_wait3A_202] : memref<98304x64xf32, #tpu.memory_space<hbm>> -> memref<128x64xf32, #tpu.memory_space<hbm>>
    %dma_wait3A_204 = arith.constant 0 : i32
    %dma_wait3A_205 = arith.constant 0 : i32
    %dma_wait3A_206 = tpu.memref_slice %arg7[%dma_wait3A_195, %dma_wait3A_204, %dma_wait3A_205] : memref<2x128x64xf32, #tpu.memory_space<vmem>> -> memref<1x128x64xf32, #tpu.memory_space<vmem>>
    %dma_wait3A_207 = tpu.memref_squeeze %dma_wait3A_206 : memref<1x128x64xf32, #tpu.memory_space<vmem>> -> memref<128x64xf32, #tpu.memory_space<vmem>>
    tpu.wait_dma2 semaphore(%arg10 : memref<!tpu.dma_semaphore, #tpu.memory_space<semaphore_mem>>) src(%dma_wait3A_207 : memref<128x64xf32, #tpu.memory_space<vmem>>) dst(%dma_wait3A_203 : memref<128x64xf32, #tpu.memory_space<hbm>>)
    %add3A_208 = arith.constant 94208 : i32
    %add3A_209 = arith.addi %add3A_208, %mul3A_2 : i32
    %dma_start3A_210 = arith.constant 1 : i32
    %dma_start3A_211 = arith.constant 0 : i32
    %dma_start3A_212 = arith.constant 0 : i32
    %dma_start3A_213 = tpu.memref_slice %arg7[%dma_start3A_210, %dma_start3A_211, %dma_start3A_212] : memref<2x128x64xf32, #tpu.memory_space<vmem>> -> memref<1x128x64xf32, #tpu.memory_space<vmem>>
    %dma_start3A_214 = tpu.memref_squeeze %dma_start3A_213 : memref<1x128x64xf32, #tpu.memory_space<vmem>> -> memref<128x64xf32, #tpu.memory_space<vmem>>
    %dma_start3A_215 = arith.constant 0 : i32
    %dma_start3A_216 = tpu.memref_slice %arg4[%add3A_209, %dma_start3A_215] : memref<98304x64xf32, #tpu.memory_space<hbm>> -> memref<128x64xf32, #tpu.memory_space<hbm>>
    %dma_start3A_217 = arith.constant 0 : i32
    %dma_start3A_218 = tpu.memref_slice %arg4[%add3A_209, %dma_start3A_217] : memref<98304x64xf32, #tpu.memory_space<hbm>> -> memref<128x64xf32, #tpu.memory_space<hbm>>
    %dma_start3A_219 = arith.constant 0 : i32
    %dma_start3A_220 = arith.constant 0 : i32
    %dma_start3A_221 = tpu.memref_slice %arg7[%dma_start3A_210, %dma_start3A_219, %dma_start3A_220] : memref<2x128x64xf32, #tpu.memory_space<vmem>> -> memref<1x128x64xf32, #tpu.memory_space<vmem>>
    %dma_start3A_222 = tpu.memref_squeeze %dma_start3A_221 : memref<1x128x64xf32, #tpu.memory_space<vmem>> -> memref<128x64xf32, #tpu.memory_space<vmem>>
    tpu.enqueue_dma source(%dma_start3A_222 : memref<128x64xf32, #tpu.memory_space<vmem>>) target(%dma_start3A_218 : memref<128x64xf32, #tpu.memory_space<hbm>>) target_semaphore(%arg10 : memref<!tpu.dma_semaphore, #tpu.memory_space<semaphore_mem>>)
    %add3A_223 = arith.constant 90112 : i32
    %add3A_224 = arith.addi %add3A_223, %mul3A_2 : i32
    %dma_wait3A_225 = arith.constant 0 : i32
    %dma_wait3A_226 = arith.constant 0 : i32
    %dma_wait3A_227 = arith.constant 0 : i32
    %dma_wait3A_228 = tpu.memref_slice %arg7[%dma_wait3A_225, %dma_wait3A_226, %dma_wait3A_227] : memref<2x128x64xf32, #tpu.memory_space<vmem>> -> memref<1x128x64xf32, #tpu.memory_space<vmem>>
    %dma_wait3A_229 = tpu.memref_squeeze %dma_wait3A_228 : memref<1x128x64xf32, #tpu.memory_space<vmem>> -> memref<128x64xf32, #tpu.memory_space<vmem>>
    %dma_wait3A_230 = arith.constant 0 : i32
    %dma_wait3A_231 = tpu.memref_slice %arg4[%add3A_224, %dma_wait3A_230] : memref<98304x64xf32, #tpu.memory_space<hbm>> -> memref<128x64xf32, #tpu.memory_space<hbm>>
    %dma_wait3A_232 = arith.constant 0 : i32
    %dma_wait3A_233 = tpu.memref_slice %arg4[%add3A_224, %dma_wait3A_232] : memref<98304x64xf32, #tpu.memory_space<hbm>> -> memref<128x64xf32, #tpu.memory_space<hbm>>
    %dma_wait3A_234 = arith.constant 0 : i32
    %dma_wait3A_235 = arith.constant 0 : i32
    %dma_wait3A_236 = tpu.memref_slice %arg7[%dma_wait3A_225, %dma_wait3A_234, %dma_wait3A_235] : memref<2x128x64xf32, #tpu.memory_space<vmem>> -> memref<1x128x64xf32, #tpu.memory_space<vmem>>
    %dma_wait3A_237 = tpu.memref_squeeze %dma_wait3A_236 : memref<1x128x64xf32, #tpu.memory_space<vmem>> -> memref<128x64xf32, #tpu.memory_space<vmem>>
    tpu.wait_dma2 semaphore(%arg9 : memref<!tpu.dma_semaphore, #tpu.memory_space<semaphore_mem>>) src(%dma_wait3A_237 : memref<128x64xf32, #tpu.memory_space<vmem>>) dst(%dma_wait3A_233 : memref<128x64xf32, #tpu.memory_space<hbm>>)
    %add3A_238 = arith.constant 94208 : i32
    %add3A_239 = arith.addi %add3A_238, %mul3A_2 : i32
    %dma_wait3A_240 = arith.constant 1 : i32
    %dma_wait3A_241 = arith.constant 0 : i32
    %dma_wait3A_242 = arith.constant 0 : i32
    %dma_wait3A_243 = tpu.memref_slice %arg7[%dma_wait3A_240, %dma_wait3A_241, %dma_wait3A_242] : memref<2x128x64xf32, #tpu.memory_space<vmem>> -> memref<1x128x64xf32, #tpu.memory_space<vmem>>
    %dma_wait3A_244 = tpu.memref_squeeze %dma_wait3A_243 : memref<1x128x64xf32, #tpu.memory_space<vmem>> -> memref<128x64xf32, #tpu.memory_space<vmem>>
    %dma_wait3A_245 = arith.constant 0 : i32
    %dma_wait3A_246 = tpu.memref_slice %arg4[%add3A_239, %dma_wait3A_245] : memref<98304x64xf32, #tpu.memory_space<hbm>> -> memref<128x64xf32, #tpu.memory_space<hbm>>
    %dma_wait3A_247 = arith.constant 0 : i32
    %dma_wait3A_248 = tpu.memref_slice %arg4[%add3A_239, %dma_wait3A_247] : memref<98304x64xf32, #tpu.memory_space<hbm>> -> memref<128x64xf32, #tpu.memory_space<hbm>>
    %dma_wait3A_249 = arith.constant 0 : i32
    %dma_wait3A_250 = arith.constant 0 : i32
    %dma_wait3A_251 = tpu.memref_slice %arg7[%dma_wait3A_240, %dma_wait3A_249, %dma_wait3A_250] : memref<2x128x64xf32, #tpu.memory_space<vmem>> -> memref<1x128x64xf32, #tpu.memory_space<vmem>>
    %dma_wait3A_252 = tpu.memref_squeeze %dma_wait3A_251 : memref<1x128x64xf32, #tpu.memory_space<vmem>> -> memref<128x64xf32, #tpu.memory_space<vmem>>
    tpu.wait_dma2 semaphore(%arg10 : memref<!tpu.dma_semaphore, #tpu.memory_space<semaphore_mem>>) src(%dma_wait3A_252 : memref<128x64xf32, #tpu.memory_space<vmem>>) dst(%dma_wait3A_248 : memref<128x64xf32, #tpu.memory_space<hbm>>)
    return
  }
}

#map = affine_map<(d0, d1) -> (0, 0)>
module attributes {stable_mosaic.version = 14 : i64} {
  func.func @k(%arg0: i32, %arg1: i32, %arg2: memref<4096x50xi32, #tpu.memory_space<hbm>>, %arg3: memref<100000x64xf32, #tpu.memory_space<hbm>>, %arg4: memref<106496x64xf32, #tpu.memory_space<hbm>>, %arg5: memref<128x50xi32, #tpu.memory_space<vmem>>, %arg6: memref<2x128xi32, #tpu.memory_space<vmem>>, %arg7: memref<2x128x64xf32, #tpu.memory_space<vmem>>, %arg8: memref<!tpu.dma_semaphore, #tpu.memory_space<semaphore_mem>>, %arg9: memref<!tpu.dma_semaphore, #tpu.memory_space<semaphore_mem>>, %arg10: memref<!tpu.dma_semaphore, #tpu.memory_space<semaphore_mem>>) attributes {dimension_semantics = [#tpu.dimension_semantics<core_parallel>, #tpu.dimension_semantics<subcore_parallel>], iteration_bounds = array<i64: 2, 16>, scalar_prefetch = 0 : i64, scratch_operands = 6 : i64, tpu.core_type = #tpu.core_type<sc_vector_subcore>, window_params = [{transform_indices = #map}, {transform_indices = #map}, {transform_indices = #map}]} {
    %mul3A = arith.constant 2 : i32
    %mul3A_0 = arith.muli %arg1, %mul3A : i32
    %add3A = arith.addi %mul3A_0, %arg0 : i32
    %mul3A_1 = arith.constant 128 : i32
    %mul3A_2 = arith.muli %add3A, %mul3A_1 : i32
    "tpu.region"() ({
      %run_scoped3A = tpu.sem_alloc : memref<!tpu.dma_semaphore, #tpu.memory_space<semaphore_mem>>
      %dma_start3A_253 = arith.constant 0 : i32
      %dma_start3A_254 = tpu.memref_slice %arg2[%mul3A_2, %dma_start3A_253] : memref<4096x50xi32, #tpu.memory_space<hbm>> -> memref<128x50xi32, #tpu.memory_space<hbm>>
      %dma_start3A_255 = arith.constant 0 : i32
      %dma_start3A_256 = tpu.memref_slice %arg2[%mul3A_2, %dma_start3A_255] : memref<4096x50xi32, #tpu.memory_space<hbm>> -> memref<128x50xi32, #tpu.memory_space<hbm>>
      tpu.enqueue_dma source(%dma_start3A_256 : memref<128x50xi32, #tpu.memory_space<hbm>>) target(%arg5 : memref<128x50xi32, #tpu.memory_space<vmem>>) target_semaphore(%run_scoped3A : memref<!tpu.dma_semaphore, #tpu.memory_space<semaphore_mem>>)
      %dma_wait3A_257 = arith.constant 0 : i32
      %dma_wait3A_258 = tpu.memref_slice %arg2[%mul3A_2, %dma_wait3A_257] : memref<4096x50xi32, #tpu.memory_space<hbm>> -> memref<128x50xi32, #tpu.memory_space<hbm>>
      %dma_wait3A_259 = arith.constant 0 : i32
      %dma_wait3A_260 = tpu.memref_slice %arg2[%mul3A_2, %dma_wait3A_259] : memref<4096x50xi32, #tpu.memory_space<hbm>> -> memref<128x50xi32, #tpu.memory_space<hbm>>
      tpu.wait_dma2 semaphore(%run_scoped3A : memref<!tpu.dma_semaphore, #tpu.memory_space<semaphore_mem>>) src(%dma_wait3A_260 : memref<128x50xi32, #tpu.memory_space<hbm>>) dst(%arg5 : memref<128x50xi32, #tpu.memory_space<vmem>>)
      tpu.yield
    }) : () -> ()
    %iota3A = tpu.iota {dimensions = array<i32: 0>} : vector<16xi32>
    %broadcast_in_dim3A = arith.constant 0 : i32
    %broadcast_in_dim3A_3 = vector.broadcast %broadcast_in_dim3A : i32 to vector<16xi32>
    %scan3A = arith.constant 0 : i32
    %scan3A_4 = arith.constant 0 : i32
    %scan3A_5 = arith.constant 8 : i32
    %scan3A_6 = arith.addi %scan3A_4, %scan3A_5 : i32
    %scan3A_7 = arith.constant 1 : i32
    scf.for %scan3A_253 = %scan3A_4 to %scan3A_6 step %scan3A_7  : i32 {
      %mul3A_254 = arith.constant 16 : i32
      %mul3A_255 = arith.muli %scan3A_253, %mul3A_254 : i32
      %add3A_256 = vector.broadcast %mul3A_255 : i32 to vector<16xi32>
      %add3A_257 = arith.addi %iota3A, %add3A_256 : vector<16xi32>
      %jit3A = arith.constant 2 : i32
      %div3A = vector.broadcast %jit3A : i32 to vector<16xi32>
      %div3A_258 = arith.divsi %add3A_257, %div3A : vector<16xi32>
      %sign3A = arith.constant 0 : i32
      %sign3A_259 = vector.broadcast %sign3A : i32 to vector<16xi32>
      %sign3A_260 = arith.cmpi sgt, %add3A_257, %sign3A_259 : vector<16xi32>
      %sign3A_261 = arith.extui %sign3A_260 : vector<16xi1> to vector<16xi32>
      %sign3A_262 = arith.constant 0 : i32
      %sign3A_263 = vector.broadcast %sign3A_262 : i32 to vector<16xi32>
      %sign3A_264 = arith.cmpi slt, %add3A_257, %sign3A_263 : vector<16xi32>
      %sign3A_265 = arith.extui %sign3A_264 : vector<16xi1> to vector<16xi32>
      %sign3A_266 = arith.subi %sign3A_261, %sign3A_265 : vector<16xi32>
      %sign3A_267 = arith.constant 0 : i32
      %sign3A_268 = arith.cmpi sgt, %jit3A, %sign3A_267 : i32
      %sign3A_269 = arith.extui %sign3A_268 : i1 to i32
      %sign3A_270 = arith.constant 0 : i32
      %sign3A_271 = arith.cmpi slt, %jit3A, %sign3A_270 : i32
      %sign3A_272 = arith.extui %sign3A_271 : i1 to i32
      %sign3A_273 = arith.subi %sign3A_269, %sign3A_272 : i32
      %ne3A = vector.broadcast %sign3A_273 : i32 to vector<16xi32>
      %ne3A_274 = arith.cmpi ne, %sign3A_266, %ne3A : vector<16xi32>
      %rem3A = vector.broadcast %jit3A : i32 to vector<16xi32>
      %rem3A_275 = arith.remsi %add3A_257, %rem3A : vector<16xi32>
      %ne3A_276 = arith.constant 0 : i32
      %ne3A_277 = vector.broadcast %ne3A_276 : i32 to vector<16xi32>
      %ne3A_278 = arith.cmpi ne, %rem3A_275, %ne3A_277 : vector<16xi32>
      %and3A = arith.andi %ne3A_274, %ne3A_278 : vector<16xi1>
      %sub3A = arith.constant 1 : i32
      %sub3A_279 = vector.broadcast %sub3A : i32 to vector<16xi32>
      %sub3A_280 = arith.subi %div3A_258, %sub3A_279 : vector<16xi32>
      %select_n3A = arith.select %and3A, %sub3A_280, %div3A_258 : vector<16xi1>, vector<16xi32>
      %jit3A_281 = arith.constant 2 : i32
      %eq3A = arith.constant 0 : i32
      %eq3A_282 = arith.cmpi eq, %jit3A_281, %eq3A : i32
      %jit3A_283 = arith.constant 1 : i32
      %select_n3A_284 = arith.select %eq3A_282, %jit3A_283, %jit3A_281 : i32
      %rem3A_285 = vector.broadcast %select_n3A_284 : i32 to vector<16xi32>
      %rem3A_286 = arith.remsi %add3A_257, %rem3A_285 : vector<16xi32>
      %ne3A_287 = arith.constant 0 : i32
      %ne3A_288 = vector.broadcast %ne3A_287 : i32 to vector<16xi32>
      %ne3A_289 = arith.cmpi ne, %rem3A_286, %ne3A_288 : vector<16xi32>
      %lt3A = arith.constant 0 : i32
      %lt3A_290 = vector.broadcast %lt3A : i32 to vector<16xi32>
      %lt3A_291 = arith.cmpi slt, %rem3A_286, %lt3A_290 : vector<16xi32>
      %lt3A_292 = arith.constant 0 : i32
      %lt3A_293 = arith.cmpi slt, %select_n3A_284, %lt3A_292 : i32
      %ne3A_294 = vector.broadcast %lt3A_293 : i1 to vector<16xi1>
      %ne3A_295 = vector.broadcast %ne3A_294 : vector<16xi1> to vector<16xi1>
      %ne3A_296 = arith.xori %lt3A_291, %ne3A_295 : vector<16xi1>
      %and3A_297 = arith.andi %ne3A_296, %ne3A_289 : vector<16xi1>
      %add3A_298 = vector.broadcast %select_n3A_284 : i32 to vector<16xi32>
      %add3A_299 = arith.addi %rem3A_286, %add3A_298 : vector<16xi32>
      %select_n3A_300 = arith.select %and3A_297, %add3A_299, %rem3A_286 : vector<16xi1>, vector<16xi32>
      %mul3A_301 = arith.constant 64 : i32
      %mul3A_302 = vector.broadcast %mul3A_301 : i32 to vector<16xi32>
      %mul3A_303 = arith.muli %select_n3A_300, %mul3A_302 : vector<16xi32>
      %add3A_304 = arith.addi %select_n3A, %mul3A_303 : vector<16xi32>
      %gather3A = tpu.vector_load_idx %arg5[%add3A_304, %broadcast_in_dim3A_3] : memref<128x50xi32, #tpu.memory_space<vmem>>[vector<16xi32>, vector<16xi32>], vector<16xi32>,
      %mul3A_305 = arith.constant 16 : i32
      %mul3A_306 = arith.muli %scan3A_253, %mul3A_305 : i32
      %swap3A = arith.constant 0 : i32
      %swap3A_307 = arith.index_cast %swap3A : i32 to index
      %swap3A_308 = arith.index_cast %mul3A_306 : i32 to index
      %swap3A_309 = tpu.vector_load %arg6[%swap3A_307, %swap3A_308] {strides = array<i32>} : memref<2x128xi32, #tpu.memory_space<vmem>>, vector<16xi32>,
      tpu.vector_store %arg6[%swap3A_307, %swap3A_308], %gather3A {strides = array<i32>} : memref<2x128xi32, #tpu.memory_space<vmem>>, vector<16xi32>,
    }
    %scan3A_8 = arith.constant 8 : i32
    %dma_start3A = arith.constant 0 : i32
    %dma_start3A_9 = arith.constant 0 : i32
    %dma_start3A_10 = arith.constant 0 : i32
    %dma_start3A_11 = arith.constant 0 : i32
    %dma_start3A_12 = tpu.memref_slice %arg7[%dma_start3A_9, %dma_start3A_10, %dma_start3A_11] : memref<2x128x64xf32, #tpu.memory_space<vmem>> -> memref<1x128x64xf32, #tpu.memory_space<vmem>>
    %dma_start3A_13 = tpu.memref_squeeze %dma_start3A_12 : memref<1x128x64xf32, #tpu.memory_space<vmem>> -> memref<128x64xf32, #tpu.memory_space<vmem>>
    %dma_start3A_14 = arith.constant 0 : i32
    %dma_start3A_15 = tpu.memref_slice %arg6[%dma_start3A, %dma_start3A_14] : memref<2x128xi32, #tpu.memory_space<vmem>> -> memref<1x128xi32, #tpu.memory_space<vmem>>
    %dma_start3A_16 = tpu.memref_squeeze %dma_start3A_15 : memref<1x128xi32, #tpu.memory_space<vmem>> -> memref<128xi32, #tpu.memory_space<vmem>>
    %dma_start3A_17 = arith.constant 0 : i32
    %dma_start3A_18 = arith.constant 0 : i32
    %dma_start3A_19 = tpu.memref_slice %arg3[%dma_start3A_17, %dma_start3A_18] : memref<100000x64xf32, #tpu.memory_space<hbm>> -> memref<100000x64xf32, #tpu.memory_space<hbm>>
    tpu.enqueue_indirect_dma source(%dma_start3A_19 : memref<100000x64xf32, #tpu.memory_space<hbm>>) target(%dma_start3A_13 : memref<128x64xf32, #tpu.memory_space<vmem>>) offsets(%dma_start3A_16 : memref<128xi32, #tpu.memory_space<vmem>>) semaphore(%arg8 : memref<!tpu.dma_semaphore, #tpu.memory_space<semaphore_mem>>)
    %broadcast_in_dim3A_20 = arith.constant 1 : i32
    %broadcast_in_dim3A_21 = vector.broadcast %broadcast_in_dim3A_20 : i32 to vector<16xi32>
    %scan3A_22 = arith.constant 0 : i32
    %scan3A_23 = arith.constant 0 : i32
    %scan3A_24 = arith.constant 8 : i32
    %scan3A_25 = arith.addi %scan3A_23, %scan3A_24 : i32
    %scan3A_26 = arith.constant 1 : i32
    scf.for %scan3A_253 = %scan3A_23 to %scan3A_25 step %scan3A_26  : i32 {
      %mul3A_254 = arith.constant 16 : i32
      %mul3A_255 = arith.muli %scan3A_253, %mul3A_254 : i32
      %add3A_256 = vector.broadcast %mul3A_255 : i32 to vector<16xi32>
      %add3A_257 = arith.addi %iota3A, %add3A_256 : vector<16xi32>
      %jit3A = arith.constant 2 : i32
      %div3A = vector.broadcast %jit3A : i32 to vector<16xi32>
      %div3A_258 = arith.divsi %add3A_257, %div3A : vector<16xi32>
      %sign3A = arith.constant 0 : i32
      %sign3A_259 = vector.broadcast %sign3A : i32 to vector<16xi32>
      %sign3A_260 = arith.cmpi sgt, %add3A_257, %sign3A_259 : vector<16xi32>
      %sign3A_261 = arith.extui %sign3A_260 : vector<16xi1> to vector<16xi32>
      %sign3A_262 = arith.constant 0 : i32
      %sign3A_263 = vector.broadcast %sign3A_262 : i32 to vector<16xi32>
      %sign3A_264 = arith.cmpi slt, %add3A_257, %sign3A_263 : vector<16xi32>
      %sign3A_265 = arith.extui %sign3A_264 : vector<16xi1> to vector<16xi32>
      %sign3A_266 = arith.subi %sign3A_261, %sign3A_265 : vector<16xi32>
      %sign3A_267 = arith.constant 0 : i32
      %sign3A_268 = arith.cmpi sgt, %jit3A, %sign3A_267 : i32
      %sign3A_269 = arith.extui %sign3A_268 : i1 to i32
      %sign3A_270 = arith.constant 0 : i32
      %sign3A_271 = arith.cmpi slt, %jit3A, %sign3A_270 : i32
      %sign3A_272 = arith.extui %sign3A_271 : i1 to i32
      %sign3A_273 = arith.subi %sign3A_269, %sign3A_272 : i32
      %ne3A = vector.broadcast %sign3A_273 : i32 to vector<16xi32>
      %ne3A_274 = arith.cmpi ne, %sign3A_266, %ne3A : vector<16xi32>
      %rem3A = vector.broadcast %jit3A : i32 to vector<16xi32>
      %rem3A_275 = arith.remsi %add3A_257, %rem3A : vector<16xi32>
      %ne3A_276 = arith.constant 0 : i32
      %ne3A_277 = vector.broadcast %ne3A_276 : i32 to vector<16xi32>
      %ne3A_278 = arith.cmpi ne, %rem3A_275, %ne3A_277 : vector<16xi32>
      %and3A = arith.andi %ne3A_274, %ne3A_278 : vector<16xi1>
      %sub3A = arith.constant 1 : i32
      %sub3A_279 = vector.broadcast %sub3A : i32 to vector<16xi32>
      %sub3A_280 = arith.subi %div3A_258, %sub3A_279 : vector<16xi32>
      %select_n3A = arith.select %and3A, %sub3A_280, %div3A_258 : vector<16xi1>, vector<16xi32>
      %jit3A_281 = arith.constant 2 : i32
      %eq3A = arith.constant 0 : i32
      %eq3A_282 = arith.cmpi eq, %jit3A_281, %eq3A : i32
      %jit3A_283 = arith.constant 1 : i32
      %select_n3A_284 = arith.select %eq3A_282, %jit3A_283, %jit3A_281 : i32
      %rem3A_285 = vector.broadcast %select_n3A_284 : i32 to vector<16xi32>
      %rem3A_286 = arith.remsi %add3A_257, %rem3A_285 : vector<16xi32>
      %ne3A_287 = arith.constant 0 : i32
      %ne3A_288 = vector.broadcast %ne3A_287 : i32 to vector<16xi32>
      %ne3A_289 = arith.cmpi ne, %rem3A_286, %ne3A_288 : vector<16xi32>
      %lt3A = arith.constant 0 : i32
      %lt3A_290 = vector.broadcast %lt3A : i32 to vector<16xi32>
      %lt3A_291 = arith.cmpi slt, %rem3A_286, %lt3A_290 : vector<16xi32>
      %lt3A_292 = arith.constant 0 : i32
      %lt3A_293 = arith.cmpi slt, %select_n3A_284, %lt3A_292 : i32
      %ne3A_294 = vector.broadcast %lt3A_293 : i1 to vector<16xi1>
      %ne3A_295 = vector.broadcast %ne3A_294 : vector<16xi1> to vector<16xi1>
      %ne3A_296 = arith.xori %lt3A_291, %ne3A_295 : vector<16xi1>
      %and3A_297 = arith.andi %ne3A_296, %ne3A_289 : vector<16xi1>
      %add3A_298 = vector.broadcast %select_n3A_284 : i32 to vector<16xi32>
      %add3A_299 = arith.addi %rem3A_286, %add3A_298 : vector<16xi32>
      %select_n3A_300 = arith.select %and3A_297, %add3A_299, %rem3A_286 : vector<16xi1>, vector<16xi32>
      %mul3A_301 = arith.constant 64 : i32
      %mul3A_302 = vector.broadcast %mul3A_301 : i32 to vector<16xi32>
      %mul3A_303 = arith.muli %select_n3A_300, %mul3A_302 : vector<16xi32>
      %add3A_304 = arith.addi %select_n3A, %mul3A_303 : vector<16xi32>
      %gather3A = tpu.vector_load_idx %arg5[%add3A_304, %broadcast_in_dim3A_21] : memref<128x50xi32, #tpu.memory_space<vmem>>[vector<16xi32>, vector<16xi32>], vector<16xi32>,
      %mul3A_305 = arith.constant 16 : i32
      %mul3A_306 = arith.muli %scan3A_253, %mul3A_305 : i32
      %swap3A = arith.constant 1 : i32
      %swap3A_307 = arith.index_cast %swap3A : i32 to index
      %swap3A_308 = arith.index_cast %mul3A_306 : i32 to index
      %swap3A_309 = tpu.vector_load %arg6[%swap3A_307, %swap3A_308] {strides = array<i32>} : memref<2x128xi32, #tpu.memory_space<vmem>>, vector<16xi32>,
      tpu.vector_store %arg6[%swap3A_307, %swap3A_308], %gather3A {strides = array<i32>} : memref<2x128xi32, #tpu.memory_space<vmem>>, vector<16xi32>,
    }
    %scan3A_27 = arith.constant 8 : i32
    %dma_start3A_28 = arith.constant 1 : i32
    %dma_start3A_29 = arith.constant 1 : i32
    %dma_start3A_30 = arith.constant 0 : i32
    %dma_start3A_31 = arith.constant 0 : i32
    %dma_start3A_32 = tpu.memref_slice %arg7[%dma_start3A_29, %dma_start3A_30, %dma_start3A_31] : memref<2x128x64xf32, #tpu.memory_space<vmem>> -> memref<1x128x64xf32, #tpu.memory_space<vmem>>
    %dma_start3A_33 = tpu.memref_squeeze %dma_start3A_32 : memref<1x128x64xf32, #tpu.memory_space<vmem>> -> memref<128x64xf32, #tpu.memory_space<vmem>>
    %dma_start3A_34 = arith.constant 0 : i32
    %dma_start3A_35 = tpu.memref_slice %arg6[%dma_start3A_28, %dma_start3A_34] : memref<2x128xi32, #tpu.memory_space<vmem>> -> memref<1x128xi32, #tpu.memory_space<vmem>>
    %dma_start3A_36 = tpu.memref_squeeze %dma_start3A_35 : memref<1x128xi32, #tpu.memory_space<vmem>> -> memref<128xi32, #tpu.memory_space<vmem>>
    %dma_start3A_37 = arith.constant 0 : i32
    %dma_start3A_38 = arith.constant 0 : i32
    %dma_start3A_39 = tpu.memref_slice %arg3[%dma_start3A_37, %dma_start3A_38] : memref<100000x64xf32, #tpu.memory_space<hbm>> -> memref<100000x64xf32, #tpu.memory_space<hbm>>
    tpu.enqueue_indirect_dma source(%dma_start3A_39 : memref<100000x64xf32, #tpu.memory_space<hbm>>) target(%dma_start3A_33 : memref<128x64xf32, #tpu.memory_space<vmem>>) offsets(%dma_start3A_36 : memref<128xi32, #tpu.memory_space<vmem>>) semaphore(%arg8 : memref<!tpu.dma_semaphore, #tpu.memory_space<semaphore_mem>>)
    %dma_wait3A = arith.constant 0 : i32
    %dma_wait3A_40 = arith.constant 0 : i32
    %dma_wait3A_41 = arith.constant 0 : i32
    %dma_wait3A_42 = arith.constant 0 : i32
    %dma_wait3A_43 = tpu.memref_slice %arg7[%dma_wait3A_40, %dma_wait3A_41, %dma_wait3A_42] : memref<2x128x64xf32, #tpu.memory_space<vmem>> -> memref<1x128x64xf32, #tpu.memory_space<vmem>>
    %dma_wait3A_44 = tpu.memref_squeeze %dma_wait3A_43 : memref<1x128x64xf32, #tpu.memory_space<vmem>> -> memref<128x64xf32, #tpu.memory_space<vmem>>
    %dma_wait3A_45 = arith.constant 0 : i32
    %dma_wait3A_46 = tpu.memref_slice %arg6[%dma_wait3A, %dma_wait3A_45] : memref<2x128xi32, #tpu.memory_space<vmem>> -> memref<1x128xi32, #tpu.memory_space<vmem>>
    %dma_wait3A_47 = tpu.memref_squeeze %dma_wait3A_46 : memref<1x128xi32, #tpu.memory_space<vmem>> -> memref<128xi32, #tpu.memory_space<vmem>>
    %dma_wait3A_48 = arith.constant 0 : i32
    %dma_wait3A_49 = arith.constant 0 : i32
    %dma_wait3A_50 = tpu.memref_slice %arg3[%dma_wait3A_48, %dma_wait3A_49] : memref<100000x64xf32, #tpu.memory_space<hbm>> -> memref<100000x64xf32, #tpu.memory_space<hbm>>
    tpu.wait_indirect_dma semaphore(%arg8 : memref<!tpu.dma_semaphore, #tpu.memory_space<semaphore_mem>>) src(%dma_wait3A_50 : memref<100000x64xf32, #tpu.memory_space<hbm>>) dst(%dma_wait3A_44 : memref<128x64xf32, #tpu.memory_space<vmem>>)
    %add3A_51 = arith.constant 0 : i32
    %add3A_52 = arith.addi %add3A_51, %mul3A_2 : i32
    %dma_start3A_53 = arith.constant 0 : i32
    %dma_start3A_54 = arith.constant 0 : i32
    %dma_start3A_55 = arith.constant 0 : i32
    %dma_start3A_56 = tpu.memref_slice %arg7[%dma_start3A_53, %dma_start3A_54, %dma_start3A_55] : memref<2x128x64xf32, #tpu.memory_space<vmem>> -> memref<1x128x64xf32, #tpu.memory_space<vmem>>
    %dma_start3A_57 = tpu.memref_squeeze %dma_start3A_56 : memref<1x128x64xf32, #tpu.memory_space<vmem>> -> memref<128x64xf32, #tpu.memory_space<vmem>>
    %dma_start3A_58 = arith.constant 0 : i32
    %dma_start3A_59 = tpu.memref_slice %arg4[%add3A_52, %dma_start3A_58] : memref<106496x64xf32, #tpu.memory_space<hbm>> -> memref<128x64xf32, #tpu.memory_space<hbm>>
    %dma_start3A_60 = arith.constant 0 : i32
    %dma_start3A_61 = tpu.memref_slice %arg4[%add3A_52, %dma_start3A_60] : memref<106496x64xf32, #tpu.memory_space<hbm>> -> memref<128x64xf32, #tpu.memory_space<hbm>>
    %dma_start3A_62 = arith.constant 0 : i32
    %dma_start3A_63 = arith.constant 0 : i32
    %dma_start3A_64 = tpu.memref_slice %arg7[%dma_start3A_53, %dma_start3A_62, %dma_start3A_63] : memref<2x128x64xf32, #tpu.memory_space<vmem>> -> memref<1x128x64xf32, #tpu.memory_space<vmem>>
    %dma_start3A_65 = tpu.memref_squeeze %dma_start3A_64 : memref<1x128x64xf32, #tpu.memory_space<vmem>> -> memref<128x64xf32, #tpu.memory_space<vmem>>
    tpu.enqueue_dma source(%dma_start3A_65 : memref<128x64xf32, #tpu.memory_space<vmem>>) target(%dma_start3A_61 : memref<128x64xf32, #tpu.memory_space<hbm>>) target_semaphore(%arg9 : memref<!tpu.dma_semaphore, #tpu.memory_space<semaphore_mem>>)
    %broadcast_in_dim3A_66 = arith.constant 2 : i32
    %broadcast_in_dim3A_67 = vector.broadcast %broadcast_in_dim3A_66 : i32 to vector<16xi32>
    %scan3A_68 = arith.constant 0 : i32
    %scan3A_69 = arith.constant 0 : i32
    %scan3A_70 = arith.constant 8 : i32
    %scan3A_71 = arith.addi %scan3A_69, %scan3A_70 : i32
    %scan3A_72 = arith.constant 1 : i32
    scf.for %scan3A_253 = %scan3A_69 to %scan3A_71 step %scan3A_72  : i32 {
      %mul3A_254 = arith.constant 16 : i32
      %mul3A_255 = arith.muli %scan3A_253, %mul3A_254 : i32
      %add3A_256 = vector.broadcast %mul3A_255 : i32 to vector<16xi32>
      %add3A_257 = arith.addi %iota3A, %add3A_256 : vector<16xi32>
      %jit3A = arith.constant 2 : i32
      %div3A = vector.broadcast %jit3A : i32 to vector<16xi32>
      %div3A_258 = arith.divsi %add3A_257, %div3A : vector<16xi32>
      %sign3A = arith.constant 0 : i32
      %sign3A_259 = vector.broadcast %sign3A : i32 to vector<16xi32>
      %sign3A_260 = arith.cmpi sgt, %add3A_257, %sign3A_259 : vector<16xi32>
      %sign3A_261 = arith.extui %sign3A_260 : vector<16xi1> to vector<16xi32>
      %sign3A_262 = arith.constant 0 : i32
      %sign3A_263 = vector.broadcast %sign3A_262 : i32 to vector<16xi32>
      %sign3A_264 = arith.cmpi slt, %add3A_257, %sign3A_263 : vector<16xi32>
      %sign3A_265 = arith.extui %sign3A_264 : vector<16xi1> to vector<16xi32>
      %sign3A_266 = arith.subi %sign3A_261, %sign3A_265 : vector<16xi32>
      %sign3A_267 = arith.constant 0 : i32
      %sign3A_268 = arith.cmpi sgt, %jit3A, %sign3A_267 : i32
      %sign3A_269 = arith.extui %sign3A_268 : i1 to i32
      %sign3A_270 = arith.constant 0 : i32
      %sign3A_271 = arith.cmpi slt, %jit3A, %sign3A_270 : i32
      %sign3A_272 = arith.extui %sign3A_271 : i1 to i32
      %sign3A_273 = arith.subi %sign3A_269, %sign3A_272 : i32
      %ne3A = vector.broadcast %sign3A_273 : i32 to vector<16xi32>
      %ne3A_274 = arith.cmpi ne, %sign3A_266, %ne3A : vector<16xi32>
      %rem3A = vector.broadcast %jit3A : i32 to vector<16xi32>
      %rem3A_275 = arith.remsi %add3A_257, %rem3A : vector<16xi32>
      %ne3A_276 = arith.constant 0 : i32
      %ne3A_277 = vector.broadcast %ne3A_276 : i32 to vector<16xi32>
      %ne3A_278 = arith.cmpi ne, %rem3A_275, %ne3A_277 : vector<16xi32>
      %and3A = arith.andi %ne3A_274, %ne3A_278 : vector<16xi1>
      %sub3A = arith.constant 1 : i32
      %sub3A_279 = vector.broadcast %sub3A : i32 to vector<16xi32>
      %sub3A_280 = arith.subi %div3A_258, %sub3A_279 : vector<16xi32>
      %select_n3A = arith.select %and3A, %sub3A_280, %div3A_258 : vector<16xi1>, vector<16xi32>
      %jit3A_281 = arith.constant 2 : i32
      %eq3A = arith.constant 0 : i32
      %eq3A_282 = arith.cmpi eq, %jit3A_281, %eq3A : i32
      %jit3A_283 = arith.constant 1 : i32
      %select_n3A_284 = arith.select %eq3A_282, %jit3A_283, %jit3A_281 : i32
      %rem3A_285 = vector.broadcast %select_n3A_284 : i32 to vector<16xi32>
      %rem3A_286 = arith.remsi %add3A_257, %rem3A_285 : vector<16xi32>
      %ne3A_287 = arith.constant 0 : i32
      %ne3A_288 = vector.broadcast %ne3A_287 : i32 to vector<16xi32>
      %ne3A_289 = arith.cmpi ne, %rem3A_286, %ne3A_288 : vector<16xi32>
      %lt3A = arith.constant 0 : i32
      %lt3A_290 = vector.broadcast %lt3A : i32 to vector<16xi32>
      %lt3A_291 = arith.cmpi slt, %rem3A_286, %lt3A_290 : vector<16xi32>
      %lt3A_292 = arith.constant 0 : i32
      %lt3A_293 = arith.cmpi slt, %select_n3A_284, %lt3A_292 : i32
      %ne3A_294 = vector.broadcast %lt3A_293 : i1 to vector<16xi1>
      %ne3A_295 = vector.broadcast %ne3A_294 : vector<16xi1> to vector<16xi1>
      %ne3A_296 = arith.xori %lt3A_291, %ne3A_295 : vector<16xi1>
      %and3A_297 = arith.andi %ne3A_296, %ne3A_289 : vector<16xi1>
      %add3A_298 = vector.broadcast %select_n3A_284 : i32 to vector<16xi32>
      %add3A_299 = arith.addi %rem3A_286, %add3A_298 : vector<16xi32>
      %select_n3A_300 = arith.select %and3A_297, %add3A_299, %rem3A_286 : vector<16xi1>, vector<16xi32>
      %mul3A_301 = arith.constant 64 : i32
      %mul3A_302 = vector.broadcast %mul3A_301 : i32 to vector<16xi32>
      %mul3A_303 = arith.muli %select_n3A_300, %mul3A_302 : vector<16xi32>
      %add3A_304 = arith.addi %select_n3A, %mul3A_303 : vector<16xi32>
      %gather3A = tpu.vector_load_idx %arg5[%add3A_304, %broadcast_in_dim3A_67] : memref<128x50xi32, #tpu.memory_space<vmem>>[vector<16xi32>, vector<16xi32>], vector<16xi32>,
      %mul3A_305 = arith.constant 16 : i32
      %mul3A_306 = arith.muli %scan3A_253, %mul3A_305 : i32
      %swap3A = arith.constant 0 : i32
      %swap3A_307 = arith.index_cast %swap3A : i32 to index
      %swap3A_308 = arith.index_cast %mul3A_306 : i32 to index
      %swap3A_309 = tpu.vector_load %arg6[%swap3A_307, %swap3A_308] {strides = array<i32>} : memref<2x128xi32, #tpu.memory_space<vmem>>, vector<16xi32>,
      tpu.vector_store %arg6[%swap3A_307, %swap3A_308], %gather3A {strides = array<i32>} : memref<2x128xi32, #tpu.memory_space<vmem>>, vector<16xi32>,
    }
    %scan3A_73 = arith.constant 8 : i32
    %dma_start3A_74 = arith.constant 0 : i32
    %dma_start3A_75 = arith.constant 0 : i32
    %dma_start3A_76 = arith.constant 0 : i32
    %dma_start3A_77 = arith.constant 0 : i32
    %dma_start3A_78 = tpu.memref_slice %arg7[%dma_start3A_75, %dma_start3A_76, %dma_start3A_77] : memref<2x128x64xf32, #tpu.memory_space<vmem>> -> memref<1x128x64xf32, #tpu.memory_space<vmem>>
    %dma_start3A_79 = tpu.memref_squeeze %dma_start3A_78 : memref<1x128x64xf32, #tpu.memory_space<vmem>> -> memref<128x64xf32, #tpu.memory_space<vmem>>
    %dma_start3A_80 = arith.constant 0 : i32
    %dma_start3A_81 = tpu.memref_slice %arg6[%dma_start3A_74, %dma_start3A_80] : memref<2x128xi32, #tpu.memory_space<vmem>> -> memref<1x128xi32, #tpu.memory_space<vmem>>
    %dma_start3A_82 = tpu.memref_squeeze %dma_start3A_81 : memref<1x128xi32, #tpu.memory_space<vmem>> -> memref<128xi32, #tpu.memory_space<vmem>>
    %dma_start3A_83 = arith.constant 0 : i32
    %dma_start3A_84 = arith.constant 0 : i32
    %dma_start3A_85 = tpu.memref_slice %arg3[%dma_start3A_83, %dma_start3A_84] : memref<100000x64xf32, #tpu.memory_space<hbm>> -> memref<100000x64xf32, #tpu.memory_space<hbm>>
    tpu.enqueue_indirect_dma source(%dma_start3A_85 : memref<100000x64xf32, #tpu.memory_space<hbm>>) target(%dma_start3A_79 : memref<128x64xf32, #tpu.memory_space<vmem>>) offsets(%dma_start3A_82 : memref<128xi32, #tpu.memory_space<vmem>>) semaphore(%arg8 : memref<!tpu.dma_semaphore, #tpu.memory_space<semaphore_mem>>)
    %dma_wait3A_86 = arith.constant 1 : i32
    %dma_wait3A_87 = arith.constant 1 : i32
    %dma_wait3A_88 = arith.constant 0 : i32
    %dma_wait3A_89 = arith.constant 0 : i32
    %dma_wait3A_90 = tpu.memref_slice %arg7[%dma_wait3A_87, %dma_wait3A_88, %dma_wait3A_89] : memref<2x128x64xf32, #tpu.memory_space<vmem>> -> memref<1x128x64xf32, #tpu.memory_space<vmem>>
    %dma_wait3A_91 = tpu.memref_squeeze %dma_wait3A_90 : memref<1x128x64xf32, #tpu.memory_space<vmem>> -> memref<128x64xf32, #tpu.memory_space<vmem>>
    %dma_wait3A_92 = arith.constant 0 : i32
    %dma_wait3A_93 = tpu.memref_slice %arg6[%dma_wait3A_86, %dma_wait3A_92] : memref<2x128xi32, #tpu.memory_space<vmem>> -> memref<1x128xi32, #tpu.memory_space<vmem>>
    %dma_wait3A_94 = tpu.memref_squeeze %dma_wait3A_93 : memref<1x128xi32, #tpu.memory_space<vmem>> -> memref<128xi32, #tpu.memory_space<vmem>>
    %dma_wait3A_95 = arith.constant 0 : i32
    %dma_wait3A_96 = arith.constant 0 : i32
    %dma_wait3A_97 = tpu.memref_slice %arg3[%dma_wait3A_95, %dma_wait3A_96] : memref<100000x64xf32, #tpu.memory_space<hbm>> -> memref<100000x64xf32, #tpu.memory_space<hbm>>
    tpu.wait_indirect_dma semaphore(%arg8 : memref<!tpu.dma_semaphore, #tpu.memory_space<semaphore_mem>>) src(%dma_wait3A_97 : memref<100000x64xf32, #tpu.memory_space<hbm>>) dst(%dma_wait3A_91 : memref<128x64xf32, #tpu.memory_space<vmem>>)
    %add3A_98 = arith.constant 4096 : i32
    %add3A_99 = arith.addi %add3A_98, %mul3A_2 : i32
    %dma_start3A_100 = arith.constant 1 : i32
    %dma_start3A_101 = arith.constant 0 : i32
    %dma_start3A_102 = arith.constant 0 : i32
    %dma_start3A_103 = tpu.memref_slice %arg7[%dma_start3A_100, %dma_start3A_101, %dma_start3A_102] : memref<2x128x64xf32, #tpu.memory_space<vmem>> -> memref<1x128x64xf32, #tpu.memory_space<vmem>>
    %dma_start3A_104 = tpu.memref_squeeze %dma_start3A_103 : memref<1x128x64xf32, #tpu.memory_space<vmem>> -> memref<128x64xf32, #tpu.memory_space<vmem>>
    %dma_start3A_105 = arith.constant 0 : i32
    %dma_start3A_106 = tpu.memref_slice %arg4[%add3A_99, %dma_start3A_105] : memref<106496x64xf32, #tpu.memory_space<hbm>> -> memref<128x64xf32, #tpu.memory_space<hbm>>
    %dma_start3A_107 = arith.constant 0 : i32
    %dma_start3A_108 = tpu.memref_slice %arg4[%add3A_99, %dma_start3A_107] : memref<106496x64xf32, #tpu.memory_space<hbm>> -> memref<128x64xf32, #tpu.memory_space<hbm>>
    %dma_start3A_109 = arith.constant 0 : i32
    %dma_start3A_110 = arith.constant 0 : i32
    %dma_start3A_111 = tpu.memref_slice %arg7[%dma_start3A_100, %dma_start3A_109, %dma_start3A_110] : memref<2x128x64xf32, #tpu.memory_space<vmem>> -> memref<1x128x64xf32, #tpu.memory_space<vmem>>
    %dma_start3A_112 = tpu.memref_squeeze %dma_start3A_111 : memref<1x128x64xf32, #tpu.memory_space<vmem>> -> memref<128x64xf32, #tpu.memory_space<vmem>>
    tpu.enqueue_dma source(%dma_start3A_112 : memref<128x64xf32, #tpu.memory_space<vmem>>) target(%dma_start3A_108 : memref<128x64xf32, #tpu.memory_space<hbm>>) target_semaphore(%arg10 : memref<!tpu.dma_semaphore, #tpu.memory_space<semaphore_mem>>)
    %scan3A_113 = arith.constant 0 : i32
    %scan3A_114 = arith.constant 0 : i32
    %scan3A_115 = arith.constant 11 : i32
    %scan3A_116 = arith.addi %scan3A_114, %scan3A_115 : i32
    %scan3A_117 = arith.constant 1 : i32
    scf.for %scan3A_253 = %scan3A_114 to %scan3A_116 step %scan3A_117  : i32 {
      %mul3A_254 = arith.constant 2 : i32
      %mul3A_255 = arith.muli %mul3A_254, %scan3A_253 : i32
      %add3A_256 = arith.constant 2 : i32
      %add3A_257 = arith.addi %mul3A_255, %add3A_256 : i32
      %add3A_258 = arith.constant 1 : i32
      %add3A_259 = arith.addi %add3A_257, %add3A_258 : i32
      %add3A_260 = arith.constant 0 : i32
      %add3A_261 = arith.addi %add3A_260, %add3A_259 : i32
      %broadcast_in_dim3A_262 = vector.broadcast %add3A_261 : i32 to vector<16xi32>
      %scan3A_263 = arith.constant 0 : i32
      %scan3A_264 = arith.constant 0 : i32
      %scan3A_265 = arith.constant 8 : i32
      %scan3A_266 = arith.addi %scan3A_264, %scan3A_265 : i32
      %scan3A_267 = arith.constant 1 : i32
      scf.for %scan3A_399 = %scan3A_264 to %scan3A_266 step %scan3A_267  : i32 {
        %mul3A_400 = arith.constant 16 : i32
        %mul3A_401 = arith.muli %scan3A_399, %mul3A_400 : i32
        %add3A_402 = vector.broadcast %mul3A_401 : i32 to vector<16xi32>
        %add3A_403 = arith.addi %iota3A, %add3A_402 : vector<16xi32>
        %jit3A = arith.constant 2 : i32
        %div3A = vector.broadcast %jit3A : i32 to vector<16xi32>
        %div3A_404 = arith.divsi %add3A_403, %div3A : vector<16xi32>
        %sign3A = arith.constant 0 : i32
        %sign3A_405 = vector.broadcast %sign3A : i32 to vector<16xi32>
        %sign3A_406 = arith.cmpi sgt, %add3A_403, %sign3A_405 : vector<16xi32>
        %sign3A_407 = arith.extui %sign3A_406 : vector<16xi1> to vector<16xi32>
        %sign3A_408 = arith.constant 0 : i32
        %sign3A_409 = vector.broadcast %sign3A_408 : i32 to vector<16xi32>
        %sign3A_410 = arith.cmpi slt, %add3A_403, %sign3A_409 : vector<16xi32>
        %sign3A_411 = arith.extui %sign3A_410 : vector<16xi1> to vector<16xi32>
        %sign3A_412 = arith.subi %sign3A_407, %sign3A_411 : vector<16xi32>
        %sign3A_413 = arith.constant 0 : i32
        %sign3A_414 = arith.cmpi sgt, %jit3A, %sign3A_413 : i32
        %sign3A_415 = arith.extui %sign3A_414 : i1 to i32
        %sign3A_416 = arith.constant 0 : i32
        %sign3A_417 = arith.cmpi slt, %jit3A, %sign3A_416 : i32
        %sign3A_418 = arith.extui %sign3A_417 : i1 to i32
        %sign3A_419 = arith.subi %sign3A_415, %sign3A_418 : i32
        %ne3A = vector.broadcast %sign3A_419 : i32 to vector<16xi32>
        %ne3A_420 = arith.cmpi ne, %sign3A_412, %ne3A : vector<16xi32>
        %rem3A = vector.broadcast %jit3A : i32 to vector<16xi32>
        %rem3A_421 = arith.remsi %add3A_403, %rem3A : vector<16xi32>
        %ne3A_422 = arith.constant 0 : i32
        %ne3A_423 = vector.broadcast %ne3A_422 : i32 to vector<16xi32>
        %ne3A_424 = arith.cmpi ne, %rem3A_421, %ne3A_423 : vector<16xi32>
        %and3A = arith.andi %ne3A_420, %ne3A_424 : vector<16xi1>
        %sub3A_425 = arith.constant 1 : i32
        %sub3A_426 = vector.broadcast %sub3A_425 : i32 to vector<16xi32>
        %sub3A_427 = arith.subi %div3A_404, %sub3A_426 : vector<16xi32>
        %select_n3A = arith.select %and3A, %sub3A_427, %div3A_404 : vector<16xi1>, vector<16xi32>
        %jit3A_428 = arith.constant 2 : i32
        %eq3A = arith.constant 0 : i32
        %eq3A_429 = arith.cmpi eq, %jit3A_428, %eq3A : i32
        %jit3A_430 = arith.constant 1 : i32
        %select_n3A_431 = arith.select %eq3A_429, %jit3A_430, %jit3A_428 : i32
        %rem3A_432 = vector.broadcast %select_n3A_431 : i32 to vector<16xi32>
        %rem3A_433 = arith.remsi %add3A_403, %rem3A_432 : vector<16xi32>
        %ne3A_434 = arith.constant 0 : i32
        %ne3A_435 = vector.broadcast %ne3A_434 : i32 to vector<16xi32>
        %ne3A_436 = arith.cmpi ne, %rem3A_433, %ne3A_435 : vector<16xi32>
        %lt3A = arith.constant 0 : i32
        %lt3A_437 = vector.broadcast %lt3A : i32 to vector<16xi32>
        %lt3A_438 = arith.cmpi slt, %rem3A_433, %lt3A_437 : vector<16xi32>
        %lt3A_439 = arith.constant 0 : i32
        %lt3A_440 = arith.cmpi slt, %select_n3A_431, %lt3A_439 : i32
        %ne3A_441 = vector.broadcast %lt3A_440 : i1 to vector<16xi1>
        %ne3A_442 = vector.broadcast %ne3A_441 : vector<16xi1> to vector<16xi1>
        %ne3A_443 = arith.xori %lt3A_438, %ne3A_442 : vector<16xi1>
        %and3A_444 = arith.andi %ne3A_443, %ne3A_436 : vector<16xi1>
        %add3A_445 = vector.broadcast %select_n3A_431 : i32 to vector<16xi32>
        %add3A_446 = arith.addi %rem3A_433, %add3A_445 : vector<16xi32>
        %select_n3A_447 = arith.select %and3A_444, %add3A_446, %rem3A_433 : vector<16xi1>, vector<16xi32>
        %mul3A_448 = arith.constant 64 : i32
        %mul3A_449 = vector.broadcast %mul3A_448 : i32 to vector<16xi32>
        %mul3A_450 = arith.muli %select_n3A_447, %mul3A_449 : vector<16xi32>
        %add3A_451 = arith.addi %select_n3A, %mul3A_450 : vector<16xi32>
        %gather3A = tpu.vector_load_idx %arg5[%add3A_451, %broadcast_in_dim3A_262] : memref<128x50xi32, #tpu.memory_space<vmem>>[vector<16xi32>, vector<16xi32>], vector<16xi32>,
        %mul3A_452 = arith.constant 16 : i32
        %mul3A_453 = arith.muli %scan3A_399, %mul3A_452 : i32
        %swap3A = arith.constant 1 : i32
        %swap3A_454 = arith.index_cast %swap3A : i32 to index
        %swap3A_455 = arith.index_cast %mul3A_453 : i32 to index
        %swap3A_456 = tpu.vector_load %arg6[%swap3A_454, %swap3A_455] {strides = array<i32>} : memref<2x128xi32, #tpu.memory_space<vmem>>, vector<16xi32>,
        tpu.vector_store %arg6[%swap3A_454, %swap3A_455], %gather3A {strides = array<i32>} : memref<2x128xi32, #tpu.memory_space<vmem>>, vector<16xi32>,
      }
      %scan3A_268 = arith.constant 8 : i32
      %dma_start3A_269 = arith.constant 1 : i32
      %dma_start3A_270 = arith.constant 1 : i32
      %dma_start3A_271 = arith.constant 0 : i32
      %dma_start3A_272 = arith.constant 0 : i32
      %dma_start3A_273 = tpu.memref_slice %arg7[%dma_start3A_270, %dma_start3A_271, %dma_start3A_272] : memref<2x128x64xf32, #tpu.memory_space<vmem>> -> memref<1x128x64xf32, #tpu.memory_space<vmem>>
      %dma_start3A_274 = tpu.memref_squeeze %dma_start3A_273 : memref<1x128x64xf32, #tpu.memory_space<vmem>> -> memref<128x64xf32, #tpu.memory_space<vmem>>
      %dma_start3A_275 = arith.constant 0 : i32
      %dma_start3A_276 = tpu.memref_slice %arg6[%dma_start3A_269, %dma_start3A_275] : memref<2x128xi32, #tpu.memory_space<vmem>> -> memref<1x128xi32, #tpu.memory_space<vmem>>
      %dma_start3A_277 = tpu.memref_squeeze %dma_start3A_276 : memref<1x128xi32, #tpu.memory_space<vmem>> -> memref<128xi32, #tpu.memory_space<vmem>>
      %dma_start3A_278 = arith.constant 0 : i32
      %dma_start3A_279 = arith.constant 0 : i32
      %dma_start3A_280 = tpu.memref_slice %arg3[%dma_start3A_278, %dma_start3A_279] : memref<100000x64xf32, #tpu.memory_space<hbm>> -> memref<100000x64xf32, #tpu.memory_space<hbm>>
      tpu.enqueue_indirect_dma source(%dma_start3A_280 : memref<100000x64xf32, #tpu.memory_space<hbm>>) target(%dma_start3A_274 : memref<128x64xf32, #tpu.memory_space<vmem>>) offsets(%dma_start3A_277 : memref<128xi32, #tpu.memory_space<vmem>>) semaphore(%arg8 : memref<!tpu.dma_semaphore, #tpu.memory_space<semaphore_mem>>)
      %dma_wait3A_281 = arith.constant 0 : i32
      %dma_wait3A_282 = arith.constant 0 : i32
      %dma_wait3A_283 = arith.constant 0 : i32
      %dma_wait3A_284 = arith.constant 0 : i32
      %dma_wait3A_285 = tpu.memref_slice %arg7[%dma_wait3A_282, %dma_wait3A_283, %dma_wait3A_284] : memref<2x128x64xf32, #tpu.memory_space<vmem>> -> memref<1x128x64xf32, #tpu.memory_space<vmem>>
      %dma_wait3A_286 = tpu.memref_squeeze %dma_wait3A_285 : memref<1x128x64xf32, #tpu.memory_space<vmem>> -> memref<128x64xf32, #tpu.memory_space<vmem>>
      %dma_wait3A_287 = arith.constant 0 : i32
      %dma_wait3A_288 = tpu.memref_slice %arg6[%dma_wait3A_281, %dma_wait3A_287] : memref<2x128xi32, #tpu.memory_space<vmem>> -> memref<1x128xi32, #tpu.memory_space<vmem>>
      %dma_wait3A_289 = tpu.memref_squeeze %dma_wait3A_288 : memref<1x128xi32, #tpu.memory_space<vmem>> -> memref<128xi32, #tpu.memory_space<vmem>>
      %dma_wait3A_290 = arith.constant 0 : i32
      %dma_wait3A_291 = arith.constant 0 : i32
      %dma_wait3A_292 = tpu.memref_slice %arg3[%dma_wait3A_290, %dma_wait3A_291] : memref<100000x64xf32, #tpu.memory_space<hbm>> -> memref<100000x64xf32, #tpu.memory_space<hbm>>
      tpu.wait_indirect_dma semaphore(%arg8 : memref<!tpu.dma_semaphore, #tpu.memory_space<semaphore_mem>>) src(%dma_wait3A_292 : memref<100000x64xf32, #tpu.memory_space<hbm>>) dst(%dma_wait3A_286 : memref<128x64xf32, #tpu.memory_space<vmem>>)
      %sub3A = arith.constant 2 : i32
      %sub3A_293 = arith.subi %add3A_257, %sub3A : i32
      %mul3A_294 = arith.constant 4096 : i32
      %mul3A_295 = arith.muli %sub3A_293, %mul3A_294 : i32
      %add3A_296 = arith.addi %mul3A_295, %mul3A_2 : i32
      %dma_wait3A_297 = arith.constant 0 : i32
      %dma_wait3A_298 = arith.constant 0 : i32
      %dma_wait3A_299 = arith.constant 0 : i32
      %dma_wait3A_300 = tpu.memref_slice %arg7[%dma_wait3A_297, %dma_wait3A_298, %dma_wait3A_299] : memref<2x128x64xf32, #tpu.memory_space<vmem>> -> memref<1x128x64xf32, #tpu.memory_space<vmem>>
      %dma_wait3A_301 = tpu.memref_squeeze %dma_wait3A_300 : memref<1x128x64xf32, #tpu.memory_space<vmem>> -> memref<128x64xf32, #tpu.memory_space<vmem>>
      %dma_wait3A_302 = arith.constant 0 : i32
      %dma_wait3A_303 = tpu.memref_slice %arg4[%add3A_296, %dma_wait3A_302] : memref<106496x64xf32, #tpu.memory_space<hbm>> -> memref<128x64xf32, #tpu.memory_space<hbm>>
      %dma_wait3A_304 = arith.constant 0 : i32
      %dma_wait3A_305 = tpu.memref_slice %arg4[%add3A_296, %dma_wait3A_304] : memref<106496x64xf32, #tpu.memory_space<hbm>> -> memref<128x64xf32, #tpu.memory_space<hbm>>
      %dma_wait3A_306 = arith.constant 0 : i32
      %dma_wait3A_307 = arith.constant 0 : i32
      %dma_wait3A_308 = tpu.memref_slice %arg7[%dma_wait3A_297, %dma_wait3A_306, %dma_wait3A_307] : memref<2x128x64xf32, #tpu.memory_space<vmem>> -> memref<1x128x64xf32, #tpu.memory_space<vmem>>
      %dma_wait3A_309 = tpu.memref_squeeze %dma_wait3A_308 : memref<1x128x64xf32, #tpu.memory_space<vmem>> -> memref<128x64xf32, #tpu.memory_space<vmem>>
      tpu.wait_dma2 semaphore(%arg9 : memref<!tpu.dma_semaphore, #tpu.memory_space<semaphore_mem>>) src(%dma_wait3A_309 : memref<128x64xf32, #tpu.memory_space<vmem>>) dst(%dma_wait3A_305 : memref<128x64xf32, #tpu.memory_space<hbm>>)
      %mul3A_310 = arith.constant 4096 : i32
      %mul3A_311 = arith.muli %add3A_257, %mul3A_310 : i32
      %add3A_312 = arith.addi %mul3A_311, %mul3A_2 : i32
      %dma_start3A_313 = arith.constant 0 : i32
      %dma_start3A_314 = arith.constant 0 : i32
      %dma_start3A_315 = arith.constant 0 : i32
      %dma_start3A_316 = tpu.memref_slice %arg7[%dma_start3A_313, %dma_start3A_314, %dma_start3A_315] : memref<2x128x64xf32, #tpu.memory_space<vmem>> -> memref<1x128x64xf32, #tpu.memory_space<vmem>>
      %dma_start3A_317 = tpu.memref_squeeze %dma_start3A_316 : memref<1x128x64xf32, #tpu.memory_space<vmem>> -> memref<128x64xf32, #tpu.memory_space<vmem>>
      %dma_start3A_318 = arith.constant 0 : i32
      %dma_start3A_319 = tpu.memref_slice %arg4[%add3A_312, %dma_start3A_318] : memref<106496x64xf32, #tpu.memory_space<hbm>> -> memref<128x64xf32, #tpu.memory_space<hbm>>
      %dma_start3A_320 = arith.constant 0 : i32
      %dma_start3A_321 = tpu.memref_slice %arg4[%add3A_312, %dma_start3A_320] : memref<106496x64xf32, #tpu.memory_space<hbm>> -> memref<128x64xf32, #tpu.memory_space<hbm>>
      %dma_start3A_322 = arith.constant 0 : i32
      %dma_start3A_323 = arith.constant 0 : i32
      %dma_start3A_324 = tpu.memref_slice %arg7[%dma_start3A_313, %dma_start3A_322, %dma_start3A_323] : memref<2x128x64xf32, #tpu.memory_space<vmem>> -> memref<1x128x64xf32, #tpu.memory_space<vmem>>
      %dma_start3A_325 = tpu.memref_squeeze %dma_start3A_324 : memref<1x128x64xf32, #tpu.memory_space<vmem>> -> memref<128x64xf32, #tpu.memory_space<vmem>>
      tpu.enqueue_dma source(%dma_start3A_325 : memref<128x64xf32, #tpu.memory_space<vmem>>) target(%dma_start3A_321 : memref<128x64xf32, #tpu.memory_space<hbm>>) target_semaphore(%arg9 : memref<!tpu.dma_semaphore, #tpu.memory_space<semaphore_mem>>)
      %mul3A_326 = arith.constant 2 : i32
      %mul3A_327 = arith.muli %mul3A_326, %scan3A_253 : i32
      %add3A_328 = arith.constant 3 : i32
      %add3A_329 = arith.addi %mul3A_327, %add3A_328 : i32
      %add3A_330 = arith.constant 1 : i32
      %add3A_331 = arith.addi %add3A_329, %add3A_330 : i32
      %add3A_332 = arith.constant 0 : i32
      %add3A_333 = arith.addi %add3A_332, %add3A_331 : i32
      %broadcast_in_dim3A_334 = vector.broadcast %add3A_333 : i32 to vector<16xi32>
      %scan3A_335 = arith.constant 0 : i32
      %scan3A_336 = arith.constant 0 : i32
      %scan3A_337 = arith.constant 8 : i32
      %scan3A_338 = arith.addi %scan3A_336, %scan3A_337 : i32
      %scan3A_339 = arith.constant 1 : i32
      scf.for %scan3A_399 = %scan3A_336 to %scan3A_338 step %scan3A_339  : i32 {
        %mul3A_400 = arith.constant 16 : i32
        %mul3A_401 = arith.muli %scan3A_399, %mul3A_400 : i32
        %add3A_402 = vector.broadcast %mul3A_401 : i32 to vector<16xi32>
        %add3A_403 = arith.addi %iota3A, %add3A_402 : vector<16xi32>
        %jit3A = arith.constant 2 : i32
        %div3A = vector.broadcast %jit3A : i32 to vector<16xi32>
        %div3A_404 = arith.divsi %add3A_403, %div3A : vector<16xi32>
        %sign3A = arith.constant 0 : i32
        %sign3A_405 = vector.broadcast %sign3A : i32 to vector<16xi32>
        %sign3A_406 = arith.cmpi sgt, %add3A_403, %sign3A_405 : vector<16xi32>
        %sign3A_407 = arith.extui %sign3A_406 : vector<16xi1> to vector<16xi32>
        %sign3A_408 = arith.constant 0 : i32
        %sign3A_409 = vector.broadcast %sign3A_408 : i32 to vector<16xi32>
        %sign3A_410 = arith.cmpi slt, %add3A_403, %sign3A_409 : vector<16xi32>
        %sign3A_411 = arith.extui %sign3A_410 : vector<16xi1> to vector<16xi32>
        %sign3A_412 = arith.subi %sign3A_407, %sign3A_411 : vector<16xi32>
        %sign3A_413 = arith.constant 0 : i32
        %sign3A_414 = arith.cmpi sgt, %jit3A, %sign3A_413 : i32
        %sign3A_415 = arith.extui %sign3A_414 : i1 to i32
        %sign3A_416 = arith.constant 0 : i32
        %sign3A_417 = arith.cmpi slt, %jit3A, %sign3A_416 : i32
        %sign3A_418 = arith.extui %sign3A_417 : i1 to i32
        %sign3A_419 = arith.subi %sign3A_415, %sign3A_418 : i32
        %ne3A = vector.broadcast %sign3A_419 : i32 to vector<16xi32>
        %ne3A_420 = arith.cmpi ne, %sign3A_412, %ne3A : vector<16xi32>
        %rem3A = vector.broadcast %jit3A : i32 to vector<16xi32>
        %rem3A_421 = arith.remsi %add3A_403, %rem3A : vector<16xi32>
        %ne3A_422 = arith.constant 0 : i32
        %ne3A_423 = vector.broadcast %ne3A_422 : i32 to vector<16xi32>
        %ne3A_424 = arith.cmpi ne, %rem3A_421, %ne3A_423 : vector<16xi32>
        %and3A = arith.andi %ne3A_420, %ne3A_424 : vector<16xi1>
        %sub3A_425 = arith.constant 1 : i32
        %sub3A_426 = vector.broadcast %sub3A_425 : i32 to vector<16xi32>
        %sub3A_427 = arith.subi %div3A_404, %sub3A_426 : vector<16xi32>
        %select_n3A = arith.select %and3A, %sub3A_427, %div3A_404 : vector<16xi1>, vector<16xi32>
        %jit3A_428 = arith.constant 2 : i32
        %eq3A = arith.constant 0 : i32
        %eq3A_429 = arith.cmpi eq, %jit3A_428, %eq3A : i32
        %jit3A_430 = arith.constant 1 : i32
        %select_n3A_431 = arith.select %eq3A_429, %jit3A_430, %jit3A_428 : i32
        %rem3A_432 = vector.broadcast %select_n3A_431 : i32 to vector<16xi32>
        %rem3A_433 = arith.remsi %add3A_403, %rem3A_432 : vector<16xi32>
        %ne3A_434 = arith.constant 0 : i32
        %ne3A_435 = vector.broadcast %ne3A_434 : i32 to vector<16xi32>
        %ne3A_436 = arith.cmpi ne, %rem3A_433, %ne3A_435 : vector<16xi32>
        %lt3A = arith.constant 0 : i32
        %lt3A_437 = vector.broadcast %lt3A : i32 to vector<16xi32>
        %lt3A_438 = arith.cmpi slt, %rem3A_433, %lt3A_437 : vector<16xi32>
        %lt3A_439 = arith.constant 0 : i32
        %lt3A_440 = arith.cmpi slt, %select_n3A_431, %lt3A_439 : i32
        %ne3A_441 = vector.broadcast %lt3A_440 : i1 to vector<16xi1>
        %ne3A_442 = vector.broadcast %ne3A_441 : vector<16xi1> to vector<16xi1>
        %ne3A_443 = arith.xori %lt3A_438, %ne3A_442 : vector<16xi1>
        %and3A_444 = arith.andi %ne3A_443, %ne3A_436 : vector<16xi1>
        %add3A_445 = vector.broadcast %select_n3A_431 : i32 to vector<16xi32>
        %add3A_446 = arith.addi %rem3A_433, %add3A_445 : vector<16xi32>
        %select_n3A_447 = arith.select %and3A_444, %add3A_446, %rem3A_433 : vector<16xi1>, vector<16xi32>
        %mul3A_448 = arith.constant 64 : i32
        %mul3A_449 = vector.broadcast %mul3A_448 : i32 to vector<16xi32>
        %mul3A_450 = arith.muli %select_n3A_447, %mul3A_449 : vector<16xi32>
        %add3A_451 = arith.addi %select_n3A, %mul3A_450 : vector<16xi32>
        %gather3A = tpu.vector_load_idx %arg5[%add3A_451, %broadcast_in_dim3A_334] : memref<128x50xi32, #tpu.memory_space<vmem>>[vector<16xi32>, vector<16xi32>], vector<16xi32>,
        %mul3A_452 = arith.constant 16 : i32
        %mul3A_453 = arith.muli %scan3A_399, %mul3A_452 : i32
        %swap3A = arith.constant 0 : i32
        %swap3A_454 = arith.index_cast %swap3A : i32 to index
        %swap3A_455 = arith.index_cast %mul3A_453 : i32 to index
        %swap3A_456 = tpu.vector_load %arg6[%swap3A_454, %swap3A_455] {strides = array<i32>} : memref<2x128xi32, #tpu.memory_space<vmem>>, vector<16xi32>,
        tpu.vector_store %arg6[%swap3A_454, %swap3A_455], %gather3A {strides = array<i32>} : memref<2x128xi32, #tpu.memory_space<vmem>>, vector<16xi32>,
      }
      %scan3A_340 = arith.constant 8 : i32
      %dma_start3A_341 = arith.constant 0 : i32
      %dma_start3A_342 = arith.constant 0 : i32
      %dma_start3A_343 = arith.constant 0 : i32
      %dma_start3A_344 = arith.constant 0 : i32
      %dma_start3A_345 = tpu.memref_slice %arg7[%dma_start3A_342, %dma_start3A_343, %dma_start3A_344] : memref<2x128x64xf32, #tpu.memory_space<vmem>> -> memref<1x128x64xf32, #tpu.memory_space<vmem>>
      %dma_start3A_346 = tpu.memref_squeeze %dma_start3A_345 : memref<1x128x64xf32, #tpu.memory_space<vmem>> -> memref<128x64xf32, #tpu.memory_space<vmem>>
      %dma_start3A_347 = arith.constant 0 : i32
      %dma_start3A_348 = tpu.memref_slice %arg6[%dma_start3A_341, %dma_start3A_347] : memref<2x128xi32, #tpu.memory_space<vmem>> -> memref<1x128xi32, #tpu.memory_space<vmem>>
      %dma_start3A_349 = tpu.memref_squeeze %dma_start3A_348 : memref<1x128xi32, #tpu.memory_space<vmem>> -> memref<128xi32, #tpu.memory_space<vmem>>
      %dma_start3A_350 = arith.constant 0 : i32
      %dma_start3A_351 = arith.constant 0 : i32
      %dma_start3A_352 = tpu.memref_slice %arg3[%dma_start3A_350, %dma_start3A_351] : memref<100000x64xf32, #tpu.memory_space<hbm>> -> memref<100000x64xf32, #tpu.memory_space<hbm>>
      tpu.enqueue_indirect_dma source(%dma_start3A_352 : memref<100000x64xf32, #tpu.memory_space<hbm>>) target(%dma_start3A_346 : memref<128x64xf32, #tpu.memory_space<vmem>>) offsets(%dma_start3A_349 : memref<128xi32, #tpu.memory_space<vmem>>) semaphore(%arg8 : memref<!tpu.dma_semaphore, #tpu.memory_space<semaphore_mem>>)
      %dma_wait3A_353 = arith.constant 1 : i32
      %dma_wait3A_354 = arith.constant 1 : i32
      %dma_wait3A_355 = arith.constant 0 : i32
      %dma_wait3A_356 = arith.constant 0 : i32
      %dma_wait3A_357 = tpu.memref_slice %arg7[%dma_wait3A_354, %dma_wait3A_355, %dma_wait3A_356] : memref<2x128x64xf32, #tpu.memory_space<vmem>> -> memref<1x128x64xf32, #tpu.memory_space<vmem>>
      %dma_wait3A_358 = tpu.memref_squeeze %dma_wait3A_357 : memref<1x128x64xf32, #tpu.memory_space<vmem>> -> memref<128x64xf32, #tpu.memory_space<vmem>>
      %dma_wait3A_359 = arith.constant 0 : i32
      %dma_wait3A_360 = tpu.memref_slice %arg6[%dma_wait3A_353, %dma_wait3A_359] : memref<2x128xi32, #tpu.memory_space<vmem>> -> memref<1x128xi32, #tpu.memory_space<vmem>>
      %dma_wait3A_361 = tpu.memref_squeeze %dma_wait3A_360 : memref<1x128xi32, #tpu.memory_space<vmem>> -> memref<128xi32, #tpu.memory_space<vmem>>
      %dma_wait3A_362 = arith.constant 0 : i32
      %dma_wait3A_363 = arith.constant 0 : i32
      %dma_wait3A_364 = tpu.memref_slice %arg3[%dma_wait3A_362, %dma_wait3A_363] : memref<100000x64xf32, #tpu.memory_space<hbm>> -> memref<100000x64xf32, #tpu.memory_space<hbm>>
      tpu.wait_indirect_dma semaphore(%arg8 : memref<!tpu.dma_semaphore, #tpu.memory_space<semaphore_mem>>) src(%dma_wait3A_364 : memref<100000x64xf32, #tpu.memory_space<hbm>>) dst(%dma_wait3A_358 : memref<128x64xf32, #tpu.memory_space<vmem>>)
      %sub3A_365 = arith.constant 2 : i32
      %sub3A_366 = arith.subi %add3A_329, %sub3A_365 : i32
      %mul3A_367 = arith.constant 4096 : i32
      %mul3A_368 = arith.muli %sub3A_366, %mul3A_367 : i32
      %add3A_369 = arith.addi %mul3A_368, %mul3A_2 : i32
      %dma_wait3A_370 = arith.constant 1 : i32
      %dma_wait3A_371 = arith.constant 0 : i32
      %dma_wait3A_372 = arith.constant 0 : i32
      %dma_wait3A_373 = tpu.memref_slice %arg7[%dma_wait3A_370, %dma_wait3A_371, %dma_wait3A_372] : memref<2x128x64xf32, #tpu.memory_space<vmem>> -> memref<1x128x64xf32, #tpu.memory_space<vmem>>
      %dma_wait3A_374 = tpu.memref_squeeze %dma_wait3A_373 : memref<1x128x64xf32, #tpu.memory_space<vmem>> -> memref<128x64xf32, #tpu.memory_space<vmem>>
      %dma_wait3A_375 = arith.constant 0 : i32
      %dma_wait3A_376 = tpu.memref_slice %arg4[%add3A_369, %dma_wait3A_375] : memref<106496x64xf32, #tpu.memory_space<hbm>> -> memref<128x64xf32, #tpu.memory_space<hbm>>
      %dma_wait3A_377 = arith.constant 0 : i32
      %dma_wait3A_378 = tpu.memref_slice %arg4[%add3A_369, %dma_wait3A_377] : memref<106496x64xf32, #tpu.memory_space<hbm>> -> memref<128x64xf32, #tpu.memory_space<hbm>>
      %dma_wait3A_379 = arith.constant 0 : i32
      %dma_wait3A_380 = arith.constant 0 : i32
      %dma_wait3A_381 = tpu.memref_slice %arg7[%dma_wait3A_370, %dma_wait3A_379, %dma_wait3A_380] : memref<2x128x64xf32, #tpu.memory_space<vmem>> -> memref<1x128x64xf32, #tpu.memory_space<vmem>>
      %dma_wait3A_382 = tpu.memref_squeeze %dma_wait3A_381 : memref<1x128x64xf32, #tpu.memory_space<vmem>> -> memref<128x64xf32, #tpu.memory_space<vmem>>
      tpu.wait_dma2 semaphore(%arg10 : memref<!tpu.dma_semaphore, #tpu.memory_space<semaphore_mem>>) src(%dma_wait3A_382 : memref<128x64xf32, #tpu.memory_space<vmem>>) dst(%dma_wait3A_378 : memref<128x64xf32, #tpu.memory_space<hbm>>)
      %mul3A_383 = arith.constant 4096 : i32
      %mul3A_384 = arith.muli %add3A_329, %mul3A_383 : i32
      %add3A_385 = arith.addi %mul3A_384, %mul3A_2 : i32
      %dma_start3A_386 = arith.constant 1 : i32
      %dma_start3A_387 = arith.constant 0 : i32
      %dma_start3A_388 = arith.constant 0 : i32
      %dma_start3A_389 = tpu.memref_slice %arg7[%dma_start3A_386, %dma_start3A_387, %dma_start3A_388] : memref<2x128x64xf32, #tpu.memory_space<vmem>> -> memref<1x128x64xf32, #tpu.memory_space<vmem>>
      %dma_start3A_390 = tpu.memref_squeeze %dma_start3A_389 : memref<1x128x64xf32, #tpu.memory_space<vmem>> -> memref<128x64xf32, #tpu.memory_space<vmem>>
      %dma_start3A_391 = arith.constant 0 : i32
      %dma_start3A_392 = tpu.memref_slice %arg4[%add3A_385, %dma_start3A_391] : memref<106496x64xf32, #tpu.memory_space<hbm>> -> memref<128x64xf32, #tpu.memory_space<hbm>>
      %dma_start3A_393 = arith.constant 0 : i32
      %dma_start3A_394 = tpu.memref_slice %arg4[%add3A_385, %dma_start3A_393] : memref<106496x64xf32, #tpu.memory_space<hbm>> -> memref<128x64xf32, #tpu.memory_space<hbm>>
      %dma_start3A_395 = arith.constant 0 : i32
      %dma_start3A_396 = arith.constant 0 : i32
      %dma_start3A_397 = tpu.memref_slice %arg7[%dma_start3A_386, %dma_start3A_395, %dma_start3A_396] : memref<2x128x64xf32, #tpu.memory_space<vmem>> -> memref<1x128x64xf32, #tpu.memory_space<vmem>>
      %dma_start3A_398 = tpu.memref_squeeze %dma_start3A_397 : memref<1x128x64xf32, #tpu.memory_space<vmem>> -> memref<128x64xf32, #tpu.memory_space<vmem>>
      tpu.enqueue_dma source(%dma_start3A_398 : memref<128x64xf32, #tpu.memory_space<vmem>>) target(%dma_start3A_394 : memref<128x64xf32, #tpu.memory_space<hbm>>) target_semaphore(%arg10 : memref<!tpu.dma_semaphore, #tpu.memory_space<semaphore_mem>>)
    }
    %scan3A_118 = arith.constant 11 : i32
    %broadcast_in_dim3A_119 = arith.constant 25 : i32
    %broadcast_in_dim3A_120 = vector.broadcast %broadcast_in_dim3A_119 : i32 to vector<16xi32>
    %scan3A_121 = arith.constant 0 : i32
    %scan3A_122 = arith.constant 0 : i32
    %scan3A_123 = arith.constant 8 : i32
    %scan3A_124 = arith.addi %scan3A_122, %scan3A_123 : i32
    %scan3A_125 = arith.constant 1 : i32
    scf.for %scan3A_253 = %scan3A_122 to %scan3A_124 step %scan3A_125  : i32 {
      %mul3A_254 = arith.constant 16 : i32
      %mul3A_255 = arith.muli %scan3A_253, %mul3A_254 : i32
      %add3A_256 = vector.broadcast %mul3A_255 : i32 to vector<16xi32>
      %add3A_257 = arith.addi %iota3A, %add3A_256 : vector<16xi32>
      %jit3A = arith.constant 2 : i32
      %div3A = vector.broadcast %jit3A : i32 to vector<16xi32>
      %div3A_258 = arith.divsi %add3A_257, %div3A : vector<16xi32>
      %sign3A = arith.constant 0 : i32
      %sign3A_259 = vector.broadcast %sign3A : i32 to vector<16xi32>
      %sign3A_260 = arith.cmpi sgt, %add3A_257, %sign3A_259 : vector<16xi32>
      %sign3A_261 = arith.extui %sign3A_260 : vector<16xi1> to vector<16xi32>
      %sign3A_262 = arith.constant 0 : i32
      %sign3A_263 = vector.broadcast %sign3A_262 : i32 to vector<16xi32>
      %sign3A_264 = arith.cmpi slt, %add3A_257, %sign3A_263 : vector<16xi32>
      %sign3A_265 = arith.extui %sign3A_264 : vector<16xi1> to vector<16xi32>
      %sign3A_266 = arith.subi %sign3A_261, %sign3A_265 : vector<16xi32>
      %sign3A_267 = arith.constant 0 : i32
      %sign3A_268 = arith.cmpi sgt, %jit3A, %sign3A_267 : i32
      %sign3A_269 = arith.extui %sign3A_268 : i1 to i32
      %sign3A_270 = arith.constant 0 : i32
      %sign3A_271 = arith.cmpi slt, %jit3A, %sign3A_270 : i32
      %sign3A_272 = arith.extui %sign3A_271 : i1 to i32
      %sign3A_273 = arith.subi %sign3A_269, %sign3A_272 : i32
      %ne3A = vector.broadcast %sign3A_273 : i32 to vector<16xi32>
      %ne3A_274 = arith.cmpi ne, %sign3A_266, %ne3A : vector<16xi32>
      %rem3A = vector.broadcast %jit3A : i32 to vector<16xi32>
      %rem3A_275 = arith.remsi %add3A_257, %rem3A : vector<16xi32>
      %ne3A_276 = arith.constant 0 : i32
      %ne3A_277 = vector.broadcast %ne3A_276 : i32 to vector<16xi32>
      %ne3A_278 = arith.cmpi ne, %rem3A_275, %ne3A_277 : vector<16xi32>
      %and3A = arith.andi %ne3A_274, %ne3A_278 : vector<16xi1>
      %sub3A = arith.constant 1 : i32
      %sub3A_279 = vector.broadcast %sub3A : i32 to vector<16xi32>
      %sub3A_280 = arith.subi %div3A_258, %sub3A_279 : vector<16xi32>
      %select_n3A = arith.select %and3A, %sub3A_280, %div3A_258 : vector<16xi1>, vector<16xi32>
      %jit3A_281 = arith.constant 2 : i32
      %eq3A = arith.constant 0 : i32
      %eq3A_282 = arith.cmpi eq, %jit3A_281, %eq3A : i32
      %jit3A_283 = arith.constant 1 : i32
      %select_n3A_284 = arith.select %eq3A_282, %jit3A_283, %jit3A_281 : i32
      %rem3A_285 = vector.broadcast %select_n3A_284 : i32 to vector<16xi32>
      %rem3A_286 = arith.remsi %add3A_257, %rem3A_285 : vector<16xi32>
      %ne3A_287 = arith.constant 0 : i32
      %ne3A_288 = vector.broadcast %ne3A_287 : i32 to vector<16xi32>
      %ne3A_289 = arith.cmpi ne, %rem3A_286, %ne3A_288 : vector<16xi32>
      %lt3A = arith.constant 0 : i32
      %lt3A_290 = vector.broadcast %lt3A : i32 to vector<16xi32>
      %lt3A_291 = arith.cmpi slt, %rem3A_286, %lt3A_290 : vector<16xi32>
      %lt3A_292 = arith.constant 0 : i32
      %lt3A_293 = arith.cmpi slt, %select_n3A_284, %lt3A_292 : i32
      %ne3A_294 = vector.broadcast %lt3A_293 : i1 to vector<16xi1>
      %ne3A_295 = vector.broadcast %ne3A_294 : vector<16xi1> to vector<16xi1>
      %ne3A_296 = arith.xori %lt3A_291, %ne3A_295 : vector<16xi1>
      %and3A_297 = arith.andi %ne3A_296, %ne3A_289 : vector<16xi1>
      %add3A_298 = vector.broadcast %select_n3A_284 : i32 to vector<16xi32>
      %add3A_299 = arith.addi %rem3A_286, %add3A_298 : vector<16xi32>
      %select_n3A_300 = arith.select %and3A_297, %add3A_299, %rem3A_286 : vector<16xi1>, vector<16xi32>
      %mul3A_301 = arith.constant 64 : i32
      %mul3A_302 = vector.broadcast %mul3A_301 : i32 to vector<16xi32>
      %mul3A_303 = arith.muli %select_n3A_300, %mul3A_302 : vector<16xi32>
      %add3A_304 = arith.addi %select_n3A, %mul3A_303 : vector<16xi32>
      %gather3A = tpu.vector_load_idx %arg5[%add3A_304, %broadcast_in_dim3A_120] : memref<128x50xi32, #tpu.memory_space<vmem>>[vector<16xi32>, vector<16xi32>], vector<16xi32>,
      %mul3A_305 = arith.constant 16 : i32
      %mul3A_306 = arith.muli %scan3A_253, %mul3A_305 : i32
      %swap3A = arith.constant 1 : i32
      %swap3A_307 = arith.index_cast %swap3A : i32 to index
      %swap3A_308 = arith.index_cast %mul3A_306 : i32 to index
      %swap3A_309 = tpu.vector_load %arg6[%swap3A_307, %swap3A_308] {strides = array<i32>} : memref<2x128xi32, #tpu.memory_space<vmem>>, vector<16xi32>,
      tpu.vector_store %arg6[%swap3A_307, %swap3A_308], %gather3A {strides = array<i32>} : memref<2x128xi32, #tpu.memory_space<vmem>>, vector<16xi32>,
    }
    %scan3A_126 = arith.constant 8 : i32
    %dma_start3A_127 = arith.constant 1 : i32
    %dma_start3A_128 = arith.constant 1 : i32
    %dma_start3A_129 = arith.constant 0 : i32
    %dma_start3A_130 = arith.constant 0 : i32
    %dma_start3A_131 = tpu.memref_slice %arg7[%dma_start3A_128, %dma_start3A_129, %dma_start3A_130] : memref<2x128x64xf32, #tpu.memory_space<vmem>> -> memref<1x128x64xf32, #tpu.memory_space<vmem>>
    %dma_start3A_132 = tpu.memref_squeeze %dma_start3A_131 : memref<1x128x64xf32, #tpu.memory_space<vmem>> -> memref<128x64xf32, #tpu.memory_space<vmem>>
    %dma_start3A_133 = arith.constant 0 : i32
    %dma_start3A_134 = tpu.memref_slice %arg6[%dma_start3A_127, %dma_start3A_133] : memref<2x128xi32, #tpu.memory_space<vmem>> -> memref<1x128xi32, #tpu.memory_space<vmem>>
    %dma_start3A_135 = tpu.memref_squeeze %dma_start3A_134 : memref<1x128xi32, #tpu.memory_space<vmem>> -> memref<128xi32, #tpu.memory_space<vmem>>
    %dma_start3A_136 = arith.constant 0 : i32
    %dma_start3A_137 = arith.constant 0 : i32
    %dma_start3A_138 = tpu.memref_slice %arg3[%dma_start3A_136, %dma_start3A_137] : memref<100000x64xf32, #tpu.memory_space<hbm>> -> memref<100000x64xf32, #tpu.memory_space<hbm>>
    tpu.enqueue_indirect_dma source(%dma_start3A_138 : memref<100000x64xf32, #tpu.memory_space<hbm>>) target(%dma_start3A_132 : memref<128x64xf32, #tpu.memory_space<vmem>>) offsets(%dma_start3A_135 : memref<128xi32, #tpu.memory_space<vmem>>) semaphore(%arg8 : memref<!tpu.dma_semaphore, #tpu.memory_space<semaphore_mem>>)
    %dma_wait3A_139 = arith.constant 0 : i32
    %dma_wait3A_140 = arith.constant 0 : i32
    %dma_wait3A_141 = arith.constant 0 : i32
    %dma_wait3A_142 = arith.constant 0 : i32
    %dma_wait3A_143 = tpu.memref_slice %arg7[%dma_wait3A_140, %dma_wait3A_141, %dma_wait3A_142] : memref<2x128x64xf32, #tpu.memory_space<vmem>> -> memref<1x128x64xf32, #tpu.memory_space<vmem>>
    %dma_wait3A_144 = tpu.memref_squeeze %dma_wait3A_143 : memref<1x128x64xf32, #tpu.memory_space<vmem>> -> memref<128x64xf32, #tpu.memory_space<vmem>>
    %dma_wait3A_145 = arith.constant 0 : i32
    %dma_wait3A_146 = tpu.memref_slice %arg6[%dma_wait3A_139, %dma_wait3A_145] : memref<2x128xi32, #tpu.memory_space<vmem>> -> memref<1x128xi32, #tpu.memory_space<vmem>>
    %dma_wait3A_147 = tpu.memref_squeeze %dma_wait3A_146 : memref<1x128xi32, #tpu.memory_space<vmem>> -> memref<128xi32, #tpu.memory_space<vmem>>
    %dma_wait3A_148 = arith.constant 0 : i32
    %dma_wait3A_149 = arith.constant 0 : i32
    %dma_wait3A_150 = tpu.memref_slice %arg3[%dma_wait3A_148, %dma_wait3A_149] : memref<100000x64xf32, #tpu.memory_space<hbm>> -> memref<100000x64xf32, #tpu.memory_space<hbm>>
    tpu.wait_indirect_dma semaphore(%arg8 : memref<!tpu.dma_semaphore, #tpu.memory_space<semaphore_mem>>) src(%dma_wait3A_150 : memref<100000x64xf32, #tpu.memory_space<hbm>>) dst(%dma_wait3A_144 : memref<128x64xf32, #tpu.memory_space<vmem>>)
    %add3A_151 = arith.constant 90112 : i32
    %add3A_152 = arith.addi %add3A_151, %mul3A_2 : i32
    %dma_wait3A_153 = arith.constant 0 : i32
    %dma_wait3A_154 = arith.constant 0 : i32
    %dma_wait3A_155 = arith.constant 0 : i32
    %dma_wait3A_156 = tpu.memref_slice %arg7[%dma_wait3A_153, %dma_wait3A_154, %dma_wait3A_155] : memref<2x128x64xf32, #tpu.memory_space<vmem>> -> memref<1x128x64xf32, #tpu.memory_space<vmem>>
    %dma_wait3A_157 = tpu.memref_squeeze %dma_wait3A_156 : memref<1x128x64xf32, #tpu.memory_space<vmem>> -> memref<128x64xf32, #tpu.memory_space<vmem>>
    %dma_wait3A_158 = arith.constant 0 : i32
    %dma_wait3A_159 = tpu.memref_slice %arg4[%add3A_152, %dma_wait3A_158] : memref<106496x64xf32, #tpu.memory_space<hbm>> -> memref<128x64xf32, #tpu.memory_space<hbm>>
    %dma_wait3A_160 = arith.constant 0 : i32
    %dma_wait3A_161 = tpu.memref_slice %arg4[%add3A_152, %dma_wait3A_160] : memref<106496x64xf32, #tpu.memory_space<hbm>> -> memref<128x64xf32, #tpu.memory_space<hbm>>
    %dma_wait3A_162 = arith.constant 0 : i32
    %dma_wait3A_163 = arith.constant 0 : i32
    %dma_wait3A_164 = tpu.memref_slice %arg7[%dma_wait3A_153, %dma_wait3A_162, %dma_wait3A_163] : memref<2x128x64xf32, #tpu.memory_space<vmem>> -> memref<1x128x64xf32, #tpu.memory_space<vmem>>
    %dma_wait3A_165 = tpu.memref_squeeze %dma_wait3A_164 : memref<1x128x64xf32, #tpu.memory_space<vmem>> -> memref<128x64xf32, #tpu.memory_space<vmem>>
    tpu.wait_dma2 semaphore(%arg9 : memref<!tpu.dma_semaphore, #tpu.memory_space<semaphore_mem>>) src(%dma_wait3A_165 : memref<128x64xf32, #tpu.memory_space<vmem>>) dst(%dma_wait3A_161 : memref<128x64xf32, #tpu.memory_space<hbm>>)
    %add3A_166 = arith.constant 98304 : i32
    %add3A_167 = arith.addi %add3A_166, %mul3A_2 : i32
    %dma_start3A_168 = arith.constant 0 : i32
    %dma_start3A_169 = arith.constant 0 : i32
    %dma_start3A_170 = arith.constant 0 : i32
    %dma_start3A_171 = tpu.memref_slice %arg7[%dma_start3A_168, %dma_start3A_169, %dma_start3A_170] : memref<2x128x64xf32, #tpu.memory_space<vmem>> -> memref<1x128x64xf32, #tpu.memory_space<vmem>>
    %dma_start3A_172 = tpu.memref_squeeze %dma_start3A_171 : memref<1x128x64xf32, #tpu.memory_space<vmem>> -> memref<128x64xf32, #tpu.memory_space<vmem>>
    %dma_start3A_173 = arith.constant 0 : i32
    %dma_start3A_174 = tpu.memref_slice %arg4[%add3A_167, %dma_start3A_173] : memref<106496x64xf32, #tpu.memory_space<hbm>> -> memref<128x64xf32, #tpu.memory_space<hbm>>
    %dma_start3A_175 = arith.constant 0 : i32
    %dma_start3A_176 = tpu.memref_slice %arg4[%add3A_167, %dma_start3A_175] : memref<106496x64xf32, #tpu.memory_space<hbm>> -> memref<128x64xf32, #tpu.memory_space<hbm>>
    %dma_start3A_177 = arith.constant 0 : i32
    %dma_start3A_178 = arith.constant 0 : i32
    %dma_start3A_179 = tpu.memref_slice %arg7[%dma_start3A_168, %dma_start3A_177, %dma_start3A_178] : memref<2x128x64xf32, #tpu.memory_space<vmem>> -> memref<1x128x64xf32, #tpu.memory_space<vmem>>
    %dma_start3A_180 = tpu.memref_squeeze %dma_start3A_179 : memref<1x128x64xf32, #tpu.memory_space<vmem>> -> memref<128x64xf32, #tpu.memory_space<vmem>>
    tpu.enqueue_dma source(%dma_start3A_180 : memref<128x64xf32, #tpu.memory_space<vmem>>) target(%dma_start3A_176 : memref<128x64xf32, #tpu.memory_space<hbm>>) target_semaphore(%arg9 : memref<!tpu.dma_semaphore, #tpu.memory_space<semaphore_mem>>)
    %dma_wait3A_181 = arith.constant 1 : i32
    %dma_wait3A_182 = arith.constant 1 : i32
    %dma_wait3A_183 = arith.constant 0 : i32
    %dma_wait3A_184 = arith.constant 0 : i32
    %dma_wait3A_185 = tpu.memref_slice %arg7[%dma_wait3A_182, %dma_wait3A_183, %dma_wait3A_184] : memref<2x128x64xf32, #tpu.memory_space<vmem>> -> memref<1x128x64xf32, #tpu.memory_space<vmem>>
    %dma_wait3A_186 = tpu.memref_squeeze %dma_wait3A_185 : memref<1x128x64xf32, #tpu.memory_space<vmem>> -> memref<128x64xf32, #tpu.memory_space<vmem>>
    %dma_wait3A_187 = arith.constant 0 : i32
    %dma_wait3A_188 = tpu.memref_slice %arg6[%dma_wait3A_181, %dma_wait3A_187] : memref<2x128xi32, #tpu.memory_space<vmem>> -> memref<1x128xi32, #tpu.memory_space<vmem>>
    %dma_wait3A_189 = tpu.memref_squeeze %dma_wait3A_188 : memref<1x128xi32, #tpu.memory_space<vmem>> -> memref<128xi32, #tpu.memory_space<vmem>>
    %dma_wait3A_190 = arith.constant 0 : i32
    %dma_wait3A_191 = arith.constant 0 : i32
    %dma_wait3A_192 = tpu.memref_slice %arg3[%dma_wait3A_190, %dma_wait3A_191] : memref<100000x64xf32, #tpu.memory_space<hbm>> -> memref<100000x64xf32, #tpu.memory_space<hbm>>
    tpu.wait_indirect_dma semaphore(%arg8 : memref<!tpu.dma_semaphore, #tpu.memory_space<semaphore_mem>>) src(%dma_wait3A_192 : memref<100000x64xf32, #tpu.memory_space<hbm>>) dst(%dma_wait3A_186 : memref<128x64xf32, #tpu.memory_space<vmem>>)
    %add3A_193 = arith.constant 94208 : i32
    %add3A_194 = arith.addi %add3A_193, %mul3A_2 : i32
    %dma_wait3A_195 = arith.constant 1 : i32
    %dma_wait3A_196 = arith.constant 0 : i32
    %dma_wait3A_197 = arith.constant 0 : i32
    %dma_wait3A_198 = tpu.memref_slice %arg7[%dma_wait3A_195, %dma_wait3A_196, %dma_wait3A_197] : memref<2x128x64xf32, #tpu.memory_space<vmem>> -> memref<1x128x64xf32, #tpu.memory_space<vmem>>
    %dma_wait3A_199 = tpu.memref_squeeze %dma_wait3A_198 : memref<1x128x64xf32, #tpu.memory_space<vmem>> -> memref<128x64xf32, #tpu.memory_space<vmem>>
    %dma_wait3A_200 = arith.constant 0 : i32
    %dma_wait3A_201 = tpu.memref_slice %arg4[%add3A_194, %dma_wait3A_200] : memref<106496x64xf32, #tpu.memory_space<hbm>> -> memref<128x64xf32, #tpu.memory_space<hbm>>
    %dma_wait3A_202 = arith.constant 0 : i32
    %dma_wait3A_203 = tpu.memref_slice %arg4[%add3A_194, %dma_wait3A_202] : memref<106496x64xf32, #tpu.memory_space<hbm>> -> memref<128x64xf32, #tpu.memory_space<hbm>>
    %dma_wait3A_204 = arith.constant 0 : i32
    %dma_wait3A_205 = arith.constant 0 : i32
    %dma_wait3A_206 = tpu.memref_slice %arg7[%dma_wait3A_195, %dma_wait3A_204, %dma_wait3A_205] : memref<2x128x64xf32, #tpu.memory_space<vmem>> -> memref<1x128x64xf32, #tpu.memory_space<vmem>>
    %dma_wait3A_207 = tpu.memref_squeeze %dma_wait3A_206 : memref<1x128x64xf32, #tpu.memory_space<vmem>> -> memref<128x64xf32, #tpu.memory_space<vmem>>
    tpu.wait_dma2 semaphore(%arg10 : memref<!tpu.dma_semaphore, #tpu.memory_space<semaphore_mem>>) src(%dma_wait3A_207 : memref<128x64xf32, #tpu.memory_space<vmem>>) dst(%dma_wait3A_203 : memref<128x64xf32, #tpu.memory_space<hbm>>)
    %add3A_208 = arith.constant 102400 : i32
    %add3A_209 = arith.addi %add3A_208, %mul3A_2 : i32
    %dma_start3A_210 = arith.constant 1 : i32
    %dma_start3A_211 = arith.constant 0 : i32
    %dma_start3A_212 = arith.constant 0 : i32
    %dma_start3A_213 = tpu.memref_slice %arg7[%dma_start3A_210, %dma_start3A_211, %dma_start3A_212] : memref<2x128x64xf32, #tpu.memory_space<vmem>> -> memref<1x128x64xf32, #tpu.memory_space<vmem>>
    %dma_start3A_214 = tpu.memref_squeeze %dma_start3A_213 : memref<1x128x64xf32, #tpu.memory_space<vmem>> -> memref<128x64xf32, #tpu.memory_space<vmem>>
    %dma_start3A_215 = arith.constant 0 : i32
    %dma_start3A_216 = tpu.memref_slice %arg4[%add3A_209, %dma_start3A_215] : memref<106496x64xf32, #tpu.memory_space<hbm>> -> memref<128x64xf32, #tpu.memory_space<hbm>>
    %dma_start3A_217 = arith.constant 0 : i32
    %dma_start3A_218 = tpu.memref_slice %arg4[%add3A_209, %dma_start3A_217] : memref<106496x64xf32, #tpu.memory_space<hbm>> -> memref<128x64xf32, #tpu.memory_space<hbm>>
    %dma_start3A_219 = arith.constant 0 : i32
    %dma_start3A_220 = arith.constant 0 : i32
    %dma_start3A_221 = tpu.memref_slice %arg7[%dma_start3A_210, %dma_start3A_219, %dma_start3A_220] : memref<2x128x64xf32, #tpu.memory_space<vmem>> -> memref<1x128x64xf32, #tpu.memory_space<vmem>>
    %dma_start3A_222 = tpu.memref_squeeze %dma_start3A_221 : memref<1x128x64xf32, #tpu.memory_space<vmem>> -> memref<128x64xf32, #tpu.memory_space<vmem>>
    tpu.enqueue_dma source(%dma_start3A_222 : memref<128x64xf32, #tpu.memory_space<vmem>>) target(%dma_start3A_218 : memref<128x64xf32, #tpu.memory_space<hbm>>) target_semaphore(%arg10 : memref<!tpu.dma_semaphore, #tpu.memory_space<semaphore_mem>>)
    %add3A_223 = arith.constant 98304 : i32
    %add3A_224 = arith.addi %add3A_223, %mul3A_2 : i32
    %dma_wait3A_225 = arith.constant 0 : i32
    %dma_wait3A_226 = arith.constant 0 : i32
    %dma_wait3A_227 = arith.constant 0 : i32
    %dma_wait3A_228 = tpu.memref_slice %arg7[%dma_wait3A_225, %dma_wait3A_226, %dma_wait3A_227] : memref<2x128x64xf32, #tpu.memory_space<vmem>> -> memref<1x128x64xf32, #tpu.memory_space<vmem>>
    %dma_wait3A_229 = tpu.memref_squeeze %dma_wait3A_228 : memref<1x128x64xf32, #tpu.memory_space<vmem>> -> memref<128x64xf32, #tpu.memory_space<vmem>>
    %dma_wait3A_230 = arith.constant 0 : i32
    %dma_wait3A_231 = tpu.memref_slice %arg4[%add3A_224, %dma_wait3A_230] : memref<106496x64xf32, #tpu.memory_space<hbm>> -> memref<128x64xf32, #tpu.memory_space<hbm>>
    %dma_wait3A_232 = arith.constant 0 : i32
    %dma_wait3A_233 = tpu.memref_slice %arg4[%add3A_224, %dma_wait3A_232] : memref<106496x64xf32, #tpu.memory_space<hbm>> -> memref<128x64xf32, #tpu.memory_space<hbm>>
    %dma_wait3A_234 = arith.constant 0 : i32
    %dma_wait3A_235 = arith.constant 0 : i32
    %dma_wait3A_236 = tpu.memref_slice %arg7[%dma_wait3A_225, %dma_wait3A_234, %dma_wait3A_235] : memref<2x128x64xf32, #tpu.memory_space<vmem>> -> memref<1x128x64xf32, #tpu.memory_space<vmem>>
    %dma_wait3A_237 = tpu.memref_squeeze %dma_wait3A_236 : memref<1x128x64xf32, #tpu.memory_space<vmem>> -> memref<128x64xf32, #tpu.memory_space<vmem>>
    tpu.wait_dma2 semaphore(%arg9 : memref<!tpu.dma_semaphore, #tpu.memory_space<semaphore_mem>>) src(%dma_wait3A_237 : memref<128x64xf32, #tpu.memory_space<vmem>>) dst(%dma_wait3A_233 : memref<128x64xf32, #tpu.memory_space<hbm>>)
    %add3A_238 = arith.constant 102400 : i32
    %add3A_239 = arith.addi %add3A_238, %mul3A_2 : i32
    %dma_wait3A_240 = arith.constant 1 : i32
    %dma_wait3A_241 = arith.constant 0 : i32
    %dma_wait3A_242 = arith.constant 0 : i32
    %dma_wait3A_243 = tpu.memref_slice %arg7[%dma_wait3A_240, %dma_wait3A_241, %dma_wait3A_242] : memref<2x128x64xf32, #tpu.memory_space<vmem>> -> memref<1x128x64xf32, #tpu.memory_space<vmem>>
    %dma_wait3A_244 = tpu.memref_squeeze %dma_wait3A_243 : memref<1x128x64xf32, #tpu.memory_space<vmem>> -> memref<128x64xf32, #tpu.memory_space<vmem>>
    %dma_wait3A_245 = arith.constant 0 : i32
    %dma_wait3A_246 = tpu.memref_slice %arg4[%add3A_239, %dma_wait3A_245] : memref<106496x64xf32, #tpu.memory_space<hbm>> -> memref<128x64xf32, #tpu.memory_space<hbm>>
    %dma_wait3A_247 = arith.constant 0 : i32
    %dma_wait3A_248 = tpu.memref_slice %arg4[%add3A_239, %dma_wait3A_247] : memref<106496x64xf32, #tpu.memory_space<hbm>> -> memref<128x64xf32, #tpu.memory_space<hbm>>
    %dma_wait3A_249 = arith.constant 0 : i32
    %dma_wait3A_250 = arith.constant 0 : i32
    %dma_wait3A_251 = tpu.memref_slice %arg7[%dma_wait3A_240, %dma_wait3A_249, %dma_wait3A_250] : memref<2x128x64xf32, #tpu.memory_space<vmem>> -> memref<1x128x64xf32, #tpu.memory_space<vmem>>
    %dma_wait3A_252 = tpu.memref_squeeze %dma_wait3A_251 : memref<1x128x64xf32, #tpu.memory_space<vmem>> -> memref<128x64xf32, #tpu.memory_space<vmem>>
    tpu.wait_dma2 semaphore(%arg10 : memref<!tpu.dma_semaphore, #tpu.memory_space<semaphore_mem>>) src(%dma_wait3A_252 : memref<128x64xf32, #tpu.memory_space<vmem>>) dst(%dma_wait3A_248 : memref<128x64xf32, #tpu.memory_space<hbm>>)
    return
  }
}

module attributes {stable_mosaic.version = 14 : i64} {
  func.func @tr(%arg0: i32, %arg1: memref<512x8x128xf32, #tpu.memory_space<vmem>>, %arg2: memref<2x8x32x8x128xf32, #tpu.memory_space<vmem>>) attributes {dimension_semantics = [#tpu.dimension_semantics<arbitrary>], iteration_bounds = array<i64: 13>, scalar_prefetch = 0 : i64, scratch_operands = 0 : i64, tpu.core_type = #tpu.core_type<tc>, window_params = [{transform_indices = @transform_0, window_bounds = array<i64: 512, 8, 128>}, {transform_indices = @transform_1, window_bounds = array<i64: 2, 8, 32, 8, 128>}]} {
    %get3A = arith.constant 0 : index
    %get3A_0 = arith.constant 0 : index
    %get3A_1 = arith.constant 0 : index
    %get3A_2 = vector.load %arg1[%get3A, %get3A_0, %get3A_1] : memref<512x8x128xf32, #tpu.memory_space<vmem>>, vector<256x8x128xf32>
    %reshape3A = vector.shape_cast %get3A_2 : vector<256x8x128xf32> to vector<2048x128xf32>
    %slice3A = vector.extract_strided_slice %reshape3A {offsets = [0, 0], sizes = [128, 128], strides = [1, 1]} : vector<2048x128xf32> to vector<128x128xf32>
    %transpose3A = tpu.transpose %slice3A, [1, 0] : vector<128x128xf32> -> vector<128x128xf32>
    %slice3A_3 = vector.extract_strided_slice %transpose3A {offsets = [0, 0], sizes = [64, 64], strides = [1, 1]} : vector<128x128xf32> to vector<64x64xf32>
    %slice3A_4 = vector.extract_strided_slice %transpose3A {offsets = [64, 0], sizes = [64, 64], strides = [1, 1]} : vector<128x128xf32> to vector<64x64xf32>
    %concatenate3A = tpu.concatenate %slice3A_3, %slice3A_4 in 1 : vector<64x64xf32>, vector<64x64xf32> -> vector<64x128xf32>
    %slice3A_5 = vector.extract_strided_slice %transpose3A {offsets = [0, 64], sizes = [64, 64], strides = [1, 1]} : vector<128x128xf32> to vector<64x64xf32>
    %slice3A_6 = vector.extract_strided_slice %transpose3A {offsets = [64, 64], sizes = [64, 64], strides = [1, 1]} : vector<128x128xf32> to vector<64x64xf32>
    %concatenate3A_7 = tpu.concatenate %slice3A_5, %slice3A_6 in 1 : vector<64x64xf32>, vector<64x64xf32> -> vector<64x128xf32>
    %reshape3A_8 = vector.shape_cast %concatenate3A : vector<64x128xf32> to vector<8x8x128xf32>
    %swap3A = arith.constant 0 : index
    %swap3A_9 = arith.constant 0 : index
    %swap3A_10 = arith.constant 0 : index
    %swap3A_11 = arith.constant 0 : index
    %swap3A_12 = arith.constant 0 : index
    %swap3A_13 = vector.load %arg2[%swap3A, %swap3A_9, %swap3A_10, %swap3A_11, %swap3A_12] : memref<2x8x32x8x128xf32, #tpu.memory_space<vmem>>, vector<1x8x1x8x128xf32>
    %swap3A_14 = vector.shape_cast %swap3A_13 : vector<1x8x1x8x128xf32> to vector<8x8x128xf32>
    %swap3A_15 = vector.shape_cast %reshape3A_8 : vector<8x8x128xf32> to vector<1x8x1x8x128xf32>
    tpu.vector_store %arg2[%swap3A, %swap3A_9, %swap3A_10, %swap3A_11, %swap3A_12], %swap3A_15 {strides = array<i32>} : memref<2x8x32x8x128xf32, #tpu.memory_space<vmem>>, vector<1x8x1x8x128xf32>,
    %reshape3A_16 = vector.shape_cast %concatenate3A_7 : vector<64x128xf32> to vector<8x8x128xf32>
    %swap3A_17 = arith.constant 0 : index
    %swap3A_18 = arith.constant 0 : index
    %swap3A_19 = arith.constant 1 : index
    %swap3A_20 = arith.constant 0 : index
    %swap3A_21 = arith.constant 0 : index
    %swap3A_22 = vector.load %arg2[%swap3A_17, %swap3A_18, %swap3A_19, %swap3A_20, %swap3A_21] : memref<2x8x32x8x128xf32, #tpu.memory_space<vmem>>, vector<1x8x1x8x128xf32>
    %swap3A_23 = vector.shape_cast %swap3A_22 : vector<1x8x1x8x128xf32> to vector<8x8x128xf32>
    %swap3A_24 = vector.shape_cast %reshape3A_16 : vector<8x8x128xf32> to vector<1x8x1x8x128xf32>
    tpu.vector_store %arg2[%swap3A_17, %swap3A_18, %swap3A_19, %swap3A_20, %swap3A_21], %swap3A_24 {strides = array<i32>} : memref<2x8x32x8x128xf32, #tpu.memory_space<vmem>>, vector<1x8x1x8x128xf32>,
    %slice3A_25 = vector.extract_strided_slice %reshape3A {offsets = [128, 0], sizes = [128, 128], strides = [1, 1]} : vector<2048x128xf32> to vector<128x128xf32>
    %transpose3A_26 = tpu.transpose %slice3A_25, [1, 0] : vector<128x128xf32> -> vector<128x128xf32>
    %slice3A_27 = vector.extract_strided_slice %transpose3A_26 {offsets = [0, 0], sizes = [64, 64], strides = [1, 1]} : vector<128x128xf32> to vector<64x64xf32>
    %slice3A_28 = vector.extract_strided_slice %transpose3A_26 {offsets = [64, 0], sizes = [64, 64], strides = [1, 1]} : vector<128x128xf32> to vector<64x64xf32>
    %concatenate3A_29 = tpu.concatenate %slice3A_27, %slice3A_28 in 1 : vector<64x64xf32>, vector<64x64xf32> -> vector<64x128xf32>
    %slice3A_30 = vector.extract_strided_slice %transpose3A_26 {offsets = [0, 64], sizes = [64, 64], strides = [1, 1]} : vector<128x128xf32> to vector<64x64xf32>
    %slice3A_31 = vector.extract_strided_slice %transpose3A_26 {offsets = [64, 64], sizes = [64, 64], strides = [1, 1]} : vector<128x128xf32> to vector<64x64xf32>
    %concatenate3A_32 = tpu.concatenate %slice3A_30, %slice3A_31 in 1 : vector<64x64xf32>, vector<64x64xf32> -> vector<64x128xf32>
    %reshape3A_33 = vector.shape_cast %concatenate3A_29 : vector<64x128xf32> to vector<8x8x128xf32>
    %swap3A_34 = arith.constant 0 : index
    %swap3A_35 = arith.constant 0 : index
    %swap3A_36 = arith.constant 2 : index
    %swap3A_37 = arith.constant 0 : index
    %swap3A_38 = arith.constant 0 : index
    %swap3A_39 = vector.load %arg2[%swap3A_34, %swap3A_35, %swap3A_36, %swap3A_37, %swap3A_38] : memref<2x8x32x8x128xf32, #tpu.memory_space<vmem>>, vector<1x8x1x8x128xf32>
    %swap3A_40 = vector.shape_cast %swap3A_39 : vector<1x8x1x8x128xf32> to vector<8x8x128xf32>
    %swap3A_41 = vector.shape_cast %reshape3A_33 : vector<8x8x128xf32> to vector<1x8x1x8x128xf32>
    tpu.vector_store %arg2[%swap3A_34, %swap3A_35, %swap3A_36, %swap3A_37, %swap3A_38], %swap3A_41 {strides = array<i32>} : memref<2x8x32x8x128xf32, #tpu.memory_space<vmem>>, vector<1x8x1x8x128xf32>,
    %reshape3A_42 = vector.shape_cast %concatenate3A_32 : vector<64x128xf32> to vector<8x8x128xf32>
    %swap3A_43 = arith.constant 0 : index
    %swap3A_44 = arith.constant 0 : index
    %swap3A_45 = arith.constant 3 : index
    %swap3A_46 = arith.constant 0 : index
    %swap3A_47 = arith.constant 0 : index
    %swap3A_48 = vector.load %arg2[%swap3A_43, %swap3A_44, %swap3A_45, %swap3A_46, %swap3A_47] : memref<2x8x32x8x128xf32, #tpu.memory_space<vmem>>, vector<1x8x1x8x128xf32>
    %swap3A_49 = vector.shape_cast %swap3A_48 : vector<1x8x1x8x128xf32> to vector<8x8x128xf32>
    %swap3A_50 = vector.shape_cast %reshape3A_42 : vector<8x8x128xf32> to vector<1x8x1x8x128xf32>
    tpu.vector_store %arg2[%swap3A_43, %swap3A_44, %swap3A_45, %swap3A_46, %swap3A_47], %swap3A_50 {strides = array<i32>} : memref<2x8x32x8x128xf32, #tpu.memory_space<vmem>>, vector<1x8x1x8x128xf32>,
    %slice3A_51 = vector.extract_strided_slice %reshape3A {offsets = [256, 0], sizes = [128, 128], strides = [1, 1]} : vector<2048x128xf32> to vector<128x128xf32>
    %transpose3A_52 = tpu.transpose %slice3A_51, [1, 0] : vector<128x128xf32> -> vector<128x128xf32>
    %slice3A_53 = vector.extract_strided_slice %transpose3A_52 {offsets = [0, 0], sizes = [64, 64], strides = [1, 1]} : vector<128x128xf32> to vector<64x64xf32>
    %slice3A_54 = vector.extract_strided_slice %transpose3A_52 {offsets = [64, 0], sizes = [64, 64], strides = [1, 1]} : vector<128x128xf32> to vector<64x64xf32>
    %concatenate3A_55 = tpu.concatenate %slice3A_53, %slice3A_54 in 1 : vector<64x64xf32>, vector<64x64xf32> -> vector<64x128xf32>
    %slice3A_56 = vector.extract_strided_slice %transpose3A_52 {offsets = [0, 64], sizes = [64, 64], strides = [1, 1]} : vector<128x128xf32> to vector<64x64xf32>
    %slice3A_57 = vector.extract_strided_slice %transpose3A_52 {offsets = [64, 64], sizes = [64, 64], strides = [1, 1]} : vector<128x128xf32> to vector<64x64xf32>
    %concatenate3A_58 = tpu.concatenate %slice3A_56, %slice3A_57 in 1 : vector<64x64xf32>, vector<64x64xf32> -> vector<64x128xf32>
    %reshape3A_59 = vector.shape_cast %concatenate3A_55 : vector<64x128xf32> to vector<8x8x128xf32>
    %swap3A_60 = arith.constant 0 : index
    %swap3A_61 = arith.constant 0 : index
    %swap3A_62 = arith.constant 4 : index
    %swap3A_63 = arith.constant 0 : index
    %swap3A_64 = arith.constant 0 : index
    %swap3A_65 = vector.load %arg2[%swap3A_60, %swap3A_61, %swap3A_62, %swap3A_63, %swap3A_64] : memref<2x8x32x8x128xf32, #tpu.memory_space<vmem>>, vector<1x8x1x8x128xf32>
    %swap3A_66 = vector.shape_cast %swap3A_65 : vector<1x8x1x8x128xf32> to vector<8x8x128xf32>
    %swap3A_67 = vector.shape_cast %reshape3A_59 : vector<8x8x128xf32> to vector<1x8x1x8x128xf32>
    tpu.vector_store %arg2[%swap3A_60, %swap3A_61, %swap3A_62, %swap3A_63, %swap3A_64], %swap3A_67 {strides = array<i32>} : memref<2x8x32x8x128xf32, #tpu.memory_space<vmem>>, vector<1x8x1x8x128xf32>,
    %reshape3A_68 = vector.shape_cast %concatenate3A_58 : vector<64x128xf32> to vector<8x8x128xf32>
    %swap3A_69 = arith.constant 0 : index
    %swap3A_70 = arith.constant 0 : index
    %swap3A_71 = arith.constant 5 : index
    %swap3A_72 = arith.constant 0 : index
    %swap3A_73 = arith.constant 0 : index
    %swap3A_74 = vector.load %arg2[%swap3A_69, %swap3A_70, %swap3A_71, %swap3A_72, %swap3A_73] : memref<2x8x32x8x128xf32, #tpu.memory_space<vmem>>, vector<1x8x1x8x128xf32>
    %swap3A_75 = vector.shape_cast %swap3A_74 : vector<1x8x1x8x128xf32> to vector<8x8x128xf32>
    %swap3A_76 = vector.shape_cast %reshape3A_68 : vector<8x8x128xf32> to vector<1x8x1x8x128xf32>
    tpu.vector_store %arg2[%swap3A_69, %swap3A_70, %swap3A_71, %swap3A_72, %swap3A_73], %swap3A_76 {strides = array<i32>} : memref<2x8x32x8x128xf32, #tpu.memory_space<vmem>>, vector<1x8x1x8x128xf32>,
    %slice3A_77 = vector.extract_strided_slice %reshape3A {offsets = [384, 0], sizes = [128, 128], strides = [1, 1]} : vector<2048x128xf32> to vector<128x128xf32>
    %transpose3A_78 = tpu.transpose %slice3A_77, [1, 0] : vector<128x128xf32> -> vector<128x128xf32>
    %slice3A_79 = vector.extract_strided_slice %transpose3A_78 {offsets = [0, 0], sizes = [64, 64], strides = [1, 1]} : vector<128x128xf32> to vector<64x64xf32>
    %slice3A_80 = vector.extract_strided_slice %transpose3A_78 {offsets = [64, 0], sizes = [64, 64], strides = [1, 1]} : vector<128x128xf32> to vector<64x64xf32>
    %concatenate3A_81 = tpu.concatenate %slice3A_79, %slice3A_80 in 1 : vector<64x64xf32>, vector<64x64xf32> -> vector<64x128xf32>
    %slice3A_82 = vector.extract_strided_slice %transpose3A_78 {offsets = [0, 64], sizes = [64, 64], strides = [1, 1]} : vector<128x128xf32> to vector<64x64xf32>
    %slice3A_83 = vector.extract_strided_slice %transpose3A_78 {offsets = [64, 64], sizes = [64, 64], strides = [1, 1]} : vector<128x128xf32> to vector<64x64xf32>
    %concatenate3A_84 = tpu.concatenate %slice3A_82, %slice3A_83 in 1 : vector<64x64xf32>, vector<64x64xf32> -> vector<64x128xf32>
    %reshape3A_85 = vector.shape_cast %concatenate3A_81 : vector<64x128xf32> to vector<8x8x128xf32>
    %swap3A_86 = arith.constant 0 : index
    %swap3A_87 = arith.constant 0 : index
    %swap3A_88 = arith.constant 6 : index
    %swap3A_89 = arith.constant 0 : index
    %swap3A_90 = arith.constant 0 : index
    %swap3A_91 = vector.load %arg2[%swap3A_86, %swap3A_87, %swap3A_88, %swap3A_89, %swap3A_90] : memref<2x8x32x8x128xf32, #tpu.memory_space<vmem>>, vector<1x8x1x8x128xf32>
    %swap3A_92 = vector.shape_cast %swap3A_91 : vector<1x8x1x8x128xf32> to vector<8x8x128xf32>
    %swap3A_93 = vector.shape_cast %reshape3A_85 : vector<8x8x128xf32> to vector<1x8x1x8x128xf32>
    tpu.vector_store %arg2[%swap3A_86, %swap3A_87, %swap3A_88, %swap3A_89, %swap3A_90], %swap3A_93 {strides = array<i32>} : memref<2x8x32x8x128xf32, #tpu.memory_space<vmem>>, vector<1x8x1x8x128xf32>,
    %reshape3A_94 = vector.shape_cast %concatenate3A_84 : vector<64x128xf32> to vector<8x8x128xf32>
    %swap3A_95 = arith.constant 0 : index
    %swap3A_96 = arith.constant 0 : index
    %swap3A_97 = arith.constant 7 : index
    %swap3A_98 = arith.constant 0 : index
    %swap3A_99 = arith.constant 0 : index
    %swap3A_100 = vector.load %arg2[%swap3A_95, %swap3A_96, %swap3A_97, %swap3A_98, %swap3A_99] : memref<2x8x32x8x128xf32, #tpu.memory_space<vmem>>, vector<1x8x1x8x128xf32>
    %swap3A_101 = vector.shape_cast %swap3A_100 : vector<1x8x1x8x128xf32> to vector<8x8x128xf32>
    %swap3A_102 = vector.shape_cast %reshape3A_94 : vector<8x8x128xf32> to vector<1x8x1x8x128xf32>
    tpu.vector_store %arg2[%swap3A_95, %swap3A_96, %swap3A_97, %swap3A_98, %swap3A_99], %swap3A_102 {strides = array<i32>} : memref<2x8x32x8x128xf32, #tpu.memory_space<vmem>>, vector<1x8x1x8x128xf32>,
    %slice3A_103 = vector.extract_strided_slice %reshape3A {offsets = [512, 0], sizes = [128, 128], strides = [1, 1]} : vector<2048x128xf32> to vector<128x128xf32>
    %transpose3A_104 = tpu.transpose %slice3A_103, [1, 0] : vector<128x128xf32> -> vector<128x128xf32>
    %slice3A_105 = vector.extract_strided_slice %transpose3A_104 {offsets = [0, 0], sizes = [64, 64], strides = [1, 1]} : vector<128x128xf32> to vector<64x64xf32>
    %slice3A_106 = vector.extract_strided_slice %transpose3A_104 {offsets = [64, 0], sizes = [64, 64], strides = [1, 1]} : vector<128x128xf32> to vector<64x64xf32>
    %concatenate3A_107 = tpu.concatenate %slice3A_105, %slice3A_106 in 1 : vector<64x64xf32>, vector<64x64xf32> -> vector<64x128xf32>
    %slice3A_108 = vector.extract_strided_slice %transpose3A_104 {offsets = [0, 64], sizes = [64, 64], strides = [1, 1]} : vector<128x128xf32> to vector<64x64xf32>
    %slice3A_109 = vector.extract_strided_slice %transpose3A_104 {offsets = [64, 64], sizes = [64, 64], strides = [1, 1]} : vector<128x128xf32> to vector<64x64xf32>
    %concatenate3A_110 = tpu.concatenate %slice3A_108, %slice3A_109 in 1 : vector<64x64xf32>, vector<64x64xf32> -> vector<64x128xf32>
    %reshape3A_111 = vector.shape_cast %concatenate3A_107 : vector<64x128xf32> to vector<8x8x128xf32>
    %swap3A_112 = arith.constant 0 : index
    %swap3A_113 = arith.constant 0 : index
    %swap3A_114 = arith.constant 8 : index
    %swap3A_115 = arith.constant 0 : index
    %swap3A_116 = arith.constant 0 : index
    %swap3A_117 = vector.load %arg2[%swap3A_112, %swap3A_113, %swap3A_114, %swap3A_115, %swap3A_116] : memref<2x8x32x8x128xf32, #tpu.memory_space<vmem>>, vector<1x8x1x8x128xf32>
    %swap3A_118 = vector.shape_cast %swap3A_117 : vector<1x8x1x8x128xf32> to vector<8x8x128xf32>
    %swap3A_119 = vector.shape_cast %reshape3A_111 : vector<8x8x128xf32> to vector<1x8x1x8x128xf32>
    tpu.vector_store %arg2[%swap3A_112, %swap3A_113, %swap3A_114, %swap3A_115, %swap3A_116], %swap3A_119 {strides = array<i32>} : memref<2x8x32x8x128xf32, #tpu.memory_space<vmem>>, vector<1x8x1x8x128xf32>,
    %reshape3A_120 = vector.shape_cast %concatenate3A_110 : vector<64x128xf32> to vector<8x8x128xf32>
    %swap3A_121 = arith.constant 0 : index
    %swap3A_122 = arith.constant 0 : index
    %swap3A_123 = arith.constant 9 : index
    %swap3A_124 = arith.constant 0 : index
    %swap3A_125 = arith.constant 0 : index
    %swap3A_126 = vector.load %arg2[%swap3A_121, %swap3A_122, %swap3A_123, %swap3A_124, %swap3A_125] : memref<2x8x32x8x128xf32, #tpu.memory_space<vmem>>, vector<1x8x1x8x128xf32>
    %swap3A_127 = vector.shape_cast %swap3A_126 : vector<1x8x1x8x128xf32> to vector<8x8x128xf32>
    %swap3A_128 = vector.shape_cast %reshape3A_120 : vector<8x8x128xf32> to vector<1x8x1x8x128xf32>
    tpu.vector_store %arg2[%swap3A_121, %swap3A_122, %swap3A_123, %swap3A_124, %swap3A_125], %swap3A_128 {strides = array<i32>} : memref<2x8x32x8x128xf32, #tpu.memory_space<vmem>>, vector<1x8x1x8x128xf32>,
    %slice3A_129 = vector.extract_strided_slice %reshape3A {offsets = [640, 0], sizes = [128, 128], strides = [1, 1]} : vector<2048x128xf32> to vector<128x128xf32>
    %transpose3A_130 = tpu.transpose %slice3A_129, [1, 0] : vector<128x128xf32> -> vector<128x128xf32>
    %slice3A_131 = vector.extract_strided_slice %transpose3A_130 {offsets = [0, 0], sizes = [64, 64], strides = [1, 1]} : vector<128x128xf32> to vector<64x64xf32>
    %slice3A_132 = vector.extract_strided_slice %transpose3A_130 {offsets = [64, 0], sizes = [64, 64], strides = [1, 1]} : vector<128x128xf32> to vector<64x64xf32>
    %concatenate3A_133 = tpu.concatenate %slice3A_131, %slice3A_132 in 1 : vector<64x64xf32>, vector<64x64xf32> -> vector<64x128xf32>
    %slice3A_134 = vector.extract_strided_slice %transpose3A_130 {offsets = [0, 64], sizes = [64, 64], strides = [1, 1]} : vector<128x128xf32> to vector<64x64xf32>
    %slice3A_135 = vector.extract_strided_slice %transpose3A_130 {offsets = [64, 64], sizes = [64, 64], strides = [1, 1]} : vector<128x128xf32> to vector<64x64xf32>
    %concatenate3A_136 = tpu.concatenate %slice3A_134, %slice3A_135 in 1 : vector<64x64xf32>, vector<64x64xf32> -> vector<64x128xf32>
    %reshape3A_137 = vector.shape_cast %concatenate3A_133 : vector<64x128xf32> to vector<8x8x128xf32>
    %swap3A_138 = arith.constant 0 : index
    %swap3A_139 = arith.constant 0 : index
    %swap3A_140 = arith.constant 10 : index
    %swap3A_141 = arith.constant 0 : index
    %swap3A_142 = arith.constant 0 : index
    %swap3A_143 = vector.load %arg2[%swap3A_138, %swap3A_139, %swap3A_140, %swap3A_141, %swap3A_142] : memref<2x8x32x8x128xf32, #tpu.memory_space<vmem>>, vector<1x8x1x8x128xf32>
    %swap3A_144 = vector.shape_cast %swap3A_143 : vector<1x8x1x8x128xf32> to vector<8x8x128xf32>
    %swap3A_145 = vector.shape_cast %reshape3A_137 : vector<8x8x128xf32> to vector<1x8x1x8x128xf32>
    tpu.vector_store %arg2[%swap3A_138, %swap3A_139, %swap3A_140, %swap3A_141, %swap3A_142], %swap3A_145 {strides = array<i32>} : memref<2x8x32x8x128xf32, #tpu.memory_space<vmem>>, vector<1x8x1x8x128xf32>,
    %reshape3A_146 = vector.shape_cast %concatenate3A_136 : vector<64x128xf32> to vector<8x8x128xf32>
    %swap3A_147 = arith.constant 0 : index
    %swap3A_148 = arith.constant 0 : index
    %swap3A_149 = arith.constant 11 : index
    %swap3A_150 = arith.constant 0 : index
    %swap3A_151 = arith.constant 0 : index
    %swap3A_152 = vector.load %arg2[%swap3A_147, %swap3A_148, %swap3A_149, %swap3A_150, %swap3A_151] : memref<2x8x32x8x128xf32, #tpu.memory_space<vmem>>, vector<1x8x1x8x128xf32>
    %swap3A_153 = vector.shape_cast %swap3A_152 : vector<1x8x1x8x128xf32> to vector<8x8x128xf32>
    %swap3A_154 = vector.shape_cast %reshape3A_146 : vector<8x8x128xf32> to vector<1x8x1x8x128xf32>
    tpu.vector_store %arg2[%swap3A_147, %swap3A_148, %swap3A_149, %swap3A_150, %swap3A_151], %swap3A_154 {strides = array<i32>} : memref<2x8x32x8x128xf32, #tpu.memory_space<vmem>>, vector<1x8x1x8x128xf32>,
    %slice3A_155 = vector.extract_strided_slice %reshape3A {offsets = [768, 0], sizes = [128, 128], strides = [1, 1]} : vector<2048x128xf32> to vector<128x128xf32>
    %transpose3A_156 = tpu.transpose %slice3A_155, [1, 0] : vector<128x128xf32> -> vector<128x128xf32>
    %slice3A_157 = vector.extract_strided_slice %transpose3A_156 {offsets = [0, 0], sizes = [64, 64], strides = [1, 1]} : vector<128x128xf32> to vector<64x64xf32>
    %slice3A_158 = vector.extract_strided_slice %transpose3A_156 {offsets = [64, 0], sizes = [64, 64], strides = [1, 1]} : vector<128x128xf32> to vector<64x64xf32>
    %concatenate3A_159 = tpu.concatenate %slice3A_157, %slice3A_158 in 1 : vector<64x64xf32>, vector<64x64xf32> -> vector<64x128xf32>
    %slice3A_160 = vector.extract_strided_slice %transpose3A_156 {offsets = [0, 64], sizes = [64, 64], strides = [1, 1]} : vector<128x128xf32> to vector<64x64xf32>
    %slice3A_161 = vector.extract_strided_slice %transpose3A_156 {offsets = [64, 64], sizes = [64, 64], strides = [1, 1]} : vector<128x128xf32> to vector<64x64xf32>
    %concatenate3A_162 = tpu.concatenate %slice3A_160, %slice3A_161 in 1 : vector<64x64xf32>, vector<64x64xf32> -> vector<64x128xf32>
    %reshape3A_163 = vector.shape_cast %concatenate3A_159 : vector<64x128xf32> to vector<8x8x128xf32>
    %swap3A_164 = arith.constant 0 : index
    %swap3A_165 = arith.constant 0 : index
    %swap3A_166 = arith.constant 12 : index
    %swap3A_167 = arith.constant 0 : index
    %swap3A_168 = arith.constant 0 : index
    %swap3A_169 = vector.load %arg2[%swap3A_164, %swap3A_165, %swap3A_166, %swap3A_167, %swap3A_168] : memref<2x8x32x8x128xf32, #tpu.memory_space<vmem>>, vector<1x8x1x8x128xf32>
    %swap3A_170 = vector.shape_cast %swap3A_169 : vector<1x8x1x8x128xf32> to vector<8x8x128xf32>
    %swap3A_171 = vector.shape_cast %reshape3A_163 : vector<8x8x128xf32> to vector<1x8x1x8x128xf32>
    tpu.vector_store %arg2[%swap3A_164, %swap3A_165, %swap3A_166, %swap3A_167, %swap3A_168], %swap3A_171 {strides = array<i32>} : memref<2x8x32x8x128xf32, #tpu.memory_space<vmem>>, vector<1x8x1x8x128xf32>,
    %reshape3A_172 = vector.shape_cast %concatenate3A_162 : vector<64x128xf32> to vector<8x8x128xf32>
    %swap3A_173 = arith.constant 0 : index
    %swap3A_174 = arith.constant 0 : index
    %swap3A_175 = arith.constant 13 : index
    %swap3A_176 = arith.constant 0 : index
    %swap3A_177 = arith.constant 0 : index
    %swap3A_178 = vector.load %arg2[%swap3A_173, %swap3A_174, %swap3A_175, %swap3A_176, %swap3A_177] : memref<2x8x32x8x128xf32, #tpu.memory_space<vmem>>, vector<1x8x1x8x128xf32>
    %swap3A_179 = vector.shape_cast %swap3A_178 : vector<1x8x1x8x128xf32> to vector<8x8x128xf32>
    %swap3A_180 = vector.shape_cast %reshape3A_172 : vector<8x8x128xf32> to vector<1x8x1x8x128xf32>
    tpu.vector_store %arg2[%swap3A_173, %swap3A_174, %swap3A_175, %swap3A_176, %swap3A_177], %swap3A_180 {strides = array<i32>} : memref<2x8x32x8x128xf32, #tpu.memory_space<vmem>>, vector<1x8x1x8x128xf32>,
    %slice3A_181 = vector.extract_strided_slice %reshape3A {offsets = [896, 0], sizes = [128, 128], strides = [1, 1]} : vector<2048x128xf32> to vector<128x128xf32>
    %transpose3A_182 = tpu.transpose %slice3A_181, [1, 0] : vector<128x128xf32> -> vector<128x128xf32>
    %slice3A_183 = vector.extract_strided_slice %transpose3A_182 {offsets = [0, 0], sizes = [64, 64], strides = [1, 1]} : vector<128x128xf32> to vector<64x64xf32>
    %slice3A_184 = vector.extract_strided_slice %transpose3A_182 {offsets = [64, 0], sizes = [64, 64], strides = [1, 1]} : vector<128x128xf32> to vector<64x64xf32>
    %concatenate3A_185 = tpu.concatenate %slice3A_183, %slice3A_184 in 1 : vector<64x64xf32>, vector<64x64xf32> -> vector<64x128xf32>
    %slice3A_186 = vector.extract_strided_slice %transpose3A_182 {offsets = [0, 64], sizes = [64, 64], strides = [1, 1]} : vector<128x128xf32> to vector<64x64xf32>
    %slice3A_187 = vector.extract_strided_slice %transpose3A_182 {offsets = [64, 64], sizes = [64, 64], strides = [1, 1]} : vector<128x128xf32> to vector<64x64xf32>
    %concatenate3A_188 = tpu.concatenate %slice3A_186, %slice3A_187 in 1 : vector<64x64xf32>, vector<64x64xf32> -> vector<64x128xf32>
    %reshape3A_189 = vector.shape_cast %concatenate3A_185 : vector<64x128xf32> to vector<8x8x128xf32>
    %swap3A_190 = arith.constant 0 : index
    %swap3A_191 = arith.constant 0 : index
    %swap3A_192 = arith.constant 14 : index
    %swap3A_193 = arith.constant 0 : index
    %swap3A_194 = arith.constant 0 : index
    %swap3A_195 = vector.load %arg2[%swap3A_190, %swap3A_191, %swap3A_192, %swap3A_193, %swap3A_194] : memref<2x8x32x8x128xf32, #tpu.memory_space<vmem>>, vector<1x8x1x8x128xf32>
    %swap3A_196 = vector.shape_cast %swap3A_195 : vector<1x8x1x8x128xf32> to vector<8x8x128xf32>
    %swap3A_197 = vector.shape_cast %reshape3A_189 : vector<8x8x128xf32> to vector<1x8x1x8x128xf32>
    tpu.vector_store %arg2[%swap3A_190, %swap3A_191, %swap3A_192, %swap3A_193, %swap3A_194], %swap3A_197 {strides = array<i32>} : memref<2x8x32x8x128xf32, #tpu.memory_space<vmem>>, vector<1x8x1x8x128xf32>,
    %reshape3A_198 = vector.shape_cast %concatenate3A_188 : vector<64x128xf32> to vector<8x8x128xf32>
    %swap3A_199 = arith.constant 0 : index
    %swap3A_200 = arith.constant 0 : index
    %swap3A_201 = arith.constant 15 : index
    %swap3A_202 = arith.constant 0 : index
    %swap3A_203 = arith.constant 0 : index
    %swap3A_204 = vector.load %arg2[%swap3A_199, %swap3A_200, %swap3A_201, %swap3A_202, %swap3A_203] : memref<2x8x32x8x128xf32, #tpu.memory_space<vmem>>, vector<1x8x1x8x128xf32>
    %swap3A_205 = vector.shape_cast %swap3A_204 : vector<1x8x1x8x128xf32> to vector<8x8x128xf32>
    %swap3A_206 = vector.shape_cast %reshape3A_198 : vector<8x8x128xf32> to vector<1x8x1x8x128xf32>
    tpu.vector_store %arg2[%swap3A_199, %swap3A_200, %swap3A_201, %swap3A_202, %swap3A_203], %swap3A_206 {strides = array<i32>} : memref<2x8x32x8x128xf32, #tpu.memory_space<vmem>>, vector<1x8x1x8x128xf32>,
    %slice3A_207 = vector.extract_strided_slice %reshape3A {offsets = [1024, 0], sizes = [128, 128], strides = [1, 1]} : vector<2048x128xf32> to vector<128x128xf32>
    %transpose3A_208 = tpu.transpose %slice3A_207, [1, 0] : vector<128x128xf32> -> vector<128x128xf32>
    %slice3A_209 = vector.extract_strided_slice %transpose3A_208 {offsets = [0, 0], sizes = [64, 64], strides = [1, 1]} : vector<128x128xf32> to vector<64x64xf32>
    %slice3A_210 = vector.extract_strided_slice %transpose3A_208 {offsets = [64, 0], sizes = [64, 64], strides = [1, 1]} : vector<128x128xf32> to vector<64x64xf32>
    %concatenate3A_211 = tpu.concatenate %slice3A_209, %slice3A_210 in 1 : vector<64x64xf32>, vector<64x64xf32> -> vector<64x128xf32>
    %slice3A_212 = vector.extract_strided_slice %transpose3A_208 {offsets = [0, 64], sizes = [64, 64], strides = [1, 1]} : vector<128x128xf32> to vector<64x64xf32>
    %slice3A_213 = vector.extract_strided_slice %transpose3A_208 {offsets = [64, 64], sizes = [64, 64], strides = [1, 1]} : vector<128x128xf32> to vector<64x64xf32>
    %concatenate3A_214 = tpu.concatenate %slice3A_212, %slice3A_213 in 1 : vector<64x64xf32>, vector<64x64xf32> -> vector<64x128xf32>
    %reshape3A_215 = vector.shape_cast %concatenate3A_211 : vector<64x128xf32> to vector<8x8x128xf32>
    %swap3A_216 = arith.constant 0 : index
    %swap3A_217 = arith.constant 0 : index
    %swap3A_218 = arith.constant 16 : index
    %swap3A_219 = arith.constant 0 : index
    %swap3A_220 = arith.constant 0 : index
    %swap3A_221 = vector.load %arg2[%swap3A_216, %swap3A_217, %swap3A_218, %swap3A_219, %swap3A_220] : memref<2x8x32x8x128xf32, #tpu.memory_space<vmem>>, vector<1x8x1x8x128xf32>
    %swap3A_222 = vector.shape_cast %swap3A_221 : vector<1x8x1x8x128xf32> to vector<8x8x128xf32>
    %swap3A_223 = vector.shape_cast %reshape3A_215 : vector<8x8x128xf32> to vector<1x8x1x8x128xf32>
    tpu.vector_store %arg2[%swap3A_216, %swap3A_217, %swap3A_218, %swap3A_219, %swap3A_220], %swap3A_223 {strides = array<i32>} : memref<2x8x32x8x128xf32, #tpu.memory_space<vmem>>, vector<1x8x1x8x128xf32>,
    %reshape3A_224 = vector.shape_cast %concatenate3A_214 : vector<64x128xf32> to vector<8x8x128xf32>
    %swap3A_225 = arith.constant 0 : index
    %swap3A_226 = arith.constant 0 : index
    %swap3A_227 = arith.constant 17 : index
    %swap3A_228 = arith.constant 0 : index
    %swap3A_229 = arith.constant 0 : index
    %swap3A_230 = vector.load %arg2[%swap3A_225, %swap3A_226, %swap3A_227, %swap3A_228, %swap3A_229] : memref<2x8x32x8x128xf32, #tpu.memory_space<vmem>>, vector<1x8x1x8x128xf32>
    %swap3A_231 = vector.shape_cast %swap3A_230 : vector<1x8x1x8x128xf32> to vector<8x8x128xf32>
    %swap3A_232 = vector.shape_cast %reshape3A_224 : vector<8x8x128xf32> to vector<1x8x1x8x128xf32>
    tpu.vector_store %arg2[%swap3A_225, %swap3A_226, %swap3A_227, %swap3A_228, %swap3A_229], %swap3A_232 {strides = array<i32>} : memref<2x8x32x8x128xf32, #tpu.memory_space<vmem>>, vector<1x8x1x8x128xf32>,
    %slice3A_233 = vector.extract_strided_slice %reshape3A {offsets = [1152, 0], sizes = [128, 128], strides = [1, 1]} : vector<2048x128xf32> to vector<128x128xf32>
    %transpose3A_234 = tpu.transpose %slice3A_233, [1, 0] : vector<128x128xf32> -> vector<128x128xf32>
    %slice3A_235 = vector.extract_strided_slice %transpose3A_234 {offsets = [0, 0], sizes = [64, 64], strides = [1, 1]} : vector<128x128xf32> to vector<64x64xf32>
    %slice3A_236 = vector.extract_strided_slice %transpose3A_234 {offsets = [64, 0], sizes = [64, 64], strides = [1, 1]} : vector<128x128xf32> to vector<64x64xf32>
    %concatenate3A_237 = tpu.concatenate %slice3A_235, %slice3A_236 in 1 : vector<64x64xf32>, vector<64x64xf32> -> vector<64x128xf32>
    %slice3A_238 = vector.extract_strided_slice %transpose3A_234 {offsets = [0, 64], sizes = [64, 64], strides = [1, 1]} : vector<128x128xf32> to vector<64x64xf32>
    %slice3A_239 = vector.extract_strided_slice %transpose3A_234 {offsets = [64, 64], sizes = [64, 64], strides = [1, 1]} : vector<128x128xf32> to vector<64x64xf32>
    %concatenate3A_240 = tpu.concatenate %slice3A_238, %slice3A_239 in 1 : vector<64x64xf32>, vector<64x64xf32> -> vector<64x128xf32>
    %reshape3A_241 = vector.shape_cast %concatenate3A_237 : vector<64x128xf32> to vector<8x8x128xf32>
    %swap3A_242 = arith.constant 0 : index
    %swap3A_243 = arith.constant 0 : index
    %swap3A_244 = arith.constant 18 : index
    %swap3A_245 = arith.constant 0 : index
    %swap3A_246 = arith.constant 0 : index
    %swap3A_247 = vector.load %arg2[%swap3A_242, %swap3A_243, %swap3A_244, %swap3A_245, %swap3A_246] : memref<2x8x32x8x128xf32, #tpu.memory_space<vmem>>, vector<1x8x1x8x128xf32>
    %swap3A_248 = vector.shape_cast %swap3A_247 : vector<1x8x1x8x128xf32> to vector<8x8x128xf32>
    %swap3A_249 = vector.shape_cast %reshape3A_241 : vector<8x8x128xf32> to vector<1x8x1x8x128xf32>
    tpu.vector_store %arg2[%swap3A_242, %swap3A_243, %swap3A_244, %swap3A_245, %swap3A_246], %swap3A_249 {strides = array<i32>} : memref<2x8x32x8x128xf32, #tpu.memory_space<vmem>>, vector<1x8x1x8x128xf32>,
    %reshape3A_250 = vector.shape_cast %concatenate3A_240 : vector<64x128xf32> to vector<8x8x128xf32>
    %swap3A_251 = arith.constant 0 : index
    %swap3A_252 = arith.constant 0 : index
    %swap3A_253 = arith.constant 19 : index
    %swap3A_254 = arith.constant 0 : index
    %swap3A_255 = arith.constant 0 : index
    %swap3A_256 = vector.load %arg2[%swap3A_251, %swap3A_252, %swap3A_253, %swap3A_254, %swap3A_255] : memref<2x8x32x8x128xf32, #tpu.memory_space<vmem>>, vector<1x8x1x8x128xf32>
    %swap3A_257 = vector.shape_cast %swap3A_256 : vector<1x8x1x8x128xf32> to vector<8x8x128xf32>
    %swap3A_258 = vector.shape_cast %reshape3A_250 : vector<8x8x128xf32> to vector<1x8x1x8x128xf32>
    tpu.vector_store %arg2[%swap3A_251, %swap3A_252, %swap3A_253, %swap3A_254, %swap3A_255], %swap3A_258 {strides = array<i32>} : memref<2x8x32x8x128xf32, #tpu.memory_space<vmem>>, vector<1x8x1x8x128xf32>,
    %slice3A_259 = vector.extract_strided_slice %reshape3A {offsets = [1280, 0], sizes = [128, 128], strides = [1, 1]} : vector<2048x128xf32> to vector<128x128xf32>
    %transpose3A_260 = tpu.transpose %slice3A_259, [1, 0] : vector<128x128xf32> -> vector<128x128xf32>
    %slice3A_261 = vector.extract_strided_slice %transpose3A_260 {offsets = [0, 0], sizes = [64, 64], strides = [1, 1]} : vector<128x128xf32> to vector<64x64xf32>
    %slice3A_262 = vector.extract_strided_slice %transpose3A_260 {offsets = [64, 0], sizes = [64, 64], strides = [1, 1]} : vector<128x128xf32> to vector<64x64xf32>
    %concatenate3A_263 = tpu.concatenate %slice3A_261, %slice3A_262 in 1 : vector<64x64xf32>, vector<64x64xf32> -> vector<64x128xf32>
    %slice3A_264 = vector.extract_strided_slice %transpose3A_260 {offsets = [0, 64], sizes = [64, 64], strides = [1, 1]} : vector<128x128xf32> to vector<64x64xf32>
    %slice3A_265 = vector.extract_strided_slice %transpose3A_260 {offsets = [64, 64], sizes = [64, 64], strides = [1, 1]} : vector<128x128xf32> to vector<64x64xf32>
    %concatenate3A_266 = tpu.concatenate %slice3A_264, %slice3A_265 in 1 : vector<64x64xf32>, vector<64x64xf32> -> vector<64x128xf32>
    %reshape3A_267 = vector.shape_cast %concatenate3A_263 : vector<64x128xf32> to vector<8x8x128xf32>
    %swap3A_268 = arith.constant 0 : index
    %swap3A_269 = arith.constant 0 : index
    %swap3A_270 = arith.constant 20 : index
    %swap3A_271 = arith.constant 0 : index
    %swap3A_272 = arith.constant 0 : index
    %swap3A_273 = vector.load %arg2[%swap3A_268, %swap3A_269, %swap3A_270, %swap3A_271, %swap3A_272] : memref<2x8x32x8x128xf32, #tpu.memory_space<vmem>>, vector<1x8x1x8x128xf32>
    %swap3A_274 = vector.shape_cast %swap3A_273 : vector<1x8x1x8x128xf32> to vector<8x8x128xf32>
    %swap3A_275 = vector.shape_cast %reshape3A_267 : vector<8x8x128xf32> to vector<1x8x1x8x128xf32>
    tpu.vector_store %arg2[%swap3A_268, %swap3A_269, %swap3A_270, %swap3A_271, %swap3A_272], %swap3A_275 {strides = array<i32>} : memref<2x8x32x8x128xf32, #tpu.memory_space<vmem>>, vector<1x8x1x8x128xf32>,
    %reshape3A_276 = vector.shape_cast %concatenate3A_266 : vector<64x128xf32> to vector<8x8x128xf32>
    %swap3A_277 = arith.constant 0 : index
    %swap3A_278 = arith.constant 0 : index
    %swap3A_279 = arith.constant 21 : index
    %swap3A_280 = arith.constant 0 : index
    %swap3A_281 = arith.constant 0 : index
    %swap3A_282 = vector.load %arg2[%swap3A_277, %swap3A_278, %swap3A_279, %swap3A_280, %swap3A_281] : memref<2x8x32x8x128xf32, #tpu.memory_space<vmem>>, vector<1x8x1x8x128xf32>
    %swap3A_283 = vector.shape_cast %swap3A_282 : vector<1x8x1x8x128xf32> to vector<8x8x128xf32>
    %swap3A_284 = vector.shape_cast %reshape3A_276 : vector<8x8x128xf32> to vector<1x8x1x8x128xf32>
    tpu.vector_store %arg2[%swap3A_277, %swap3A_278, %swap3A_279, %swap3A_280, %swap3A_281], %swap3A_284 {strides = array<i32>} : memref<2x8x32x8x128xf32, #tpu.memory_space<vmem>>, vector<1x8x1x8x128xf32>,
    %slice3A_285 = vector.extract_strided_slice %reshape3A {offsets = [1408, 0], sizes = [128, 128], strides = [1, 1]} : vector<2048x128xf32> to vector<128x128xf32>
    %transpose3A_286 = tpu.transpose %slice3A_285, [1, 0] : vector<128x128xf32> -> vector<128x128xf32>
    %slice3A_287 = vector.extract_strided_slice %transpose3A_286 {offsets = [0, 0], sizes = [64, 64], strides = [1, 1]} : vector<128x128xf32> to vector<64x64xf32>
    %slice3A_288 = vector.extract_strided_slice %transpose3A_286 {offsets = [64, 0], sizes = [64, 64], strides = [1, 1]} : vector<128x128xf32> to vector<64x64xf32>
    %concatenate3A_289 = tpu.concatenate %slice3A_287, %slice3A_288 in 1 : vector<64x64xf32>, vector<64x64xf32> -> vector<64x128xf32>
    %slice3A_290 = vector.extract_strided_slice %transpose3A_286 {offsets = [0, 64], sizes = [64, 64], strides = [1, 1]} : vector<128x128xf32> to vector<64x64xf32>
    %slice3A_291 = vector.extract_strided_slice %transpose3A_286 {offsets = [64, 64], sizes = [64, 64], strides = [1, 1]} : vector<128x128xf32> to vector<64x64xf32>
    %concatenate3A_292 = tpu.concatenate %slice3A_290, %slice3A_291 in 1 : vector<64x64xf32>, vector<64x64xf32> -> vector<64x128xf32>
    %reshape3A_293 = vector.shape_cast %concatenate3A_289 : vector<64x128xf32> to vector<8x8x128xf32>
    %swap3A_294 = arith.constant 0 : index
    %swap3A_295 = arith.constant 0 : index
    %swap3A_296 = arith.constant 22 : index
    %swap3A_297 = arith.constant 0 : index
    %swap3A_298 = arith.constant 0 : index
    %swap3A_299 = vector.load %arg2[%swap3A_294, %swap3A_295, %swap3A_296, %swap3A_297, %swap3A_298] : memref<2x8x32x8x128xf32, #tpu.memory_space<vmem>>, vector<1x8x1x8x128xf32>
    %swap3A_300 = vector.shape_cast %swap3A_299 : vector<1x8x1x8x128xf32> to vector<8x8x128xf32>
    %swap3A_301 = vector.shape_cast %reshape3A_293 : vector<8x8x128xf32> to vector<1x8x1x8x128xf32>
    tpu.vector_store %arg2[%swap3A_294, %swap3A_295, %swap3A_296, %swap3A_297, %swap3A_298], %swap3A_301 {strides = array<i32>} : memref<2x8x32x8x128xf32, #tpu.memory_space<vmem>>, vector<1x8x1x8x128xf32>,
    %reshape3A_302 = vector.shape_cast %concatenate3A_292 : vector<64x128xf32> to vector<8x8x128xf32>
    %swap3A_303 = arith.constant 0 : index
    %swap3A_304 = arith.constant 0 : index
    %swap3A_305 = arith.constant 23 : index
    %swap3A_306 = arith.constant 0 : index
    %swap3A_307 = arith.constant 0 : index
    %swap3A_308 = vector.load %arg2[%swap3A_303, %swap3A_304, %swap3A_305, %swap3A_306, %swap3A_307] : memref<2x8x32x8x128xf32, #tpu.memory_space<vmem>>, vector<1x8x1x8x128xf32>
    %swap3A_309 = vector.shape_cast %swap3A_308 : vector<1x8x1x8x128xf32> to vector<8x8x128xf32>
    %swap3A_310 = vector.shape_cast %reshape3A_302 : vector<8x8x128xf32> to vector<1x8x1x8x128xf32>
    tpu.vector_store %arg2[%swap3A_303, %swap3A_304, %swap3A_305, %swap3A_306, %swap3A_307], %swap3A_310 {strides = array<i32>} : memref<2x8x32x8x128xf32, #tpu.memory_space<vmem>>, vector<1x8x1x8x128xf32>,
    %slice3A_311 = vector.extract_strided_slice %reshape3A {offsets = [1536, 0], sizes = [128, 128], strides = [1, 1]} : vector<2048x128xf32> to vector<128x128xf32>
    %transpose3A_312 = tpu.transpose %slice3A_311, [1, 0] : vector<128x128xf32> -> vector<128x128xf32>
    %slice3A_313 = vector.extract_strided_slice %transpose3A_312 {offsets = [0, 0], sizes = [64, 64], strides = [1, 1]} : vector<128x128xf32> to vector<64x64xf32>
    %slice3A_314 = vector.extract_strided_slice %transpose3A_312 {offsets = [64, 0], sizes = [64, 64], strides = [1, 1]} : vector<128x128xf32> to vector<64x64xf32>
    %concatenate3A_315 = tpu.concatenate %slice3A_313, %slice3A_314 in 1 : vector<64x64xf32>, vector<64x64xf32> -> vector<64x128xf32>
    %slice3A_316 = vector.extract_strided_slice %transpose3A_312 {offsets = [0, 64], sizes = [64, 64], strides = [1, 1]} : vector<128x128xf32> to vector<64x64xf32>
    %slice3A_317 = vector.extract_strided_slice %transpose3A_312 {offsets = [64, 64], sizes = [64, 64], strides = [1, 1]} : vector<128x128xf32> to vector<64x64xf32>
    %concatenate3A_318 = tpu.concatenate %slice3A_316, %slice3A_317 in 1 : vector<64x64xf32>, vector<64x64xf32> -> vector<64x128xf32>
    %reshape3A_319 = vector.shape_cast %concatenate3A_315 : vector<64x128xf32> to vector<8x8x128xf32>
    %swap3A_320 = arith.constant 0 : index
    %swap3A_321 = arith.constant 0 : index
    %swap3A_322 = arith.constant 24 : index
    %swap3A_323 = arith.constant 0 : index
    %swap3A_324 = arith.constant 0 : index
    %swap3A_325 = vector.load %arg2[%swap3A_320, %swap3A_321, %swap3A_322, %swap3A_323, %swap3A_324] : memref<2x8x32x8x128xf32, #tpu.memory_space<vmem>>, vector<1x8x1x8x128xf32>
    %swap3A_326 = vector.shape_cast %swap3A_325 : vector<1x8x1x8x128xf32> to vector<8x8x128xf32>
    %swap3A_327 = vector.shape_cast %reshape3A_319 : vector<8x8x128xf32> to vector<1x8x1x8x128xf32>
    tpu.vector_store %arg2[%swap3A_320, %swap3A_321, %swap3A_322, %swap3A_323, %swap3A_324], %swap3A_327 {strides = array<i32>} : memref<2x8x32x8x128xf32, #tpu.memory_space<vmem>>, vector<1x8x1x8x128xf32>,
    %reshape3A_328 = vector.shape_cast %concatenate3A_318 : vector<64x128xf32> to vector<8x8x128xf32>
    %swap3A_329 = arith.constant 0 : index
    %swap3A_330 = arith.constant 0 : index
    %swap3A_331 = arith.constant 25 : index
    %swap3A_332 = arith.constant 0 : index
    %swap3A_333 = arith.constant 0 : index
    %swap3A_334 = vector.load %arg2[%swap3A_329, %swap3A_330, %swap3A_331, %swap3A_332, %swap3A_333] : memref<2x8x32x8x128xf32, #tpu.memory_space<vmem>>, vector<1x8x1x8x128xf32>
    %swap3A_335 = vector.shape_cast %swap3A_334 : vector<1x8x1x8x128xf32> to vector<8x8x128xf32>
    %swap3A_336 = vector.shape_cast %reshape3A_328 : vector<8x8x128xf32> to vector<1x8x1x8x128xf32>
    tpu.vector_store %arg2[%swap3A_329, %swap3A_330, %swap3A_331, %swap3A_332, %swap3A_333], %swap3A_336 {strides = array<i32>} : memref<2x8x32x8x128xf32, #tpu.memory_space<vmem>>, vector<1x8x1x8x128xf32>,
    %slice3A_337 = vector.extract_strided_slice %reshape3A {offsets = [1664, 0], sizes = [128, 128], strides = [1, 1]} : vector<2048x128xf32> to vector<128x128xf32>
    %transpose3A_338 = tpu.transpose %slice3A_337, [1, 0] : vector<128x128xf32> -> vector<128x128xf32>
    %slice3A_339 = vector.extract_strided_slice %transpose3A_338 {offsets = [0, 0], sizes = [64, 64], strides = [1, 1]} : vector<128x128xf32> to vector<64x64xf32>
    %slice3A_340 = vector.extract_strided_slice %transpose3A_338 {offsets = [64, 0], sizes = [64, 64], strides = [1, 1]} : vector<128x128xf32> to vector<64x64xf32>
    %concatenate3A_341 = tpu.concatenate %slice3A_339, %slice3A_340 in 1 : vector<64x64xf32>, vector<64x64xf32> -> vector<64x128xf32>
    %slice3A_342 = vector.extract_strided_slice %transpose3A_338 {offsets = [0, 64], sizes = [64, 64], strides = [1, 1]} : vector<128x128xf32> to vector<64x64xf32>
    %slice3A_343 = vector.extract_strided_slice %transpose3A_338 {offsets = [64, 64], sizes = [64, 64], strides = [1, 1]} : vector<128x128xf32> to vector<64x64xf32>
    %concatenate3A_344 = tpu.concatenate %slice3A_342, %slice3A_343 in 1 : vector<64x64xf32>, vector<64x64xf32> -> vector<64x128xf32>
    %reshape3A_345 = vector.shape_cast %concatenate3A_341 : vector<64x128xf32> to vector<8x8x128xf32>
    %swap3A_346 = arith.constant 0 : index
    %swap3A_347 = arith.constant 0 : index
    %swap3A_348 = arith.constant 26 : index
    %swap3A_349 = arith.constant 0 : index
    %swap3A_350 = arith.constant 0 : index
    %swap3A_351 = vector.load %arg2[%swap3A_346, %swap3A_347, %swap3A_348, %swap3A_349, %swap3A_350] : memref<2x8x32x8x128xf32, #tpu.memory_space<vmem>>, vector<1x8x1x8x128xf32>
    %swap3A_352 = vector.shape_cast %swap3A_351 : vector<1x8x1x8x128xf32> to vector<8x8x128xf32>
    %swap3A_353 = vector.shape_cast %reshape3A_345 : vector<8x8x128xf32> to vector<1x8x1x8x128xf32>
    tpu.vector_store %arg2[%swap3A_346, %swap3A_347, %swap3A_348, %swap3A_349, %swap3A_350], %swap3A_353 {strides = array<i32>} : memref<2x8x32x8x128xf32, #tpu.memory_space<vmem>>, vector<1x8x1x8x128xf32>,
    %reshape3A_354 = vector.shape_cast %concatenate3A_344 : vector<64x128xf32> to vector<8x8x128xf32>
    %swap3A_355 = arith.constant 0 : index
    %swap3A_356 = arith.constant 0 : index
    %swap3A_357 = arith.constant 27 : index
    %swap3A_358 = arith.constant 0 : index
    %swap3A_359 = arith.constant 0 : index
    %swap3A_360 = vector.load %arg2[%swap3A_355, %swap3A_356, %swap3A_357, %swap3A_358, %swap3A_359] : memref<2x8x32x8x128xf32, #tpu.memory_space<vmem>>, vector<1x8x1x8x128xf32>
    %swap3A_361 = vector.shape_cast %swap3A_360 : vector<1x8x1x8x128xf32> to vector<8x8x128xf32>
    %swap3A_362 = vector.shape_cast %reshape3A_354 : vector<8x8x128xf32> to vector<1x8x1x8x128xf32>
    tpu.vector_store %arg2[%swap3A_355, %swap3A_356, %swap3A_357, %swap3A_358, %swap3A_359], %swap3A_362 {strides = array<i32>} : memref<2x8x32x8x128xf32, #tpu.memory_space<vmem>>, vector<1x8x1x8x128xf32>,
    %slice3A_363 = vector.extract_strided_slice %reshape3A {offsets = [1792, 0], sizes = [128, 128], strides = [1, 1]} : vector<2048x128xf32> to vector<128x128xf32>
    %transpose3A_364 = tpu.transpose %slice3A_363, [1, 0] : vector<128x128xf32> -> vector<128x128xf32>
    %slice3A_365 = vector.extract_strided_slice %transpose3A_364 {offsets = [0, 0], sizes = [64, 64], strides = [1, 1]} : vector<128x128xf32> to vector<64x64xf32>
    %slice3A_366 = vector.extract_strided_slice %transpose3A_364 {offsets = [64, 0], sizes = [64, 64], strides = [1, 1]} : vector<128x128xf32> to vector<64x64xf32>
    %concatenate3A_367 = tpu.concatenate %slice3A_365, %slice3A_366 in 1 : vector<64x64xf32>, vector<64x64xf32> -> vector<64x128xf32>
    %slice3A_368 = vector.extract_strided_slice %transpose3A_364 {offsets = [0, 64], sizes = [64, 64], strides = [1, 1]} : vector<128x128xf32> to vector<64x64xf32>
    %slice3A_369 = vector.extract_strided_slice %transpose3A_364 {offsets = [64, 64], sizes = [64, 64], strides = [1, 1]} : vector<128x128xf32> to vector<64x64xf32>
    %concatenate3A_370 = tpu.concatenate %slice3A_368, %slice3A_369 in 1 : vector<64x64xf32>, vector<64x64xf32> -> vector<64x128xf32>
    %reshape3A_371 = vector.shape_cast %concatenate3A_367 : vector<64x128xf32> to vector<8x8x128xf32>
    %swap3A_372 = arith.constant 0 : index
    %swap3A_373 = arith.constant 0 : index
    %swap3A_374 = arith.constant 28 : index
    %swap3A_375 = arith.constant 0 : index
    %swap3A_376 = arith.constant 0 : index
    %swap3A_377 = vector.load %arg2[%swap3A_372, %swap3A_373, %swap3A_374, %swap3A_375, %swap3A_376] : memref<2x8x32x8x128xf32, #tpu.memory_space<vmem>>, vector<1x8x1x8x128xf32>
    %swap3A_378 = vector.shape_cast %swap3A_377 : vector<1x8x1x8x128xf32> to vector<8x8x128xf32>
    %swap3A_379 = vector.shape_cast %reshape3A_371 : vector<8x8x128xf32> to vector<1x8x1x8x128xf32>
    tpu.vector_store %arg2[%swap3A_372, %swap3A_373, %swap3A_374, %swap3A_375, %swap3A_376], %swap3A_379 {strides = array<i32>} : memref<2x8x32x8x128xf32, #tpu.memory_space<vmem>>, vector<1x8x1x8x128xf32>,
    %reshape3A_380 = vector.shape_cast %concatenate3A_370 : vector<64x128xf32> to vector<8x8x128xf32>
    %swap3A_381 = arith.constant 0 : index
    %swap3A_382 = arith.constant 0 : index
    %swap3A_383 = arith.constant 29 : index
    %swap3A_384 = arith.constant 0 : index
    %swap3A_385 = arith.constant 0 : index
    %swap3A_386 = vector.load %arg2[%swap3A_381, %swap3A_382, %swap3A_383, %swap3A_384, %swap3A_385] : memref<2x8x32x8x128xf32, #tpu.memory_space<vmem>>, vector<1x8x1x8x128xf32>
    %swap3A_387 = vector.shape_cast %swap3A_386 : vector<1x8x1x8x128xf32> to vector<8x8x128xf32>
    %swap3A_388 = vector.shape_cast %reshape3A_380 : vector<8x8x128xf32> to vector<1x8x1x8x128xf32>
    tpu.vector_store %arg2[%swap3A_381, %swap3A_382, %swap3A_383, %swap3A_384, %swap3A_385], %swap3A_388 {strides = array<i32>} : memref<2x8x32x8x128xf32, #tpu.memory_space<vmem>>, vector<1x8x1x8x128xf32>,
    %slice3A_389 = vector.extract_strided_slice %reshape3A {offsets = [1920, 0], sizes = [128, 128], strides = [1, 1]} : vector<2048x128xf32> to vector<128x128xf32>
    %transpose3A_390 = tpu.transpose %slice3A_389, [1, 0] : vector<128x128xf32> -> vector<128x128xf32>
    %slice3A_391 = vector.extract_strided_slice %transpose3A_390 {offsets = [0, 0], sizes = [64, 64], strides = [1, 1]} : vector<128x128xf32> to vector<64x64xf32>
    %slice3A_392 = vector.extract_strided_slice %transpose3A_390 {offsets = [64, 0], sizes = [64, 64], strides = [1, 1]} : vector<128x128xf32> to vector<64x64xf32>
    %concatenate3A_393 = tpu.concatenate %slice3A_391, %slice3A_392 in 1 : vector<64x64xf32>, vector<64x64xf32> -> vector<64x128xf32>
    %slice3A_394 = vector.extract_strided_slice %transpose3A_390 {offsets = [0, 64], sizes = [64, 64], strides = [1, 1]} : vector<128x128xf32> to vector<64x64xf32>
    %slice3A_395 = vector.extract_strided_slice %transpose3A_390 {offsets = [64, 64], sizes = [64, 64], strides = [1, 1]} : vector<128x128xf32> to vector<64x64xf32>
    %concatenate3A_396 = tpu.concatenate %slice3A_394, %slice3A_395 in 1 : vector<64x64xf32>, vector<64x64xf32> -> vector<64x128xf32>
    %reshape3A_397 = vector.shape_cast %concatenate3A_393 : vector<64x128xf32> to vector<8x8x128xf32>
    %swap3A_398 = arith.constant 0 : index
    %swap3A_399 = arith.constant 0 : index
    %swap3A_400 = arith.constant 30 : index
    %swap3A_401 = arith.constant 0 : index
    %swap3A_402 = arith.constant 0 : index
    %swap3A_403 = vector.load %arg2[%swap3A_398, %swap3A_399, %swap3A_400, %swap3A_401, %swap3A_402] : memref<2x8x32x8x128xf32, #tpu.memory_space<vmem>>, vector<1x8x1x8x128xf32>
    %swap3A_404 = vector.shape_cast %swap3A_403 : vector<1x8x1x8x128xf32> to vector<8x8x128xf32>
    %swap3A_405 = vector.shape_cast %reshape3A_397 : vector<8x8x128xf32> to vector<1x8x1x8x128xf32>
    tpu.vector_store %arg2[%swap3A_398, %swap3A_399, %swap3A_400, %swap3A_401, %swap3A_402], %swap3A_405 {strides = array<i32>} : memref<2x8x32x8x128xf32, #tpu.memory_space<vmem>>, vector<1x8x1x8x128xf32>,
    %reshape3A_406 = vector.shape_cast %concatenate3A_396 : vector<64x128xf32> to vector<8x8x128xf32>
    %swap3A_407 = arith.constant 0 : index
    %swap3A_408 = arith.constant 0 : index
    %swap3A_409 = arith.constant 31 : index
    %swap3A_410 = arith.constant 0 : index
    %swap3A_411 = arith.constant 0 : index
    %swap3A_412 = vector.load %arg2[%swap3A_407, %swap3A_408, %swap3A_409, %swap3A_410, %swap3A_411] : memref<2x8x32x8x128xf32, #tpu.memory_space<vmem>>, vector<1x8x1x8x128xf32>
    %swap3A_413 = vector.shape_cast %swap3A_412 : vector<1x8x1x8x128xf32> to vector<8x8x128xf32>
    %swap3A_414 = vector.shape_cast %reshape3A_406 : vector<8x8x128xf32> to vector<1x8x1x8x128xf32>
    tpu.vector_store %arg2[%swap3A_407, %swap3A_408, %swap3A_409, %swap3A_410, %swap3A_411], %swap3A_414 {strides = array<i32>} : memref<2x8x32x8x128xf32, #tpu.memory_space<vmem>>, vector<1x8x1x8x128xf32>,
    %get3A_415 = arith.constant 256 : index
    %get3A_416 = arith.constant 0 : index
    %get3A_417 = arith.constant 0 : index
    %get3A_418 = vector.load %arg1[%get3A_415, %get3A_416, %get3A_417] : memref<512x8x128xf32, #tpu.memory_space<vmem>>, vector<256x8x128xf32>
    %reshape3A_419 = vector.shape_cast %get3A_418 : vector<256x8x128xf32> to vector<2048x128xf32>
    %slice3A_420 = vector.extract_strided_slice %reshape3A_419 {offsets = [0, 0], sizes = [128, 128], strides = [1, 1]} : vector<2048x128xf32> to vector<128x128xf32>
    %transpose3A_421 = tpu.transpose %slice3A_420, [1, 0] : vector<128x128xf32> -> vector<128x128xf32>
    %slice3A_422 = vector.extract_strided_slice %transpose3A_421 {offsets = [0, 0], sizes = [64, 64], strides = [1, 1]} : vector<128x128xf32> to vector<64x64xf32>
    %slice3A_423 = vector.extract_strided_slice %transpose3A_421 {offsets = [64, 0], sizes = [64, 64], strides = [1, 1]} : vector<128x128xf32> to vector<64x64xf32>
    %concatenate3A_424 = tpu.concatenate %slice3A_422, %slice3A_423 in 1 : vector<64x64xf32>, vector<64x64xf32> -> vector<64x128xf32>
    %slice3A_425 = vector.extract_strided_slice %transpose3A_421 {offsets = [0, 64], sizes = [64, 64], strides = [1, 1]} : vector<128x128xf32> to vector<64x64xf32>
    %slice3A_426 = vector.extract_strided_slice %transpose3A_421 {offsets = [64, 64], sizes = [64, 64], strides = [1, 1]} : vector<128x128xf32> to vector<64x64xf32>
    %concatenate3A_427 = tpu.concatenate %slice3A_425, %slice3A_426 in 1 : vector<64x64xf32>, vector<64x64xf32> -> vector<64x128xf32>
    %reshape3A_428 = vector.shape_cast %concatenate3A_424 : vector<64x128xf32> to vector<8x8x128xf32>
    %swap3A_429 = arith.constant 1 : index
    %swap3A_430 = arith.constant 0 : index
    %swap3A_431 = arith.constant 0 : index
    %swap3A_432 = arith.constant 0 : index
    %swap3A_433 = arith.constant 0 : index
    %swap3A_434 = vector.load %arg2[%swap3A_429, %swap3A_430, %swap3A_431, %swap3A_432, %swap3A_433] : memref<2x8x32x8x128xf32, #tpu.memory_space<vmem>>, vector<1x8x1x8x128xf32>
    %swap3A_435 = vector.shape_cast %swap3A_434 : vector<1x8x1x8x128xf32> to vector<8x8x128xf32>
    %swap3A_436 = vector.shape_cast %reshape3A_428 : vector<8x8x128xf32> to vector<1x8x1x8x128xf32>
    tpu.vector_store %arg2[%swap3A_429, %swap3A_430, %swap3A_431, %swap3A_432, %swap3A_433], %swap3A_436 {strides = array<i32>} : memref<2x8x32x8x128xf32, #tpu.memory_space<vmem>>, vector<1x8x1x8x128xf32>,
    %reshape3A_437 = vector.shape_cast %concatenate3A_427 : vector<64x128xf32> to vector<8x8x128xf32>
    %swap3A_438 = arith.constant 1 : index
    %swap3A_439 = arith.constant 0 : index
    %swap3A_440 = arith.constant 1 : index
    %swap3A_441 = arith.constant 0 : index
    %swap3A_442 = arith.constant 0 : index
    %swap3A_443 = vector.load %arg2[%swap3A_438, %swap3A_439, %swap3A_440, %swap3A_441, %swap3A_442] : memref<2x8x32x8x128xf32, #tpu.memory_space<vmem>>, vector<1x8x1x8x128xf32>
    %swap3A_444 = vector.shape_cast %swap3A_443 : vector<1x8x1x8x128xf32> to vector<8x8x128xf32>
    %swap3A_445 = vector.shape_cast %reshape3A_437 : vector<8x8x128xf32> to vector<1x8x1x8x128xf32>
    tpu.vector_store %arg2[%swap3A_438, %swap3A_439, %swap3A_440, %swap3A_441, %swap3A_442], %swap3A_445 {strides = array<i32>} : memref<2x8x32x8x128xf32, #tpu.memory_space<vmem>>, vector<1x8x1x8x128xf32>,
    %slice3A_446 = vector.extract_strided_slice %reshape3A_419 {offsets = [128, 0], sizes = [128, 128], strides = [1, 1]} : vector<2048x128xf32> to vector<128x128xf32>
    %transpose3A_447 = tpu.transpose %slice3A_446, [1, 0] : vector<128x128xf32> -> vector<128x128xf32>
    %slice3A_448 = vector.extract_strided_slice %transpose3A_447 {offsets = [0, 0], sizes = [64, 64], strides = [1, 1]} : vector<128x128xf32> to vector<64x64xf32>
    %slice3A_449 = vector.extract_strided_slice %transpose3A_447 {offsets = [64, 0], sizes = [64, 64], strides = [1, 1]} : vector<128x128xf32> to vector<64x64xf32>
    %concatenate3A_450 = tpu.concatenate %slice3A_448, %slice3A_449 in 1 : vector<64x64xf32>, vector<64x64xf32> -> vector<64x128xf32>
    %slice3A_451 = vector.extract_strided_slice %transpose3A_447 {offsets = [0, 64], sizes = [64, 64], strides = [1, 1]} : vector<128x128xf32> to vector<64x64xf32>
    %slice3A_452 = vector.extract_strided_slice %transpose3A_447 {offsets = [64, 64], sizes = [64, 64], strides = [1, 1]} : vector<128x128xf32> to vector<64x64xf32>
    %concatenate3A_453 = tpu.concatenate %slice3A_451, %slice3A_452 in 1 : vector<64x64xf32>, vector<64x64xf32> -> vector<64x128xf32>
    %reshape3A_454 = vector.shape_cast %concatenate3A_450 : vector<64x128xf32> to vector<8x8x128xf32>
    %swap3A_455 = arith.constant 1 : index
    %swap3A_456 = arith.constant 0 : index
    %swap3A_457 = arith.constant 2 : index
    %swap3A_458 = arith.constant 0 : index
    %swap3A_459 = arith.constant 0 : index
    %swap3A_460 = vector.load %arg2[%swap3A_455, %swap3A_456, %swap3A_457, %swap3A_458, %swap3A_459] : memref<2x8x32x8x128xf32, #tpu.memory_space<vmem>>, vector<1x8x1x8x128xf32>
    %swap3A_461 = vector.shape_cast %swap3A_460 : vector<1x8x1x8x128xf32> to vector<8x8x128xf32>
    %swap3A_462 = vector.shape_cast %reshape3A_454 : vector<8x8x128xf32> to vector<1x8x1x8x128xf32>
    tpu.vector_store %arg2[%swap3A_455, %swap3A_456, %swap3A_457, %swap3A_458, %swap3A_459], %swap3A_462 {strides = array<i32>} : memref<2x8x32x8x128xf32, #tpu.memory_space<vmem>>, vector<1x8x1x8x128xf32>,
    %reshape3A_463 = vector.shape_cast %concatenate3A_453 : vector<64x128xf32> to vector<8x8x128xf32>
    %swap3A_464 = arith.constant 1 : index
    %swap3A_465 = arith.constant 0 : index
    %swap3A_466 = arith.constant 3 : index
    %swap3A_467 = arith.constant 0 : index
    %swap3A_468 = arith.constant 0 : index
    %swap3A_469 = vector.load %arg2[%swap3A_464, %swap3A_465, %swap3A_466, %swap3A_467, %swap3A_468] : memref<2x8x32x8x128xf32, #tpu.memory_space<vmem>>, vector<1x8x1x8x128xf32>
    %swap3A_470 = vector.shape_cast %swap3A_469 : vector<1x8x1x8x128xf32> to vector<8x8x128xf32>
    %swap3A_471 = vector.shape_cast %reshape3A_463 : vector<8x8x128xf32> to vector<1x8x1x8x128xf32>
    tpu.vector_store %arg2[%swap3A_464, %swap3A_465, %swap3A_466, %swap3A_467, %swap3A_468], %swap3A_471 {strides = array<i32>} : memref<2x8x32x8x128xf32, #tpu.memory_space<vmem>>, vector<1x8x1x8x128xf32>,
    %slice3A_472 = vector.extract_strided_slice %reshape3A_419 {offsets = [256, 0], sizes = [128, 128], strides = [1, 1]} : vector<2048x128xf32> to vector<128x128xf32>
    %transpose3A_473 = tpu.transpose %slice3A_472, [1, 0] : vector<128x128xf32> -> vector<128x128xf32>
    %slice3A_474 = vector.extract_strided_slice %transpose3A_473 {offsets = [0, 0], sizes = [64, 64], strides = [1, 1]} : vector<128x128xf32> to vector<64x64xf32>
    %slice3A_475 = vector.extract_strided_slice %transpose3A_473 {offsets = [64, 0], sizes = [64, 64], strides = [1, 1]} : vector<128x128xf32> to vector<64x64xf32>
    %concatenate3A_476 = tpu.concatenate %slice3A_474, %slice3A_475 in 1 : vector<64x64xf32>, vector<64x64xf32> -> vector<64x128xf32>
    %slice3A_477 = vector.extract_strided_slice %transpose3A_473 {offsets = [0, 64], sizes = [64, 64], strides = [1, 1]} : vector<128x128xf32> to vector<64x64xf32>
    %slice3A_478 = vector.extract_strided_slice %transpose3A_473 {offsets = [64, 64], sizes = [64, 64], strides = [1, 1]} : vector<128x128xf32> to vector<64x64xf32>
    %concatenate3A_479 = tpu.concatenate %slice3A_477, %slice3A_478 in 1 : vector<64x64xf32>, vector<64x64xf32> -> vector<64x128xf32>
    %reshape3A_480 = vector.shape_cast %concatenate3A_476 : vector<64x128xf32> to vector<8x8x128xf32>
    %swap3A_481 = arith.constant 1 : index
    %swap3A_482 = arith.constant 0 : index
    %swap3A_483 = arith.constant 4 : index
    %swap3A_484 = arith.constant 0 : index
    %swap3A_485 = arith.constant 0 : index
    %swap3A_486 = vector.load %arg2[%swap3A_481, %swap3A_482, %swap3A_483, %swap3A_484, %swap3A_485] : memref<2x8x32x8x128xf32, #tpu.memory_space<vmem>>, vector<1x8x1x8x128xf32>
    %swap3A_487 = vector.shape_cast %swap3A_486 : vector<1x8x1x8x128xf32> to vector<8x8x128xf32>
    %swap3A_488 = vector.shape_cast %reshape3A_480 : vector<8x8x128xf32> to vector<1x8x1x8x128xf32>
    tpu.vector_store %arg2[%swap3A_481, %swap3A_482, %swap3A_483, %swap3A_484, %swap3A_485], %swap3A_488 {strides = array<i32>} : memref<2x8x32x8x128xf32, #tpu.memory_space<vmem>>, vector<1x8x1x8x128xf32>,
    %reshape3A_489 = vector.shape_cast %concatenate3A_479 : vector<64x128xf32> to vector<8x8x128xf32>
    %swap3A_490 = arith.constant 1 : index
    %swap3A_491 = arith.constant 0 : index
    %swap3A_492 = arith.constant 5 : index
    %swap3A_493 = arith.constant 0 : index
    %swap3A_494 = arith.constant 0 : index
    %swap3A_495 = vector.load %arg2[%swap3A_490, %swap3A_491, %swap3A_492, %swap3A_493, %swap3A_494] : memref<2x8x32x8x128xf32, #tpu.memory_space<vmem>>, vector<1x8x1x8x128xf32>
    %swap3A_496 = vector.shape_cast %swap3A_495 : vector<1x8x1x8x128xf32> to vector<8x8x128xf32>
    %swap3A_497 = vector.shape_cast %reshape3A_489 : vector<8x8x128xf32> to vector<1x8x1x8x128xf32>
    tpu.vector_store %arg2[%swap3A_490, %swap3A_491, %swap3A_492, %swap3A_493, %swap3A_494], %swap3A_497 {strides = array<i32>} : memref<2x8x32x8x128xf32, #tpu.memory_space<vmem>>, vector<1x8x1x8x128xf32>,
    %slice3A_498 = vector.extract_strided_slice %reshape3A_419 {offsets = [384, 0], sizes = [128, 128], strides = [1, 1]} : vector<2048x128xf32> to vector<128x128xf32>
    %transpose3A_499 = tpu.transpose %slice3A_498, [1, 0] : vector<128x128xf32> -> vector<128x128xf32>
    %slice3A_500 = vector.extract_strided_slice %transpose3A_499 {offsets = [0, 0], sizes = [64, 64], strides = [1, 1]} : vector<128x128xf32> to vector<64x64xf32>
    %slice3A_501 = vector.extract_strided_slice %transpose3A_499 {offsets = [64, 0], sizes = [64, 64], strides = [1, 1]} : vector<128x128xf32> to vector<64x64xf32>
    %concatenate3A_502 = tpu.concatenate %slice3A_500, %slice3A_501 in 1 : vector<64x64xf32>, vector<64x64xf32> -> vector<64x128xf32>
    %slice3A_503 = vector.extract_strided_slice %transpose3A_499 {offsets = [0, 64], sizes = [64, 64], strides = [1, 1]} : vector<128x128xf32> to vector<64x64xf32>
    %slice3A_504 = vector.extract_strided_slice %transpose3A_499 {offsets = [64, 64], sizes = [64, 64], strides = [1, 1]} : vector<128x128xf32> to vector<64x64xf32>
    %concatenate3A_505 = tpu.concatenate %slice3A_503, %slice3A_504 in 1 : vector<64x64xf32>, vector<64x64xf32> -> vector<64x128xf32>
    %reshape3A_506 = vector.shape_cast %concatenate3A_502 : vector<64x128xf32> to vector<8x8x128xf32>
    %swap3A_507 = arith.constant 1 : index
    %swap3A_508 = arith.constant 0 : index
    %swap3A_509 = arith.constant 6 : index
    %swap3A_510 = arith.constant 0 : index
    %swap3A_511 = arith.constant 0 : index
    %swap3A_512 = vector.load %arg2[%swap3A_507, %swap3A_508, %swap3A_509, %swap3A_510, %swap3A_511] : memref<2x8x32x8x128xf32, #tpu.memory_space<vmem>>, vector<1x8x1x8x128xf32>
    %swap3A_513 = vector.shape_cast %swap3A_512 : vector<1x8x1x8x128xf32> to vector<8x8x128xf32>
    %swap3A_514 = vector.shape_cast %reshape3A_506 : vector<8x8x128xf32> to vector<1x8x1x8x128xf32>
    tpu.vector_store %arg2[%swap3A_507, %swap3A_508, %swap3A_509, %swap3A_510, %swap3A_511], %swap3A_514 {strides = array<i32>} : memref<2x8x32x8x128xf32, #tpu.memory_space<vmem>>, vector<1x8x1x8x128xf32>,
    %reshape3A_515 = vector.shape_cast %concatenate3A_505 : vector<64x128xf32> to vector<8x8x128xf32>
    %swap3A_516 = arith.constant 1 : index
    %swap3A_517 = arith.constant 0 : index
    %swap3A_518 = arith.constant 7 : index
    %swap3A_519 = arith.constant 0 : index
    %swap3A_520 = arith.constant 0 : index
    %swap3A_521 = vector.load %arg2[%swap3A_516, %swap3A_517, %swap3A_518, %swap3A_519, %swap3A_520] : memref<2x8x32x8x128xf32, #tpu.memory_space<vmem>>, vector<1x8x1x8x128xf32>
    %swap3A_522 = vector.shape_cast %swap3A_521 : vector<1x8x1x8x128xf32> to vector<8x8x128xf32>
    %swap3A_523 = vector.shape_cast %reshape3A_515 : vector<8x8x128xf32> to vector<1x8x1x8x128xf32>
    tpu.vector_store %arg2[%swap3A_516, %swap3A_517, %swap3A_518, %swap3A_519, %swap3A_520], %swap3A_523 {strides = array<i32>} : memref<2x8x32x8x128xf32, #tpu.memory_space<vmem>>, vector<1x8x1x8x128xf32>,
    %slice3A_524 = vector.extract_strided_slice %reshape3A_419 {offsets = [512, 0], sizes = [128, 128], strides = [1, 1]} : vector<2048x128xf32> to vector<128x128xf32>
    %transpose3A_525 = tpu.transpose %slice3A_524, [1, 0] : vector<128x128xf32> -> vector<128x128xf32>
    %slice3A_526 = vector.extract_strided_slice %transpose3A_525 {offsets = [0, 0], sizes = [64, 64], strides = [1, 1]} : vector<128x128xf32> to vector<64x64xf32>
    %slice3A_527 = vector.extract_strided_slice %transpose3A_525 {offsets = [64, 0], sizes = [64, 64], strides = [1, 1]} : vector<128x128xf32> to vector<64x64xf32>
    %concatenate3A_528 = tpu.concatenate %slice3A_526, %slice3A_527 in 1 : vector<64x64xf32>, vector<64x64xf32> -> vector<64x128xf32>
    %slice3A_529 = vector.extract_strided_slice %transpose3A_525 {offsets = [0, 64], sizes = [64, 64], strides = [1, 1]} : vector<128x128xf32> to vector<64x64xf32>
    %slice3A_530 = vector.extract_strided_slice %transpose3A_525 {offsets = [64, 64], sizes = [64, 64], strides = [1, 1]} : vector<128x128xf32> to vector<64x64xf32>
    %concatenate3A_531 = tpu.concatenate %slice3A_529, %slice3A_530 in 1 : vector<64x64xf32>, vector<64x64xf32> -> vector<64x128xf32>
    %reshape3A_532 = vector.shape_cast %concatenate3A_528 : vector<64x128xf32> to vector<8x8x128xf32>
    %swap3A_533 = arith.constant 1 : index
    %swap3A_534 = arith.constant 0 : index
    %swap3A_535 = arith.constant 8 : index
    %swap3A_536 = arith.constant 0 : index
    %swap3A_537 = arith.constant 0 : index
    %swap3A_538 = vector.load %arg2[%swap3A_533, %swap3A_534, %swap3A_535, %swap3A_536, %swap3A_537] : memref<2x8x32x8x128xf32, #tpu.memory_space<vmem>>, vector<1x8x1x8x128xf32>
    %swap3A_539 = vector.shape_cast %swap3A_538 : vector<1x8x1x8x128xf32> to vector<8x8x128xf32>
    %swap3A_540 = vector.shape_cast %reshape3A_532 : vector<8x8x128xf32> to vector<1x8x1x8x128xf32>
    tpu.vector_store %arg2[%swap3A_533, %swap3A_534, %swap3A_535, %swap3A_536, %swap3A_537], %swap3A_540 {strides = array<i32>} : memref<2x8x32x8x128xf32, #tpu.memory_space<vmem>>, vector<1x8x1x8x128xf32>,
    %reshape3A_541 = vector.shape_cast %concatenate3A_531 : vector<64x128xf32> to vector<8x8x128xf32>
    %swap3A_542 = arith.constant 1 : index
    %swap3A_543 = arith.constant 0 : index
    %swap3A_544 = arith.constant 9 : index
    %swap3A_545 = arith.constant 0 : index
    %swap3A_546 = arith.constant 0 : index
    %swap3A_547 = vector.load %arg2[%swap3A_542, %swap3A_543, %swap3A_544, %swap3A_545, %swap3A_546] : memref<2x8x32x8x128xf32, #tpu.memory_space<vmem>>, vector<1x8x1x8x128xf32>
    %swap3A_548 = vector.shape_cast %swap3A_547 : vector<1x8x1x8x128xf32> to vector<8x8x128xf32>
    %swap3A_549 = vector.shape_cast %reshape3A_541 : vector<8x8x128xf32> to vector<1x8x1x8x128xf32>
    tpu.vector_store %arg2[%swap3A_542, %swap3A_543, %swap3A_544, %swap3A_545, %swap3A_546], %swap3A_549 {strides = array<i32>} : memref<2x8x32x8x128xf32, #tpu.memory_space<vmem>>, vector<1x8x1x8x128xf32>,
    %slice3A_550 = vector.extract_strided_slice %reshape3A_419 {offsets = [640, 0], sizes = [128, 128], strides = [1, 1]} : vector<2048x128xf32> to vector<128x128xf32>
    %transpose3A_551 = tpu.transpose %slice3A_550, [1, 0] : vector<128x128xf32> -> vector<128x128xf32>
    %slice3A_552 = vector.extract_strided_slice %transpose3A_551 {offsets = [0, 0], sizes = [64, 64], strides = [1, 1]} : vector<128x128xf32> to vector<64x64xf32>
    %slice3A_553 = vector.extract_strided_slice %transpose3A_551 {offsets = [64, 0], sizes = [64, 64], strides = [1, 1]} : vector<128x128xf32> to vector<64x64xf32>
    %concatenate3A_554 = tpu.concatenate %slice3A_552, %slice3A_553 in 1 : vector<64x64xf32>, vector<64x64xf32> -> vector<64x128xf32>
    %slice3A_555 = vector.extract_strided_slice %transpose3A_551 {offsets = [0, 64], sizes = [64, 64], strides = [1, 1]} : vector<128x128xf32> to vector<64x64xf32>
    %slice3A_556 = vector.extract_strided_slice %transpose3A_551 {offsets = [64, 64], sizes = [64, 64], strides = [1, 1]} : vector<128x128xf32> to vector<64x64xf32>
    %concatenate3A_557 = tpu.concatenate %slice3A_555, %slice3A_556 in 1 : vector<64x64xf32>, vector<64x64xf32> -> vector<64x128xf32>
    %reshape3A_558 = vector.shape_cast %concatenate3A_554 : vector<64x128xf32> to vector<8x8x128xf32>
    %swap3A_559 = arith.constant 1 : index
    %swap3A_560 = arith.constant 0 : index
    %swap3A_561 = arith.constant 10 : index
    %swap3A_562 = arith.constant 0 : index
    %swap3A_563 = arith.constant 0 : index
    %swap3A_564 = vector.load %arg2[%swap3A_559, %swap3A_560, %swap3A_561, %swap3A_562, %swap3A_563] : memref<2x8x32x8x128xf32, #tpu.memory_space<vmem>>, vector<1x8x1x8x128xf32>
    %swap3A_565 = vector.shape_cast %swap3A_564 : vector<1x8x1x8x128xf32> to vector<8x8x128xf32>
    %swap3A_566 = vector.shape_cast %reshape3A_558 : vector<8x8x128xf32> to vector<1x8x1x8x128xf32>
    tpu.vector_store %arg2[%swap3A_559, %swap3A_560, %swap3A_561, %swap3A_562, %swap3A_563], %swap3A_566 {strides = array<i32>} : memref<2x8x32x8x128xf32, #tpu.memory_space<vmem>>, vector<1x8x1x8x128xf32>,
    %reshape3A_567 = vector.shape_cast %concatenate3A_557 : vector<64x128xf32> to vector<8x8x128xf32>
    %swap3A_568 = arith.constant 1 : index
    %swap3A_569 = arith.constant 0 : index
    %swap3A_570 = arith.constant 11 : index
    %swap3A_571 = arith.constant 0 : index
    %swap3A_572 = arith.constant 0 : index
    %swap3A_573 = vector.load %arg2[%swap3A_568, %swap3A_569, %swap3A_570, %swap3A_571, %swap3A_572] : memref<2x8x32x8x128xf32, #tpu.memory_space<vmem>>, vector<1x8x1x8x128xf32>
    %swap3A_574 = vector.shape_cast %swap3A_573 : vector<1x8x1x8x128xf32> to vector<8x8x128xf32>
    %swap3A_575 = vector.shape_cast %reshape3A_567 : vector<8x8x128xf32> to vector<1x8x1x8x128xf32>
    tpu.vector_store %arg2[%swap3A_568, %swap3A_569, %swap3A_570, %swap3A_571, %swap3A_572], %swap3A_575 {strides = array<i32>} : memref<2x8x32x8x128xf32, #tpu.memory_space<vmem>>, vector<1x8x1x8x128xf32>,
    %slice3A_576 = vector.extract_strided_slice %reshape3A_419 {offsets = [768, 0], sizes = [128, 128], strides = [1, 1]} : vector<2048x128xf32> to vector<128x128xf32>
    %transpose3A_577 = tpu.transpose %slice3A_576, [1, 0] : vector<128x128xf32> -> vector<128x128xf32>
    %slice3A_578 = vector.extract_strided_slice %transpose3A_577 {offsets = [0, 0], sizes = [64, 64], strides = [1, 1]} : vector<128x128xf32> to vector<64x64xf32>
    %slice3A_579 = vector.extract_strided_slice %transpose3A_577 {offsets = [64, 0], sizes = [64, 64], strides = [1, 1]} : vector<128x128xf32> to vector<64x64xf32>
    %concatenate3A_580 = tpu.concatenate %slice3A_578, %slice3A_579 in 1 : vector<64x64xf32>, vector<64x64xf32> -> vector<64x128xf32>
    %slice3A_581 = vector.extract_strided_slice %transpose3A_577 {offsets = [0, 64], sizes = [64, 64], strides = [1, 1]} : vector<128x128xf32> to vector<64x64xf32>
    %slice3A_582 = vector.extract_strided_slice %transpose3A_577 {offsets = [64, 64], sizes = [64, 64], strides = [1, 1]} : vector<128x128xf32> to vector<64x64xf32>
    %concatenate3A_583 = tpu.concatenate %slice3A_581, %slice3A_582 in 1 : vector<64x64xf32>, vector<64x64xf32> -> vector<64x128xf32>
    %reshape3A_584 = vector.shape_cast %concatenate3A_580 : vector<64x128xf32> to vector<8x8x128xf32>
    %swap3A_585 = arith.constant 1 : index
    %swap3A_586 = arith.constant 0 : index
    %swap3A_587 = arith.constant 12 : index
    %swap3A_588 = arith.constant 0 : index
    %swap3A_589 = arith.constant 0 : index
    %swap3A_590 = vector.load %arg2[%swap3A_585, %swap3A_586, %swap3A_587, %swap3A_588, %swap3A_589] : memref<2x8x32x8x128xf32, #tpu.memory_space<vmem>>, vector<1x8x1x8x128xf32>
    %swap3A_591 = vector.shape_cast %swap3A_590 : vector<1x8x1x8x128xf32> to vector<8x8x128xf32>
    %swap3A_592 = vector.shape_cast %reshape3A_584 : vector<8x8x128xf32> to vector<1x8x1x8x128xf32>
    tpu.vector_store %arg2[%swap3A_585, %swap3A_586, %swap3A_587, %swap3A_588, %swap3A_589], %swap3A_592 {strides = array<i32>} : memref<2x8x32x8x128xf32, #tpu.memory_space<vmem>>, vector<1x8x1x8x128xf32>,
    %reshape3A_593 = vector.shape_cast %concatenate3A_583 : vector<64x128xf32> to vector<8x8x128xf32>
    %swap3A_594 = arith.constant 1 : index
    %swap3A_595 = arith.constant 0 : index
    %swap3A_596 = arith.constant 13 : index
    %swap3A_597 = arith.constant 0 : index
    %swap3A_598 = arith.constant 0 : index
    %swap3A_599 = vector.load %arg2[%swap3A_594, %swap3A_595, %swap3A_596, %swap3A_597, %swap3A_598] : memref<2x8x32x8x128xf32, #tpu.memory_space<vmem>>, vector<1x8x1x8x128xf32>
    %swap3A_600 = vector.shape_cast %swap3A_599 : vector<1x8x1x8x128xf32> to vector<8x8x128xf32>
    %swap3A_601 = vector.shape_cast %reshape3A_593 : vector<8x8x128xf32> to vector<1x8x1x8x128xf32>
    tpu.vector_store %arg2[%swap3A_594, %swap3A_595, %swap3A_596, %swap3A_597, %swap3A_598], %swap3A_601 {strides = array<i32>} : memref<2x8x32x8x128xf32, #tpu.memory_space<vmem>>, vector<1x8x1x8x128xf32>,
    %slice3A_602 = vector.extract_strided_slice %reshape3A_419 {offsets = [896, 0], sizes = [128, 128], strides = [1, 1]} : vector<2048x128xf32> to vector<128x128xf32>
    %transpose3A_603 = tpu.transpose %slice3A_602, [1, 0] : vector<128x128xf32> -> vector<128x128xf32>
    %slice3A_604 = vector.extract_strided_slice %transpose3A_603 {offsets = [0, 0], sizes = [64, 64], strides = [1, 1]} : vector<128x128xf32> to vector<64x64xf32>
    %slice3A_605 = vector.extract_strided_slice %transpose3A_603 {offsets = [64, 0], sizes = [64, 64], strides = [1, 1]} : vector<128x128xf32> to vector<64x64xf32>
    %concatenate3A_606 = tpu.concatenate %slice3A_604, %slice3A_605 in 1 : vector<64x64xf32>, vector<64x64xf32> -> vector<64x128xf32>
    %slice3A_607 = vector.extract_strided_slice %transpose3A_603 {offsets = [0, 64], sizes = [64, 64], strides = [1, 1]} : vector<128x128xf32> to vector<64x64xf32>
    %slice3A_608 = vector.extract_strided_slice %transpose3A_603 {offsets = [64, 64], sizes = [64, 64], strides = [1, 1]} : vector<128x128xf32> to vector<64x64xf32>
    %concatenate3A_609 = tpu.concatenate %slice3A_607, %slice3A_608 in 1 : vector<64x64xf32>, vector<64x64xf32> -> vector<64x128xf32>
    %reshape3A_610 = vector.shape_cast %concatenate3A_606 : vector<64x128xf32> to vector<8x8x128xf32>
    %swap3A_611 = arith.constant 1 : index
    %swap3A_612 = arith.constant 0 : index
    %swap3A_613 = arith.constant 14 : index
    %swap3A_614 = arith.constant 0 : index
    %swap3A_615 = arith.constant 0 : index
    %swap3A_616 = vector.load %arg2[%swap3A_611, %swap3A_612, %swap3A_613, %swap3A_614, %swap3A_615] : memref<2x8x32x8x128xf32, #tpu.memory_space<vmem>>, vector<1x8x1x8x128xf32>
    %swap3A_617 = vector.shape_cast %swap3A_616 : vector<1x8x1x8x128xf32> to vector<8x8x128xf32>
    %swap3A_618 = vector.shape_cast %reshape3A_610 : vector<8x8x128xf32> to vector<1x8x1x8x128xf32>
    tpu.vector_store %arg2[%swap3A_611, %swap3A_612, %swap3A_613, %swap3A_614, %swap3A_615], %swap3A_618 {strides = array<i32>} : memref<2x8x32x8x128xf32, #tpu.memory_space<vmem>>, vector<1x8x1x8x128xf32>,
    %reshape3A_619 = vector.shape_cast %concatenate3A_609 : vector<64x128xf32> to vector<8x8x128xf32>
    %swap3A_620 = arith.constant 1 : index
    %swap3A_621 = arith.constant 0 : index
    %swap3A_622 = arith.constant 15 : index
    %swap3A_623 = arith.constant 0 : index
    %swap3A_624 = arith.constant 0 : index
    %swap3A_625 = vector.load %arg2[%swap3A_620, %swap3A_621, %swap3A_622, %swap3A_623, %swap3A_624] : memref<2x8x32x8x128xf32, #tpu.memory_space<vmem>>, vector<1x8x1x8x128xf32>
    %swap3A_626 = vector.shape_cast %swap3A_625 : vector<1x8x1x8x128xf32> to vector<8x8x128xf32>
    %swap3A_627 = vector.shape_cast %reshape3A_619 : vector<8x8x128xf32> to vector<1x8x1x8x128xf32>
    tpu.vector_store %arg2[%swap3A_620, %swap3A_621, %swap3A_622, %swap3A_623, %swap3A_624], %swap3A_627 {strides = array<i32>} : memref<2x8x32x8x128xf32, #tpu.memory_space<vmem>>, vector<1x8x1x8x128xf32>,
    %slice3A_628 = vector.extract_strided_slice %reshape3A_419 {offsets = [1024, 0], sizes = [128, 128], strides = [1, 1]} : vector<2048x128xf32> to vector<128x128xf32>
    %transpose3A_629 = tpu.transpose %slice3A_628, [1, 0] : vector<128x128xf32> -> vector<128x128xf32>
    %slice3A_630 = vector.extract_strided_slice %transpose3A_629 {offsets = [0, 0], sizes = [64, 64], strides = [1, 1]} : vector<128x128xf32> to vector<64x64xf32>
    %slice3A_631 = vector.extract_strided_slice %transpose3A_629 {offsets = [64, 0], sizes = [64, 64], strides = [1, 1]} : vector<128x128xf32> to vector<64x64xf32>
    %concatenate3A_632 = tpu.concatenate %slice3A_630, %slice3A_631 in 1 : vector<64x64xf32>, vector<64x64xf32> -> vector<64x128xf32>
    %slice3A_633 = vector.extract_strided_slice %transpose3A_629 {offsets = [0, 64], sizes = [64, 64], strides = [1, 1]} : vector<128x128xf32> to vector<64x64xf32>
    %slice3A_634 = vector.extract_strided_slice %transpose3A_629 {offsets = [64, 64], sizes = [64, 64], strides = [1, 1]} : vector<128x128xf32> to vector<64x64xf32>
    %concatenate3A_635 = tpu.concatenate %slice3A_633, %slice3A_634 in 1 : vector<64x64xf32>, vector<64x64xf32> -> vector<64x128xf32>
    %reshape3A_636 = vector.shape_cast %concatenate3A_632 : vector<64x128xf32> to vector<8x8x128xf32>
    %swap3A_637 = arith.constant 1 : index
    %swap3A_638 = arith.constant 0 : index
    %swap3A_639 = arith.constant 16 : index
    %swap3A_640 = arith.constant 0 : index
    %swap3A_641 = arith.constant 0 : index
    %swap3A_642 = vector.load %arg2[%swap3A_637, %swap3A_638, %swap3A_639, %swap3A_640, %swap3A_641] : memref<2x8x32x8x128xf32, #tpu.memory_space<vmem>>, vector<1x8x1x8x128xf32>
    %swap3A_643 = vector.shape_cast %swap3A_642 : vector<1x8x1x8x128xf32> to vector<8x8x128xf32>
    %swap3A_644 = vector.shape_cast %reshape3A_636 : vector<8x8x128xf32> to vector<1x8x1x8x128xf32>
    tpu.vector_store %arg2[%swap3A_637, %swap3A_638, %swap3A_639, %swap3A_640, %swap3A_641], %swap3A_644 {strides = array<i32>} : memref<2x8x32x8x128xf32, #tpu.memory_space<vmem>>, vector<1x8x1x8x128xf32>,
    %reshape3A_645 = vector.shape_cast %concatenate3A_635 : vector<64x128xf32> to vector<8x8x128xf32>
    %swap3A_646 = arith.constant 1 : index
    %swap3A_647 = arith.constant 0 : index
    %swap3A_648 = arith.constant 17 : index
    %swap3A_649 = arith.constant 0 : index
    %swap3A_650 = arith.constant 0 : index
    %swap3A_651 = vector.load %arg2[%swap3A_646, %swap3A_647, %swap3A_648, %swap3A_649, %swap3A_650] : memref<2x8x32x8x128xf32, #tpu.memory_space<vmem>>, vector<1x8x1x8x128xf32>
    %swap3A_652 = vector.shape_cast %swap3A_651 : vector<1x8x1x8x128xf32> to vector<8x8x128xf32>
    %swap3A_653 = vector.shape_cast %reshape3A_645 : vector<8x8x128xf32> to vector<1x8x1x8x128xf32>
    tpu.vector_store %arg2[%swap3A_646, %swap3A_647, %swap3A_648, %swap3A_649, %swap3A_650], %swap3A_653 {strides = array<i32>} : memref<2x8x32x8x128xf32, #tpu.memory_space<vmem>>, vector<1x8x1x8x128xf32>,
    %slice3A_654 = vector.extract_strided_slice %reshape3A_419 {offsets = [1152, 0], sizes = [128, 128], strides = [1, 1]} : vector<2048x128xf32> to vector<128x128xf32>
    %transpose3A_655 = tpu.transpose %slice3A_654, [1, 0] : vector<128x128xf32> -> vector<128x128xf32>
    %slice3A_656 = vector.extract_strided_slice %transpose3A_655 {offsets = [0, 0], sizes = [64, 64], strides = [1, 1]} : vector<128x128xf32> to vector<64x64xf32>
    %slice3A_657 = vector.extract_strided_slice %transpose3A_655 {offsets = [64, 0], sizes = [64, 64], strides = [1, 1]} : vector<128x128xf32> to vector<64x64xf32>
    %concatenate3A_658 = tpu.concatenate %slice3A_656, %slice3A_657 in 1 : vector<64x64xf32>, vector<64x64xf32> -> vector<64x128xf32>
    %slice3A_659 = vector.extract_strided_slice %transpose3A_655 {offsets = [0, 64], sizes = [64, 64], strides = [1, 1]} : vector<128x128xf32> to vector<64x64xf32>
    %slice3A_660 = vector.extract_strided_slice %transpose3A_655 {offsets = [64, 64], sizes = [64, 64], strides = [1, 1]} : vector<128x128xf32> to vector<64x64xf32>
    %concatenate3A_661 = tpu.concatenate %slice3A_659, %slice3A_660 in 1 : vector<64x64xf32>, vector<64x64xf32> -> vector<64x128xf32>
    %reshape3A_662 = vector.shape_cast %concatenate3A_658 : vector<64x128xf32> to vector<8x8x128xf32>
    %swap3A_663 = arith.constant 1 : index
    %swap3A_664 = arith.constant 0 : index
    %swap3A_665 = arith.constant 18 : index
    %swap3A_666 = arith.constant 0 : index
    %swap3A_667 = arith.constant 0 : index
    %swap3A_668 = vector.load %arg2[%swap3A_663, %swap3A_664, %swap3A_665, %swap3A_666, %swap3A_667] : memref<2x8x32x8x128xf32, #tpu.memory_space<vmem>>, vector<1x8x1x8x128xf32>
    %swap3A_669 = vector.shape_cast %swap3A_668 : vector<1x8x1x8x128xf32> to vector<8x8x128xf32>
    %swap3A_670 = vector.shape_cast %reshape3A_662 : vector<8x8x128xf32> to vector<1x8x1x8x128xf32>
    tpu.vector_store %arg2[%swap3A_663, %swap3A_664, %swap3A_665, %swap3A_666, %swap3A_667], %swap3A_670 {strides = array<i32>} : memref<2x8x32x8x128xf32, #tpu.memory_space<vmem>>, vector<1x8x1x8x128xf32>,
    %reshape3A_671 = vector.shape_cast %concatenate3A_661 : vector<64x128xf32> to vector<8x8x128xf32>
    %swap3A_672 = arith.constant 1 : index
    %swap3A_673 = arith.constant 0 : index
    %swap3A_674 = arith.constant 19 : index
    %swap3A_675 = arith.constant 0 : index
    %swap3A_676 = arith.constant 0 : index
    %swap3A_677 = vector.load %arg2[%swap3A_672, %swap3A_673, %swap3A_674, %swap3A_675, %swap3A_676] : memref<2x8x32x8x128xf32, #tpu.memory_space<vmem>>, vector<1x8x1x8x128xf32>
    %swap3A_678 = vector.shape_cast %swap3A_677 : vector<1x8x1x8x128xf32> to vector<8x8x128xf32>
    %swap3A_679 = vector.shape_cast %reshape3A_671 : vector<8x8x128xf32> to vector<1x8x1x8x128xf32>
    tpu.vector_store %arg2[%swap3A_672, %swap3A_673, %swap3A_674, %swap3A_675, %swap3A_676], %swap3A_679 {strides = array<i32>} : memref<2x8x32x8x128xf32, #tpu.memory_space<vmem>>, vector<1x8x1x8x128xf32>,
    %slice3A_680 = vector.extract_strided_slice %reshape3A_419 {offsets = [1280, 0], sizes = [128, 128], strides = [1, 1]} : vector<2048x128xf32> to vector<128x128xf32>
    %transpose3A_681 = tpu.transpose %slice3A_680, [1, 0] : vector<128x128xf32> -> vector<128x128xf32>
    %slice3A_682 = vector.extract_strided_slice %transpose3A_681 {offsets = [0, 0], sizes = [64, 64], strides = [1, 1]} : vector<128x128xf32> to vector<64x64xf32>
    %slice3A_683 = vector.extract_strided_slice %transpose3A_681 {offsets = [64, 0], sizes = [64, 64], strides = [1, 1]} : vector<128x128xf32> to vector<64x64xf32>
    %concatenate3A_684 = tpu.concatenate %slice3A_682, %slice3A_683 in 1 : vector<64x64xf32>, vector<64x64xf32> -> vector<64x128xf32>
    %slice3A_685 = vector.extract_strided_slice %transpose3A_681 {offsets = [0, 64], sizes = [64, 64], strides = [1, 1]} : vector<128x128xf32> to vector<64x64xf32>
    %slice3A_686 = vector.extract_strided_slice %transpose3A_681 {offsets = [64, 64], sizes = [64, 64], strides = [1, 1]} : vector<128x128xf32> to vector<64x64xf32>
    %concatenate3A_687 = tpu.concatenate %slice3A_685, %slice3A_686 in 1 : vector<64x64xf32>, vector<64x64xf32> -> vector<64x128xf32>
    %reshape3A_688 = vector.shape_cast %concatenate3A_684 : vector<64x128xf32> to vector<8x8x128xf32>
    %swap3A_689 = arith.constant 1 : index
    %swap3A_690 = arith.constant 0 : index
    %swap3A_691 = arith.constant 20 : index
    %swap3A_692 = arith.constant 0 : index
    %swap3A_693 = arith.constant 0 : index
    %swap3A_694 = vector.load %arg2[%swap3A_689, %swap3A_690, %swap3A_691, %swap3A_692, %swap3A_693] : memref<2x8x32x8x128xf32, #tpu.memory_space<vmem>>, vector<1x8x1x8x128xf32>
    %swap3A_695 = vector.shape_cast %swap3A_694 : vector<1x8x1x8x128xf32> to vector<8x8x128xf32>
    %swap3A_696 = vector.shape_cast %reshape3A_688 : vector<8x8x128xf32> to vector<1x8x1x8x128xf32>
    tpu.vector_store %arg2[%swap3A_689, %swap3A_690, %swap3A_691, %swap3A_692, %swap3A_693], %swap3A_696 {strides = array<i32>} : memref<2x8x32x8x128xf32, #tpu.memory_space<vmem>>, vector<1x8x1x8x128xf32>,
    %reshape3A_697 = vector.shape_cast %concatenate3A_687 : vector<64x128xf32> to vector<8x8x128xf32>
    %swap3A_698 = arith.constant 1 : index
    %swap3A_699 = arith.constant 0 : index
    %swap3A_700 = arith.constant 21 : index
    %swap3A_701 = arith.constant 0 : index
    %swap3A_702 = arith.constant 0 : index
    %swap3A_703 = vector.load %arg2[%swap3A_698, %swap3A_699, %swap3A_700, %swap3A_701, %swap3A_702] : memref<2x8x32x8x128xf32, #tpu.memory_space<vmem>>, vector<1x8x1x8x128xf32>
    %swap3A_704 = vector.shape_cast %swap3A_703 : vector<1x8x1x8x128xf32> to vector<8x8x128xf32>
    %swap3A_705 = vector.shape_cast %reshape3A_697 : vector<8x8x128xf32> to vector<1x8x1x8x128xf32>
    tpu.vector_store %arg2[%swap3A_698, %swap3A_699, %swap3A_700, %swap3A_701, %swap3A_702], %swap3A_705 {strides = array<i32>} : memref<2x8x32x8x128xf32, #tpu.memory_space<vmem>>, vector<1x8x1x8x128xf32>,
    %slice3A_706 = vector.extract_strided_slice %reshape3A_419 {offsets = [1408, 0], sizes = [128, 128], strides = [1, 1]} : vector<2048x128xf32> to vector<128x128xf32>
    %transpose3A_707 = tpu.transpose %slice3A_706, [1, 0] : vector<128x128xf32> -> vector<128x128xf32>
    %slice3A_708 = vector.extract_strided_slice %transpose3A_707 {offsets = [0, 0], sizes = [64, 64], strides = [1, 1]} : vector<128x128xf32> to vector<64x64xf32>
    %slice3A_709 = vector.extract_strided_slice %transpose3A_707 {offsets = [64, 0], sizes = [64, 64], strides = [1, 1]} : vector<128x128xf32> to vector<64x64xf32>
    %concatenate3A_710 = tpu.concatenate %slice3A_708, %slice3A_709 in 1 : vector<64x64xf32>, vector<64x64xf32> -> vector<64x128xf32>
    %slice3A_711 = vector.extract_strided_slice %transpose3A_707 {offsets = [0, 64], sizes = [64, 64], strides = [1, 1]} : vector<128x128xf32> to vector<64x64xf32>
    %slice3A_712 = vector.extract_strided_slice %transpose3A_707 {offsets = [64, 64], sizes = [64, 64], strides = [1, 1]} : vector<128x128xf32> to vector<64x64xf32>
    %concatenate3A_713 = tpu.concatenate %slice3A_711, %slice3A_712 in 1 : vector<64x64xf32>, vector<64x64xf32> -> vector<64x128xf32>
    %reshape3A_714 = vector.shape_cast %concatenate3A_710 : vector<64x128xf32> to vector<8x8x128xf32>
    %swap3A_715 = arith.constant 1 : index
    %swap3A_716 = arith.constant 0 : index
    %swap3A_717 = arith.constant 22 : index
    %swap3A_718 = arith.constant 0 : index
    %swap3A_719 = arith.constant 0 : index
    %swap3A_720 = vector.load %arg2[%swap3A_715, %swap3A_716, %swap3A_717, %swap3A_718, %swap3A_719] : memref<2x8x32x8x128xf32, #tpu.memory_space<vmem>>, vector<1x8x1x8x128xf32>
    %swap3A_721 = vector.shape_cast %swap3A_720 : vector<1x8x1x8x128xf32> to vector<8x8x128xf32>
    %swap3A_722 = vector.shape_cast %reshape3A_714 : vector<8x8x128xf32> to vector<1x8x1x8x128xf32>
    tpu.vector_store %arg2[%swap3A_715, %swap3A_716, %swap3A_717, %swap3A_718, %swap3A_719], %swap3A_722 {strides = array<i32>} : memref<2x8x32x8x128xf32, #tpu.memory_space<vmem>>, vector<1x8x1x8x128xf32>,
    %reshape3A_723 = vector.shape_cast %concatenate3A_713 : vector<64x128xf32> to vector<8x8x128xf32>
    %swap3A_724 = arith.constant 1 : index
    %swap3A_725 = arith.constant 0 : index
    %swap3A_726 = arith.constant 23 : index
    %swap3A_727 = arith.constant 0 : index
    %swap3A_728 = arith.constant 0 : index
    %swap3A_729 = vector.load %arg2[%swap3A_724, %swap3A_725, %swap3A_726, %swap3A_727, %swap3A_728] : memref<2x8x32x8x128xf32, #tpu.memory_space<vmem>>, vector<1x8x1x8x128xf32>
    %swap3A_730 = vector.shape_cast %swap3A_729 : vector<1x8x1x8x128xf32> to vector<8x8x128xf32>
    %swap3A_731 = vector.shape_cast %reshape3A_723 : vector<8x8x128xf32> to vector<1x8x1x8x128xf32>
    tpu.vector_store %arg2[%swap3A_724, %swap3A_725, %swap3A_726, %swap3A_727, %swap3A_728], %swap3A_731 {strides = array<i32>} : memref<2x8x32x8x128xf32, #tpu.memory_space<vmem>>, vector<1x8x1x8x128xf32>,
    %slice3A_732 = vector.extract_strided_slice %reshape3A_419 {offsets = [1536, 0], sizes = [128, 128], strides = [1, 1]} : vector<2048x128xf32> to vector<128x128xf32>
    %transpose3A_733 = tpu.transpose %slice3A_732, [1, 0] : vector<128x128xf32> -> vector<128x128xf32>
    %slice3A_734 = vector.extract_strided_slice %transpose3A_733 {offsets = [0, 0], sizes = [64, 64], strides = [1, 1]} : vector<128x128xf32> to vector<64x64xf32>
    %slice3A_735 = vector.extract_strided_slice %transpose3A_733 {offsets = [64, 0], sizes = [64, 64], strides = [1, 1]} : vector<128x128xf32> to vector<64x64xf32>
    %concatenate3A_736 = tpu.concatenate %slice3A_734, %slice3A_735 in 1 : vector<64x64xf32>, vector<64x64xf32> -> vector<64x128xf32>
    %slice3A_737 = vector.extract_strided_slice %transpose3A_733 {offsets = [0, 64], sizes = [64, 64], strides = [1, 1]} : vector<128x128xf32> to vector<64x64xf32>
    %slice3A_738 = vector.extract_strided_slice %transpose3A_733 {offsets = [64, 64], sizes = [64, 64], strides = [1, 1]} : vector<128x128xf32> to vector<64x64xf32>
    %concatenate3A_739 = tpu.concatenate %slice3A_737, %slice3A_738 in 1 : vector<64x64xf32>, vector<64x64xf32> -> vector<64x128xf32>
    %reshape3A_740 = vector.shape_cast %concatenate3A_736 : vector<64x128xf32> to vector<8x8x128xf32>
    %swap3A_741 = arith.constant 1 : index
    %swap3A_742 = arith.constant 0 : index
    %swap3A_743 = arith.constant 24 : index
    %swap3A_744 = arith.constant 0 : index
    %swap3A_745 = arith.constant 0 : index
    %swap3A_746 = vector.load %arg2[%swap3A_741, %swap3A_742, %swap3A_743, %swap3A_744, %swap3A_745] : memref<2x8x32x8x128xf32, #tpu.memory_space<vmem>>, vector<1x8x1x8x128xf32>
    %swap3A_747 = vector.shape_cast %swap3A_746 : vector<1x8x1x8x128xf32> to vector<8x8x128xf32>
    %swap3A_748 = vector.shape_cast %reshape3A_740 : vector<8x8x128xf32> to vector<1x8x1x8x128xf32>
    tpu.vector_store %arg2[%swap3A_741, %swap3A_742, %swap3A_743, %swap3A_744, %swap3A_745], %swap3A_748 {strides = array<i32>} : memref<2x8x32x8x128xf32, #tpu.memory_space<vmem>>, vector<1x8x1x8x128xf32>,
    %reshape3A_749 = vector.shape_cast %concatenate3A_739 : vector<64x128xf32> to vector<8x8x128xf32>
    %swap3A_750 = arith.constant 1 : index
    %swap3A_751 = arith.constant 0 : index
    %swap3A_752 = arith.constant 25 : index
    %swap3A_753 = arith.constant 0 : index
    %swap3A_754 = arith.constant 0 : index
    %swap3A_755 = vector.load %arg2[%swap3A_750, %swap3A_751, %swap3A_752, %swap3A_753, %swap3A_754] : memref<2x8x32x8x128xf32, #tpu.memory_space<vmem>>, vector<1x8x1x8x128xf32>
    %swap3A_756 = vector.shape_cast %swap3A_755 : vector<1x8x1x8x128xf32> to vector<8x8x128xf32>
    %swap3A_757 = vector.shape_cast %reshape3A_749 : vector<8x8x128xf32> to vector<1x8x1x8x128xf32>
    tpu.vector_store %arg2[%swap3A_750, %swap3A_751, %swap3A_752, %swap3A_753, %swap3A_754], %swap3A_757 {strides = array<i32>} : memref<2x8x32x8x128xf32, #tpu.memory_space<vmem>>, vector<1x8x1x8x128xf32>,
    %slice3A_758 = vector.extract_strided_slice %reshape3A_419 {offsets = [1664, 0], sizes = [128, 128], strides = [1, 1]} : vector<2048x128xf32> to vector<128x128xf32>
    %transpose3A_759 = tpu.transpose %slice3A_758, [1, 0] : vector<128x128xf32> -> vector<128x128xf32>
    %slice3A_760 = vector.extract_strided_slice %transpose3A_759 {offsets = [0, 0], sizes = [64, 64], strides = [1, 1]} : vector<128x128xf32> to vector<64x64xf32>
    %slice3A_761 = vector.extract_strided_slice %transpose3A_759 {offsets = [64, 0], sizes = [64, 64], strides = [1, 1]} : vector<128x128xf32> to vector<64x64xf32>
    %concatenate3A_762 = tpu.concatenate %slice3A_760, %slice3A_761 in 1 : vector<64x64xf32>, vector<64x64xf32> -> vector<64x128xf32>
    %slice3A_763 = vector.extract_strided_slice %transpose3A_759 {offsets = [0, 64], sizes = [64, 64], strides = [1, 1]} : vector<128x128xf32> to vector<64x64xf32>
    %slice3A_764 = vector.extract_strided_slice %transpose3A_759 {offsets = [64, 64], sizes = [64, 64], strides = [1, 1]} : vector<128x128xf32> to vector<64x64xf32>
    %concatenate3A_765 = tpu.concatenate %slice3A_763, %slice3A_764 in 1 : vector<64x64xf32>, vector<64x64xf32> -> vector<64x128xf32>
    %reshape3A_766 = vector.shape_cast %concatenate3A_762 : vector<64x128xf32> to vector<8x8x128xf32>
    %swap3A_767 = arith.constant 1 : index
    %swap3A_768 = arith.constant 0 : index
    %swap3A_769 = arith.constant 26 : index
    %swap3A_770 = arith.constant 0 : index
    %swap3A_771 = arith.constant 0 : index
    %swap3A_772 = vector.load %arg2[%swap3A_767, %swap3A_768, %swap3A_769, %swap3A_770, %swap3A_771] : memref<2x8x32x8x128xf32, #tpu.memory_space<vmem>>, vector<1x8x1x8x128xf32>
    %swap3A_773 = vector.shape_cast %swap3A_772 : vector<1x8x1x8x128xf32> to vector<8x8x128xf32>
    %swap3A_774 = vector.shape_cast %reshape3A_766 : vector<8x8x128xf32> to vector<1x8x1x8x128xf32>
    tpu.vector_store %arg2[%swap3A_767, %swap3A_768, %swap3A_769, %swap3A_770, %swap3A_771], %swap3A_774 {strides = array<i32>} : memref<2x8x32x8x128xf32, #tpu.memory_space<vmem>>, vector<1x8x1x8x128xf32>,
    %reshape3A_775 = vector.shape_cast %concatenate3A_765 : vector<64x128xf32> to vector<8x8x128xf32>
    %swap3A_776 = arith.constant 1 : index
    %swap3A_777 = arith.constant 0 : index
    %swap3A_778 = arith.constant 27 : index
    %swap3A_779 = arith.constant 0 : index
    %swap3A_780 = arith.constant 0 : index
    %swap3A_781 = vector.load %arg2[%swap3A_776, %swap3A_777, %swap3A_778, %swap3A_779, %swap3A_780] : memref<2x8x32x8x128xf32, #tpu.memory_space<vmem>>, vector<1x8x1x8x128xf32>
    %swap3A_782 = vector.shape_cast %swap3A_781 : vector<1x8x1x8x128xf32> to vector<8x8x128xf32>
    %swap3A_783 = vector.shape_cast %reshape3A_775 : vector<8x8x128xf32> to vector<1x8x1x8x128xf32>
    tpu.vector_store %arg2[%swap3A_776, %swap3A_777, %swap3A_778, %swap3A_779, %swap3A_780], %swap3A_783 {strides = array<i32>} : memref<2x8x32x8x128xf32, #tpu.memory_space<vmem>>, vector<1x8x1x8x128xf32>,
    %slice3A_784 = vector.extract_strided_slice %reshape3A_419 {offsets = [1792, 0], sizes = [128, 128], strides = [1, 1]} : vector<2048x128xf32> to vector<128x128xf32>
    %transpose3A_785 = tpu.transpose %slice3A_784, [1, 0] : vector<128x128xf32> -> vector<128x128xf32>
    %slice3A_786 = vector.extract_strided_slice %transpose3A_785 {offsets = [0, 0], sizes = [64, 64], strides = [1, 1]} : vector<128x128xf32> to vector<64x64xf32>
    %slice3A_787 = vector.extract_strided_slice %transpose3A_785 {offsets = [64, 0], sizes = [64, 64], strides = [1, 1]} : vector<128x128xf32> to vector<64x64xf32>
    %concatenate3A_788 = tpu.concatenate %slice3A_786, %slice3A_787 in 1 : vector<64x64xf32>, vector<64x64xf32> -> vector<64x128xf32>
    %slice3A_789 = vector.extract_strided_slice %transpose3A_785 {offsets = [0, 64], sizes = [64, 64], strides = [1, 1]} : vector<128x128xf32> to vector<64x64xf32>
    %slice3A_790 = vector.extract_strided_slice %transpose3A_785 {offsets = [64, 64], sizes = [64, 64], strides = [1, 1]} : vector<128x128xf32> to vector<64x64xf32>
    %concatenate3A_791 = tpu.concatenate %slice3A_789, %slice3A_790 in 1 : vector<64x64xf32>, vector<64x64xf32> -> vector<64x128xf32>
    %reshape3A_792 = vector.shape_cast %concatenate3A_788 : vector<64x128xf32> to vector<8x8x128xf32>
    %swap3A_793 = arith.constant 1 : index
    %swap3A_794 = arith.constant 0 : index
    %swap3A_795 = arith.constant 28 : index
    %swap3A_796 = arith.constant 0 : index
    %swap3A_797 = arith.constant 0 : index
    %swap3A_798 = vector.load %arg2[%swap3A_793, %swap3A_794, %swap3A_795, %swap3A_796, %swap3A_797] : memref<2x8x32x8x128xf32, #tpu.memory_space<vmem>>, vector<1x8x1x8x128xf32>
    %swap3A_799 = vector.shape_cast %swap3A_798 : vector<1x8x1x8x128xf32> to vector<8x8x128xf32>
    %swap3A_800 = vector.shape_cast %reshape3A_792 : vector<8x8x128xf32> to vector<1x8x1x8x128xf32>
    tpu.vector_store %arg2[%swap3A_793, %swap3A_794, %swap3A_795, %swap3A_796, %swap3A_797], %swap3A_800 {strides = array<i32>} : memref<2x8x32x8x128xf32, #tpu.memory_space<vmem>>, vector<1x8x1x8x128xf32>,
    %reshape3A_801 = vector.shape_cast %concatenate3A_791 : vector<64x128xf32> to vector<8x8x128xf32>
    %swap3A_802 = arith.constant 1 : index
    %swap3A_803 = arith.constant 0 : index
    %swap3A_804 = arith.constant 29 : index
    %swap3A_805 = arith.constant 0 : index
    %swap3A_806 = arith.constant 0 : index
    %swap3A_807 = vector.load %arg2[%swap3A_802, %swap3A_803, %swap3A_804, %swap3A_805, %swap3A_806] : memref<2x8x32x8x128xf32, #tpu.memory_space<vmem>>, vector<1x8x1x8x128xf32>
    %swap3A_808 = vector.shape_cast %swap3A_807 : vector<1x8x1x8x128xf32> to vector<8x8x128xf32>
    %swap3A_809 = vector.shape_cast %reshape3A_801 : vector<8x8x128xf32> to vector<1x8x1x8x128xf32>
    tpu.vector_store %arg2[%swap3A_802, %swap3A_803, %swap3A_804, %swap3A_805, %swap3A_806], %swap3A_809 {strides = array<i32>} : memref<2x8x32x8x128xf32, #tpu.memory_space<vmem>>, vector<1x8x1x8x128xf32>,
    %slice3A_810 = vector.extract_strided_slice %reshape3A_419 {offsets = [1920, 0], sizes = [128, 128], strides = [1, 1]} : vector<2048x128xf32> to vector<128x128xf32>
    %transpose3A_811 = tpu.transpose %slice3A_810, [1, 0] : vector<128x128xf32> -> vector<128x128xf32>
    %slice3A_812 = vector.extract_strided_slice %transpose3A_811 {offsets = [0, 0], sizes = [64, 64], strides = [1, 1]} : vector<128x128xf32> to vector<64x64xf32>
    %slice3A_813 = vector.extract_strided_slice %transpose3A_811 {offsets = [64, 0], sizes = [64, 64], strides = [1, 1]} : vector<128x128xf32> to vector<64x64xf32>
    %concatenate3A_814 = tpu.concatenate %slice3A_812, %slice3A_813 in 1 : vector<64x64xf32>, vector<64x64xf32> -> vector<64x128xf32>
    %slice3A_815 = vector.extract_strided_slice %transpose3A_811 {offsets = [0, 64], sizes = [64, 64], strides = [1, 1]} : vector<128x128xf32> to vector<64x64xf32>
    %slice3A_816 = vector.extract_strided_slice %transpose3A_811 {offsets = [64, 64], sizes = [64, 64], strides = [1, 1]} : vector<128x128xf32> to vector<64x64xf32>
    %concatenate3A_817 = tpu.concatenate %slice3A_815, %slice3A_816 in 1 : vector<64x64xf32>, vector<64x64xf32> -> vector<64x128xf32>
    %reshape3A_818 = vector.shape_cast %concatenate3A_814 : vector<64x128xf32> to vector<8x8x128xf32>
    %swap3A_819 = arith.constant 1 : index
    %swap3A_820 = arith.constant 0 : index
    %swap3A_821 = arith.constant 30 : index
    %swap3A_822 = arith.constant 0 : index
    %swap3A_823 = arith.constant 0 : index
    %swap3A_824 = vector.load %arg2[%swap3A_819, %swap3A_820, %swap3A_821, %swap3A_822, %swap3A_823] : memref<2x8x32x8x128xf32, #tpu.memory_space<vmem>>, vector<1x8x1x8x128xf32>
    %swap3A_825 = vector.shape_cast %swap3A_824 : vector<1x8x1x8x128xf32> to vector<8x8x128xf32>
    %swap3A_826 = vector.shape_cast %reshape3A_818 : vector<8x8x128xf32> to vector<1x8x1x8x128xf32>
    tpu.vector_store %arg2[%swap3A_819, %swap3A_820, %swap3A_821, %swap3A_822, %swap3A_823], %swap3A_826 {strides = array<i32>} : memref<2x8x32x8x128xf32, #tpu.memory_space<vmem>>, vector<1x8x1x8x128xf32>,
    %reshape3A_827 = vector.shape_cast %concatenate3A_817 : vector<64x128xf32> to vector<8x8x128xf32>
    %swap3A_828 = arith.constant 1 : index
    %swap3A_829 = arith.constant 0 : index
    %swap3A_830 = arith.constant 31 : index
    %swap3A_831 = arith.constant 0 : index
    %swap3A_832 = arith.constant 0 : index
    %swap3A_833 = vector.load %arg2[%swap3A_828, %swap3A_829, %swap3A_830, %swap3A_831, %swap3A_832] : memref<2x8x32x8x128xf32, #tpu.memory_space<vmem>>, vector<1x8x1x8x128xf32>
    %swap3A_834 = vector.shape_cast %swap3A_833 : vector<1x8x1x8x128xf32> to vector<8x8x128xf32>
    %swap3A_835 = vector.shape_cast %reshape3A_827 : vector<8x8x128xf32> to vector<1x8x1x8x128xf32>
    tpu.vector_store %arg2[%swap3A_828, %swap3A_829, %swap3A_830, %swap3A_831, %swap3A_832], %swap3A_835 {strides = array<i32>} : memref<2x8x32x8x128xf32, #tpu.memory_space<vmem>>, vector<1x8x1x8x128xf32>,
    return
  }
  func.func @transform_0(%arg0: i32) -> (i32, i32, i32) {
    %c0_i32 = arith.constant 0 : i32
    %c0_i32_0 = arith.constant 0 : i32
    %c0_i32_1 = arith.constant 0 : i32
    return %arg0, %c0_i32, %c0_i32_0 : i32, i32, i32
  }
  func.func @transform_1(%arg0: i32) -> (i32, i32, i32, i32, i32) {
    %add3A = arith.constant 0 : i32
    %add3A_0 = arith.addi %arg0, %add3A : i32
    %c0_i32 = arith.constant 0 : i32
    %c0_i32_1 = arith.constant 0 : i32
    %c0_i32_2 = arith.constant 0 : i32
    %c0_i32_3 = arith.constant 0 : i32
    %c0_i32_4 = arith.constant 0 : i32
    return %add3A_0, %c0_i32, %c0_i32_1, %c0_i32_2, %c0_i32_3 : i32, i32, i32, i32, i32
  }
}

module attributes {stable_mosaic.version = 14 : i64} {
  func.func @tr(%arg0: i32, %arg1: memref<512x8x128xf32, #tpu.memory_space<vmem>>, %arg2: memref<50x8x32x8x128xf32, #tpu.memory_space<any>>, %arg3: memref<2x8x32x8x128xf32, #tpu.memory_space<vmem>>) attributes {dimension_semantics = [#tpu.dimension_semantics<arbitrary>], iteration_bounds = array<i64: 12>, scalar_prefetch = 0 : i64, scratch_operands = 0 : i64, tpu.core_type = #tpu.core_type<tc>, window_params = [{transform_indices = @transform_0, window_bounds = array<i64: 512, 8, 128>}, {}, {transform_indices = @transform_2, window_bounds = array<i64: 2, 8, 32, 8, 128>}]} {
    %get3A = arith.constant 0 : index
    %get3A_0 = arith.constant 0 : index
    %get3A_1 = arith.constant 0 : index
    %get3A_2 = vector.load %arg1[%get3A, %get3A_0, %get3A_1] : memref<512x8x128xf32, #tpu.memory_space<vmem>>, vector<256x8x128xf32>
    %reshape3A = vector.shape_cast %get3A_2 : vector<256x8x128xf32> to vector<2048x128xf32>
    %slice3A = vector.extract_strided_slice %reshape3A {offsets = [0, 0], sizes = [128, 128], strides = [1, 1]} : vector<2048x128xf32> to vector<128x128xf32>
    %transpose3A = tpu.transpose %slice3A, [1, 0] : vector<128x128xf32> -> vector<128x128xf32>
    %slice3A_3 = vector.extract_strided_slice %transpose3A {offsets = [0, 0], sizes = [64, 64], strides = [1, 1]} : vector<128x128xf32> to vector<64x64xf32>
    %slice3A_4 = vector.extract_strided_slice %transpose3A {offsets = [64, 0], sizes = [64, 64], strides = [1, 1]} : vector<128x128xf32> to vector<64x64xf32>
    %concatenate3A = tpu.concatenate %slice3A_3, %slice3A_4 in 1 : vector<64x64xf32>, vector<64x64xf32> -> vector<64x128xf32>
    %slice3A_5 = vector.extract_strided_slice %transpose3A {offsets = [0, 64], sizes = [64, 64], strides = [1, 1]} : vector<128x128xf32> to vector<64x64xf32>
    %slice3A_6 = vector.extract_strided_slice %transpose3A {offsets = [64, 64], sizes = [64, 64], strides = [1, 1]} : vector<128x128xf32> to vector<64x64xf32>
    %concatenate3A_7 = tpu.concatenate %slice3A_5, %slice3A_6 in 1 : vector<64x64xf32>, vector<64x64xf32> -> vector<64x128xf32>
    %reshape3A_8 = vector.shape_cast %concatenate3A : vector<64x128xf32> to vector<8x8x128xf32>
    %swap3A = arith.constant 0 : index
    %swap3A_9 = arith.constant 0 : index
    %swap3A_10 = arith.constant 0 : index
    %swap3A_11 = arith.constant 0 : index
    %swap3A_12 = arith.constant 0 : index
    %swap3A_13 = vector.load %arg3[%swap3A, %swap3A_9, %swap3A_10, %swap3A_11, %swap3A_12] : memref<2x8x32x8x128xf32, #tpu.memory_space<vmem>>, vector<1x8x1x8x128xf32>
    %swap3A_14 = vector.shape_cast %swap3A_13 : vector<1x8x1x8x128xf32> to vector<8x8x128xf32>
    %swap3A_15 = vector.shape_cast %reshape3A_8 : vector<8x8x128xf32> to vector<1x8x1x8x128xf32>
    tpu.vector_store %arg3[%swap3A, %swap3A_9, %swap3A_10, %swap3A_11, %swap3A_12], %swap3A_15 {strides = array<i32>} : memref<2x8x32x8x128xf32, #tpu.memory_space<vmem>>, vector<1x8x1x8x128xf32>,
    %reshape3A_16 = vector.shape_cast %concatenate3A_7 : vector<64x128xf32> to vector<8x8x128xf32>
    %swap3A_17 = arith.constant 0 : index
    %swap3A_18 = arith.constant 0 : index
    %swap3A_19 = arith.constant 1 : index
    %swap3A_20 = arith.constant 0 : index
    %swap3A_21 = arith.constant 0 : index
    %swap3A_22 = vector.load %arg3[%swap3A_17, %swap3A_18, %swap3A_19, %swap3A_20, %swap3A_21] : memref<2x8x32x8x128xf32, #tpu.memory_space<vmem>>, vector<1x8x1x8x128xf32>
    %swap3A_23 = vector.shape_cast %swap3A_22 : vector<1x8x1x8x128xf32> to vector<8x8x128xf32>
    %swap3A_24 = vector.shape_cast %reshape3A_16 : vector<8x8x128xf32> to vector<1x8x1x8x128xf32>
    tpu.vector_store %arg3[%swap3A_17, %swap3A_18, %swap3A_19, %swap3A_20, %swap3A_21], %swap3A_24 {strides = array<i32>} : memref<2x8x32x8x128xf32, #tpu.memory_space<vmem>>, vector<1x8x1x8x128xf32>,
    %slice3A_25 = vector.extract_strided_slice %reshape3A {offsets = [128, 0], sizes = [128, 128], strides = [1, 1]} : vector<2048x128xf32> to vector<128x128xf32>
    %transpose3A_26 = tpu.transpose %slice3A_25, [1, 0] : vector<128x128xf32> -> vector<128x128xf32>
    %slice3A_27 = vector.extract_strided_slice %transpose3A_26 {offsets = [0, 0], sizes = [64, 64], strides = [1, 1]} : vector<128x128xf32> to vector<64x64xf32>
    %slice3A_28 = vector.extract_strided_slice %transpose3A_26 {offsets = [64, 0], sizes = [64, 64], strides = [1, 1]} : vector<128x128xf32> to vector<64x64xf32>
    %concatenate3A_29 = tpu.concatenate %slice3A_27, %slice3A_28 in 1 : vector<64x64xf32>, vector<64x64xf32> -> vector<64x128xf32>
    %slice3A_30 = vector.extract_strided_slice %transpose3A_26 {offsets = [0, 64], sizes = [64, 64], strides = [1, 1]} : vector<128x128xf32> to vector<64x64xf32>
    %slice3A_31 = vector.extract_strided_slice %transpose3A_26 {offsets = [64, 64], sizes = [64, 64], strides = [1, 1]} : vector<128x128xf32> to vector<64x64xf32>
    %concatenate3A_32 = tpu.concatenate %slice3A_30, %slice3A_31 in 1 : vector<64x64xf32>, vector<64x64xf32> -> vector<64x128xf32>
    %reshape3A_33 = vector.shape_cast %concatenate3A_29 : vector<64x128xf32> to vector<8x8x128xf32>
    %swap3A_34 = arith.constant 0 : index
    %swap3A_35 = arith.constant 0 : index
    %swap3A_36 = arith.constant 2 : index
    %swap3A_37 = arith.constant 0 : index
    %swap3A_38 = arith.constant 0 : index
    %swap3A_39 = vector.load %arg3[%swap3A_34, %swap3A_35, %swap3A_36, %swap3A_37, %swap3A_38] : memref<2x8x32x8x128xf32, #tpu.memory_space<vmem>>, vector<1x8x1x8x128xf32>
    %swap3A_40 = vector.shape_cast %swap3A_39 : vector<1x8x1x8x128xf32> to vector<8x8x128xf32>
    %swap3A_41 = vector.shape_cast %reshape3A_33 : vector<8x8x128xf32> to vector<1x8x1x8x128xf32>
    tpu.vector_store %arg3[%swap3A_34, %swap3A_35, %swap3A_36, %swap3A_37, %swap3A_38], %swap3A_41 {strides = array<i32>} : memref<2x8x32x8x128xf32, #tpu.memory_space<vmem>>, vector<1x8x1x8x128xf32>,
    %reshape3A_42 = vector.shape_cast %concatenate3A_32 : vector<64x128xf32> to vector<8x8x128xf32>
    %swap3A_43 = arith.constant 0 : index
    %swap3A_44 = arith.constant 0 : index
    %swap3A_45 = arith.constant 3 : index
    %swap3A_46 = arith.constant 0 : index
    %swap3A_47 = arith.constant 0 : index
    %swap3A_48 = vector.load %arg3[%swap3A_43, %swap3A_44, %swap3A_45, %swap3A_46, %swap3A_47] : memref<2x8x32x8x128xf32, #tpu.memory_space<vmem>>, vector<1x8x1x8x128xf32>
    %swap3A_49 = vector.shape_cast %swap3A_48 : vector<1x8x1x8x128xf32> to vector<8x8x128xf32>
    %swap3A_50 = vector.shape_cast %reshape3A_42 : vector<8x8x128xf32> to vector<1x8x1x8x128xf32>
    tpu.vector_store %arg3[%swap3A_43, %swap3A_44, %swap3A_45, %swap3A_46, %swap3A_47], %swap3A_50 {strides = array<i32>} : memref<2x8x32x8x128xf32, #tpu.memory_space<vmem>>, vector<1x8x1x8x128xf32>,
    %slice3A_51 = vector.extract_strided_slice %reshape3A {offsets = [256, 0], sizes = [128, 128], strides = [1, 1]} : vector<2048x128xf32> to vector<128x128xf32>
    %transpose3A_52 = tpu.transpose %slice3A_51, [1, 0] : vector<128x128xf32> -> vector<128x128xf32>
    %slice3A_53 = vector.extract_strided_slice %transpose3A_52 {offsets = [0, 0], sizes = [64, 64], strides = [1, 1]} : vector<128x128xf32> to vector<64x64xf32>
    %slice3A_54 = vector.extract_strided_slice %transpose3A_52 {offsets = [64, 0], sizes = [64, 64], strides = [1, 1]} : vector<128x128xf32> to vector<64x64xf32>
    %concatenate3A_55 = tpu.concatenate %slice3A_53, %slice3A_54 in 1 : vector<64x64xf32>, vector<64x64xf32> -> vector<64x128xf32>
    %slice3A_56 = vector.extract_strided_slice %transpose3A_52 {offsets = [0, 64], sizes = [64, 64], strides = [1, 1]} : vector<128x128xf32> to vector<64x64xf32>
    %slice3A_57 = vector.extract_strided_slice %transpose3A_52 {offsets = [64, 64], sizes = [64, 64], strides = [1, 1]} : vector<128x128xf32> to vector<64x64xf32>
    %concatenate3A_58 = tpu.concatenate %slice3A_56, %slice3A_57 in 1 : vector<64x64xf32>, vector<64x64xf32> -> vector<64x128xf32>
    %reshape3A_59 = vector.shape_cast %concatenate3A_55 : vector<64x128xf32> to vector<8x8x128xf32>
    %swap3A_60 = arith.constant 0 : index
    %swap3A_61 = arith.constant 0 : index
    %swap3A_62 = arith.constant 4 : index
    %swap3A_63 = arith.constant 0 : index
    %swap3A_64 = arith.constant 0 : index
    %swap3A_65 = vector.load %arg3[%swap3A_60, %swap3A_61, %swap3A_62, %swap3A_63, %swap3A_64] : memref<2x8x32x8x128xf32, #tpu.memory_space<vmem>>, vector<1x8x1x8x128xf32>
    %swap3A_66 = vector.shape_cast %swap3A_65 : vector<1x8x1x8x128xf32> to vector<8x8x128xf32>
    %swap3A_67 = vector.shape_cast %reshape3A_59 : vector<8x8x128xf32> to vector<1x8x1x8x128xf32>
    tpu.vector_store %arg3[%swap3A_60, %swap3A_61, %swap3A_62, %swap3A_63, %swap3A_64], %swap3A_67 {strides = array<i32>} : memref<2x8x32x8x128xf32, #tpu.memory_space<vmem>>, vector<1x8x1x8x128xf32>,
    %reshape3A_68 = vector.shape_cast %concatenate3A_58 : vector<64x128xf32> to vector<8x8x128xf32>
    %swap3A_69 = arith.constant 0 : index
    %swap3A_70 = arith.constant 0 : index
    %swap3A_71 = arith.constant 5 : index
    %swap3A_72 = arith.constant 0 : index
    %swap3A_73 = arith.constant 0 : index
    %swap3A_74 = vector.load %arg3[%swap3A_69, %swap3A_70, %swap3A_71, %swap3A_72, %swap3A_73] : memref<2x8x32x8x128xf32, #tpu.memory_space<vmem>>, vector<1x8x1x8x128xf32>
    %swap3A_75 = vector.shape_cast %swap3A_74 : vector<1x8x1x8x128xf32> to vector<8x8x128xf32>
    %swap3A_76 = vector.shape_cast %reshape3A_68 : vector<8x8x128xf32> to vector<1x8x1x8x128xf32>
    tpu.vector_store %arg3[%swap3A_69, %swap3A_70, %swap3A_71, %swap3A_72, %swap3A_73], %swap3A_76 {strides = array<i32>} : memref<2x8x32x8x128xf32, #tpu.memory_space<vmem>>, vector<1x8x1x8x128xf32>,
    %slice3A_77 = vector.extract_strided_slice %reshape3A {offsets = [384, 0], sizes = [128, 128], strides = [1, 1]} : vector<2048x128xf32> to vector<128x128xf32>
    %transpose3A_78 = tpu.transpose %slice3A_77, [1, 0] : vector<128x128xf32> -> vector<128x128xf32>
    %slice3A_79 = vector.extract_strided_slice %transpose3A_78 {offsets = [0, 0], sizes = [64, 64], strides = [1, 1]} : vector<128x128xf32> to vector<64x64xf32>
    %slice3A_80 = vector.extract_strided_slice %transpose3A_78 {offsets = [64, 0], sizes = [64, 64], strides = [1, 1]} : vector<128x128xf32> to vector<64x64xf32>
    %concatenate3A_81 = tpu.concatenate %slice3A_79, %slice3A_80 in 1 : vector<64x64xf32>, vector<64x64xf32> -> vector<64x128xf32>
    %slice3A_82 = vector.extract_strided_slice %transpose3A_78 {offsets = [0, 64], sizes = [64, 64], strides = [1, 1]} : vector<128x128xf32> to vector<64x64xf32>
    %slice3A_83 = vector.extract_strided_slice %transpose3A_78 {offsets = [64, 64], sizes = [64, 64], strides = [1, 1]} : vector<128x128xf32> to vector<64x64xf32>
    %concatenate3A_84 = tpu.concatenate %slice3A_82, %slice3A_83 in 1 : vector<64x64xf32>, vector<64x64xf32> -> vector<64x128xf32>
    %reshape3A_85 = vector.shape_cast %concatenate3A_81 : vector<64x128xf32> to vector<8x8x128xf32>
    %swap3A_86 = arith.constant 0 : index
    %swap3A_87 = arith.constant 0 : index
    %swap3A_88 = arith.constant 6 : index
    %swap3A_89 = arith.constant 0 : index
    %swap3A_90 = arith.constant 0 : index
    %swap3A_91 = vector.load %arg3[%swap3A_86, %swap3A_87, %swap3A_88, %swap3A_89, %swap3A_90] : memref<2x8x32x8x128xf32, #tpu.memory_space<vmem>>, vector<1x8x1x8x128xf32>
    %swap3A_92 = vector.shape_cast %swap3A_91 : vector<1x8x1x8x128xf32> to vector<8x8x128xf32>
    %swap3A_93 = vector.shape_cast %reshape3A_85 : vector<8x8x128xf32> to vector<1x8x1x8x128xf32>
    tpu.vector_store %arg3[%swap3A_86, %swap3A_87, %swap3A_88, %swap3A_89, %swap3A_90], %swap3A_93 {strides = array<i32>} : memref<2x8x32x8x128xf32, #tpu.memory_space<vmem>>, vector<1x8x1x8x128xf32>,
    %reshape3A_94 = vector.shape_cast %concatenate3A_84 : vector<64x128xf32> to vector<8x8x128xf32>
    %swap3A_95 = arith.constant 0 : index
    %swap3A_96 = arith.constant 0 : index
    %swap3A_97 = arith.constant 7 : index
    %swap3A_98 = arith.constant 0 : index
    %swap3A_99 = arith.constant 0 : index
    %swap3A_100 = vector.load %arg3[%swap3A_95, %swap3A_96, %swap3A_97, %swap3A_98, %swap3A_99] : memref<2x8x32x8x128xf32, #tpu.memory_space<vmem>>, vector<1x8x1x8x128xf32>
    %swap3A_101 = vector.shape_cast %swap3A_100 : vector<1x8x1x8x128xf32> to vector<8x8x128xf32>
    %swap3A_102 = vector.shape_cast %reshape3A_94 : vector<8x8x128xf32> to vector<1x8x1x8x128xf32>
    tpu.vector_store %arg3[%swap3A_95, %swap3A_96, %swap3A_97, %swap3A_98, %swap3A_99], %swap3A_102 {strides = array<i32>} : memref<2x8x32x8x128xf32, #tpu.memory_space<vmem>>, vector<1x8x1x8x128xf32>,
    %slice3A_103 = vector.extract_strided_slice %reshape3A {offsets = [512, 0], sizes = [128, 128], strides = [1, 1]} : vector<2048x128xf32> to vector<128x128xf32>
    %transpose3A_104 = tpu.transpose %slice3A_103, [1, 0] : vector<128x128xf32> -> vector<128x128xf32>
    %slice3A_105 = vector.extract_strided_slice %transpose3A_104 {offsets = [0, 0], sizes = [64, 64], strides = [1, 1]} : vector<128x128xf32> to vector<64x64xf32>
    %slice3A_106 = vector.extract_strided_slice %transpose3A_104 {offsets = [64, 0], sizes = [64, 64], strides = [1, 1]} : vector<128x128xf32> to vector<64x64xf32>
    %concatenate3A_107 = tpu.concatenate %slice3A_105, %slice3A_106 in 1 : vector<64x64xf32>, vector<64x64xf32> -> vector<64x128xf32>
    %slice3A_108 = vector.extract_strided_slice %transpose3A_104 {offsets = [0, 64], sizes = [64, 64], strides = [1, 1]} : vector<128x128xf32> to vector<64x64xf32>
    %slice3A_109 = vector.extract_strided_slice %transpose3A_104 {offsets = [64, 64], sizes = [64, 64], strides = [1, 1]} : vector<128x128xf32> to vector<64x64xf32>
    %concatenate3A_110 = tpu.concatenate %slice3A_108, %slice3A_109 in 1 : vector<64x64xf32>, vector<64x64xf32> -> vector<64x128xf32>
    %reshape3A_111 = vector.shape_cast %concatenate3A_107 : vector<64x128xf32> to vector<8x8x128xf32>
    %swap3A_112 = arith.constant 0 : index
    %swap3A_113 = arith.constant 0 : index
    %swap3A_114 = arith.constant 8 : index
    %swap3A_115 = arith.constant 0 : index
    %swap3A_116 = arith.constant 0 : index
    %swap3A_117 = vector.load %arg3[%swap3A_112, %swap3A_113, %swap3A_114, %swap3A_115, %swap3A_116] : memref<2x8x32x8x128xf32, #tpu.memory_space<vmem>>, vector<1x8x1x8x128xf32>
    %swap3A_118 = vector.shape_cast %swap3A_117 : vector<1x8x1x8x128xf32> to vector<8x8x128xf32>
    %swap3A_119 = vector.shape_cast %reshape3A_111 : vector<8x8x128xf32> to vector<1x8x1x8x128xf32>
    tpu.vector_store %arg3[%swap3A_112, %swap3A_113, %swap3A_114, %swap3A_115, %swap3A_116], %swap3A_119 {strides = array<i32>} : memref<2x8x32x8x128xf32, #tpu.memory_space<vmem>>, vector<1x8x1x8x128xf32>,
    %reshape3A_120 = vector.shape_cast %concatenate3A_110 : vector<64x128xf32> to vector<8x8x128xf32>
    %swap3A_121 = arith.constant 0 : index
    %swap3A_122 = arith.constant 0 : index
    %swap3A_123 = arith.constant 9 : index
    %swap3A_124 = arith.constant 0 : index
    %swap3A_125 = arith.constant 0 : index
    %swap3A_126 = vector.load %arg3[%swap3A_121, %swap3A_122, %swap3A_123, %swap3A_124, %swap3A_125] : memref<2x8x32x8x128xf32, #tpu.memory_space<vmem>>, vector<1x8x1x8x128xf32>
    %swap3A_127 = vector.shape_cast %swap3A_126 : vector<1x8x1x8x128xf32> to vector<8x8x128xf32>
    %swap3A_128 = vector.shape_cast %reshape3A_120 : vector<8x8x128xf32> to vector<1x8x1x8x128xf32>
    tpu.vector_store %arg3[%swap3A_121, %swap3A_122, %swap3A_123, %swap3A_124, %swap3A_125], %swap3A_128 {strides = array<i32>} : memref<2x8x32x8x128xf32, #tpu.memory_space<vmem>>, vector<1x8x1x8x128xf32>,
    %slice3A_129 = vector.extract_strided_slice %reshape3A {offsets = [640, 0], sizes = [128, 128], strides = [1, 1]} : vector<2048x128xf32> to vector<128x128xf32>
    %transpose3A_130 = tpu.transpose %slice3A_129, [1, 0] : vector<128x128xf32> -> vector<128x128xf32>
    %slice3A_131 = vector.extract_strided_slice %transpose3A_130 {offsets = [0, 0], sizes = [64, 64], strides = [1, 1]} : vector<128x128xf32> to vector<64x64xf32>
    %slice3A_132 = vector.extract_strided_slice %transpose3A_130 {offsets = [64, 0], sizes = [64, 64], strides = [1, 1]} : vector<128x128xf32> to vector<64x64xf32>
    %concatenate3A_133 = tpu.concatenate %slice3A_131, %slice3A_132 in 1 : vector<64x64xf32>, vector<64x64xf32> -> vector<64x128xf32>
    %slice3A_134 = vector.extract_strided_slice %transpose3A_130 {offsets = [0, 64], sizes = [64, 64], strides = [1, 1]} : vector<128x128xf32> to vector<64x64xf32>
    %slice3A_135 = vector.extract_strided_slice %transpose3A_130 {offsets = [64, 64], sizes = [64, 64], strides = [1, 1]} : vector<128x128xf32> to vector<64x64xf32>
    %concatenate3A_136 = tpu.concatenate %slice3A_134, %slice3A_135 in 1 : vector<64x64xf32>, vector<64x64xf32> -> vector<64x128xf32>
    %reshape3A_137 = vector.shape_cast %concatenate3A_133 : vector<64x128xf32> to vector<8x8x128xf32>
    %swap3A_138 = arith.constant 0 : index
    %swap3A_139 = arith.constant 0 : index
    %swap3A_140 = arith.constant 10 : index
    %swap3A_141 = arith.constant 0 : index
    %swap3A_142 = arith.constant 0 : index
    %swap3A_143 = vector.load %arg3[%swap3A_138, %swap3A_139, %swap3A_140, %swap3A_141, %swap3A_142] : memref<2x8x32x8x128xf32, #tpu.memory_space<vmem>>, vector<1x8x1x8x128xf32>
    %swap3A_144 = vector.shape_cast %swap3A_143 : vector<1x8x1x8x128xf32> to vector<8x8x128xf32>
    %swap3A_145 = vector.shape_cast %reshape3A_137 : vector<8x8x128xf32> to vector<1x8x1x8x128xf32>
    tpu.vector_store %arg3[%swap3A_138, %swap3A_139, %swap3A_140, %swap3A_141, %swap3A_142], %swap3A_145 {strides = array<i32>} : memref<2x8x32x8x128xf32, #tpu.memory_space<vmem>>, vector<1x8x1x8x128xf32>,
    %reshape3A_146 = vector.shape_cast %concatenate3A_136 : vector<64x128xf32> to vector<8x8x128xf32>
    %swap3A_147 = arith.constant 0 : index
    %swap3A_148 = arith.constant 0 : index
    %swap3A_149 = arith.constant 11 : index
    %swap3A_150 = arith.constant 0 : index
    %swap3A_151 = arith.constant 0 : index
    %swap3A_152 = vector.load %arg3[%swap3A_147, %swap3A_148, %swap3A_149, %swap3A_150, %swap3A_151] : memref<2x8x32x8x128xf32, #tpu.memory_space<vmem>>, vector<1x8x1x8x128xf32>
    %swap3A_153 = vector.shape_cast %swap3A_152 : vector<1x8x1x8x128xf32> to vector<8x8x128xf32>
    %swap3A_154 = vector.shape_cast %reshape3A_146 : vector<8x8x128xf32> to vector<1x8x1x8x128xf32>
    tpu.vector_store %arg3[%swap3A_147, %swap3A_148, %swap3A_149, %swap3A_150, %swap3A_151], %swap3A_154 {strides = array<i32>} : memref<2x8x32x8x128xf32, #tpu.memory_space<vmem>>, vector<1x8x1x8x128xf32>,
    %slice3A_155 = vector.extract_strided_slice %reshape3A {offsets = [768, 0], sizes = [128, 128], strides = [1, 1]} : vector<2048x128xf32> to vector<128x128xf32>
    %transpose3A_156 = tpu.transpose %slice3A_155, [1, 0] : vector<128x128xf32> -> vector<128x128xf32>
    %slice3A_157 = vector.extract_strided_slice %transpose3A_156 {offsets = [0, 0], sizes = [64, 64], strides = [1, 1]} : vector<128x128xf32> to vector<64x64xf32>
    %slice3A_158 = vector.extract_strided_slice %transpose3A_156 {offsets = [64, 0], sizes = [64, 64], strides = [1, 1]} : vector<128x128xf32> to vector<64x64xf32>
    %concatenate3A_159 = tpu.concatenate %slice3A_157, %slice3A_158 in 1 : vector<64x64xf32>, vector<64x64xf32> -> vector<64x128xf32>
    %slice3A_160 = vector.extract_strided_slice %transpose3A_156 {offsets = [0, 64], sizes = [64, 64], strides = [1, 1]} : vector<128x128xf32> to vector<64x64xf32>
    %slice3A_161 = vector.extract_strided_slice %transpose3A_156 {offsets = [64, 64], sizes = [64, 64], strides = [1, 1]} : vector<128x128xf32> to vector<64x64xf32>
    %concatenate3A_162 = tpu.concatenate %slice3A_160, %slice3A_161 in 1 : vector<64x64xf32>, vector<64x64xf32> -> vector<64x128xf32>
    %reshape3A_163 = vector.shape_cast %concatenate3A_159 : vector<64x128xf32> to vector<8x8x128xf32>
    %swap3A_164 = arith.constant 0 : index
    %swap3A_165 = arith.constant 0 : index
    %swap3A_166 = arith.constant 12 : index
    %swap3A_167 = arith.constant 0 : index
    %swap3A_168 = arith.constant 0 : index
    %swap3A_169 = vector.load %arg3[%swap3A_164, %swap3A_165, %swap3A_166, %swap3A_167, %swap3A_168] : memref<2x8x32x8x128xf32, #tpu.memory_space<vmem>>, vector<1x8x1x8x128xf32>
    %swap3A_170 = vector.shape_cast %swap3A_169 : vector<1x8x1x8x128xf32> to vector<8x8x128xf32>
    %swap3A_171 = vector.shape_cast %reshape3A_163 : vector<8x8x128xf32> to vector<1x8x1x8x128xf32>
    tpu.vector_store %arg3[%swap3A_164, %swap3A_165, %swap3A_166, %swap3A_167, %swap3A_168], %swap3A_171 {strides = array<i32>} : memref<2x8x32x8x128xf32, #tpu.memory_space<vmem>>, vector<1x8x1x8x128xf32>,
    %reshape3A_172 = vector.shape_cast %concatenate3A_162 : vector<64x128xf32> to vector<8x8x128xf32>
    %swap3A_173 = arith.constant 0 : index
    %swap3A_174 = arith.constant 0 : index
    %swap3A_175 = arith.constant 13 : index
    %swap3A_176 = arith.constant 0 : index
    %swap3A_177 = arith.constant 0 : index
    %swap3A_178 = vector.load %arg3[%swap3A_173, %swap3A_174, %swap3A_175, %swap3A_176, %swap3A_177] : memref<2x8x32x8x128xf32, #tpu.memory_space<vmem>>, vector<1x8x1x8x128xf32>
    %swap3A_179 = vector.shape_cast %swap3A_178 : vector<1x8x1x8x128xf32> to vector<8x8x128xf32>
    %swap3A_180 = vector.shape_cast %reshape3A_172 : vector<8x8x128xf32> to vector<1x8x1x8x128xf32>
    tpu.vector_store %arg3[%swap3A_173, %swap3A_174, %swap3A_175, %swap3A_176, %swap3A_177], %swap3A_180 {strides = array<i32>} : memref<2x8x32x8x128xf32, #tpu.memory_space<vmem>>, vector<1x8x1x8x128xf32>,
    %slice3A_181 = vector.extract_strided_slice %reshape3A {offsets = [896, 0], sizes = [128, 128], strides = [1, 1]} : vector<2048x128xf32> to vector<128x128xf32>
    %transpose3A_182 = tpu.transpose %slice3A_181, [1, 0] : vector<128x128xf32> -> vector<128x128xf32>
    %slice3A_183 = vector.extract_strided_slice %transpose3A_182 {offsets = [0, 0], sizes = [64, 64], strides = [1, 1]} : vector<128x128xf32> to vector<64x64xf32>
    %slice3A_184 = vector.extract_strided_slice %transpose3A_182 {offsets = [64, 0], sizes = [64, 64], strides = [1, 1]} : vector<128x128xf32> to vector<64x64xf32>
    %concatenate3A_185 = tpu.concatenate %slice3A_183, %slice3A_184 in 1 : vector<64x64xf32>, vector<64x64xf32> -> vector<64x128xf32>
    %slice3A_186 = vector.extract_strided_slice %transpose3A_182 {offsets = [0, 64], sizes = [64, 64], strides = [1, 1]} : vector<128x128xf32> to vector<64x64xf32>
    %slice3A_187 = vector.extract_strided_slice %transpose3A_182 {offsets = [64, 64], sizes = [64, 64], strides = [1, 1]} : vector<128x128xf32> to vector<64x64xf32>
    %concatenate3A_188 = tpu.concatenate %slice3A_186, %slice3A_187 in 1 : vector<64x64xf32>, vector<64x64xf32> -> vector<64x128xf32>
    %reshape3A_189 = vector.shape_cast %concatenate3A_185 : vector<64x128xf32> to vector<8x8x128xf32>
    %swap3A_190 = arith.constant 0 : index
    %swap3A_191 = arith.constant 0 : index
    %swap3A_192 = arith.constant 14 : index
    %swap3A_193 = arith.constant 0 : index
    %swap3A_194 = arith.constant 0 : index
    %swap3A_195 = vector.load %arg3[%swap3A_190, %swap3A_191, %swap3A_192, %swap3A_193, %swap3A_194] : memref<2x8x32x8x128xf32, #tpu.memory_space<vmem>>, vector<1x8x1x8x128xf32>
    %swap3A_196 = vector.shape_cast %swap3A_195 : vector<1x8x1x8x128xf32> to vector<8x8x128xf32>
    %swap3A_197 = vector.shape_cast %reshape3A_189 : vector<8x8x128xf32> to vector<1x8x1x8x128xf32>
    tpu.vector_store %arg3[%swap3A_190, %swap3A_191, %swap3A_192, %swap3A_193, %swap3A_194], %swap3A_197 {strides = array<i32>} : memref<2x8x32x8x128xf32, #tpu.memory_space<vmem>>, vector<1x8x1x8x128xf32>,
    %reshape3A_198 = vector.shape_cast %concatenate3A_188 : vector<64x128xf32> to vector<8x8x128xf32>
    %swap3A_199 = arith.constant 0 : index
    %swap3A_200 = arith.constant 0 : index
    %swap3A_201 = arith.constant 15 : index
    %swap3A_202 = arith.constant 0 : index
    %swap3A_203 = arith.constant 0 : index
    %swap3A_204 = vector.load %arg3[%swap3A_199, %swap3A_200, %swap3A_201, %swap3A_202, %swap3A_203] : memref<2x8x32x8x128xf32, #tpu.memory_space<vmem>>, vector<1x8x1x8x128xf32>
    %swap3A_205 = vector.shape_cast %swap3A_204 : vector<1x8x1x8x128xf32> to vector<8x8x128xf32>
    %swap3A_206 = vector.shape_cast %reshape3A_198 : vector<8x8x128xf32> to vector<1x8x1x8x128xf32>
    tpu.vector_store %arg3[%swap3A_199, %swap3A_200, %swap3A_201, %swap3A_202, %swap3A_203], %swap3A_206 {strides = array<i32>} : memref<2x8x32x8x128xf32, #tpu.memory_space<vmem>>, vector<1x8x1x8x128xf32>,
    %slice3A_207 = vector.extract_strided_slice %reshape3A {offsets = [1024, 0], sizes = [128, 128], strides = [1, 1]} : vector<2048x128xf32> to vector<128x128xf32>
    %transpose3A_208 = tpu.transpose %slice3A_207, [1, 0] : vector<128x128xf32> -> vector<128x128xf32>
    %slice3A_209 = vector.extract_strided_slice %transpose3A_208 {offsets = [0, 0], sizes = [64, 64], strides = [1, 1]} : vector<128x128xf32> to vector<64x64xf32>
    %slice3A_210 = vector.extract_strided_slice %transpose3A_208 {offsets = [64, 0], sizes = [64, 64], strides = [1, 1]} : vector<128x128xf32> to vector<64x64xf32>
    %concatenate3A_211 = tpu.concatenate %slice3A_209, %slice3A_210 in 1 : vector<64x64xf32>, vector<64x64xf32> -> vector<64x128xf32>
    %slice3A_212 = vector.extract_strided_slice %transpose3A_208 {offsets = [0, 64], sizes = [64, 64], strides = [1, 1]} : vector<128x128xf32> to vector<64x64xf32>
    %slice3A_213 = vector.extract_strided_slice %transpose3A_208 {offsets = [64, 64], sizes = [64, 64], strides = [1, 1]} : vector<128x128xf32> to vector<64x64xf32>
    %concatenate3A_214 = tpu.concatenate %slice3A_212, %slice3A_213 in 1 : vector<64x64xf32>, vector<64x64xf32> -> vector<64x128xf32>
    %reshape3A_215 = vector.shape_cast %concatenate3A_211 : vector<64x128xf32> to vector<8x8x128xf32>
    %swap3A_216 = arith.constant 0 : index
    %swap3A_217 = arith.constant 0 : index
    %swap3A_218 = arith.constant 16 : index
    %swap3A_219 = arith.constant 0 : index
    %swap3A_220 = arith.constant 0 : index
    %swap3A_221 = vector.load %arg3[%swap3A_216, %swap3A_217, %swap3A_218, %swap3A_219, %swap3A_220] : memref<2x8x32x8x128xf32, #tpu.memory_space<vmem>>, vector<1x8x1x8x128xf32>
    %swap3A_222 = vector.shape_cast %swap3A_221 : vector<1x8x1x8x128xf32> to vector<8x8x128xf32>
    %swap3A_223 = vector.shape_cast %reshape3A_215 : vector<8x8x128xf32> to vector<1x8x1x8x128xf32>
    tpu.vector_store %arg3[%swap3A_216, %swap3A_217, %swap3A_218, %swap3A_219, %swap3A_220], %swap3A_223 {strides = array<i32>} : memref<2x8x32x8x128xf32, #tpu.memory_space<vmem>>, vector<1x8x1x8x128xf32>,
    %reshape3A_224 = vector.shape_cast %concatenate3A_214 : vector<64x128xf32> to vector<8x8x128xf32>
    %swap3A_225 = arith.constant 0 : index
    %swap3A_226 = arith.constant 0 : index
    %swap3A_227 = arith.constant 17 : index
    %swap3A_228 = arith.constant 0 : index
    %swap3A_229 = arith.constant 0 : index
    %swap3A_230 = vector.load %arg3[%swap3A_225, %swap3A_226, %swap3A_227, %swap3A_228, %swap3A_229] : memref<2x8x32x8x128xf32, #tpu.memory_space<vmem>>, vector<1x8x1x8x128xf32>
    %swap3A_231 = vector.shape_cast %swap3A_230 : vector<1x8x1x8x128xf32> to vector<8x8x128xf32>
    %swap3A_232 = vector.shape_cast %reshape3A_224 : vector<8x8x128xf32> to vector<1x8x1x8x128xf32>
    tpu.vector_store %arg3[%swap3A_225, %swap3A_226, %swap3A_227, %swap3A_228, %swap3A_229], %swap3A_232 {strides = array<i32>} : memref<2x8x32x8x128xf32, #tpu.memory_space<vmem>>, vector<1x8x1x8x128xf32>,
    %slice3A_233 = vector.extract_strided_slice %reshape3A {offsets = [1152, 0], sizes = [128, 128], strides = [1, 1]} : vector<2048x128xf32> to vector<128x128xf32>
    %transpose3A_234 = tpu.transpose %slice3A_233, [1, 0] : vector<128x128xf32> -> vector<128x128xf32>
    %slice3A_235 = vector.extract_strided_slice %transpose3A_234 {offsets = [0, 0], sizes = [64, 64], strides = [1, 1]} : vector<128x128xf32> to vector<64x64xf32>
    %slice3A_236 = vector.extract_strided_slice %transpose3A_234 {offsets = [64, 0], sizes = [64, 64], strides = [1, 1]} : vector<128x128xf32> to vector<64x64xf32>
    %concatenate3A_237 = tpu.concatenate %slice3A_235, %slice3A_236 in 1 : vector<64x64xf32>, vector<64x64xf32> -> vector<64x128xf32>
    %slice3A_238 = vector.extract_strided_slice %transpose3A_234 {offsets = [0, 64], sizes = [64, 64], strides = [1, 1]} : vector<128x128xf32> to vector<64x64xf32>
    %slice3A_239 = vector.extract_strided_slice %transpose3A_234 {offsets = [64, 64], sizes = [64, 64], strides = [1, 1]} : vector<128x128xf32> to vector<64x64xf32>
    %concatenate3A_240 = tpu.concatenate %slice3A_238, %slice3A_239 in 1 : vector<64x64xf32>, vector<64x64xf32> -> vector<64x128xf32>
    %reshape3A_241 = vector.shape_cast %concatenate3A_237 : vector<64x128xf32> to vector<8x8x128xf32>
    %swap3A_242 = arith.constant 0 : index
    %swap3A_243 = arith.constant 0 : index
    %swap3A_244 = arith.constant 18 : index
    %swap3A_245 = arith.constant 0 : index
    %swap3A_246 = arith.constant 0 : index
    %swap3A_247 = vector.load %arg3[%swap3A_242, %swap3A_243, %swap3A_244, %swap3A_245, %swap3A_246] : memref<2x8x32x8x128xf32, #tpu.memory_space<vmem>>, vector<1x8x1x8x128xf32>
    %swap3A_248 = vector.shape_cast %swap3A_247 : vector<1x8x1x8x128xf32> to vector<8x8x128xf32>
    %swap3A_249 = vector.shape_cast %reshape3A_241 : vector<8x8x128xf32> to vector<1x8x1x8x128xf32>
    tpu.vector_store %arg3[%swap3A_242, %swap3A_243, %swap3A_244, %swap3A_245, %swap3A_246], %swap3A_249 {strides = array<i32>} : memref<2x8x32x8x128xf32, #tpu.memory_space<vmem>>, vector<1x8x1x8x128xf32>,
    %reshape3A_250 = vector.shape_cast %concatenate3A_240 : vector<64x128xf32> to vector<8x8x128xf32>
    %swap3A_251 = arith.constant 0 : index
    %swap3A_252 = arith.constant 0 : index
    %swap3A_253 = arith.constant 19 : index
    %swap3A_254 = arith.constant 0 : index
    %swap3A_255 = arith.constant 0 : index
    %swap3A_256 = vector.load %arg3[%swap3A_251, %swap3A_252, %swap3A_253, %swap3A_254, %swap3A_255] : memref<2x8x32x8x128xf32, #tpu.memory_space<vmem>>, vector<1x8x1x8x128xf32>
    %swap3A_257 = vector.shape_cast %swap3A_256 : vector<1x8x1x8x128xf32> to vector<8x8x128xf32>
    %swap3A_258 = vector.shape_cast %reshape3A_250 : vector<8x8x128xf32> to vector<1x8x1x8x128xf32>
    tpu.vector_store %arg3[%swap3A_251, %swap3A_252, %swap3A_253, %swap3A_254, %swap3A_255], %swap3A_258 {strides = array<i32>} : memref<2x8x32x8x128xf32, #tpu.memory_space<vmem>>, vector<1x8x1x8x128xf32>,
    %slice3A_259 = vector.extract_strided_slice %reshape3A {offsets = [1280, 0], sizes = [128, 128], strides = [1, 1]} : vector<2048x128xf32> to vector<128x128xf32>
    %transpose3A_260 = tpu.transpose %slice3A_259, [1, 0] : vector<128x128xf32> -> vector<128x128xf32>
    %slice3A_261 = vector.extract_strided_slice %transpose3A_260 {offsets = [0, 0], sizes = [64, 64], strides = [1, 1]} : vector<128x128xf32> to vector<64x64xf32>
    %slice3A_262 = vector.extract_strided_slice %transpose3A_260 {offsets = [64, 0], sizes = [64, 64], strides = [1, 1]} : vector<128x128xf32> to vector<64x64xf32>
    %concatenate3A_263 = tpu.concatenate %slice3A_261, %slice3A_262 in 1 : vector<64x64xf32>, vector<64x64xf32> -> vector<64x128xf32>
    %slice3A_264 = vector.extract_strided_slice %transpose3A_260 {offsets = [0, 64], sizes = [64, 64], strides = [1, 1]} : vector<128x128xf32> to vector<64x64xf32>
    %slice3A_265 = vector.extract_strided_slice %transpose3A_260 {offsets = [64, 64], sizes = [64, 64], strides = [1, 1]} : vector<128x128xf32> to vector<64x64xf32>
    %concatenate3A_266 = tpu.concatenate %slice3A_264, %slice3A_265 in 1 : vector<64x64xf32>, vector<64x64xf32> -> vector<64x128xf32>
    %reshape3A_267 = vector.shape_cast %concatenate3A_263 : vector<64x128xf32> to vector<8x8x128xf32>
    %swap3A_268 = arith.constant 0 : index
    %swap3A_269 = arith.constant 0 : index
    %swap3A_270 = arith.constant 20 : index
    %swap3A_271 = arith.constant 0 : index
    %swap3A_272 = arith.constant 0 : index
    %swap3A_273 = vector.load %arg3[%swap3A_268, %swap3A_269, %swap3A_270, %swap3A_271, %swap3A_272] : memref<2x8x32x8x128xf32, #tpu.memory_space<vmem>>, vector<1x8x1x8x128xf32>
    %swap3A_274 = vector.shape_cast %swap3A_273 : vector<1x8x1x8x128xf32> to vector<8x8x128xf32>
    %swap3A_275 = vector.shape_cast %reshape3A_267 : vector<8x8x128xf32> to vector<1x8x1x8x128xf32>
    tpu.vector_store %arg3[%swap3A_268, %swap3A_269, %swap3A_270, %swap3A_271, %swap3A_272], %swap3A_275 {strides = array<i32>} : memref<2x8x32x8x128xf32, #tpu.memory_space<vmem>>, vector<1x8x1x8x128xf32>,
    %reshape3A_276 = vector.shape_cast %concatenate3A_266 : vector<64x128xf32> to vector<8x8x128xf32>
    %swap3A_277 = arith.constant 0 : index
    %swap3A_278 = arith.constant 0 : index
    %swap3A_279 = arith.constant 21 : index
    %swap3A_280 = arith.constant 0 : index
    %swap3A_281 = arith.constant 0 : index
    %swap3A_282 = vector.load %arg3[%swap3A_277, %swap3A_278, %swap3A_279, %swap3A_280, %swap3A_281] : memref<2x8x32x8x128xf32, #tpu.memory_space<vmem>>, vector<1x8x1x8x128xf32>
    %swap3A_283 = vector.shape_cast %swap3A_282 : vector<1x8x1x8x128xf32> to vector<8x8x128xf32>
    %swap3A_284 = vector.shape_cast %reshape3A_276 : vector<8x8x128xf32> to vector<1x8x1x8x128xf32>
    tpu.vector_store %arg3[%swap3A_277, %swap3A_278, %swap3A_279, %swap3A_280, %swap3A_281], %swap3A_284 {strides = array<i32>} : memref<2x8x32x8x128xf32, #tpu.memory_space<vmem>>, vector<1x8x1x8x128xf32>,
    %slice3A_285 = vector.extract_strided_slice %reshape3A {offsets = [1408, 0], sizes = [128, 128], strides = [1, 1]} : vector<2048x128xf32> to vector<128x128xf32>
    %transpose3A_286 = tpu.transpose %slice3A_285, [1, 0] : vector<128x128xf32> -> vector<128x128xf32>
    %slice3A_287 = vector.extract_strided_slice %transpose3A_286 {offsets = [0, 0], sizes = [64, 64], strides = [1, 1]} : vector<128x128xf32> to vector<64x64xf32>
    %slice3A_288 = vector.extract_strided_slice %transpose3A_286 {offsets = [64, 0], sizes = [64, 64], strides = [1, 1]} : vector<128x128xf32> to vector<64x64xf32>
    %concatenate3A_289 = tpu.concatenate %slice3A_287, %slice3A_288 in 1 : vector<64x64xf32>, vector<64x64xf32> -> vector<64x128xf32>
    %slice3A_290 = vector.extract_strided_slice %transpose3A_286 {offsets = [0, 64], sizes = [64, 64], strides = [1, 1]} : vector<128x128xf32> to vector<64x64xf32>
    %slice3A_291 = vector.extract_strided_slice %transpose3A_286 {offsets = [64, 64], sizes = [64, 64], strides = [1, 1]} : vector<128x128xf32> to vector<64x64xf32>
    %concatenate3A_292 = tpu.concatenate %slice3A_290, %slice3A_291 in 1 : vector<64x64xf32>, vector<64x64xf32> -> vector<64x128xf32>
    %reshape3A_293 = vector.shape_cast %concatenate3A_289 : vector<64x128xf32> to vector<8x8x128xf32>
    %swap3A_294 = arith.constant 0 : index
    %swap3A_295 = arith.constant 0 : index
    %swap3A_296 = arith.constant 22 : index
    %swap3A_297 = arith.constant 0 : index
    %swap3A_298 = arith.constant 0 : index
    %swap3A_299 = vector.load %arg3[%swap3A_294, %swap3A_295, %swap3A_296, %swap3A_297, %swap3A_298] : memref<2x8x32x8x128xf32, #tpu.memory_space<vmem>>, vector<1x8x1x8x128xf32>
    %swap3A_300 = vector.shape_cast %swap3A_299 : vector<1x8x1x8x128xf32> to vector<8x8x128xf32>
    %swap3A_301 = vector.shape_cast %reshape3A_293 : vector<8x8x128xf32> to vector<1x8x1x8x128xf32>
    tpu.vector_store %arg3[%swap3A_294, %swap3A_295, %swap3A_296, %swap3A_297, %swap3A_298], %swap3A_301 {strides = array<i32>} : memref<2x8x32x8x128xf32, #tpu.memory_space<vmem>>, vector<1x8x1x8x128xf32>,
    %reshape3A_302 = vector.shape_cast %concatenate3A_292 : vector<64x128xf32> to vector<8x8x128xf32>
    %swap3A_303 = arith.constant 0 : index
    %swap3A_304 = arith.constant 0 : index
    %swap3A_305 = arith.constant 23 : index
    %swap3A_306 = arith.constant 0 : index
    %swap3A_307 = arith.constant 0 : index
    %swap3A_308 = vector.load %arg3[%swap3A_303, %swap3A_304, %swap3A_305, %swap3A_306, %swap3A_307] : memref<2x8x32x8x128xf32, #tpu.memory_space<vmem>>, vector<1x8x1x8x128xf32>
    %swap3A_309 = vector.shape_cast %swap3A_308 : vector<1x8x1x8x128xf32> to vector<8x8x128xf32>
    %swap3A_310 = vector.shape_cast %reshape3A_302 : vector<8x8x128xf32> to vector<1x8x1x8x128xf32>
    tpu.vector_store %arg3[%swap3A_303, %swap3A_304, %swap3A_305, %swap3A_306, %swap3A_307], %swap3A_310 {strides = array<i32>} : memref<2x8x32x8x128xf32, #tpu.memory_space<vmem>>, vector<1x8x1x8x128xf32>,
    %slice3A_311 = vector.extract_strided_slice %reshape3A {offsets = [1536, 0], sizes = [128, 128], strides = [1, 1]} : vector<2048x128xf32> to vector<128x128xf32>
    %transpose3A_312 = tpu.transpose %slice3A_311, [1, 0] : vector<128x128xf32> -> vector<128x128xf32>
    %slice3A_313 = vector.extract_strided_slice %transpose3A_312 {offsets = [0, 0], sizes = [64, 64], strides = [1, 1]} : vector<128x128xf32> to vector<64x64xf32>
    %slice3A_314 = vector.extract_strided_slice %transpose3A_312 {offsets = [64, 0], sizes = [64, 64], strides = [1, 1]} : vector<128x128xf32> to vector<64x64xf32>
    %concatenate3A_315 = tpu.concatenate %slice3A_313, %slice3A_314 in 1 : vector<64x64xf32>, vector<64x64xf32> -> vector<64x128xf32>
    %slice3A_316 = vector.extract_strided_slice %transpose3A_312 {offsets = [0, 64], sizes = [64, 64], strides = [1, 1]} : vector<128x128xf32> to vector<64x64xf32>
    %slice3A_317 = vector.extract_strided_slice %transpose3A_312 {offsets = [64, 64], sizes = [64, 64], strides = [1, 1]} : vector<128x128xf32> to vector<64x64xf32>
    %concatenate3A_318 = tpu.concatenate %slice3A_316, %slice3A_317 in 1 : vector<64x64xf32>, vector<64x64xf32> -> vector<64x128xf32>
    %reshape3A_319 = vector.shape_cast %concatenate3A_315 : vector<64x128xf32> to vector<8x8x128xf32>
    %swap3A_320 = arith.constant 0 : index
    %swap3A_321 = arith.constant 0 : index
    %swap3A_322 = arith.constant 24 : index
    %swap3A_323 = arith.constant 0 : index
    %swap3A_324 = arith.constant 0 : index
    %swap3A_325 = vector.load %arg3[%swap3A_320, %swap3A_321, %swap3A_322, %swap3A_323, %swap3A_324] : memref<2x8x32x8x128xf32, #tpu.memory_space<vmem>>, vector<1x8x1x8x128xf32>
    %swap3A_326 = vector.shape_cast %swap3A_325 : vector<1x8x1x8x128xf32> to vector<8x8x128xf32>
    %swap3A_327 = vector.shape_cast %reshape3A_319 : vector<8x8x128xf32> to vector<1x8x1x8x128xf32>
    tpu.vector_store %arg3[%swap3A_320, %swap3A_321, %swap3A_322, %swap3A_323, %swap3A_324], %swap3A_327 {strides = array<i32>} : memref<2x8x32x8x128xf32, #tpu.memory_space<vmem>>, vector<1x8x1x8x128xf32>,
    %reshape3A_328 = vector.shape_cast %concatenate3A_318 : vector<64x128xf32> to vector<8x8x128xf32>
    %swap3A_329 = arith.constant 0 : index
    %swap3A_330 = arith.constant 0 : index
    %swap3A_331 = arith.constant 25 : index
    %swap3A_332 = arith.constant 0 : index
    %swap3A_333 = arith.constant 0 : index
    %swap3A_334 = vector.load %arg3[%swap3A_329, %swap3A_330, %swap3A_331, %swap3A_332, %swap3A_333] : memref<2x8x32x8x128xf32, #tpu.memory_space<vmem>>, vector<1x8x1x8x128xf32>
    %swap3A_335 = vector.shape_cast %swap3A_334 : vector<1x8x1x8x128xf32> to vector<8x8x128xf32>
    %swap3A_336 = vector.shape_cast %reshape3A_328 : vector<8x8x128xf32> to vector<1x8x1x8x128xf32>
    tpu.vector_store %arg3[%swap3A_329, %swap3A_330, %swap3A_331, %swap3A_332, %swap3A_333], %swap3A_336 {strides = array<i32>} : memref<2x8x32x8x128xf32, #tpu.memory_space<vmem>>, vector<1x8x1x8x128xf32>,
    %slice3A_337 = vector.extract_strided_slice %reshape3A {offsets = [1664, 0], sizes = [128, 128], strides = [1, 1]} : vector<2048x128xf32> to vector<128x128xf32>
    %transpose3A_338 = tpu.transpose %slice3A_337, [1, 0] : vector<128x128xf32> -> vector<128x128xf32>
    %slice3A_339 = vector.extract_strided_slice %transpose3A_338 {offsets = [0, 0], sizes = [64, 64], strides = [1, 1]} : vector<128x128xf32> to vector<64x64xf32>
    %slice3A_340 = vector.extract_strided_slice %transpose3A_338 {offsets = [64, 0], sizes = [64, 64], strides = [1, 1]} : vector<128x128xf32> to vector<64x64xf32>
    %concatenate3A_341 = tpu.concatenate %slice3A_339, %slice3A_340 in 1 : vector<64x64xf32>, vector<64x64xf32> -> vector<64x128xf32>
    %slice3A_342 = vector.extract_strided_slice %transpose3A_338 {offsets = [0, 64], sizes = [64, 64], strides = [1, 1]} : vector<128x128xf32> to vector<64x64xf32>
    %slice3A_343 = vector.extract_strided_slice %transpose3A_338 {offsets = [64, 64], sizes = [64, 64], strides = [1, 1]} : vector<128x128xf32> to vector<64x64xf32>
    %concatenate3A_344 = tpu.concatenate %slice3A_342, %slice3A_343 in 1 : vector<64x64xf32>, vector<64x64xf32> -> vector<64x128xf32>
    %reshape3A_345 = vector.shape_cast %concatenate3A_341 : vector<64x128xf32> to vector<8x8x128xf32>
    %swap3A_346 = arith.constant 0 : index
    %swap3A_347 = arith.constant 0 : index
    %swap3A_348 = arith.constant 26 : index
    %swap3A_349 = arith.constant 0 : index
    %swap3A_350 = arith.constant 0 : index
    %swap3A_351 = vector.load %arg3[%swap3A_346, %swap3A_347, %swap3A_348, %swap3A_349, %swap3A_350] : memref<2x8x32x8x128xf32, #tpu.memory_space<vmem>>, vector<1x8x1x8x128xf32>
    %swap3A_352 = vector.shape_cast %swap3A_351 : vector<1x8x1x8x128xf32> to vector<8x8x128xf32>
    %swap3A_353 = vector.shape_cast %reshape3A_345 : vector<8x8x128xf32> to vector<1x8x1x8x128xf32>
    tpu.vector_store %arg3[%swap3A_346, %swap3A_347, %swap3A_348, %swap3A_349, %swap3A_350], %swap3A_353 {strides = array<i32>} : memref<2x8x32x8x128xf32, #tpu.memory_space<vmem>>, vector<1x8x1x8x128xf32>,
    %reshape3A_354 = vector.shape_cast %concatenate3A_344 : vector<64x128xf32> to vector<8x8x128xf32>
    %swap3A_355 = arith.constant 0 : index
    %swap3A_356 = arith.constant 0 : index
    %swap3A_357 = arith.constant 27 : index
    %swap3A_358 = arith.constant 0 : index
    %swap3A_359 = arith.constant 0 : index
    %swap3A_360 = vector.load %arg3[%swap3A_355, %swap3A_356, %swap3A_357, %swap3A_358, %swap3A_359] : memref<2x8x32x8x128xf32, #tpu.memory_space<vmem>>, vector<1x8x1x8x128xf32>
    %swap3A_361 = vector.shape_cast %swap3A_360 : vector<1x8x1x8x128xf32> to vector<8x8x128xf32>
    %swap3A_362 = vector.shape_cast %reshape3A_354 : vector<8x8x128xf32> to vector<1x8x1x8x128xf32>
    tpu.vector_store %arg3[%swap3A_355, %swap3A_356, %swap3A_357, %swap3A_358, %swap3A_359], %swap3A_362 {strides = array<i32>} : memref<2x8x32x8x128xf32, #tpu.memory_space<vmem>>, vector<1x8x1x8x128xf32>,
    %slice3A_363 = vector.extract_strided_slice %reshape3A {offsets = [1792, 0], sizes = [128, 128], strides = [1, 1]} : vector<2048x128xf32> to vector<128x128xf32>
    %transpose3A_364 = tpu.transpose %slice3A_363, [1, 0] : vector<128x128xf32> -> vector<128x128xf32>
    %slice3A_365 = vector.extract_strided_slice %transpose3A_364 {offsets = [0, 0], sizes = [64, 64], strides = [1, 1]} : vector<128x128xf32> to vector<64x64xf32>
    %slice3A_366 = vector.extract_strided_slice %transpose3A_364 {offsets = [64, 0], sizes = [64, 64], strides = [1, 1]} : vector<128x128xf32> to vector<64x64xf32>
    %concatenate3A_367 = tpu.concatenate %slice3A_365, %slice3A_366 in 1 : vector<64x64xf32>, vector<64x64xf32> -> vector<64x128xf32>
    %slice3A_368 = vector.extract_strided_slice %transpose3A_364 {offsets = [0, 64], sizes = [64, 64], strides = [1, 1]} : vector<128x128xf32> to vector<64x64xf32>
    %slice3A_369 = vector.extract_strided_slice %transpose3A_364 {offsets = [64, 64], sizes = [64, 64], strides = [1, 1]} : vector<128x128xf32> to vector<64x64xf32>
    %concatenate3A_370 = tpu.concatenate %slice3A_368, %slice3A_369 in 1 : vector<64x64xf32>, vector<64x64xf32> -> vector<64x128xf32>
    %reshape3A_371 = vector.shape_cast %concatenate3A_367 : vector<64x128xf32> to vector<8x8x128xf32>
    %swap3A_372 = arith.constant 0 : index
    %swap3A_373 = arith.constant 0 : index
    %swap3A_374 = arith.constant 28 : index
    %swap3A_375 = arith.constant 0 : index
    %swap3A_376 = arith.constant 0 : index
    %swap3A_377 = vector.load %arg3[%swap3A_372, %swap3A_373, %swap3A_374, %swap3A_375, %swap3A_376] : memref<2x8x32x8x128xf32, #tpu.memory_space<vmem>>, vector<1x8x1x8x128xf32>
    %swap3A_378 = vector.shape_cast %swap3A_377 : vector<1x8x1x8x128xf32> to vector<8x8x128xf32>
    %swap3A_379 = vector.shape_cast %reshape3A_371 : vector<8x8x128xf32> to vector<1x8x1x8x128xf32>
    tpu.vector_store %arg3[%swap3A_372, %swap3A_373, %swap3A_374, %swap3A_375, %swap3A_376], %swap3A_379 {strides = array<i32>} : memref<2x8x32x8x128xf32, #tpu.memory_space<vmem>>, vector<1x8x1x8x128xf32>,
    %reshape3A_380 = vector.shape_cast %concatenate3A_370 : vector<64x128xf32> to vector<8x8x128xf32>
    %swap3A_381 = arith.constant 0 : index
    %swap3A_382 = arith.constant 0 : index
    %swap3A_383 = arith.constant 29 : index
    %swap3A_384 = arith.constant 0 : index
    %swap3A_385 = arith.constant 0 : index
    %swap3A_386 = vector.load %arg3[%swap3A_381, %swap3A_382, %swap3A_383, %swap3A_384, %swap3A_385] : memref<2x8x32x8x128xf32, #tpu.memory_space<vmem>>, vector<1x8x1x8x128xf32>
    %swap3A_387 = vector.shape_cast %swap3A_386 : vector<1x8x1x8x128xf32> to vector<8x8x128xf32>
    %swap3A_388 = vector.shape_cast %reshape3A_380 : vector<8x8x128xf32> to vector<1x8x1x8x128xf32>
    tpu.vector_store %arg3[%swap3A_381, %swap3A_382, %swap3A_383, %swap3A_384, %swap3A_385], %swap3A_388 {strides = array<i32>} : memref<2x8x32x8x128xf32, #tpu.memory_space<vmem>>, vector<1x8x1x8x128xf32>,
    %slice3A_389 = vector.extract_strided_slice %reshape3A {offsets = [1920, 0], sizes = [128, 128], strides = [1, 1]} : vector<2048x128xf32> to vector<128x128xf32>
    %transpose3A_390 = tpu.transpose %slice3A_389, [1, 0] : vector<128x128xf32> -> vector<128x128xf32>
    %slice3A_391 = vector.extract_strided_slice %transpose3A_390 {offsets = [0, 0], sizes = [64, 64], strides = [1, 1]} : vector<128x128xf32> to vector<64x64xf32>
    %slice3A_392 = vector.extract_strided_slice %transpose3A_390 {offsets = [64, 0], sizes = [64, 64], strides = [1, 1]} : vector<128x128xf32> to vector<64x64xf32>
    %concatenate3A_393 = tpu.concatenate %slice3A_391, %slice3A_392 in 1 : vector<64x64xf32>, vector<64x64xf32> -> vector<64x128xf32>
    %slice3A_394 = vector.extract_strided_slice %transpose3A_390 {offsets = [0, 64], sizes = [64, 64], strides = [1, 1]} : vector<128x128xf32> to vector<64x64xf32>
    %slice3A_395 = vector.extract_strided_slice %transpose3A_390 {offsets = [64, 64], sizes = [64, 64], strides = [1, 1]} : vector<128x128xf32> to vector<64x64xf32>
    %concatenate3A_396 = tpu.concatenate %slice3A_394, %slice3A_395 in 1 : vector<64x64xf32>, vector<64x64xf32> -> vector<64x128xf32>
    %reshape3A_397 = vector.shape_cast %concatenate3A_393 : vector<64x128xf32> to vector<8x8x128xf32>
    %swap3A_398 = arith.constant 0 : index
    %swap3A_399 = arith.constant 0 : index
    %swap3A_400 = arith.constant 30 : index
    %swap3A_401 = arith.constant 0 : index
    %swap3A_402 = arith.constant 0 : index
    %swap3A_403 = vector.load %arg3[%swap3A_398, %swap3A_399, %swap3A_400, %swap3A_401, %swap3A_402] : memref<2x8x32x8x128xf32, #tpu.memory_space<vmem>>, vector<1x8x1x8x128xf32>
    %swap3A_404 = vector.shape_cast %swap3A_403 : vector<1x8x1x8x128xf32> to vector<8x8x128xf32>
    %swap3A_405 = vector.shape_cast %reshape3A_397 : vector<8x8x128xf32> to vector<1x8x1x8x128xf32>
    tpu.vector_store %arg3[%swap3A_398, %swap3A_399, %swap3A_400, %swap3A_401, %swap3A_402], %swap3A_405 {strides = array<i32>} : memref<2x8x32x8x128xf32, #tpu.memory_space<vmem>>, vector<1x8x1x8x128xf32>,
    %reshape3A_406 = vector.shape_cast %concatenate3A_396 : vector<64x128xf32> to vector<8x8x128xf32>
    %swap3A_407 = arith.constant 0 : index
    %swap3A_408 = arith.constant 0 : index
    %swap3A_409 = arith.constant 31 : index
    %swap3A_410 = arith.constant 0 : index
    %swap3A_411 = arith.constant 0 : index
    %swap3A_412 = vector.load %arg3[%swap3A_407, %swap3A_408, %swap3A_409, %swap3A_410, %swap3A_411] : memref<2x8x32x8x128xf32, #tpu.memory_space<vmem>>, vector<1x8x1x8x128xf32>
    %swap3A_413 = vector.shape_cast %swap3A_412 : vector<1x8x1x8x128xf32> to vector<8x8x128xf32>
    %swap3A_414 = vector.shape_cast %reshape3A_406 : vector<8x8x128xf32> to vector<1x8x1x8x128xf32>
    tpu.vector_store %arg3[%swap3A_407, %swap3A_408, %swap3A_409, %swap3A_410, %swap3A_411], %swap3A_414 {strides = array<i32>} : memref<2x8x32x8x128xf32, #tpu.memory_space<vmem>>, vector<1x8x1x8x128xf32>,
    %get3A_415 = arith.constant 256 : index
    %get3A_416 = arith.constant 0 : index
    %get3A_417 = arith.constant 0 : index
    %get3A_418 = vector.load %arg1[%get3A_415, %get3A_416, %get3A_417] : memref<512x8x128xf32, #tpu.memory_space<vmem>>, vector<256x8x128xf32>
    %reshape3A_419 = vector.shape_cast %get3A_418 : vector<256x8x128xf32> to vector<2048x128xf32>
    %slice3A_420 = vector.extract_strided_slice %reshape3A_419 {offsets = [0, 0], sizes = [128, 128], strides = [1, 1]} : vector<2048x128xf32> to vector<128x128xf32>
    %transpose3A_421 = tpu.transpose %slice3A_420, [1, 0] : vector<128x128xf32> -> vector<128x128xf32>
    %slice3A_422 = vector.extract_strided_slice %transpose3A_421 {offsets = [0, 0], sizes = [64, 64], strides = [1, 1]} : vector<128x128xf32> to vector<64x64xf32>
    %slice3A_423 = vector.extract_strided_slice %transpose3A_421 {offsets = [64, 0], sizes = [64, 64], strides = [1, 1]} : vector<128x128xf32> to vector<64x64xf32>
    %concatenate3A_424 = tpu.concatenate %slice3A_422, %slice3A_423 in 1 : vector<64x64xf32>, vector<64x64xf32> -> vector<64x128xf32>
    %slice3A_425 = vector.extract_strided_slice %transpose3A_421 {offsets = [0, 64], sizes = [64, 64], strides = [1, 1]} : vector<128x128xf32> to vector<64x64xf32>
    %slice3A_426 = vector.extract_strided_slice %transpose3A_421 {offsets = [64, 64], sizes = [64, 64], strides = [1, 1]} : vector<128x128xf32> to vector<64x64xf32>
    %concatenate3A_427 = tpu.concatenate %slice3A_425, %slice3A_426 in 1 : vector<64x64xf32>, vector<64x64xf32> -> vector<64x128xf32>
    %reshape3A_428 = vector.shape_cast %concatenate3A_424 : vector<64x128xf32> to vector<8x8x128xf32>
    %swap3A_429 = arith.constant 1 : index
    %swap3A_430 = arith.constant 0 : index
    %swap3A_431 = arith.constant 0 : index
    %swap3A_432 = arith.constant 0 : index
    %swap3A_433 = arith.constant 0 : index
    %swap3A_434 = vector.load %arg3[%swap3A_429, %swap3A_430, %swap3A_431, %swap3A_432, %swap3A_433] : memref<2x8x32x8x128xf32, #tpu.memory_space<vmem>>, vector<1x8x1x8x128xf32>
    %swap3A_435 = vector.shape_cast %swap3A_434 : vector<1x8x1x8x128xf32> to vector<8x8x128xf32>
    %swap3A_436 = vector.shape_cast %reshape3A_428 : vector<8x8x128xf32> to vector<1x8x1x8x128xf32>
    tpu.vector_store %arg3[%swap3A_429, %swap3A_430, %swap3A_431, %swap3A_432, %swap3A_433], %swap3A_436 {strides = array<i32>} : memref<2x8x32x8x128xf32, #tpu.memory_space<vmem>>, vector<1x8x1x8x128xf32>,
    %reshape3A_437 = vector.shape_cast %concatenate3A_427 : vector<64x128xf32> to vector<8x8x128xf32>
    %swap3A_438 = arith.constant 1 : index
    %swap3A_439 = arith.constant 0 : index
    %swap3A_440 = arith.constant 1 : index
    %swap3A_441 = arith.constant 0 : index
    %swap3A_442 = arith.constant 0 : index
    %swap3A_443 = vector.load %arg3[%swap3A_438, %swap3A_439, %swap3A_440, %swap3A_441, %swap3A_442] : memref<2x8x32x8x128xf32, #tpu.memory_space<vmem>>, vector<1x8x1x8x128xf32>
    %swap3A_444 = vector.shape_cast %swap3A_443 : vector<1x8x1x8x128xf32> to vector<8x8x128xf32>
    %swap3A_445 = vector.shape_cast %reshape3A_437 : vector<8x8x128xf32> to vector<1x8x1x8x128xf32>
    tpu.vector_store %arg3[%swap3A_438, %swap3A_439, %swap3A_440, %swap3A_441, %swap3A_442], %swap3A_445 {strides = array<i32>} : memref<2x8x32x8x128xf32, #tpu.memory_space<vmem>>, vector<1x8x1x8x128xf32>,
    %slice3A_446 = vector.extract_strided_slice %reshape3A_419 {offsets = [128, 0], sizes = [128, 128], strides = [1, 1]} : vector<2048x128xf32> to vector<128x128xf32>
    %transpose3A_447 = tpu.transpose %slice3A_446, [1, 0] : vector<128x128xf32> -> vector<128x128xf32>
    %slice3A_448 = vector.extract_strided_slice %transpose3A_447 {offsets = [0, 0], sizes = [64, 64], strides = [1, 1]} : vector<128x128xf32> to vector<64x64xf32>
    %slice3A_449 = vector.extract_strided_slice %transpose3A_447 {offsets = [64, 0], sizes = [64, 64], strides = [1, 1]} : vector<128x128xf32> to vector<64x64xf32>
    %concatenate3A_450 = tpu.concatenate %slice3A_448, %slice3A_449 in 1 : vector<64x64xf32>, vector<64x64xf32> -> vector<64x128xf32>
    %slice3A_451 = vector.extract_strided_slice %transpose3A_447 {offsets = [0, 64], sizes = [64, 64], strides = [1, 1]} : vector<128x128xf32> to vector<64x64xf32>
    %slice3A_452 = vector.extract_strided_slice %transpose3A_447 {offsets = [64, 64], sizes = [64, 64], strides = [1, 1]} : vector<128x128xf32> to vector<64x64xf32>
    %concatenate3A_453 = tpu.concatenate %slice3A_451, %slice3A_452 in 1 : vector<64x64xf32>, vector<64x64xf32> -> vector<64x128xf32>
    %reshape3A_454 = vector.shape_cast %concatenate3A_450 : vector<64x128xf32> to vector<8x8x128xf32>
    %swap3A_455 = arith.constant 1 : index
    %swap3A_456 = arith.constant 0 : index
    %swap3A_457 = arith.constant 2 : index
    %swap3A_458 = arith.constant 0 : index
    %swap3A_459 = arith.constant 0 : index
    %swap3A_460 = vector.load %arg3[%swap3A_455, %swap3A_456, %swap3A_457, %swap3A_458, %swap3A_459] : memref<2x8x32x8x128xf32, #tpu.memory_space<vmem>>, vector<1x8x1x8x128xf32>
    %swap3A_461 = vector.shape_cast %swap3A_460 : vector<1x8x1x8x128xf32> to vector<8x8x128xf32>
    %swap3A_462 = vector.shape_cast %reshape3A_454 : vector<8x8x128xf32> to vector<1x8x1x8x128xf32>
    tpu.vector_store %arg3[%swap3A_455, %swap3A_456, %swap3A_457, %swap3A_458, %swap3A_459], %swap3A_462 {strides = array<i32>} : memref<2x8x32x8x128xf32, #tpu.memory_space<vmem>>, vector<1x8x1x8x128xf32>,
    %reshape3A_463 = vector.shape_cast %concatenate3A_453 : vector<64x128xf32> to vector<8x8x128xf32>
    %swap3A_464 = arith.constant 1 : index
    %swap3A_465 = arith.constant 0 : index
    %swap3A_466 = arith.constant 3 : index
    %swap3A_467 = arith.constant 0 : index
    %swap3A_468 = arith.constant 0 : index
    %swap3A_469 = vector.load %arg3[%swap3A_464, %swap3A_465, %swap3A_466, %swap3A_467, %swap3A_468] : memref<2x8x32x8x128xf32, #tpu.memory_space<vmem>>, vector<1x8x1x8x128xf32>
    %swap3A_470 = vector.shape_cast %swap3A_469 : vector<1x8x1x8x128xf32> to vector<8x8x128xf32>
    %swap3A_471 = vector.shape_cast %reshape3A_463 : vector<8x8x128xf32> to vector<1x8x1x8x128xf32>
    tpu.vector_store %arg3[%swap3A_464, %swap3A_465, %swap3A_466, %swap3A_467, %swap3A_468], %swap3A_471 {strides = array<i32>} : memref<2x8x32x8x128xf32, #tpu.memory_space<vmem>>, vector<1x8x1x8x128xf32>,
    %slice3A_472 = vector.extract_strided_slice %reshape3A_419 {offsets = [256, 0], sizes = [128, 128], strides = [1, 1]} : vector<2048x128xf32> to vector<128x128xf32>
    %transpose3A_473 = tpu.transpose %slice3A_472, [1, 0] : vector<128x128xf32> -> vector<128x128xf32>
    %slice3A_474 = vector.extract_strided_slice %transpose3A_473 {offsets = [0, 0], sizes = [64, 64], strides = [1, 1]} : vector<128x128xf32> to vector<64x64xf32>
    %slice3A_475 = vector.extract_strided_slice %transpose3A_473 {offsets = [64, 0], sizes = [64, 64], strides = [1, 1]} : vector<128x128xf32> to vector<64x64xf32>
    %concatenate3A_476 = tpu.concatenate %slice3A_474, %slice3A_475 in 1 : vector<64x64xf32>, vector<64x64xf32> -> vector<64x128xf32>
    %slice3A_477 = vector.extract_strided_slice %transpose3A_473 {offsets = [0, 64], sizes = [64, 64], strides = [1, 1]} : vector<128x128xf32> to vector<64x64xf32>
    %slice3A_478 = vector.extract_strided_slice %transpose3A_473 {offsets = [64, 64], sizes = [64, 64], strides = [1, 1]} : vector<128x128xf32> to vector<64x64xf32>
    %concatenate3A_479 = tpu.concatenate %slice3A_477, %slice3A_478 in 1 : vector<64x64xf32>, vector<64x64xf32> -> vector<64x128xf32>
    %reshape3A_480 = vector.shape_cast %concatenate3A_476 : vector<64x128xf32> to vector<8x8x128xf32>
    %swap3A_481 = arith.constant 1 : index
    %swap3A_482 = arith.constant 0 : index
    %swap3A_483 = arith.constant 4 : index
    %swap3A_484 = arith.constant 0 : index
    %swap3A_485 = arith.constant 0 : index
    %swap3A_486 = vector.load %arg3[%swap3A_481, %swap3A_482, %swap3A_483, %swap3A_484, %swap3A_485] : memref<2x8x32x8x128xf32, #tpu.memory_space<vmem>>, vector<1x8x1x8x128xf32>
    %swap3A_487 = vector.shape_cast %swap3A_486 : vector<1x8x1x8x128xf32> to vector<8x8x128xf32>
    %swap3A_488 = vector.shape_cast %reshape3A_480 : vector<8x8x128xf32> to vector<1x8x1x8x128xf32>
    tpu.vector_store %arg3[%swap3A_481, %swap3A_482, %swap3A_483, %swap3A_484, %swap3A_485], %swap3A_488 {strides = array<i32>} : memref<2x8x32x8x128xf32, #tpu.memory_space<vmem>>, vector<1x8x1x8x128xf32>,
    %reshape3A_489 = vector.shape_cast %concatenate3A_479 : vector<64x128xf32> to vector<8x8x128xf32>
    %swap3A_490 = arith.constant 1 : index
    %swap3A_491 = arith.constant 0 : index
    %swap3A_492 = arith.constant 5 : index
    %swap3A_493 = arith.constant 0 : index
    %swap3A_494 = arith.constant 0 : index
    %swap3A_495 = vector.load %arg3[%swap3A_490, %swap3A_491, %swap3A_492, %swap3A_493, %swap3A_494] : memref<2x8x32x8x128xf32, #tpu.memory_space<vmem>>, vector<1x8x1x8x128xf32>
    %swap3A_496 = vector.shape_cast %swap3A_495 : vector<1x8x1x8x128xf32> to vector<8x8x128xf32>
    %swap3A_497 = vector.shape_cast %reshape3A_489 : vector<8x8x128xf32> to vector<1x8x1x8x128xf32>
    tpu.vector_store %arg3[%swap3A_490, %swap3A_491, %swap3A_492, %swap3A_493, %swap3A_494], %swap3A_497 {strides = array<i32>} : memref<2x8x32x8x128xf32, #tpu.memory_space<vmem>>, vector<1x8x1x8x128xf32>,
    %slice3A_498 = vector.extract_strided_slice %reshape3A_419 {offsets = [384, 0], sizes = [128, 128], strides = [1, 1]} : vector<2048x128xf32> to vector<128x128xf32>
    %transpose3A_499 = tpu.transpose %slice3A_498, [1, 0] : vector<128x128xf32> -> vector<128x128xf32>
    %slice3A_500 = vector.extract_strided_slice %transpose3A_499 {offsets = [0, 0], sizes = [64, 64], strides = [1, 1]} : vector<128x128xf32> to vector<64x64xf32>
    %slice3A_501 = vector.extract_strided_slice %transpose3A_499 {offsets = [64, 0], sizes = [64, 64], strides = [1, 1]} : vector<128x128xf32> to vector<64x64xf32>
    %concatenate3A_502 = tpu.concatenate %slice3A_500, %slice3A_501 in 1 : vector<64x64xf32>, vector<64x64xf32> -> vector<64x128xf32>
    %slice3A_503 = vector.extract_strided_slice %transpose3A_499 {offsets = [0, 64], sizes = [64, 64], strides = [1, 1]} : vector<128x128xf32> to vector<64x64xf32>
    %slice3A_504 = vector.extract_strided_slice %transpose3A_499 {offsets = [64, 64], sizes = [64, 64], strides = [1, 1]} : vector<128x128xf32> to vector<64x64xf32>
    %concatenate3A_505 = tpu.concatenate %slice3A_503, %slice3A_504 in 1 : vector<64x64xf32>, vector<64x64xf32> -> vector<64x128xf32>
    %reshape3A_506 = vector.shape_cast %concatenate3A_502 : vector<64x128xf32> to vector<8x8x128xf32>
    %swap3A_507 = arith.constant 1 : index
    %swap3A_508 = arith.constant 0 : index
    %swap3A_509 = arith.constant 6 : index
    %swap3A_510 = arith.constant 0 : index
    %swap3A_511 = arith.constant 0 : index
    %swap3A_512 = vector.load %arg3[%swap3A_507, %swap3A_508, %swap3A_509, %swap3A_510, %swap3A_511] : memref<2x8x32x8x128xf32, #tpu.memory_space<vmem>>, vector<1x8x1x8x128xf32>
    %swap3A_513 = vector.shape_cast %swap3A_512 : vector<1x8x1x8x128xf32> to vector<8x8x128xf32>
    %swap3A_514 = vector.shape_cast %reshape3A_506 : vector<8x8x128xf32> to vector<1x8x1x8x128xf32>
    tpu.vector_store %arg3[%swap3A_507, %swap3A_508, %swap3A_509, %swap3A_510, %swap3A_511], %swap3A_514 {strides = array<i32>} : memref<2x8x32x8x128xf32, #tpu.memory_space<vmem>>, vector<1x8x1x8x128xf32>,
    %reshape3A_515 = vector.shape_cast %concatenate3A_505 : vector<64x128xf32> to vector<8x8x128xf32>
    %swap3A_516 = arith.constant 1 : index
    %swap3A_517 = arith.constant 0 : index
    %swap3A_518 = arith.constant 7 : index
    %swap3A_519 = arith.constant 0 : index
    %swap3A_520 = arith.constant 0 : index
    %swap3A_521 = vector.load %arg3[%swap3A_516, %swap3A_517, %swap3A_518, %swap3A_519, %swap3A_520] : memref<2x8x32x8x128xf32, #tpu.memory_space<vmem>>, vector<1x8x1x8x128xf32>
    %swap3A_522 = vector.shape_cast %swap3A_521 : vector<1x8x1x8x128xf32> to vector<8x8x128xf32>
    %swap3A_523 = vector.shape_cast %reshape3A_515 : vector<8x8x128xf32> to vector<1x8x1x8x128xf32>
    tpu.vector_store %arg3[%swap3A_516, %swap3A_517, %swap3A_518, %swap3A_519, %swap3A_520], %swap3A_523 {strides = array<i32>} : memref<2x8x32x8x128xf32, #tpu.memory_space<vmem>>, vector<1x8x1x8x128xf32>,
    %slice3A_524 = vector.extract_strided_slice %reshape3A_419 {offsets = [512, 0], sizes = [128, 128], strides = [1, 1]} : vector<2048x128xf32> to vector<128x128xf32>
    %transpose3A_525 = tpu.transpose %slice3A_524, [1, 0] : vector<128x128xf32> -> vector<128x128xf32>
    %slice3A_526 = vector.extract_strided_slice %transpose3A_525 {offsets = [0, 0], sizes = [64, 64], strides = [1, 1]} : vector<128x128xf32> to vector<64x64xf32>
    %slice3A_527 = vector.extract_strided_slice %transpose3A_525 {offsets = [64, 0], sizes = [64, 64], strides = [1, 1]} : vector<128x128xf32> to vector<64x64xf32>
    %concatenate3A_528 = tpu.concatenate %slice3A_526, %slice3A_527 in 1 : vector<64x64xf32>, vector<64x64xf32> -> vector<64x128xf32>
    %slice3A_529 = vector.extract_strided_slice %transpose3A_525 {offsets = [0, 64], sizes = [64, 64], strides = [1, 1]} : vector<128x128xf32> to vector<64x64xf32>
    %slice3A_530 = vector.extract_strided_slice %transpose3A_525 {offsets = [64, 64], sizes = [64, 64], strides = [1, 1]} : vector<128x128xf32> to vector<64x64xf32>
    %concatenate3A_531 = tpu.concatenate %slice3A_529, %slice3A_530 in 1 : vector<64x64xf32>, vector<64x64xf32> -> vector<64x128xf32>
    %reshape3A_532 = vector.shape_cast %concatenate3A_528 : vector<64x128xf32> to vector<8x8x128xf32>
    %swap3A_533 = arith.constant 1 : index
    %swap3A_534 = arith.constant 0 : index
    %swap3A_535 = arith.constant 8 : index
    %swap3A_536 = arith.constant 0 : index
    %swap3A_537 = arith.constant 0 : index
    %swap3A_538 = vector.load %arg3[%swap3A_533, %swap3A_534, %swap3A_535, %swap3A_536, %swap3A_537] : memref<2x8x32x8x128xf32, #tpu.memory_space<vmem>>, vector<1x8x1x8x128xf32>
    %swap3A_539 = vector.shape_cast %swap3A_538 : vector<1x8x1x8x128xf32> to vector<8x8x128xf32>
    %swap3A_540 = vector.shape_cast %reshape3A_532 : vector<8x8x128xf32> to vector<1x8x1x8x128xf32>
    tpu.vector_store %arg3[%swap3A_533, %swap3A_534, %swap3A_535, %swap3A_536, %swap3A_537], %swap3A_540 {strides = array<i32>} : memref<2x8x32x8x128xf32, #tpu.memory_space<vmem>>, vector<1x8x1x8x128xf32>,
    %reshape3A_541 = vector.shape_cast %concatenate3A_531 : vector<64x128xf32> to vector<8x8x128xf32>
    %swap3A_542 = arith.constant 1 : index
    %swap3A_543 = arith.constant 0 : index
    %swap3A_544 = arith.constant 9 : index
    %swap3A_545 = arith.constant 0 : index
    %swap3A_546 = arith.constant 0 : index
    %swap3A_547 = vector.load %arg3[%swap3A_542, %swap3A_543, %swap3A_544, %swap3A_545, %swap3A_546] : memref<2x8x32x8x128xf32, #tpu.memory_space<vmem>>, vector<1x8x1x8x128xf32>
    %swap3A_548 = vector.shape_cast %swap3A_547 : vector<1x8x1x8x128xf32> to vector<8x8x128xf32>
    %swap3A_549 = vector.shape_cast %reshape3A_541 : vector<8x8x128xf32> to vector<1x8x1x8x128xf32>
    tpu.vector_store %arg3[%swap3A_542, %swap3A_543, %swap3A_544, %swap3A_545, %swap3A_546], %swap3A_549 {strides = array<i32>} : memref<2x8x32x8x128xf32, #tpu.memory_space<vmem>>, vector<1x8x1x8x128xf32>,
    %slice3A_550 = vector.extract_strided_slice %reshape3A_419 {offsets = [640, 0], sizes = [128, 128], strides = [1, 1]} : vector<2048x128xf32> to vector<128x128xf32>
    %transpose3A_551 = tpu.transpose %slice3A_550, [1, 0] : vector<128x128xf32> -> vector<128x128xf32>
    %slice3A_552 = vector.extract_strided_slice %transpose3A_551 {offsets = [0, 0], sizes = [64, 64], strides = [1, 1]} : vector<128x128xf32> to vector<64x64xf32>
    %slice3A_553 = vector.extract_strided_slice %transpose3A_551 {offsets = [64, 0], sizes = [64, 64], strides = [1, 1]} : vector<128x128xf32> to vector<64x64xf32>
    %concatenate3A_554 = tpu.concatenate %slice3A_552, %slice3A_553 in 1 : vector<64x64xf32>, vector<64x64xf32> -> vector<64x128xf32>
    %slice3A_555 = vector.extract_strided_slice %transpose3A_551 {offsets = [0, 64], sizes = [64, 64], strides = [1, 1]} : vector<128x128xf32> to vector<64x64xf32>
    %slice3A_556 = vector.extract_strided_slice %transpose3A_551 {offsets = [64, 64], sizes = [64, 64], strides = [1, 1]} : vector<128x128xf32> to vector<64x64xf32>
    %concatenate3A_557 = tpu.concatenate %slice3A_555, %slice3A_556 in 1 : vector<64x64xf32>, vector<64x64xf32> -> vector<64x128xf32>
    %reshape3A_558 = vector.shape_cast %concatenate3A_554 : vector<64x128xf32> to vector<8x8x128xf32>
    %swap3A_559 = arith.constant 1 : index
    %swap3A_560 = arith.constant 0 : index
    %swap3A_561 = arith.constant 10 : index
    %swap3A_562 = arith.constant 0 : index
    %swap3A_563 = arith.constant 0 : index
    %swap3A_564 = vector.load %arg3[%swap3A_559, %swap3A_560, %swap3A_561, %swap3A_562, %swap3A_563] : memref<2x8x32x8x128xf32, #tpu.memory_space<vmem>>, vector<1x8x1x8x128xf32>
    %swap3A_565 = vector.shape_cast %swap3A_564 : vector<1x8x1x8x128xf32> to vector<8x8x128xf32>
    %swap3A_566 = vector.shape_cast %reshape3A_558 : vector<8x8x128xf32> to vector<1x8x1x8x128xf32>
    tpu.vector_store %arg3[%swap3A_559, %swap3A_560, %swap3A_561, %swap3A_562, %swap3A_563], %swap3A_566 {strides = array<i32>} : memref<2x8x32x8x128xf32, #tpu.memory_space<vmem>>, vector<1x8x1x8x128xf32>,
    %reshape3A_567 = vector.shape_cast %concatenate3A_557 : vector<64x128xf32> to vector<8x8x128xf32>
    %swap3A_568 = arith.constant 1 : index
    %swap3A_569 = arith.constant 0 : index
    %swap3A_570 = arith.constant 11 : index
    %swap3A_571 = arith.constant 0 : index
    %swap3A_572 = arith.constant 0 : index
    %swap3A_573 = vector.load %arg3[%swap3A_568, %swap3A_569, %swap3A_570, %swap3A_571, %swap3A_572] : memref<2x8x32x8x128xf32, #tpu.memory_space<vmem>>, vector<1x8x1x8x128xf32>
    %swap3A_574 = vector.shape_cast %swap3A_573 : vector<1x8x1x8x128xf32> to vector<8x8x128xf32>
    %swap3A_575 = vector.shape_cast %reshape3A_567 : vector<8x8x128xf32> to vector<1x8x1x8x128xf32>
    tpu.vector_store %arg3[%swap3A_568, %swap3A_569, %swap3A_570, %swap3A_571, %swap3A_572], %swap3A_575 {strides = array<i32>} : memref<2x8x32x8x128xf32, #tpu.memory_space<vmem>>, vector<1x8x1x8x128xf32>,
    %slice3A_576 = vector.extract_strided_slice %reshape3A_419 {offsets = [768, 0], sizes = [128, 128], strides = [1, 1]} : vector<2048x128xf32> to vector<128x128xf32>
    %transpose3A_577 = tpu.transpose %slice3A_576, [1, 0] : vector<128x128xf32> -> vector<128x128xf32>
    %slice3A_578 = vector.extract_strided_slice %transpose3A_577 {offsets = [0, 0], sizes = [64, 64], strides = [1, 1]} : vector<128x128xf32> to vector<64x64xf32>
    %slice3A_579 = vector.extract_strided_slice %transpose3A_577 {offsets = [64, 0], sizes = [64, 64], strides = [1, 1]} : vector<128x128xf32> to vector<64x64xf32>
    %concatenate3A_580 = tpu.concatenate %slice3A_578, %slice3A_579 in 1 : vector<64x64xf32>, vector<64x64xf32> -> vector<64x128xf32>
    %slice3A_581 = vector.extract_strided_slice %transpose3A_577 {offsets = [0, 64], sizes = [64, 64], strides = [1, 1]} : vector<128x128xf32> to vector<64x64xf32>
    %slice3A_582 = vector.extract_strided_slice %transpose3A_577 {offsets = [64, 64], sizes = [64, 64], strides = [1, 1]} : vector<128x128xf32> to vector<64x64xf32>
    %concatenate3A_583 = tpu.concatenate %slice3A_581, %slice3A_582 in 1 : vector<64x64xf32>, vector<64x64xf32> -> vector<64x128xf32>
    %reshape3A_584 = vector.shape_cast %concatenate3A_580 : vector<64x128xf32> to vector<8x8x128xf32>
    %swap3A_585 = arith.constant 1 : index
    %swap3A_586 = arith.constant 0 : index
    %swap3A_587 = arith.constant 12 : index
    %swap3A_588 = arith.constant 0 : index
    %swap3A_589 = arith.constant 0 : index
    %swap3A_590 = vector.load %arg3[%swap3A_585, %swap3A_586, %swap3A_587, %swap3A_588, %swap3A_589] : memref<2x8x32x8x128xf32, #tpu.memory_space<vmem>>, vector<1x8x1x8x128xf32>
    %swap3A_591 = vector.shape_cast %swap3A_590 : vector<1x8x1x8x128xf32> to vector<8x8x128xf32>
    %swap3A_592 = vector.shape_cast %reshape3A_584 : vector<8x8x128xf32> to vector<1x8x1x8x128xf32>
    tpu.vector_store %arg3[%swap3A_585, %swap3A_586, %swap3A_587, %swap3A_588, %swap3A_589], %swap3A_592 {strides = array<i32>} : memref<2x8x32x8x128xf32, #tpu.memory_space<vmem>>, vector<1x8x1x8x128xf32>,
    %reshape3A_593 = vector.shape_cast %concatenate3A_583 : vector<64x128xf32> to vector<8x8x128xf32>
    %swap3A_594 = arith.constant 1 : index
    %swap3A_595 = arith.constant 0 : index
    %swap3A_596 = arith.constant 13 : index
    %swap3A_597 = arith.constant 0 : index
    %swap3A_598 = arith.constant 0 : index
    %swap3A_599 = vector.load %arg3[%swap3A_594, %swap3A_595, %swap3A_596, %swap3A_597, %swap3A_598] : memref<2x8x32x8x128xf32, #tpu.memory_space<vmem>>, vector<1x8x1x8x128xf32>
    %swap3A_600 = vector.shape_cast %swap3A_599 : vector<1x8x1x8x128xf32> to vector<8x8x128xf32>
    %swap3A_601 = vector.shape_cast %reshape3A_593 : vector<8x8x128xf32> to vector<1x8x1x8x128xf32>
    tpu.vector_store %arg3[%swap3A_594, %swap3A_595, %swap3A_596, %swap3A_597, %swap3A_598], %swap3A_601 {strides = array<i32>} : memref<2x8x32x8x128xf32, #tpu.memory_space<vmem>>, vector<1x8x1x8x128xf32>,
    %slice3A_602 = vector.extract_strided_slice %reshape3A_419 {offsets = [896, 0], sizes = [128, 128], strides = [1, 1]} : vector<2048x128xf32> to vector<128x128xf32>
    %transpose3A_603 = tpu.transpose %slice3A_602, [1, 0] : vector<128x128xf32> -> vector<128x128xf32>
    %slice3A_604 = vector.extract_strided_slice %transpose3A_603 {offsets = [0, 0], sizes = [64, 64], strides = [1, 1]} : vector<128x128xf32> to vector<64x64xf32>
    %slice3A_605 = vector.extract_strided_slice %transpose3A_603 {offsets = [64, 0], sizes = [64, 64], strides = [1, 1]} : vector<128x128xf32> to vector<64x64xf32>
    %concatenate3A_606 = tpu.concatenate %slice3A_604, %slice3A_605 in 1 : vector<64x64xf32>, vector<64x64xf32> -> vector<64x128xf32>
    %slice3A_607 = vector.extract_strided_slice %transpose3A_603 {offsets = [0, 64], sizes = [64, 64], strides = [1, 1]} : vector<128x128xf32> to vector<64x64xf32>
    %slice3A_608 = vector.extract_strided_slice %transpose3A_603 {offsets = [64, 64], sizes = [64, 64], strides = [1, 1]} : vector<128x128xf32> to vector<64x64xf32>
    %concatenate3A_609 = tpu.concatenate %slice3A_607, %slice3A_608 in 1 : vector<64x64xf32>, vector<64x64xf32> -> vector<64x128xf32>
    %reshape3A_610 = vector.shape_cast %concatenate3A_606 : vector<64x128xf32> to vector<8x8x128xf32>
    %swap3A_611 = arith.constant 1 : index
    %swap3A_612 = arith.constant 0 : index
    %swap3A_613 = arith.constant 14 : index
    %swap3A_614 = arith.constant 0 : index
    %swap3A_615 = arith.constant 0 : index
    %swap3A_616 = vector.load %arg3[%swap3A_611, %swap3A_612, %swap3A_613, %swap3A_614, %swap3A_615] : memref<2x8x32x8x128xf32, #tpu.memory_space<vmem>>, vector<1x8x1x8x128xf32>
    %swap3A_617 = vector.shape_cast %swap3A_616 : vector<1x8x1x8x128xf32> to vector<8x8x128xf32>
    %swap3A_618 = vector.shape_cast %reshape3A_610 : vector<8x8x128xf32> to vector<1x8x1x8x128xf32>
    tpu.vector_store %arg3[%swap3A_611, %swap3A_612, %swap3A_613, %swap3A_614, %swap3A_615], %swap3A_618 {strides = array<i32>} : memref<2x8x32x8x128xf32, #tpu.memory_space<vmem>>, vector<1x8x1x8x128xf32>,
    %reshape3A_619 = vector.shape_cast %concatenate3A_609 : vector<64x128xf32> to vector<8x8x128xf32>
    %swap3A_620 = arith.constant 1 : index
    %swap3A_621 = arith.constant 0 : index
    %swap3A_622 = arith.constant 15 : index
    %swap3A_623 = arith.constant 0 : index
    %swap3A_624 = arith.constant 0 : index
    %swap3A_625 = vector.load %arg3[%swap3A_620, %swap3A_621, %swap3A_622, %swap3A_623, %swap3A_624] : memref<2x8x32x8x128xf32, #tpu.memory_space<vmem>>, vector<1x8x1x8x128xf32>
    %swap3A_626 = vector.shape_cast %swap3A_625 : vector<1x8x1x8x128xf32> to vector<8x8x128xf32>
    %swap3A_627 = vector.shape_cast %reshape3A_619 : vector<8x8x128xf32> to vector<1x8x1x8x128xf32>
    tpu.vector_store %arg3[%swap3A_620, %swap3A_621, %swap3A_622, %swap3A_623, %swap3A_624], %swap3A_627 {strides = array<i32>} : memref<2x8x32x8x128xf32, #tpu.memory_space<vmem>>, vector<1x8x1x8x128xf32>,
    %slice3A_628 = vector.extract_strided_slice %reshape3A_419 {offsets = [1024, 0], sizes = [128, 128], strides = [1, 1]} : vector<2048x128xf32> to vector<128x128xf32>
    %transpose3A_629 = tpu.transpose %slice3A_628, [1, 0] : vector<128x128xf32> -> vector<128x128xf32>
    %slice3A_630 = vector.extract_strided_slice %transpose3A_629 {offsets = [0, 0], sizes = [64, 64], strides = [1, 1]} : vector<128x128xf32> to vector<64x64xf32>
    %slice3A_631 = vector.extract_strided_slice %transpose3A_629 {offsets = [64, 0], sizes = [64, 64], strides = [1, 1]} : vector<128x128xf32> to vector<64x64xf32>
    %concatenate3A_632 = tpu.concatenate %slice3A_630, %slice3A_631 in 1 : vector<64x64xf32>, vector<64x64xf32> -> vector<64x128xf32>
    %slice3A_633 = vector.extract_strided_slice %transpose3A_629 {offsets = [0, 64], sizes = [64, 64], strides = [1, 1]} : vector<128x128xf32> to vector<64x64xf32>
    %slice3A_634 = vector.extract_strided_slice %transpose3A_629 {offsets = [64, 64], sizes = [64, 64], strides = [1, 1]} : vector<128x128xf32> to vector<64x64xf32>
    %concatenate3A_635 = tpu.concatenate %slice3A_633, %slice3A_634 in 1 : vector<64x64xf32>, vector<64x64xf32> -> vector<64x128xf32>
    %reshape3A_636 = vector.shape_cast %concatenate3A_632 : vector<64x128xf32> to vector<8x8x128xf32>
    %swap3A_637 = arith.constant 1 : index
    %swap3A_638 = arith.constant 0 : index
    %swap3A_639 = arith.constant 16 : index
    %swap3A_640 = arith.constant 0 : index
    %swap3A_641 = arith.constant 0 : index
    %swap3A_642 = vector.load %arg3[%swap3A_637, %swap3A_638, %swap3A_639, %swap3A_640, %swap3A_641] : memref<2x8x32x8x128xf32, #tpu.memory_space<vmem>>, vector<1x8x1x8x128xf32>
    %swap3A_643 = vector.shape_cast %swap3A_642 : vector<1x8x1x8x128xf32> to vector<8x8x128xf32>
    %swap3A_644 = vector.shape_cast %reshape3A_636 : vector<8x8x128xf32> to vector<1x8x1x8x128xf32>
    tpu.vector_store %arg3[%swap3A_637, %swap3A_638, %swap3A_639, %swap3A_640, %swap3A_641], %swap3A_644 {strides = array<i32>} : memref<2x8x32x8x128xf32, #tpu.memory_space<vmem>>, vector<1x8x1x8x128xf32>,
    %reshape3A_645 = vector.shape_cast %concatenate3A_635 : vector<64x128xf32> to vector<8x8x128xf32>
    %swap3A_646 = arith.constant 1 : index
    %swap3A_647 = arith.constant 0 : index
    %swap3A_648 = arith.constant 17 : index
    %swap3A_649 = arith.constant 0 : index
    %swap3A_650 = arith.constant 0 : index
    %swap3A_651 = vector.load %arg3[%swap3A_646, %swap3A_647, %swap3A_648, %swap3A_649, %swap3A_650] : memref<2x8x32x8x128xf32, #tpu.memory_space<vmem>>, vector<1x8x1x8x128xf32>
    %swap3A_652 = vector.shape_cast %swap3A_651 : vector<1x8x1x8x128xf32> to vector<8x8x128xf32>
    %swap3A_653 = vector.shape_cast %reshape3A_645 : vector<8x8x128xf32> to vector<1x8x1x8x128xf32>
    tpu.vector_store %arg3[%swap3A_646, %swap3A_647, %swap3A_648, %swap3A_649, %swap3A_650], %swap3A_653 {strides = array<i32>} : memref<2x8x32x8x128xf32, #tpu.memory_space<vmem>>, vector<1x8x1x8x128xf32>,
    %slice3A_654 = vector.extract_strided_slice %reshape3A_419 {offsets = [1152, 0], sizes = [128, 128], strides = [1, 1]} : vector<2048x128xf32> to vector<128x128xf32>
    %transpose3A_655 = tpu.transpose %slice3A_654, [1, 0] : vector<128x128xf32> -> vector<128x128xf32>
    %slice3A_656 = vector.extract_strided_slice %transpose3A_655 {offsets = [0, 0], sizes = [64, 64], strides = [1, 1]} : vector<128x128xf32> to vector<64x64xf32>
    %slice3A_657 = vector.extract_strided_slice %transpose3A_655 {offsets = [64, 0], sizes = [64, 64], strides = [1, 1]} : vector<128x128xf32> to vector<64x64xf32>
    %concatenate3A_658 = tpu.concatenate %slice3A_656, %slice3A_657 in 1 : vector<64x64xf32>, vector<64x64xf32> -> vector<64x128xf32>
    %slice3A_659 = vector.extract_strided_slice %transpose3A_655 {offsets = [0, 64], sizes = [64, 64], strides = [1, 1]} : vector<128x128xf32> to vector<64x64xf32>
    %slice3A_660 = vector.extract_strided_slice %transpose3A_655 {offsets = [64, 64], sizes = [64, 64], strides = [1, 1]} : vector<128x128xf32> to vector<64x64xf32>
    %concatenate3A_661 = tpu.concatenate %slice3A_659, %slice3A_660 in 1 : vector<64x64xf32>, vector<64x64xf32> -> vector<64x128xf32>
    %reshape3A_662 = vector.shape_cast %concatenate3A_658 : vector<64x128xf32> to vector<8x8x128xf32>
    %swap3A_663 = arith.constant 1 : index
    %swap3A_664 = arith.constant 0 : index
    %swap3A_665 = arith.constant 18 : index
    %swap3A_666 = arith.constant 0 : index
    %swap3A_667 = arith.constant 0 : index
    %swap3A_668 = vector.load %arg3[%swap3A_663, %swap3A_664, %swap3A_665, %swap3A_666, %swap3A_667] : memref<2x8x32x8x128xf32, #tpu.memory_space<vmem>>, vector<1x8x1x8x128xf32>
    %swap3A_669 = vector.shape_cast %swap3A_668 : vector<1x8x1x8x128xf32> to vector<8x8x128xf32>
    %swap3A_670 = vector.shape_cast %reshape3A_662 : vector<8x8x128xf32> to vector<1x8x1x8x128xf32>
    tpu.vector_store %arg3[%swap3A_663, %swap3A_664, %swap3A_665, %swap3A_666, %swap3A_667], %swap3A_670 {strides = array<i32>} : memref<2x8x32x8x128xf32, #tpu.memory_space<vmem>>, vector<1x8x1x8x128xf32>,
    %reshape3A_671 = vector.shape_cast %concatenate3A_661 : vector<64x128xf32> to vector<8x8x128xf32>
    %swap3A_672 = arith.constant 1 : index
    %swap3A_673 = arith.constant 0 : index
    %swap3A_674 = arith.constant 19 : index
    %swap3A_675 = arith.constant 0 : index
    %swap3A_676 = arith.constant 0 : index
    %swap3A_677 = vector.load %arg3[%swap3A_672, %swap3A_673, %swap3A_674, %swap3A_675, %swap3A_676] : memref<2x8x32x8x128xf32, #tpu.memory_space<vmem>>, vector<1x8x1x8x128xf32>
    %swap3A_678 = vector.shape_cast %swap3A_677 : vector<1x8x1x8x128xf32> to vector<8x8x128xf32>
    %swap3A_679 = vector.shape_cast %reshape3A_671 : vector<8x8x128xf32> to vector<1x8x1x8x128xf32>
    tpu.vector_store %arg3[%swap3A_672, %swap3A_673, %swap3A_674, %swap3A_675, %swap3A_676], %swap3A_679 {strides = array<i32>} : memref<2x8x32x8x128xf32, #tpu.memory_space<vmem>>, vector<1x8x1x8x128xf32>,
    %slice3A_680 = vector.extract_strided_slice %reshape3A_419 {offsets = [1280, 0], sizes = [128, 128], strides = [1, 1]} : vector<2048x128xf32> to vector<128x128xf32>
    %transpose3A_681 = tpu.transpose %slice3A_680, [1, 0] : vector<128x128xf32> -> vector<128x128xf32>
    %slice3A_682 = vector.extract_strided_slice %transpose3A_681 {offsets = [0, 0], sizes = [64, 64], strides = [1, 1]} : vector<128x128xf32> to vector<64x64xf32>
    %slice3A_683 = vector.extract_strided_slice %transpose3A_681 {offsets = [64, 0], sizes = [64, 64], strides = [1, 1]} : vector<128x128xf32> to vector<64x64xf32>
    %concatenate3A_684 = tpu.concatenate %slice3A_682, %slice3A_683 in 1 : vector<64x64xf32>, vector<64x64xf32> -> vector<64x128xf32>
    %slice3A_685 = vector.extract_strided_slice %transpose3A_681 {offsets = [0, 64], sizes = [64, 64], strides = [1, 1]} : vector<128x128xf32> to vector<64x64xf32>
    %slice3A_686 = vector.extract_strided_slice %transpose3A_681 {offsets = [64, 64], sizes = [64, 64], strides = [1, 1]} : vector<128x128xf32> to vector<64x64xf32>
    %concatenate3A_687 = tpu.concatenate %slice3A_685, %slice3A_686 in 1 : vector<64x64xf32>, vector<64x64xf32> -> vector<64x128xf32>
    %reshape3A_688 = vector.shape_cast %concatenate3A_684 : vector<64x128xf32> to vector<8x8x128xf32>
    %swap3A_689 = arith.constant 1 : index
    %swap3A_690 = arith.constant 0 : index
    %swap3A_691 = arith.constant 20 : index
    %swap3A_692 = arith.constant 0 : index
    %swap3A_693 = arith.constant 0 : index
    %swap3A_694 = vector.load %arg3[%swap3A_689, %swap3A_690, %swap3A_691, %swap3A_692, %swap3A_693] : memref<2x8x32x8x128xf32, #tpu.memory_space<vmem>>, vector<1x8x1x8x128xf32>
    %swap3A_695 = vector.shape_cast %swap3A_694 : vector<1x8x1x8x128xf32> to vector<8x8x128xf32>
    %swap3A_696 = vector.shape_cast %reshape3A_688 : vector<8x8x128xf32> to vector<1x8x1x8x128xf32>
    tpu.vector_store %arg3[%swap3A_689, %swap3A_690, %swap3A_691, %swap3A_692, %swap3A_693], %swap3A_696 {strides = array<i32>} : memref<2x8x32x8x128xf32, #tpu.memory_space<vmem>>, vector<1x8x1x8x128xf32>,
    %reshape3A_697 = vector.shape_cast %concatenate3A_687 : vector<64x128xf32> to vector<8x8x128xf32>
    %swap3A_698 = arith.constant 1 : index
    %swap3A_699 = arith.constant 0 : index
    %swap3A_700 = arith.constant 21 : index
    %swap3A_701 = arith.constant 0 : index
    %swap3A_702 = arith.constant 0 : index
    %swap3A_703 = vector.load %arg3[%swap3A_698, %swap3A_699, %swap3A_700, %swap3A_701, %swap3A_702] : memref<2x8x32x8x128xf32, #tpu.memory_space<vmem>>, vector<1x8x1x8x128xf32>
    %swap3A_704 = vector.shape_cast %swap3A_703 : vector<1x8x1x8x128xf32> to vector<8x8x128xf32>
    %swap3A_705 = vector.shape_cast %reshape3A_697 : vector<8x8x128xf32> to vector<1x8x1x8x128xf32>
    tpu.vector_store %arg3[%swap3A_698, %swap3A_699, %swap3A_700, %swap3A_701, %swap3A_702], %swap3A_705 {strides = array<i32>} : memref<2x8x32x8x128xf32, #tpu.memory_space<vmem>>, vector<1x8x1x8x128xf32>,
    %slice3A_706 = vector.extract_strided_slice %reshape3A_419 {offsets = [1408, 0], sizes = [128, 128], strides = [1, 1]} : vector<2048x128xf32> to vector<128x128xf32>
    %transpose3A_707 = tpu.transpose %slice3A_706, [1, 0] : vector<128x128xf32> -> vector<128x128xf32>
    %slice3A_708 = vector.extract_strided_slice %transpose3A_707 {offsets = [0, 0], sizes = [64, 64], strides = [1, 1]} : vector<128x128xf32> to vector<64x64xf32>
    %slice3A_709 = vector.extract_strided_slice %transpose3A_707 {offsets = [64, 0], sizes = [64, 64], strides = [1, 1]} : vector<128x128xf32> to vector<64x64xf32>
    %concatenate3A_710 = tpu.concatenate %slice3A_708, %slice3A_709 in 1 : vector<64x64xf32>, vector<64x64xf32> -> vector<64x128xf32>
    %slice3A_711 = vector.extract_strided_slice %transpose3A_707 {offsets = [0, 64], sizes = [64, 64], strides = [1, 1]} : vector<128x128xf32> to vector<64x64xf32>
    %slice3A_712 = vector.extract_strided_slice %transpose3A_707 {offsets = [64, 64], sizes = [64, 64], strides = [1, 1]} : vector<128x128xf32> to vector<64x64xf32>
    %concatenate3A_713 = tpu.concatenate %slice3A_711, %slice3A_712 in 1 : vector<64x64xf32>, vector<64x64xf32> -> vector<64x128xf32>
    %reshape3A_714 = vector.shape_cast %concatenate3A_710 : vector<64x128xf32> to vector<8x8x128xf32>
    %swap3A_715 = arith.constant 1 : index
    %swap3A_716 = arith.constant 0 : index
    %swap3A_717 = arith.constant 22 : index
    %swap3A_718 = arith.constant 0 : index
    %swap3A_719 = arith.constant 0 : index
    %swap3A_720 = vector.load %arg3[%swap3A_715, %swap3A_716, %swap3A_717, %swap3A_718, %swap3A_719] : memref<2x8x32x8x128xf32, #tpu.memory_space<vmem>>, vector<1x8x1x8x128xf32>
    %swap3A_721 = vector.shape_cast %swap3A_720 : vector<1x8x1x8x128xf32> to vector<8x8x128xf32>
    %swap3A_722 = vector.shape_cast %reshape3A_714 : vector<8x8x128xf32> to vector<1x8x1x8x128xf32>
    tpu.vector_store %arg3[%swap3A_715, %swap3A_716, %swap3A_717, %swap3A_718, %swap3A_719], %swap3A_722 {strides = array<i32>} : memref<2x8x32x8x128xf32, #tpu.memory_space<vmem>>, vector<1x8x1x8x128xf32>,
    %reshape3A_723 = vector.shape_cast %concatenate3A_713 : vector<64x128xf32> to vector<8x8x128xf32>
    %swap3A_724 = arith.constant 1 : index
    %swap3A_725 = arith.constant 0 : index
    %swap3A_726 = arith.constant 23 : index
    %swap3A_727 = arith.constant 0 : index
    %swap3A_728 = arith.constant 0 : index
    %swap3A_729 = vector.load %arg3[%swap3A_724, %swap3A_725, %swap3A_726, %swap3A_727, %swap3A_728] : memref<2x8x32x8x128xf32, #tpu.memory_space<vmem>>, vector<1x8x1x8x128xf32>
    %swap3A_730 = vector.shape_cast %swap3A_729 : vector<1x8x1x8x128xf32> to vector<8x8x128xf32>
    %swap3A_731 = vector.shape_cast %reshape3A_723 : vector<8x8x128xf32> to vector<1x8x1x8x128xf32>
    tpu.vector_store %arg3[%swap3A_724, %swap3A_725, %swap3A_726, %swap3A_727, %swap3A_728], %swap3A_731 {strides = array<i32>} : memref<2x8x32x8x128xf32, #tpu.memory_space<vmem>>, vector<1x8x1x8x128xf32>,
    %slice3A_732 = vector.extract_strided_slice %reshape3A_419 {offsets = [1536, 0], sizes = [128, 128], strides = [1, 1]} : vector<2048x128xf32> to vector<128x128xf32>
    %transpose3A_733 = tpu.transpose %slice3A_732, [1, 0] : vector<128x128xf32> -> vector<128x128xf32>
    %slice3A_734 = vector.extract_strided_slice %transpose3A_733 {offsets = [0, 0], sizes = [64, 64], strides = [1, 1]} : vector<128x128xf32> to vector<64x64xf32>
    %slice3A_735 = vector.extract_strided_slice %transpose3A_733 {offsets = [64, 0], sizes = [64, 64], strides = [1, 1]} : vector<128x128xf32> to vector<64x64xf32>
    %concatenate3A_736 = tpu.concatenate %slice3A_734, %slice3A_735 in 1 : vector<64x64xf32>, vector<64x64xf32> -> vector<64x128xf32>
    %slice3A_737 = vector.extract_strided_slice %transpose3A_733 {offsets = [0, 64], sizes = [64, 64], strides = [1, 1]} : vector<128x128xf32> to vector<64x64xf32>
    %slice3A_738 = vector.extract_strided_slice %transpose3A_733 {offsets = [64, 64], sizes = [64, 64], strides = [1, 1]} : vector<128x128xf32> to vector<64x64xf32>
    %concatenate3A_739 = tpu.concatenate %slice3A_737, %slice3A_738 in 1 : vector<64x64xf32>, vector<64x64xf32> -> vector<64x128xf32>
    %reshape3A_740 = vector.shape_cast %concatenate3A_736 : vector<64x128xf32> to vector<8x8x128xf32>
    %swap3A_741 = arith.constant 1 : index
    %swap3A_742 = arith.constant 0 : index
    %swap3A_743 = arith.constant 24 : index
    %swap3A_744 = arith.constant 0 : index
    %swap3A_745 = arith.constant 0 : index
    %swap3A_746 = vector.load %arg3[%swap3A_741, %swap3A_742, %swap3A_743, %swap3A_744, %swap3A_745] : memref<2x8x32x8x128xf32, #tpu.memory_space<vmem>>, vector<1x8x1x8x128xf32>
    %swap3A_747 = vector.shape_cast %swap3A_746 : vector<1x8x1x8x128xf32> to vector<8x8x128xf32>
    %swap3A_748 = vector.shape_cast %reshape3A_740 : vector<8x8x128xf32> to vector<1x8x1x8x128xf32>
    tpu.vector_store %arg3[%swap3A_741, %swap3A_742, %swap3A_743, %swap3A_744, %swap3A_745], %swap3A_748 {strides = array<i32>} : memref<2x8x32x8x128xf32, #tpu.memory_space<vmem>>, vector<1x8x1x8x128xf32>,
    %reshape3A_749 = vector.shape_cast %concatenate3A_739 : vector<64x128xf32> to vector<8x8x128xf32>
    %swap3A_750 = arith.constant 1 : index
    %swap3A_751 = arith.constant 0 : index
    %swap3A_752 = arith.constant 25 : index
    %swap3A_753 = arith.constant 0 : index
    %swap3A_754 = arith.constant 0 : index
    %swap3A_755 = vector.load %arg3[%swap3A_750, %swap3A_751, %swap3A_752, %swap3A_753, %swap3A_754] : memref<2x8x32x8x128xf32, #tpu.memory_space<vmem>>, vector<1x8x1x8x128xf32>
    %swap3A_756 = vector.shape_cast %swap3A_755 : vector<1x8x1x8x128xf32> to vector<8x8x128xf32>
    %swap3A_757 = vector.shape_cast %reshape3A_749 : vector<8x8x128xf32> to vector<1x8x1x8x128xf32>
    tpu.vector_store %arg3[%swap3A_750, %swap3A_751, %swap3A_752, %swap3A_753, %swap3A_754], %swap3A_757 {strides = array<i32>} : memref<2x8x32x8x128xf32, #tpu.memory_space<vmem>>, vector<1x8x1x8x128xf32>,
    %slice3A_758 = vector.extract_strided_slice %reshape3A_419 {offsets = [1664, 0], sizes = [128, 128], strides = [1, 1]} : vector<2048x128xf32> to vector<128x128xf32>
    %transpose3A_759 = tpu.transpose %slice3A_758, [1, 0] : vector<128x128xf32> -> vector<128x128xf32>
    %slice3A_760 = vector.extract_strided_slice %transpose3A_759 {offsets = [0, 0], sizes = [64, 64], strides = [1, 1]} : vector<128x128xf32> to vector<64x64xf32>
    %slice3A_761 = vector.extract_strided_slice %transpose3A_759 {offsets = [64, 0], sizes = [64, 64], strides = [1, 1]} : vector<128x128xf32> to vector<64x64xf32>
    %concatenate3A_762 = tpu.concatenate %slice3A_760, %slice3A_761 in 1 : vector<64x64xf32>, vector<64x64xf32> -> vector<64x128xf32>
    %slice3A_763 = vector.extract_strided_slice %transpose3A_759 {offsets = [0, 64], sizes = [64, 64], strides = [1, 1]} : vector<128x128xf32> to vector<64x64xf32>
    %slice3A_764 = vector.extract_strided_slice %transpose3A_759 {offsets = [64, 64], sizes = [64, 64], strides = [1, 1]} : vector<128x128xf32> to vector<64x64xf32>
    %concatenate3A_765 = tpu.concatenate %slice3A_763, %slice3A_764 in 1 : vector<64x64xf32>, vector<64x64xf32> -> vector<64x128xf32>
    %reshape3A_766 = vector.shape_cast %concatenate3A_762 : vector<64x128xf32> to vector<8x8x128xf32>
    %swap3A_767 = arith.constant 1 : index
    %swap3A_768 = arith.constant 0 : index
    %swap3A_769 = arith.constant 26 : index
    %swap3A_770 = arith.constant 0 : index
    %swap3A_771 = arith.constant 0 : index
    %swap3A_772 = vector.load %arg3[%swap3A_767, %swap3A_768, %swap3A_769, %swap3A_770, %swap3A_771] : memref<2x8x32x8x128xf32, #tpu.memory_space<vmem>>, vector<1x8x1x8x128xf32>
    %swap3A_773 = vector.shape_cast %swap3A_772 : vector<1x8x1x8x128xf32> to vector<8x8x128xf32>
    %swap3A_774 = vector.shape_cast %reshape3A_766 : vector<8x8x128xf32> to vector<1x8x1x8x128xf32>
    tpu.vector_store %arg3[%swap3A_767, %swap3A_768, %swap3A_769, %swap3A_770, %swap3A_771], %swap3A_774 {strides = array<i32>} : memref<2x8x32x8x128xf32, #tpu.memory_space<vmem>>, vector<1x8x1x8x128xf32>,
    %reshape3A_775 = vector.shape_cast %concatenate3A_765 : vector<64x128xf32> to vector<8x8x128xf32>
    %swap3A_776 = arith.constant 1 : index
    %swap3A_777 = arith.constant 0 : index
    %swap3A_778 = arith.constant 27 : index
    %swap3A_779 = arith.constant 0 : index
    %swap3A_780 = arith.constant 0 : index
    %swap3A_781 = vector.load %arg3[%swap3A_776, %swap3A_777, %swap3A_778, %swap3A_779, %swap3A_780] : memref<2x8x32x8x128xf32, #tpu.memory_space<vmem>>, vector<1x8x1x8x128xf32>
    %swap3A_782 = vector.shape_cast %swap3A_781 : vector<1x8x1x8x128xf32> to vector<8x8x128xf32>
    %swap3A_783 = vector.shape_cast %reshape3A_775 : vector<8x8x128xf32> to vector<1x8x1x8x128xf32>
    tpu.vector_store %arg3[%swap3A_776, %swap3A_777, %swap3A_778, %swap3A_779, %swap3A_780], %swap3A_783 {strides = array<i32>} : memref<2x8x32x8x128xf32, #tpu.memory_space<vmem>>, vector<1x8x1x8x128xf32>,
    %slice3A_784 = vector.extract_strided_slice %reshape3A_419 {offsets = [1792, 0], sizes = [128, 128], strides = [1, 1]} : vector<2048x128xf32> to vector<128x128xf32>
    %transpose3A_785 = tpu.transpose %slice3A_784, [1, 0] : vector<128x128xf32> -> vector<128x128xf32>
    %slice3A_786 = vector.extract_strided_slice %transpose3A_785 {offsets = [0, 0], sizes = [64, 64], strides = [1, 1]} : vector<128x128xf32> to vector<64x64xf32>
    %slice3A_787 = vector.extract_strided_slice %transpose3A_785 {offsets = [64, 0], sizes = [64, 64], strides = [1, 1]} : vector<128x128xf32> to vector<64x64xf32>
    %concatenate3A_788 = tpu.concatenate %slice3A_786, %slice3A_787 in 1 : vector<64x64xf32>, vector<64x64xf32> -> vector<64x128xf32>
    %slice3A_789 = vector.extract_strided_slice %transpose3A_785 {offsets = [0, 64], sizes = [64, 64], strides = [1, 1]} : vector<128x128xf32> to vector<64x64xf32>
    %slice3A_790 = vector.extract_strided_slice %transpose3A_785 {offsets = [64, 64], sizes = [64, 64], strides = [1, 1]} : vector<128x128xf32> to vector<64x64xf32>
    %concatenate3A_791 = tpu.concatenate %slice3A_789, %slice3A_790 in 1 : vector<64x64xf32>, vector<64x64xf32> -> vector<64x128xf32>
    %reshape3A_792 = vector.shape_cast %concatenate3A_788 : vector<64x128xf32> to vector<8x8x128xf32>
    %swap3A_793 = arith.constant 1 : index
    %swap3A_794 = arith.constant 0 : index
    %swap3A_795 = arith.constant 28 : index
    %swap3A_796 = arith.constant 0 : index
    %swap3A_797 = arith.constant 0 : index
    %swap3A_798 = vector.load %arg3[%swap3A_793, %swap3A_794, %swap3A_795, %swap3A_796, %swap3A_797] : memref<2x8x32x8x128xf32, #tpu.memory_space<vmem>>, vector<1x8x1x8x128xf32>
    %swap3A_799 = vector.shape_cast %swap3A_798 : vector<1x8x1x8x128xf32> to vector<8x8x128xf32>
    %swap3A_800 = vector.shape_cast %reshape3A_792 : vector<8x8x128xf32> to vector<1x8x1x8x128xf32>
    tpu.vector_store %arg3[%swap3A_793, %swap3A_794, %swap3A_795, %swap3A_796, %swap3A_797], %swap3A_800 {strides = array<i32>} : memref<2x8x32x8x128xf32, #tpu.memory_space<vmem>>, vector<1x8x1x8x128xf32>,
    %reshape3A_801 = vector.shape_cast %concatenate3A_791 : vector<64x128xf32> to vector<8x8x128xf32>
    %swap3A_802 = arith.constant 1 : index
    %swap3A_803 = arith.constant 0 : index
    %swap3A_804 = arith.constant 29 : index
    %swap3A_805 = arith.constant 0 : index
    %swap3A_806 = arith.constant 0 : index
    %swap3A_807 = vector.load %arg3[%swap3A_802, %swap3A_803, %swap3A_804, %swap3A_805, %swap3A_806] : memref<2x8x32x8x128xf32, #tpu.memory_space<vmem>>, vector<1x8x1x8x128xf32>
    %swap3A_808 = vector.shape_cast %swap3A_807 : vector<1x8x1x8x128xf32> to vector<8x8x128xf32>
    %swap3A_809 = vector.shape_cast %reshape3A_801 : vector<8x8x128xf32> to vector<1x8x1x8x128xf32>
    tpu.vector_store %arg3[%swap3A_802, %swap3A_803, %swap3A_804, %swap3A_805, %swap3A_806], %swap3A_809 {strides = array<i32>} : memref<2x8x32x8x128xf32, #tpu.memory_space<vmem>>, vector<1x8x1x8x128xf32>,
    %slice3A_810 = vector.extract_strided_slice %reshape3A_419 {offsets = [1920, 0], sizes = [128, 128], strides = [1, 1]} : vector<2048x128xf32> to vector<128x128xf32>
    %transpose3A_811 = tpu.transpose %slice3A_810, [1, 0] : vector<128x128xf32> -> vector<128x128xf32>
    %slice3A_812 = vector.extract_strided_slice %transpose3A_811 {offsets = [0, 0], sizes = [64, 64], strides = [1, 1]} : vector<128x128xf32> to vector<64x64xf32>
    %slice3A_813 = vector.extract_strided_slice %transpose3A_811 {offsets = [64, 0], sizes = [64, 64], strides = [1, 1]} : vector<128x128xf32> to vector<64x64xf32>
    %concatenate3A_814 = tpu.concatenate %slice3A_812, %slice3A_813 in 1 : vector<64x64xf32>, vector<64x64xf32> -> vector<64x128xf32>
    %slice3A_815 = vector.extract_strided_slice %transpose3A_811 {offsets = [0, 64], sizes = [64, 64], strides = [1, 1]} : vector<128x128xf32> to vector<64x64xf32>
    %slice3A_816 = vector.extract_strided_slice %transpose3A_811 {offsets = [64, 64], sizes = [64, 64], strides = [1, 1]} : vector<128x128xf32> to vector<64x64xf32>
    %concatenate3A_817 = tpu.concatenate %slice3A_815, %slice3A_816 in 1 : vector<64x64xf32>, vector<64x64xf32> -> vector<64x128xf32>
    %reshape3A_818 = vector.shape_cast %concatenate3A_814 : vector<64x128xf32> to vector<8x8x128xf32>
    %swap3A_819 = arith.constant 1 : index
    %swap3A_820 = arith.constant 0 : index
    %swap3A_821 = arith.constant 30 : index
    %swap3A_822 = arith.constant 0 : index
    %swap3A_823 = arith.constant 0 : index
    %swap3A_824 = vector.load %arg3[%swap3A_819, %swap3A_820, %swap3A_821, %swap3A_822, %swap3A_823] : memref<2x8x32x8x128xf32, #tpu.memory_space<vmem>>, vector<1x8x1x8x128xf32>
    %swap3A_825 = vector.shape_cast %swap3A_824 : vector<1x8x1x8x128xf32> to vector<8x8x128xf32>
    %swap3A_826 = vector.shape_cast %reshape3A_818 : vector<8x8x128xf32> to vector<1x8x1x8x128xf32>
    tpu.vector_store %arg3[%swap3A_819, %swap3A_820, %swap3A_821, %swap3A_822, %swap3A_823], %swap3A_826 {strides = array<i32>} : memref<2x8x32x8x128xf32, #tpu.memory_space<vmem>>, vector<1x8x1x8x128xf32>,
    %reshape3A_827 = vector.shape_cast %concatenate3A_817 : vector<64x128xf32> to vector<8x8x128xf32>
    %swap3A_828 = arith.constant 1 : index
    %swap3A_829 = arith.constant 0 : index
    %swap3A_830 = arith.constant 31 : index
    %swap3A_831 = arith.constant 0 : index
    %swap3A_832 = arith.constant 0 : index
    %swap3A_833 = vector.load %arg3[%swap3A_828, %swap3A_829, %swap3A_830, %swap3A_831, %swap3A_832] : memref<2x8x32x8x128xf32, #tpu.memory_space<vmem>>, vector<1x8x1x8x128xf32>
    %swap3A_834 = vector.shape_cast %swap3A_833 : vector<1x8x1x8x128xf32> to vector<8x8x128xf32>
    %swap3A_835 = vector.shape_cast %reshape3A_827 : vector<8x8x128xf32> to vector<1x8x1x8x128xf32>
    tpu.vector_store %arg3[%swap3A_828, %swap3A_829, %swap3A_830, %swap3A_831, %swap3A_832], %swap3A_835 {strides = array<i32>} : memref<2x8x32x8x128xf32, #tpu.memory_space<vmem>>, vector<1x8x1x8x128xf32>,
    return
  }
  func.func @transform_0(%arg0: i32) -> (i32, i32, i32) {
    %c0_i32 = arith.constant 0 : i32
    %c0_i32_0 = arith.constant 0 : i32
    %c0_i32_1 = arith.constant 0 : i32
    return %arg0, %c0_i32, %c0_i32_0 : i32, i32, i32
  }
  func.func @transform_2(%arg0: i32) -> (i32, i32, i32, i32, i32) {
    %add3A = arith.constant 13 : i32
    %add3A_0 = arith.addi %arg0, %add3A : i32
    %c0_i32 = arith.constant 0 : i32
    %c0_i32_1 = arith.constant 0 : i32
    %c0_i32_2 = arith.constant 0 : i32
    %c0_i32_3 = arith.constant 0 : i32
    %c0_i32_4 = arith.constant 0 : i32
    return %add3A_0, %c0_i32, %c0_i32_1, %c0_i32_2, %c0_i32_3 : i32, i32, i32, i32, i32
  }
}

</mosaic_0001>

<sc_bundles>
// kernel: kernel.6.cloned.1.call-start
scs
__scs_entry_jumppad:
0x0: {  	(pc) =	sbr.rel $0x88, $3  }
0x1: {  	(tag) =	ssettag $0x0;
	lr =	simm.s32 $0x1  }
0x2: {  	[smem:$0x3F9F] =	sst lr;
	_ =	strace $0xD0000000  }
0x3: {  	_ = 	snop  }
0x4: {  	_ = 	snop  }
0x5: {  	_ = 	snop  }
0x6: {  	_ = 	snop  }
0x7: {  	_ = 	snop  }
__scs_overlays_trampoline_lowered:
0x8: {  	[smem:$0x3FAE] =	sst s0  }
0x9: {  	[smem:$0x3FAF] =	sst s1  }
0xa: {  	[smem:$0x3FB0] =	sst s2  }
0xb: {  	[smem:$0x3FB1] =	sst s3  }
0xc: {  	[smem:$0x3FB2] =	sst s4  }
0xd: {  	[smem:$0x3FB3] =	sst s5  }
0xe: {  	[smem:$0x3FB4] =	sst s6  }
0xf: {  	[smem:$0x3FB5] =	sst s7  }
0x10: {  	[smem:$0x3FB6] =	sst s8  }
0x11: {  	[smem:$0x3FB7] =	sst s9;
	s0 =	simm.s32 @!p0 $0x0  }
0x12: {  	s1 =	sld [smem:$0x3F9D];
	s0 =	simm.s32 @p0 $0x1  }
0x13: {  	[smem:$0x3FB8] =	sst s0;
	s0 =	simm.s32 @!p1 $0x0  }
0x14: {  	s2 =	sld [smem:$0x3F9C];
	s0 =	simm.s32 @p1 $0x1  }
0x15: {  	[smem:$0x3FB9] =	sst s0;
	s0 =	simm.s32 @!p2 $0x0  }
0x16: {  	s3 =	sld [smem:$0x3FDB];
	s0 =	simm.s32 @p2 $0x1  }
0x17: {  	s4 =	simm.s32 $0x1BF5;
	[smem:$0x3FBB] =	sst s0  }
0x18: {  	s0 =	sld [smem:$0x3F9E];
	_ =	swait.ge [sflag:s4], $0x0  }
0x19: {  	s7 =	sld [smem:$0x3F9F]  }
0x1a: {  	s8 =	sadd.s32 $0xFFFFE003, lr  }
0x1b: {  	s9 =	sadd.s32 $0xFFFFFEF7, lr;
	s5 =	simm.s32 $0xFFFFFFFF;
	p2 =	slt.u32 s8, $0xFFFFF086  }
0x1c: {  	p1 =	slt.u32 s9, $0xF7A;
	s5 =	simm.s32 @!p2 $0x0  }
0x1d: {  	s5 =	simm.s32 @p1 $0x1;
	p0 =	seq.s32 s7, s2  }
0x1e: {  	s7 =	smul.u32 @!p0 $0xF7A, s2;
	p2 =	seq.s32 @!p0 s5, $0x0  }
0x1f: {  	s9 =	smul.u32 $0xF7A, s1;
	s8 =	simm.s32 @!p0 $0x1BF5;
	p2 =	por !p2, p0  }
0x20: {  	[sflag:s8] =	ssyncset.s32 @!p0 $0xFFFFF086;
	s6 =	sadd.s32 @!p0 s3, s7;
	s7 =	simm.s32 @!p0 $0x108  }
0x21: {  	s3 =	sadd.s32 s3, s9;
	s6 =	sadd.s32 @!p0 $0x88, s6;
	s7 =	simm.s32 @p2 $0x1082  }
0x22: {  	[simem:s7], [sflag:s8] =	dma.local @!p0 [hbm:s6], $0xF7A  }
0x23: {  	s9 =	sor.u32 $0xD0000000, s2;
	s6 =	simm.s32 $0x108;
	_ =	swait.ge @!p0 [sflag:s8], $0x0  }
0x24: {  	s3 =	sadd.s32 $0x88, s3;
	s6 =	simm.s32 @!p1 $0x1082;
	[sflag:s4] =	ssyncset.s32 $0xFFFFF086  }
0x25: {  	[simem:s6], [sflag:s4] =	dma.local [hbm:s3], $0xF7A  }
0x26: {  	[smem:$0x3F9F] =	sst s1;
	(tag) =	ssettag s2;
	_ =	strace s9  }
0x27: {  	s1 =	sld [smem:$0x3FAF]  }
0x28: {  	s2 =	sld [smem:$0x3FB0]  }
0x29: {  	s4 =	sld [smem:$0x3FB2]  }
0x2a: {  	p0 =	seq.s32 s5, $0x0;
	s5 =	sld [smem:$0x3FB3]  }
0x2b: {  	s6 =	sld [smem:$0x3FB4]  }
0x2c: {  	s7 =	sld [smem:$0x3FB5]  }
0x2d: {  	s3 =	simm.s32 $0x108;
	s8 =	sld [smem:$0x3FB6]  }
0x2e: {  	s3 =	simm.s32 @!p0 $0x1082;
	s9 =	sld [smem:$0x3FB7]  }
0x2f: {  	lr =	sadd.s32 s0, s3;
	s0 =	sld [smem:$0x3FAE]  }
0x30: {  	s3 =	sld [smem:$0x3FB1]  }
0x31: {  	[smem:$0x3FBA] =	sst s10  }
0x32: {  	s10 =	sld [smem:$0x3FB8];
	_ =	sdelay $0x3  }
0x33: {  	p0 =	seq.s32 s10, $0x1;
	s10 =	sld [smem:$0x3FBA];
	_ =	sdelay $0x3  }
0x34: {  	[smem:$0x3FBA] =	sst s10  }
0x35: {  	s10 =	sld [smem:$0x3FB9];
	_ =	sdelay $0x3  }
0x36: {  	p1 =	seq.s32 s10, $0x1;
	s10 =	sld [smem:$0x3FBA];
	_ =	sdelay $0x3  }
0x37: {  	[smem:$0x3FBA] =	sst s10  }
0x38: {  	s10 =	sld [smem:$0x3FBB]  }
0x39: {  	_ = 	snop;
	(pc) =	sbr.ind lr, $3  }
0x3a: {  	_ = 	snop  }
0x3b: {  	_ = 	snop  }
0x3c: {  	p2 =	seq.s32 s10, $0x1;
	s10 =	sld [smem:$0x3FBA]  }
0x3d: {  	_ =	shalt  }
0x3e: {  	_ =	shalt  }
0x3f: {  	_ =	shalt  }
0x40: {  	_ =	shalt  }
0x41: {  	_ =	shalt  }
0x42: {  	_ =	shalt  }
0x43: {  	_ =	shalt  }
0x44: {  	_ =	shalt  }
0x45: {  	_ =	shalt  }
0x46: {  	_ =	shalt  }
0x47: {  	_ =	shalt  }
0x48: {  	_ =	shalt  }
0x49: {  	_ =	shalt  }
0x4a: {  	_ =	shalt  }
0x4b: {  	_ =	shalt  }
0x4c: {  	_ =	shalt  }
0x4d: {  	_ =	shalt  }
0x4e: {  	_ =	shalt  }
0x4f: {  	_ =	shalt  }
0x50: {  	_ =	shalt  }
0x51: {  	_ =	shalt  }
0x52: {  	_ =	shalt  }
0x53: {  	_ =	shalt  }
0x54: {  	_ =	shalt  }
0x55: {  	_ =	shalt  }
0x56: {  	_ =	shalt  }
0x57: {  	_ =	shalt  }
0x58: {  	_ =	shalt  }
0x59: {  	_ =	shalt  }
0x5a: {  	_ =	shalt  }
0x5b: {  	_ =	shalt  }
0x5c: {  	_ =	shalt  }
0x5d: {  	_ =	shalt  }
0x5e: {  	_ =	shalt  }
0x5f: {  	_ =	shalt  }
0x60: {  	_ =	shalt  }
0x61: {  	_ =	shalt  }
0x62: {  	_ =	shalt  }
0x63: {  	_ =	shalt  }
0x64: {  	_ =	shalt  }
0x65: {  	_ =	shalt  }
0x66: {  	_ =	shalt  }
0x67: {  	_ =	shalt  }
0x68: {  	_ =	shalt  }
0x69: {  	_ =	shalt  }
0x6a: {  	_ =	shalt  }
0x6b: {  	_ =	shalt  }
0x6c: {  	_ =	shalt  }
0x6d: {  	_ =	shalt  }
0x6e: {  	_ =	shalt  }
0x6f: {  	_ =	shalt  }
0x70: {  	_ =	shalt  }
0x71: {  	_ =	shalt  }
0x72: {  	_ =	shalt  }
0x73: {  	_ =	shalt  }
0x74: {  	_ =	shalt  }
0x75: {  	_ =	shalt  }
0x76: {  	_ =	shalt  }
0x77: {  	_ =	shalt  }
0x78: {  	_ =	shalt  }
0x79: {  	_ =	shalt  }
0x7a: {  	_ =	shalt  }
0x7b: {  	_ =	shalt  }
0x7c: {  	_ =	shalt  }
0x7d: {  	_ =	shalt  }
0x7e: {  	_ =	shalt  }
0x7f: {  	_ =	shalt  }
0x80: {  	_ =	shalt  }
0x81: {  	_ =	shalt  }
0x82: {  	_ =	shalt  }
0x83: {  	_ =	shalt  }
0x84: {  	_ =	shalt  }
0x85: {  	_ =	shalt  }
0x86: {  	_ =	shalt  }
0x87: {  	_ =	shalt  }
.Lfunc_end0:
.L_simem_size_0:
called_computation_lowered:
.L_overlay_start_0:
0x88: {  	s2 =	sld [smem:$0x3FD9]  }
0x89: {  	s3 =	sld [smem:$0x3FFE];
	_ =	sdelay $0x1  }
0x8a: {  	s1 =	srdreg.scid  }
0x8b: {  	s0 =	sand.u32 $0x1, s1  }
0x8c: {  	s16 =	sshll.u32 s0, $0xA;
	s2 =	sadd.s32 s3, s2  }
0x8d: {  	s2 =	sadd.s32 s2, s16  }
0x8e: {  	[smem:$0x3FC6] =	sst s2  }
0x8f: {  	_ = 	snop  }
0x90: {  	(tm) =	ssettm $0x1  }
0x91: {  	s17 =	sld [smem:$0x3FFB];
	_ =	sdelay $0x3  }
0x92: {  	_ =	strace s17  }
0x93: {  	s2 =	sld [smem:$0x3FFC];
	_ =	sdelay $0x3  }
0x94: {  	_ =	strace s2  }
0x95: {  	s2 =	sld [smem:$0x3FFD];
	_ =	sdelay $0x3  }
0x96: {  	_ =	strace s2  }
0x97: {  	_ =	strace $0x8FFFFFFF  }
0x98: {  	s18 =	sld [smem:$0x3FDB];
	_ =	sdelay $0x1  }
0x99: {  	s19 =	simm.s32 $_scs_section_size  }
0x9a: {  	s4 =	simm.s32 $_size__tile_overlayer_lowered;
	s5 =	simm.s32 $_tile_overlayer_lowered  }
0x9b: {  	s22 =	simm.s32 $0x1BFF;
	s21 =	sshll.u32 s5, $0x1;
	s2 =	sadd.s32 s19, s18  }
0x9c: {  	s6 =	simm.s32 $0x0;
	s20 =	sshll.u32 s4, $0x1;
	s4 =	sadd.s32 s21, s2  }
0x9d: {  	[timem:s6], [sflag:s22] =	dma.local [hbm:s4], s20  }
0x9e: {  	_ =	swait.ge [sflag:s22], s20  }
0x9f: {  	s3 =	ssub.s32 $0x0, s20;
	[sflag:s22] =	ssyncset.done $0x0  }
0xa0: {  	[sflag:s22] =	ssyncadd.s32 s3;
	_ =	sdelay $0x1  }
0xa1: {  	s23 =	simm.s32 $0x1B8B  }
0xa2: {  	_ =	swait.ge [sflag:s23], $0x1  }
0xa3: {  	[sflag:s23] =	ssyncset.done $0x0  }
0xa4: {  	s25 =	simm.s32 $0x1B8E;
	s24 =	sld [smem:$0x3FFE];
	[sflag:s23] =	ssyncadd.s32 $0xFFFFFFFF  }
0xa5: {  	s26 =	simm.s32 $execute0_lowered;
	[smem:$0x3FD2] =	sst s25  }
0xa6: {  	s4 =	sshll.u32 s26, $0x1;
	_ =	strace $0x80000046;
	[dreg:$0x1] =	wrdreg $0xFFFFFFFF  }
0xa7: {  	s28 =	simm.s32 $_size_execute0_lowered;
	s2 =	sadd.s32 s2, s4;
	[dreg:$0x0] =	wrdreg $0x0  }
0xa8: {  	s4 =	sshll.u32 s28, $0x1;
	[dreg:$0x2] =	wrdreg s2  }
0xa9: {  	[dreg:$0x3] =	wrdreg s4  }
0xaa: {  	[dreg:$0x4] =	wrdreg $0xC0  }
0xab: {  	_ =	task [dreg:s6], $0x5FFFF  }
0xac: {  	[dreg:$0x1] =	wrdreg $0xFFFFFFFF  }
0xad: {  	[dreg:$0x0] =	wrdreg $0x60  }
0xae: {  	[dreg:$0x2] =	wrdreg s24  }
0xaf: {  	[dreg:$0x3] =	wrdreg $0x9  }
0xb0: {  	_ =	task.clear_ibuf [dreg:s6], $0x4FFFF;
	_ =	strace $0x90000046  }
0xb1: {  	s29 =	simm.s32 $0x9;
	_ =	strace $0x80000048  }
0xb2: {  	_ =	swait.ge [sflag:s29], $0x1  }
0xb3: {  	[sflag:s29] =	ssyncadd.s32 $0xFFFFFFFF  }
0xb4: {  	_ =	strace $0x90000048  }
0xb5: {  	_ =	sfence  }
0xb6: {  	s30 =	sld [smem:$0x0];
	_ =	sdelay $0x2  }
0xb7: {  	s31 =	sshll.u32 s1, $0xD;
	s1 =	sshrl.u32 s1, $0x2  }
0xb8: {  	s3 =	sand.u32 $0x4000, s31;
	s1 =	sadd.s32 s1, s30  }
0xb9: {  	s0 =	sor.u32 s3, s0;
	s1 =	sshll.u32 s1, $0x11  }
0xba: {  	s0 =	sor.u32 s1, s0  }
0xbb: {  	s0 =	sadd.s32 $0x8F2B, s0  }
0xbc: {  	[sflag:s0] =	ssyncadd.remote.s32 $0x1  }
0xbd: {  	_ =	sfence.sel $0xFFFF  }
0xbe: {  	[dreg:$0x0] =	wrdreg $0xFFFFFFFF;
	(pc) =	sbr.abs _section_cstart, $3  }
0xbf: {  	[dreg:$0x1] =	wrdreg $0xFFFFFFFF  }
0xc0: {  	_ =	task.clear_ibuf [dreg:s6], $0x2FFFF;
	_ =	strace $0x9FFFFFFF  }
0xc1: {  	(tm) =	ssettm $0x7FFFFFFF  }
tec
execute0_lowered:
.L_overlay_start_1:
0x0: {  	(tag) =	ssettag $0x1  }
0x1: {  	s1 =	srdreg.scid  }
0x2: {  	s0 =	stileid.u32;
	s4 =	rddreg [dreg:$0x0]  }
0x3: {  	s2 =	simm.s32 $0x0;
	s11 =	simm.s32 $0x4;
	s12 =	simm.s32 $0x80  }
0x4: {  	s13 =	simm.s32 $0x1C00;
	s14 =	simm.s32 $0x1D00;
	s15 =	simm.s32 $0x1C80  }
0x5: {  	s16 =	simm.s32 $0x3D00;
	s17 =	simm.s32 $0x1;
	s18 =	simm.s32 $0x2  }
0x6: {  	vm0 =	vcmask $0xF0C;
	vm1 =	vcmask $0x704;
	s19 =	simm.s32 $0x3;
	s20 =	simm.s32 $0x0;
	s3 =	sand.u32 $0x1, s1  }
0x7: {  	s5 =	sshll.u32 s0, $0x8;
	s1 =	rddreg [dreg:$0x1];
	vm0 =	vmor vm1, vm0;
	vm1 =	vcmask $0x1714;
	s6 =	sshll.u32 s3, $0x7  }
0x8: {  	v0 =	vlaneseq.u32;
	[smem:$0x7FF] =	sst s2;
	s7 =	ssub.s32 $0x2, s3;
	vm0 =	vmor vm0, vm1;
	vm1 =	vcmask $0x1F1C;
	s5 =	sor.u32 s6, s5  }
0x9: {  	v1 =	vand.u32 $0x1, v0;
	s8 =	sshrl.u32 s7, $0x1;
	vm0 =	vmor vm0, vm1;
	vm1 =	vcmask $0x2724;
	s6 =	smul.u32 $0x7, s5;
	s5 =	sshll.u32 s5, $0x3  }
0xa: {  	_ =	strace $0x80000047;
	v1 =	vmul.u32 $0xE00, v1;
	s9 =	ssub.s32 s7, s8;
	vm0 =	vmor vm0, vm1;
	vm1 =	vcmask $0x2F2C;
	s10 =	sadd.s32 s5, s4  }
0xb: {  	v2 =	vimm.s32 $0x0;
	s3 =	sadd.s32 $0x7800, s4;
	s9 =	smax.u32 s9, $0x1;
	vm0 =	vmor vm0, vm1;
	vm1 =	vcmask $0x3734;
	s5 =	sadd.s32 $0xCAE00, s10  }
0xc: {  	v3 =	vor.u32 $0x1, v1;
	s6 =	sadd.s32 s6, s4;
	s7 =	sadd.s32 $0x18AE00, s10;
	s8 =	sadd.s32 $0x192E00, s10;
	vm0 =	vmor vm0, vm1;
	vm1 =	vcmask $0x3F3C  }
0xd: {  	v4 =	vor.u32 $0x2, v1;
	v5 =	vor.u32 $0x19, v1;
	s4 =	sadd.s32 $0x800, s6;
	s6 =	sadd.s32 $0xD2E00, s10;
	s10 =	sadd.s32 $0xDAE00, s10;
	vm0 =	vmor vm0, vm1  }
.LBB2_1:
0xe: {  	v6 =	vmov s2  }
0xf: {  	vm1 =	veq.s32 v6, v0  }
0x10: {  	v6 =	vor.u32 s2, v0;
	vm1 =	vmand vm1, vm0  }
0x11: {  	v6 =	vshrl.u32 v6, $0x1;
	v7 =	vsel vm1, $0xFFFFFFFF, v2  }
0x12: {  	v6 =	vadd.s32 v7, v6  }
0x13: {  	s21 =	simm.s32 $0x10;
	v6 =	vmul.u32 $0x38, v6  }
0x14: {  	v7 =	vmov s21  }
0x15: {  	vm1 =	veq.s32 v7, v0;
	v6 =	vadd.s32 v1, v6  }
0x16: {  	[tilespmem:s2], [sflag:$0x4] =	stream.linear.gather [hbm4b:s4+s2], $0x1C00, $0x38;
	v7 =	vor.u32 s21, v0;
	vm1 =	vmand vm1, vm0;
	[tilespmem:$0x5D00] =	vst v63  }
0x17: {  	_ =	swait.ge [sflag:s11], $0x1C00;
	v7 =	vshrl.u32 v7, $0x1;
	v8 =	vsel vm1, $0xFFFFFFFF, v2  }
0x18: {  	[sflag:s11] =	ssyncset.done $0x0;
	v7 =	vadd.s32 v8, v7  }
0x19: {  	s31 =	simm.s32 $0x20;
	[sflag:s11] =	ssyncadd.s32 $0xFFFFE400;
	v7 =	vmul.u32 $0x38, v7  }
0x1a: {  	v8 =	vmov s31;
	v6 =	vld.idx.msk [tilespmem:v6+s2+$0x0], $0xffff  }
0x1b: {  	vm1 =	veq.s32 v8, v0;
	v7 =	vadd.s32 v1, v7  }
0x1c: {  	v8 =	vor.u32 s31, v0;
	vm1 =	vmand vm1, vm0  }
0x1d: {  	v8 =	vshrl.u32 v8, $0x1;
	v9 =	vsel vm1, $0xFFFFFFFF, v2  }
0x1e: {  	v8 =	vadd.s32 v9, v8  }
0x1f: {  	v9 =	vmul.u32 $0x38, v8;
	[tilespmem:s13+$0x0] =	vst v6  }
0x20: {  	s21 =	simm.s32 $0x30;
	v6 =	vld.idx.msk [tilespmem:v7+s2+$0x0], $0xffff  }
0x21: {  	s23 =	simm.s32 $0x40;
	s22 =	simm.s32 $0x1C00;
	v8 =	vmov s21;
	v7 =	vadd.s32 v1, v9  }
.LBB2_2:
0x22: {  	p0 =	sne.s32 s23, $0x70;
	vm1 =	veq.s32 v8, v0  }
0x23: {  	v8 =	vor.u32 s21, v0;
	s21 =	smov.u32 s23;
	vm1 =	vmand vm1, vm0  }
.Ltmp0:
0x24: {  	s22 =	sadd.s32 $0x10, s22;
	v8 =	vshrl.u32 v8, $0x1;
	v9 =	vsel vm1, $0xFFFFFFFF, v2;
	(pc) =	sbr.rel @p0 .LBB2_2-.Ltmp0, $3  }
0x25: {  	v8 =	vadd.s32 v9, v8;
	[tilespmem:s22+$0x0] =	vst v6  }
0x26: {  	v9 =	vmul.u32 $0x38, v8;
	v6 =	vld.idx.msk [tilespmem:v7+s2+$0x0], $0xffff;
	_ =	sdelay $0x1  }
0x27: {  	s23 =	sadd.s32 $0x10, s23;
	v8 =	vmov s21;
	v7 =	vadd.s32 v1, v9  }
0x28: {  	vm1 =	veq.s32 v8, v0  }
0x29: {  	v8 =	vor.u32 s21, v0;
	vm1 =	vmand vm1, vm0  }
0x2a: {  	v8 =	vshrl.u32 v8, $0x1;
	v9 =	vsel vm1, $0xFFFFFFFF, v2  }
0x2b: {  	s28 =	sadd.s32 $0x10, s22;
	v8 =	vadd.s32 v9, v8  }
0x2c: {  	[tilespmem:s28+$0x0] =	vst v6;
	v6 =	vmul.u32 $0x38, v8  }
0x2d: {  	s29 =	simm.s32 $0x0;
	v7 =	vld.idx.msk [tilespmem:v7+s2+$0x0], $0xffff  }
0x2e: {  	v8 =	vmov s29;
	v6 =	vadd.s32 v1, v6  }
0x2f: {  	vm1 =	veq.s32 v8, v0  }
0x30: {  	v8 =	vor.u32 s29, v0;
	vm1 =	vmand vm1, vm0  }
0x31: {  	s21 =	sadd.s32 $0x10, s28;
	v8 =	vshrl.u32 v8, $0x1;
	v9 =	vsel vm1, $0xFFFFFFFF, v2  }
0x32: {  	[tilespmem:s21+$0x0] =	vst v7;
	v7 =	vadd.s32 v9, v8  }
0x33: {  	s30 =	simm.s32 $0x10;
	v7 =	vmul.u32 $0x38, v7;
	v6 =	vld.idx.msk [tilespmem:v6+s2+$0x0], $0xffff  }
0x34: {  	v8 =	vmov s30  }
0x35: {  	vm1 =	veq.s32 v8, v0;
	v7 =	vadd.s32 v3, v7  }
0x36: {  	v8 =	vor.u32 s30, v0;
	vm1 =	vmand vm1, vm0  }
0x37: {  	s21 =	sadd.s32 $0x10, s21;
	v8 =	vshrl.u32 v8, $0x1;
	v9 =	vsel vm1, $0xFFFFFFFF, v2  }
0x38: {  	s31 =	simm.s32 $0x20;
	[tilespmem:s21+$0x0] =	vst v6;
	v6 =	vadd.s32 v9, v8  }
0x39: {  	[tilespmem:s14], [sflag:$0x1] =	stream.indirect.gather [hbm4b:s3+s12], $0x40, s13, s12, $0xb8;
	v6 =	vmul.u32 $0x38, v6;
	[tilespmem:$0x5D00] =	vst v63  }
0x3a: {  	v8 =	vmov s31;
	v7 =	vld.idx.msk [tilespmem:v7+s2+$0x0], $0xffff  }
0x3b: {  	vm1 =	veq.s32 v8, v0;
	v6 =	vadd.s32 v3, v6  }
0x3c: {  	v8 =	vor.u32 s31, v0;
	vm1 =	vmand vm1, vm0  }
0x3d: {  	v8 =	vshrl.u32 v8, $0x1;
	v9 =	vsel vm1, $0xFFFFFFFF, v2  }
0x3e: {  	s21 =	simm.s32 $0x1C80;
	v8 =	vadd.s32 v9, v8  }
0x3f: {  	v9 =	vmul.u32 $0x38, v8;
	[tilespmem:s21+$0x0] =	vst v7  }
0x40: {  	s22 =	simm.s32 $0x30;
	v6 =	vld.idx.msk [tilespmem:v6+s2+$0x0], $0xffff  }
0x41: {  	s23 =	simm.s32 $0x40;
	v8 =	vmov s22;
	v7 =	vadd.s32 v3, v9  }
.LBB2_4:
0x42: {  	p0 =	sne.s32 s23, $0x70;
	vm1 =	veq.s32 v8, v0  }
0x43: {  	v8 =	vor.u32 s22, v0;
	s22 =	smov.u32 s23;
	vm1 =	vmand vm1, vm0  }
.Ltmp1:
0x44: {  	s21 =	sadd.s32 $0x10, s21;
	v8 =	vshrl.u32 v8, $0x1;
	v9 =	vsel vm1, $0xFFFFFFFF, v2;
	(pc) =	sbr.rel @p0 .LBB2_4-.Ltmp1, $3  }
0x45: {  	v8 =	vadd.s32 v9, v8;
	[tilespmem:s21+$0x0] =	vst v6  }
0x46: {  	v9 =	vmul.u32 $0x38, v8;
	v6 =	vld.idx.msk [tilespmem:v7+s2+$0x0], $0xffff;
	_ =	sdelay $0x1  }
0x47: {  	s23 =	sadd.s32 $0x10, s23;
	v8 =	vmov s22;
	v7 =	vadd.s32 v3, v9  }
0x48: {  	vm1 =	veq.s32 v8, v0  }
0x49: {  	v8 =	vor.u32 s22, v0;
	vm1 =	vmand vm1, vm0  }
0x4a: {  	v8 =	vshrl.u32 v8, $0x1;
	v9 =	vsel vm1, $0xFFFFFFFF, v2  }
0x4b: {  	s21 =	sadd.s32 $0x10, s21;
	v8 =	vadd.s32 v9, v8  }
0x4c: {  	[tilespmem:s21+$0x0] =	vst v6;
	v6 =	vmul.u32 $0x38, v8  }
0x4d: {  	v7 =	vld.idx.msk [tilespmem:v7+s2+$0x0], $0xffff  }
0x4e: {  	v6 =	vadd.s32 v3, v6;
	_ =	sdelay $0x2  }
0x4f: {  	s30 =	simm.s32 $0x0;
	s21 =	sadd.s32 $0x10, s21  }
0x50: {  	[tilespmem:s21+$0x0] =	vst v7;
	v7 =	vmov s30  }
0x51: {  	vm1 =	veq.s32 v7, v0;
	v6 =	vld.idx.msk [tilespmem:v6+s2+$0x0], $0xffff  }
0x52: {  	v7 =	vor.u32 s30, v0;
	vm1 =	vmand vm1, vm0  }
0x53: {  	v7 =	vshrl.u32 v7, $0x1;
	v8 =	vsel vm1, $0xFFFFFFFF, v2  }
0x54: {  	v7 =	vadd.s32 v8, v7  }
0x55: {  	s23 =	simm.s32 $0x10;
	s21 =	sadd.s32 $0x10, s21;
	v7 =	vmul.u32 $0x38, v7  }
0x56: {  	[tilespmem:s21+$0x0] =	vst v6;
	v6 =	vmov s23  }
0x57: {  	v7 =	vadd.s32 v4, v7;
	[tilespmem:s16], [sflag:$0x1] =	stream.indirect.gather [hbm4b:s3+s12], $0x40, s15, s12, $0xb8;
	vm1 =	veq.s32 v6, v0;
	[tilespmem:$0x5D00] =	vst v63  }
0x58: {  	v6 =	vor.u32 s23, v0;
	_ =	swait.ge [sflag:s17], $0x2000;
	vm1 =	vmand vm1, vm0  }
0x59: {  	v6 =	vshrl.u32 v6, $0x1;
	[sflag:s17] =	ssyncset.done $0x0;
	v8 =	vsel vm1, $0xFFFFFFFF, v2  }
0x5a: {  	s31 =	simm.s32 $0x20;
	[sflag:s17] =	ssyncadd.s32 $0xFFFFE000;
	v6 =	vadd.s32 v8, v6  }
0x5b: {  	[hbm4b:s5+s30] =	stream.linear.scatter [tilespmem:s14], [sflag:$0x2], $0x2000, $0x38;
	v6 =	vmul.u32 $0x38, v6;
	[tilespmem:$0x5D00] =	vst v63  }
0x5c: {  	v8 =	vmov s31;
	v7 =	vld.idx.msk [tilespmem:v7+s2+$0x0], $0xffff  }
0x5d: {  	vm1 =	veq.s32 v8, v0;
	v6 =	vadd.s32 v4, v6  }
0x5e: {  	v8 =	vor.u32 s31, v0;
	vm1 =	vmand vm1, vm0  }
0x5f: {  	v8 =	vshrl.u32 v8, $0x1;
	v9 =	vsel vm1, $0xFFFFFFFF, v2  }
0x60: {  	s21 =	simm.s32 $0x1C00;
	v8 =	vadd.s32 v9, v8  }
0x61: {  	v9 =	vmul.u32 $0x38, v8;
	[tilespmem:s21+$0x0] =	vst v7  }
0x62: {  	s22 =	simm.s32 $0x30;
	v6 =	vld.idx.msk [tilespmem:v6+s2+$0x0], $0xffff  }
0x63: {  	s23 =	simm.s32 $0x40;
	v8 =	vmov s22;
	v7 =	vadd.s32 v4, v9  }
.LBB2_6:
0x64: {  	p0 =	sne.s32 s23, $0x70;
	vm1 =	veq.s32 v8, v0  }
0x65: {  	v8 =	vor.u32 s22, v0;
	s22 =	smov.u32 s23;
	vm1 =	vmand vm1, vm0  }
.Ltmp2:
0x66: {  	s21 =	sadd.s32 $0x10, s21;
	v8 =	vshrl.u32 v8, $0x1;
	v9 =	vsel vm1, $0xFFFFFFFF, v2;
	(pc) =	sbr.rel @p0 .LBB2_6-.Ltmp2, $3  }
0x67: {  	v8 =	vadd.s32 v9, v8;
	[tilespmem:s21+$0x0] =	vst v6  }
0x68: {  	v9 =	vmul.u32 $0x38, v8;
	v6 =	vld.idx.msk [tilespmem:v7+s2+$0x0], $0xffff;
	_ =	sdelay $0x1  }
0x69: {  	s23 =	sadd.s32 $0x10, s23;
	v8 =	vmov s22;
	v7 =	vadd.s32 v4, v9  }
0x6a: {  	vm1 =	veq.s32 v8, v0  }
0x6b: {  	v63 =	vor.u32 s22, v0;
	vm1 =	vmand vm1, vm0  }
0x6c: {  	v8 =	vshrl.u32 v63, $0x1;
	v9 =	vsel vm1, $0xFFFFFFFF, v2  }
0x6d: {  	s21 =	sadd.s32 $0x10, s21;
	v8 =	vadd.s32 v9, v8  }
0x6e: {  	[tilespmem:s21+$0x0] =	vst v6;
	v6 =	vmul.u32 $0x38, v8  }
0x6f: {  	v7 =	vld.idx.msk [tilespmem:v7+s2+$0x0], $0xffff  }
0x70: {  	v6 =	vadd.s32 v4, v6;
	_ =	sdelay $0x2  }
0x71: {  	s21 =	sadd.s32 $0x10, s21  }
0x72: {  	[tilespmem:s21+$0x0] =	vst v7  }
0x73: {  	v6 =	vld.idx.msk [tilespmem:v6+s2+$0x0], $0xffff;
	_ =	sdelay $0x3  }
0x74: {  	s21 =	sadd.s32 $0x10, s21  }
0x75: {  	[tilespmem:s21+$0x0] =	vst v6  }
0x76: {  	[tilespmem:s14], [sflag:$0x1] =	stream.indirect.gather [hbm4b:s3+s12], $0x40, s13, s12, $0xb8;
	[tilespmem:$0x5D00] =	vst v63  }
0x77: {  	_ =	swait.ge [sflag:s17], $0x2000  }
0x78: {  	[sflag:s17] =	ssyncset.done $0x0  }
0x79: {  	s22 =	simm.s32 $0x0;
	s21 =	simm.s32 $0x0;
	[sflag:s17] =	ssyncadd.s32 $0xFFFFE000  }
0x7a: {  	[hbm4b:s6+s21] =	stream.linear.scatter [tilespmem:s16], [sflag:$0x3], $0x2000, $0x38;
	[tilespmem:$0x5D00] =	vst v63  }
.LBB2_8:
0x7b: {  	s24 =	sshll.u32 s22, $0x1;
	v6 =	vmov s21  }
0x7c: {  	s23 =	sadd.s32 $0x3, s24;
	vm1 =	veq.s32 v6, v0  }
0x7d: {  	v7 =	vor.u32 s21, v0;
	v6 =	vmov s23;
	vm1 =	vmand vm1, vm0  }
0x7e: {  	v7 =	vshrl.u32 v7, $0x1;
	v6 =	vand.u32 $0x3F, v6;
	v8 =	vsel vm1, $0xFFFFFFFF, v2  }
0x7f: {  	v6 =	vbroadcast v6, $0x0;
	v7 =	vadd.s32 v8, v7  }
0x80: {  	s25 =	simm.s32 $0x10;
	v7 =	vmul.u32 $0x38, v7  }
0x81: {  	v8 =	vmov s25;
	v6 =	vor.u32 v1, v6  }
0x82: {  	vm1 =	veq.s32 v8, v0;
	v7 =	vadd.s32 v7, v6  }
0x83: {  	v8 =	vor.u32 s25, v0;
	vm1 =	vmand vm1, vm0  }
0x84: {  	v8 =	vshrl.u32 v8, $0x1;
	v9 =	vsel vm1, $0xFFFFFFFF, v2  }
0x85: {  	v8 =	vadd.s32 v9, v8  }
0x86: {  	s31 =	simm.s32 $0x20;
	v8 =	vmul.u32 $0x38, v8  }
0x87: {  	v9 =	vmov s31;
	v7 =	vld.idx.msk [tilespmem:v7+s2+$0x0], $0xffff  }
0x88: {  	vm1 =	veq.s32 v9, v0;
	v8 =	vadd.s32 v8, v6  }
0x89: {  	v9 =	vor.u32 s31, v0;
	vm1 =	vmand vm1, vm0  }
0x8a: {  	v9 =	vshrl.u32 v9, $0x1;
	v10 =	vsel vm1, $0xFFFFFFFF, v2  }
0x8b: {  	s25 =	simm.s32 $0x1C80;
	v9 =	vadd.s32 v10, v9  }
0x8c: {  	v10 =	vmul.u32 $0x38, v9;
	[tilespmem:s25+$0x0] =	vst v7  }
0x8d: {  	s26 =	simm.s32 $0x30;
	v7 =	vld.idx.msk [tilespmem:v8+s2+$0x0], $0xffff  }
0x8e: {  	s28 =	simm.s32 $0x40;
	v9 =	vmov s26;
	v8 =	vadd.s32 v10, v6  }
.LBB2_9:
0x8f: {  	p0 =	sne.s32 s28, $0x70;
	vm1 =	veq.s32 v9, v0  }
0x90: {  	v9 =	vor.u32 s26, v0;
	s26 =	smov.u32 s28;
	vm1 =	vmand vm1, vm0  }
.Ltmp3:
0x91: {  	s25 =	sadd.s32 $0x10, s25;
	v9 =	vshrl.u32 v9, $0x1;
	v10 =	vsel vm1, $0xFFFFFFFF, v2;
	(pc) =	sbr.rel @p0 .LBB2_9-.Ltmp3, $3  }
0x92: {  	v9 =	vadd.s32 v10, v9;
	[tilespmem:s25+$0x0] =	vst v7  }
0x93: {  	v10 =	vmul.u32 $0x38, v9;
	v7 =	vld.idx.msk [tilespmem:v8+s2+$0x0], $0xffff;
	_ =	sdelay $0x1  }
0x94: {  	s28 =	sadd.s32 $0x10, s28;
	v9 =	vmov s26;
	v8 =	vadd.s32 v10, v6  }
0x95: {  	vm1 =	veq.s32 v9, v0  }
0x96: {  	v9 =	vor.u32 s26, v0;
	vm1 =	vmand vm1, vm0  }
0x97: {  	v9 =	vshrl.u32 v9, $0x1;
	v10 =	vsel vm1, $0xFFFFFFFF, v2  }
0x98: {  	s25 =	sadd.s32 $0x10, s25;
	v9 =	vadd.s32 v10, v9  }
0x99: {  	[tilespmem:s25+$0x0] =	vst v7;
	v7 =	vmul.u32 $0x38, v9  }
0x9a: {  	v8 =	vld.idx.msk [tilespmem:v8+s2+$0x0], $0xffff  }
0x9b: {  	v6 =	vadd.s32 v7, v6;
	_ =	sdelay $0x2  }
0x9c: {  	s25 =	sadd.s32 $0x10, s25  }
0x9d: {  	[tilespmem:s25+$0x0] =	vst v8  }
0x9e: {  	v6 =	vld.idx.msk [tilespmem:v6+s2+$0x0], $0xffff  }
0x9f: {  	s28 =	simm.s32 $0x0  }
0xa0: {  	v7 =	vmov s28  }
0xa1: {  	s24 =	sadd.s32 $0x4, s24;
	vm1 =	veq.s32 v7, v0  }
0xa2: {  	v7 =	vmov s24;
	s25 =	sadd.s32 $0x10, s25;
	v8 =	vor.u32 s28, v0;
	vm1 =	vmand vm1, vm0  }
0xa3: {  	[tilespmem:s25+$0x0] =	vst v6;
	v6 =	vand.u32 $0x3E, v7;
	v7 =	vshrl.u32 v8, $0x1;
	v8 =	vsel vm1, $0xFFFFFFFF, v2  }
0xa4: {  	[tilespmem:s16], [sflag:$0x1] =	stream.indirect.gather [hbm4b:s3+s12], $0x40, s15, s12, $0xb8;
	v6 =	vbroadcast v6, $0x0;
	v7 =	vadd.s32 v8, v7;
	[tilespmem:$0x5D00] =	vst v63  }
0xa5: {  	s29 =	simm.s32 $0x10;
	_ =	swait.ge [sflag:s17], $0x2000;
	v7 =	vmul.u32 $0x38, v7  }
0xa6: {  	v8 =	vmov s29;
	[sflag:s17] =	ssyncset.done $0x0;
	v6 =	vor.u32 v1, v6  }
0xa7: {  	vm1 =	veq.s32 v8, v0;
	[sflag:s17] =	ssyncadd.s32 $0xFFFFE000;
	v7 =	vadd.s32 v7, v6  }
0xa8: {  	v8 =	vor.u32 s29, v0;
	vm1 =	vmand vm1, vm0;
	_ =	swait.ge [sflag:s18], $0x2000  }
0xa9: {  	s30 =	sshll.u32 s22, $0x10;
	v8 =	vshrl.u32 v8, $0x1;
	v9 =	vsel vm1, $0xFFFFFFFF, v2;
	[sflag:s18] =	ssyncset.done $0x0  }
0xaa: {  	s31 =	simm.s32 $0x20;
	s24 =	sadd.s32 s10, s30;
	v8 =	vadd.s32 v9, v8;
	[sflag:s18] =	ssyncadd.s32 $0xFFFFE000  }
0xab: {  	v8 =	vmul.u32 $0x38, v8;
	[hbm4b:s24+s28] =	stream.linear.scatter [tilespmem:s14], [sflag:$0x2], $0x2000, $0x38;
	[tilespmem:$0x5D00] =	vst v63  }
0xac: {  	v9 =	vmov s31;
	v7 =	vld.idx.msk [tilespmem:v7+s2+$0x0], $0xffff  }
0xad: {  	vm1 =	veq.s32 v9, v0;
	v8 =	vadd.s32 v8, v6  }
0xae: {  	v9 =	vor.u32 s31, v0;
	vm1 =	vmand vm1, vm0  }
0xaf: {  	v9 =	vshrl.u32 v9, $0x1;
	v10 =	vsel vm1, $0xFFFFFFFF, v2  }
0xb0: {  	s24 =	simm.s32 $0x1C00;
	v9 =	vadd.s32 v10, v9  }
0xb1: {  	v10 =	vmul.u32 $0x38, v9;
	[tilespmem:s24+$0x0] =	vst v7  }
0xb2: {  	s25 =	simm.s32 $0x30;
	v7 =	vld.idx.msk [tilespmem:v8+s2+$0x0], $0xffff  }
0xb3: {  	s26 =	simm.s32 $0x40;
	v9 =	vmov s25;
	v8 =	vadd.s32 v10, v6  }
.LBB2_11:
0xb4: {  	p0 =	sne.s32 s26, $0x70;
	vm1 =	veq.s32 v9, v0  }
0xb5: {  	v9 =	vor.u32 s25, v0;
	s25 =	smov.u32 s26;
	vm1 =	vmand vm1, vm0  }
.Ltmp4:
0xb6: {  	s24 =	sadd.s32 $0x10, s24;
	v9 =	vshrl.u32 v9, $0x1;
	v10 =	vsel vm1, $0xFFFFFFFF, v2;
	(pc) =	sbr.rel @p0 .LBB2_11-.Ltmp4, $3  }
0xb7: {  	v9 =	vadd.s32 v10, v9;
	[tilespmem:s24+$0x0] =	vst v7  }
0xb8: {  	v10 =	vmul.u32 $0x38, v9;
	v7 =	vld.idx.msk [tilespmem:v8+s2+$0x0], $0xffff;
	_ =	sdelay $0x1  }
0xb9: {  	s26 =	sadd.s32 $0x10, s26;
	v9 =	vmov s25;
	v8 =	vadd.s32 v10, v6  }
0xba: {  	vm1 =	veq.s32 v9, v0  }
0xbb: {  	v63 =	vor.u32 s25, v0;
	vm1 =	vmand vm1, vm0  }
0xbc: {  	v9 =	vshrl.u32 v63, $0x1;
	v10 =	vsel vm1, $0xFFFFFFFF, v2  }
0xbd: {  	s24 =	sadd.s32 $0x10, s24;
	v9 =	vadd.s32 v10, v9  }
0xbe: {  	[tilespmem:s24+$0x0] =	vst v7;
	v7 =	vmul.u32 $0x38, v9  }
0xbf: {  	v8 =	vld.idx.msk [tilespmem:v8+s2+$0x0], $0xffff  }
0xc0: {  	v6 =	vadd.s32 v7, v6;
	_ =	sdelay $0x2  }
0xc1: {  	s24 =	sadd.s32 $0x10, s24  }
0xc2: {  	[tilespmem:s24+$0x0] =	vst v8  }
0xc3: {  	v6 =	vld.idx.msk [tilespmem:v6+s2+$0x0], $0xffff;
	_ =	sdelay $0x3  }
0xc4: {  	s24 =	sadd.s32 $0x10, s24  }
0xc5: {  	[tilespmem:s24+$0x0] =	vst v6  }
0xc6: {  	[tilespmem:s14], [sflag:$0x1] =	stream.indirect.gather [hbm4b:s3+s12], $0x40, s13, s12, $0xb8;
	[tilespmem:$0x5D00] =	vst v63  }
0xc7: {  	s22 =	sadd.s32 $0x1, s22;
	_ =	swait.ge [sflag:s17], $0x2000  }
0xc8: {  	p0 =	sne.s32 s22, $0xB;
	[sflag:s17] =	ssyncset.done $0x0  }
.Ltmp5:
0xc9: {  	[sflag:s17] =	ssyncadd.s32 $0xFFFFE000;
	(pc) =	sbr.rel @p0 .LBB2_8-.Ltmp5, $4  }
0xca: {  	_ =	swait.ge [sflag:s19], $0x2000  }
0xcb: {  	s23 =	sshll.u32 s23, $0xF;
	[sflag:s19] =	ssyncset.done $0x0  }
0xcc: {  	s31 =	sadd.s32 s23, s5;
	s23 =	simm.s32 $0x0;
	[sflag:s19] =	ssyncadd.s32 $0xFFFFE000  }
0xcd: {  	[hbm4b:s31+s23] =	stream.linear.scatter [tilespmem:s16], [sflag:$0x3], $0x2000, $0x38;
	[tilespmem:$0x5D00] =	vst v63  }
0xce: {  	v6 =	vmov s23  }
0xcf: {  	vm1 =	veq.s32 v6, v0  }
0xd0: {  	v6 =	vor.u32 s23, v0;
	vm1 =	vmand vm1, vm0  }
0xd1: {  	v6 =	vshrl.u32 v6, $0x1;
	v7 =	vsel vm1, $0xFFFFFFFF, v2  }
0xd2: {  	v6 =	vadd.s32 v7, v6  }
0xd3: {  	s21 =	simm.s32 $0x10;
	v6 =	vmul.u32 $0x38, v6  }
0xd4: {  	v7 =	vmov s21  }
0xd5: {  	vm1 =	veq.s32 v7, v0;
	v6 =	vadd.s32 v5, v6  }
0xd6: {  	v7 =	vor.u32 s21, v0;
	vm1 =	vmand vm1, vm0  }
0xd7: {  	v7 =	vshrl.u32 v7, $0x1;
	v8 =	vsel vm1, $0xFFFFFFFF, v2  }
0xd8: {  	v7 =	vadd.s32 v8, v7  }
0xd9: {  	s31 =	simm.s32 $0x20;
	v7 =	vmul.u32 $0x38, v7  }
0xda: {  	v8 =	vmov s31;
	v6 =	vld.idx.msk [tilespmem:v6+s2+$0x0], $0xffff  }
0xdb: {  	vm1 =	veq.s32 v8, v0;
	v7 =	vadd.s32 v5, v7  }
0xdc: {  	v8 =	vor.u32 s31, v0;
	vm1 =	vmand vm1, vm0  }
0xdd: {  	v8 =	vshrl.u32 v8, $0x1;
	v9 =	vsel vm1, $0xFFFFFFFF, v2  }
0xde: {  	s21 =	simm.s32 $0x1C80;
	v8 =	vadd.s32 v9, v8  }
0xdf: {  	v9 =	vmul.u32 $0x38, v8;
	[tilespmem:s21+$0x0] =	vst v6  }
0xe0: {  	s22 =	simm.s32 $0x30;
	v6 =	vld.idx.msk [tilespmem:v7+s2+$0x0], $0xffff  }
0xe1: {  	s23 =	simm.s32 $0x40;
	v8 =	vmov s22;
	v7 =	vadd.s32 v5, v9  }
.LBB2_14:
0xe2: {  	p0 =	sne.s32 s23, $0x70;
	vm1 =	veq.s32 v8, v0  }
0xe3: {  	v8 =	vor.u32 s22, v0;
	s22 =	smov.u32 s23;
	vm1 =	vmand vm1, vm0  }
.Ltmp6:
0xe4: {  	s21 =	sadd.s32 $0x10, s21;
	v8 =	vshrl.u32 v8, $0x1;
	v9 =	vsel vm1, $0xFFFFFFFF, v2;
	(pc) =	sbr.rel @p0 .LBB2_14-.Ltmp6, $3  }
0xe5: {  	v8 =	vadd.s32 v9, v8;
	[tilespmem:s21+$0x0] =	vst v6  }
0xe6: {  	v9 =	vmul.u32 $0x38, v8;
	v6 =	vld.idx.msk [tilespmem:v7+s2+$0x0], $0xffff;
	_ =	sdelay $0x1  }
0xe7: {  	s23 =	sadd.s32 $0x10, s23;
	v8 =	vmov s22;
	v7 =	vadd.s32 v5, v9  }
0xe8: {  	vm1 =	veq.s32 v8, v0  }
0xe9: {  	v63 =	vor.u32 s22, v0;
	vm1 =	vmand vm1, vm0  }
0xea: {  	v8 =	vshrl.u32 v63, $0x1;
	v9 =	vsel vm1, $0xFFFFFFFF, v2  }
0xeb: {  	s21 =	sadd.s32 $0x10, s21;
	v8 =	vadd.s32 v9, v8  }
0xec: {  	[tilespmem:s21+$0x0] =	vst v6;
	v6 =	vmul.u32 $0x38, v8  }
0xed: {  	v7 =	vld.idx.msk [tilespmem:v7+s2+$0x0], $0xffff  }
0xee: {  	v6 =	vadd.s32 v5, v6;
	_ =	sdelay $0x2  }
0xef: {  	s21 =	sadd.s32 $0x10, s21  }
0xf0: {  	[tilespmem:s21+$0x0] =	vst v7  }
0xf1: {  	v6 =	vld.idx.msk [tilespmem:v6+s2+$0x0], $0xffff;
	_ =	sdelay $0x3  }
0xf2: {  	s21 =	sadd.s32 $0x10, s21  }
0xf3: {  	[tilespmem:s21+$0x0] =	vst v6  }
0xf4: {  	[tilespmem:s16], [sflag:$0x1] =	stream.indirect.gather [hbm4b:s3+s12], $0x40, s15, s12, $0xb8;
	[tilespmem:$0x5D00] =	vst v63  }
0xf5: {  	_ =	swait.ge [sflag:s17], $0x2000  }
0xf6: {  	[sflag:s17] =	ssyncset.done $0x0  }
0xf7: {  	[sflag:s17] =	ssyncadd.s32 $0xFFFFE000  }
0xf8: {  	_ =	swait.ge [sflag:s18], $0x2000  }
0xf9: {  	[sflag:s18] =	ssyncset.done $0x0  }
0xfa: {  	[sflag:s18] =	ssyncadd.s32 $0xFFFFE000  }
0xfb: {  	[hbm4b:s7+s2] =	stream.linear.scatter [tilespmem:s14], [sflag:$0x2], $0x2000, $0x38;
	[tilespmem:$0x5D00] =	vst v63  }
0xfc: {  	_ =	swait.ge [sflag:s17], $0x2000  }
0xfd: {  	[sflag:s17] =	ssyncset.done $0x0  }
0xfe: {  	[sflag:s17] =	ssyncadd.s32 $0xFFFFE000  }
0xff: {  	_ =	swait.ge [sflag:s19], $0x2000  }
0x100: {  	[sflag:s19] =	ssyncset.done $0x0  }
0x101: {  	s20 =	sadd.s32 $0x1, s20;
	[sflag:s19] =	ssyncadd.s32 $0xFFFFE000  }
0x102: {  	[hbm4b:s8+s2] =	stream.linear.scatter [tilespmem:s16], [sflag:$0x3], $0x2000, $0x38;
	[tilespmem:$0x5D00] =	vst v63  }
0x103: {  	p0 =	sne.s32 s20, s9;
	_ =	swait.ge [sflag:s18], $0x2000  }
.Ltmp7:
0x104: {  	[sflag:s18] =	ssyncset.done $0x0;
	(pc) =	sbr.rel @p0 .LBB2_1-.Ltmp7, $4  }
0x105: {  	[sflag:s18] =	ssyncadd.s32 $0xFFFFE000  }
0x106: {  	_ =	swait.ge [sflag:s19], $0x2000  }
0x107: {  	[sflag:s19] =	ssyncset.done $0x0  }
0x108: {  	[sflag:s19] =	ssyncadd.s32 $0xFFFFE000  }
0x109: {  	_ =	sfence.sel $0x180000  }
0x10a: {  	[bflag:$0x0] =	sbarrier.arrive $0xFFFF  }
0x10b: {  	p0 =	sne.s32 s0, $0x0;
	_ =	strace $0x90000047  }
0x10c: {  	s0 =	sadd.s32 @!p0 $0x100000, s1;
	[bflag:$0x2] =	sbarrier.arrive $0xFFFF  }
0x10d: {  	[sflag:s0] =	ssyncadd.tile.s32 @!p0 $0x1;
	_ =	shalt  }
.Lfunc_end2:
_tile_overlayer_lowered:
.L_overlay_start_2:
0x10e: {  	(tag) =	ssettag $0x2  }
0x10f: {  	s0 =	rddreg [dreg:$0x0];
	s2 =	stileid.u32  }
0x110: {  	s1 =	rddreg [dreg:$0x1];
	p0 =	sne.s32 s2, $0x0  }
0x111: {  	s3 =	rddreg [dreg:$0x2];
	[bflag:$0x3] =	sbarrier.arrive $0xFFFF;
	s2 =	simm.s32 @!p0 $0x1C04  }
0x112: {  	[timem:s3], [sflag:s2] =	dma.local @!p0 [hbm:s0], s1  }
0x113: {  	s0 =	simm.s32 @!p0 $0x4  }
0x114: {  	_ =	swait.ge @!p0 [sflag:s0], s1  }
0x115: {  	s1 =	ssub.s32 @!p0 $0x0, s1;
	[sflag:s0] =	ssyncset.done @!p0 $0x0  }
0x116: {  	[sflag:s0] =	ssyncadd.s32 @!p0 s1  }
0x117: {  	[bflag:$0x3] =	sbarrier.arrive $0xFFFF  }
0x118: {  	_ =	shalt  }

// kernel: kernel.9.cloned.1.call-start
scs
__scs_entry_jumppad:
0x0: {  	(pc) =	sbr.rel $0x88, $3  }
0x1: {  	(tag) =	ssettag $0x0;
	lr =	simm.s32 $0x1  }
0x2: {  	[smem:$0x3F9F] =	sst lr;
	_ =	strace $0xD0000000  }
0x3: {  	_ = 	snop  }
0x4: {  	_ = 	snop  }
0x5: {  	_ = 	snop  }
0x6: {  	_ = 	snop  }
0x7: {  	_ = 	snop  }
__scs_overlays_trampoline_lowered:
0x8: {  	[smem:$0x3FAE] =	sst s0  }
0x9: {  	[smem:$0x3FAF] =	sst s1  }
0xa: {  	[smem:$0x3FB0] =	sst s2  }
0xb: {  	[smem:$0x3FB1] =	sst s3  }
0xc: {  	[smem:$0x3FB2] =	sst s4  }
0xd: {  	[smem:$0x3FB3] =	sst s5  }
0xe: {  	[smem:$0x3FB4] =	sst s6  }
0xf: {  	[smem:$0x3FB5] =	sst s7  }
0x10: {  	[smem:$0x3FB6] =	sst s8  }
0x11: {  	[smem:$0x3FB7] =	sst s9;
	s0 =	simm.s32 @!p0 $0x0  }
0x12: {  	s1 =	sld [smem:$0x3F9D];
	s0 =	simm.s32 @p0 $0x1  }
0x13: {  	[smem:$0x3FB8] =	sst s0;
	s0 =	simm.s32 @!p1 $0x0  }
0x14: {  	s2 =	sld [smem:$0x3F9C];
	s0 =	simm.s32 @p1 $0x1  }
0x15: {  	[smem:$0x3FB9] =	sst s0;
	s0 =	simm.s32 @!p2 $0x0  }
0x16: {  	s3 =	sld [smem:$0x3FDB];
	s0 =	simm.s32 @p2 $0x1  }
0x17: {  	s4 =	simm.s32 $0x1BF5;
	[smem:$0x3FBB] =	sst s0  }
0x18: {  	s0 =	sld [smem:$0x3F9E];
	_ =	swait.ge [sflag:s4], $0x0  }
0x19: {  	s7 =	sld [smem:$0x3F9F]  }
0x1a: {  	s8 =	sadd.s32 $0xFFFFE003, lr  }
0x1b: {  	s9 =	sadd.s32 $0xFFFFFEF7, lr;
	s5 =	simm.s32 $0xFFFFFFFF;
	p2 =	slt.u32 s8, $0xFFFFF086  }
0x1c: {  	p1 =	slt.u32 s9, $0xF7A;
	s5 =	simm.s32 @!p2 $0x0  }
0x1d: {  	s5 =	simm.s32 @p1 $0x1;
	p0 =	seq.s32 s7, s2  }
0x1e: {  	s7 =	smul.u32 @!p0 $0xF7A, s2;
	p2 =	seq.s32 @!p0 s5, $0x0  }
0x1f: {  	s9 =	smul.u32 $0xF7A, s1;
	s8 =	simm.s32 @!p0 $0x1BF5;
	p2 =	por !p2, p0  }
0x20: {  	[sflag:s8] =	ssyncset.s32 @!p0 $0xFFFFF086;
	s6 =	sadd.s32 @!p0 s3, s7;
	s7 =	simm.s32 @!p0 $0x108  }
0x21: {  	s3 =	sadd.s32 s3, s9;
	s6 =	sadd.s32 @!p0 $0x88, s6;
	s7 =	simm.s32 @p2 $0x1082  }
0x22: {  	[simem:s7], [sflag:s8] =	dma.local @!p0 [hbm:s6], $0xF7A  }
0x23: {  	s9 =	sor.u32 $0xD0000000, s2;
	s6 =	simm.s32 $0x108;
	_ =	swait.ge @!p0 [sflag:s8], $0x0  }
0x24: {  	s3 =	sadd.s32 $0x88, s3;
	s6 =	simm.s32 @!p1 $0x1082;
	[sflag:s4] =	ssyncset.s32 $0xFFFFF086  }
0x25: {  	[simem:s6], [sflag:s4] =	dma.local [hbm:s3], $0xF7A  }
0x26: {  	[smem:$0x3F9F] =	sst s1;
	(tag) =	ssettag s2;
	_ =	strace s9  }
0x27: {  	s1 =	sld [smem:$0x3FAF]  }
0x28: {  	s2 =	sld [smem:$0x3FB0]  }
0x29: {  	s4 =	sld [smem:$0x3FB2]  }
0x2a: {  	p0 =	seq.s32 s5, $0x0;
	s5 =	sld [smem:$0x3FB3]  }
0x2b: {  	s6 =	sld [smem:$0x3FB4]  }
0x2c: {  	s7 =	sld [smem:$0x3FB5]  }
0x2d: {  	s3 =	simm.s32 $0x108;
	s8 =	sld [smem:$0x3FB6]  }
0x2e: {  	s3 =	simm.s32 @!p0 $0x1082;
	s9 =	sld [smem:$0x3FB7]  }
0x2f: {  	lr =	sadd.s32 s0, s3;
	s0 =	sld [smem:$0x3FAE]  }
0x30: {  	s3 =	sld [smem:$0x3FB1]  }
0x31: {  	[smem:$0x3FBA] =	sst s10  }
0x32: {  	s10 =	sld [smem:$0x3FB8];
	_ =	sdelay $0x3  }
0x33: {  	p0 =	seq.s32 s10, $0x1;
	s10 =	sld [smem:$0x3FBA];
	_ =	sdelay $0x3  }
0x34: {  	[smem:$0x3FBA] =	sst s10  }
0x35: {  	s10 =	sld [smem:$0x3FB9];
	_ =	sdelay $0x3  }
0x36: {  	p1 =	seq.s32 s10, $0x1;
	s10 =	sld [smem:$0x3FBA];
	_ =	sdelay $0x3  }
0x37: {  	[smem:$0x3FBA] =	sst s10  }
0x38: {  	s10 =	sld [smem:$0x3FBB]  }
0x39: {  	_ = 	snop;
	(pc) =	sbr.ind lr, $3  }
0x3a: {  	_ = 	snop  }
0x3b: {  	_ = 	snop  }
0x3c: {  	p2 =	seq.s32 s10, $0x1;
	s10 =	sld [smem:$0x3FBA]  }
0x3d: {  	_ =	shalt  }
0x3e: {  	_ =	shalt  }
0x3f: {  	_ =	shalt  }
0x40: {  	_ =	shalt  }
0x41: {  	_ =	shalt  }
0x42: {  	_ =	shalt  }
0x43: {  	_ =	shalt  }
0x44: {  	_ =	shalt  }
0x45: {  	_ =	shalt  }
0x46: {  	_ =	shalt  }
0x47: {  	_ =	shalt  }
0x48: {  	_ =	shalt  }
0x49: {  	_ =	shalt  }
0x4a: {  	_ =	shalt  }
0x4b: {  	_ =	shalt  }
0x4c: {  	_ =	shalt  }
0x4d: {  	_ =	shalt  }
0x4e: {  	_ =	shalt  }
0x4f: {  	_ =	shalt  }
0x50: {  	_ =	shalt  }
0x51: {  	_ =	shalt  }
0x52: {  	_ =	shalt  }
0x53: {  	_ =	shalt  }
0x54: {  	_ =	shalt  }
0x55: {  	_ =	shalt  }
0x56: {  	_ =	shalt  }
0x57: {  	_ =	shalt  }
0x58: {  	_ =	shalt  }
0x59: {  	_ =	shalt  }
0x5a: {  	_ =	shalt  }
0x5b: {  	_ =	shalt  }
0x5c: {  	_ =	shalt  }
0x5d: {  	_ =	shalt  }
0x5e: {  	_ =	shalt  }
0x5f: {  	_ =	shalt  }
0x60: {  	_ =	shalt  }
0x61: {  	_ =	shalt  }
0x62: {  	_ =	shalt  }
0x63: {  	_ =	shalt  }
0x64: {  	_ =	shalt  }
0x65: {  	_ =	shalt  }
0x66: {  	_ =	shalt  }
0x67: {  	_ =	shalt  }
0x68: {  	_ =	shalt  }
0x69: {  	_ =	shalt  }
0x6a: {  	_ =	shalt  }
0x6b: {  	_ =	shalt  }
0x6c: {  	_ =	shalt  }
0x6d: {  	_ =	shalt  }
0x6e: {  	_ =	shalt  }
0x6f: {  	_ =	shalt  }
0x70: {  	_ =	shalt  }
0x71: {  	_ =	shalt  }
0x72: {  	_ =	shalt  }
0x73: {  	_ =	shalt  }
0x74: {  	_ =	shalt  }
0x75: {  	_ =	shalt  }
0x76: {  	_ =	shalt  }
0x77: {  	_ =	shalt  }
0x78: {  	_ =	shalt  }
0x79: {  	_ =	shalt  }
0x7a: {  	_ =	shalt  }
0x7b: {  	_ =	shalt  }
0x7c: {  	_ =	shalt  }
0x7d: {  	_ =	shalt  }
0x7e: {  	_ =	shalt  }
0x7f: {  	_ =	shalt  }
0x80: {  	_ =	shalt  }
0x81: {  	_ =	shalt  }
0x82: {  	_ =	shalt  }
0x83: {  	_ =	shalt  }
0x84: {  	_ =	shalt  }
0x85: {  	_ =	shalt  }
0x86: {  	_ =	shalt  }
0x87: {  	_ =	shalt  }
.Lfunc_end0:
.L_simem_size_0:
called_computation.1_lowered:
.L_overlay_start_0:
0x88: {  	s2 =	sld [smem:$0x3FD9]  }
0x89: {  	s3 =	sld [smem:$0x3FFE];
	_ =	sdelay $0x1  }
0x8a: {  	s1 =	srdreg.scid  }
0x8b: {  	s0 =	sand.u32 $0x1, s1  }
0x8c: {  	s17 =	sshll.u32 s0, $0xA;
	s2 =	sadd.s32 s3, s2  }
0x8d: {  	s2 =	sadd.s32 s2, s17  }
0x8e: {  	[smem:$0x3FC6] =	sst s2  }
0x8f: {  	_ = 	snop  }
0x90: {  	(tm) =	ssettm $0x1  }
0x91: {  	s18 =	sld [smem:$0x3FFB];
	_ =	sdelay $0x3  }
0x92: {  	_ =	strace s18  }
0x93: {  	s2 =	sld [smem:$0x3FFC];
	_ =	sdelay $0x3  }
0x94: {  	_ =	strace s2  }
0x95: {  	s2 =	sld [smem:$0x3FFD];
	_ =	sdelay $0x3  }
0x96: {  	_ =	strace s2  }
0x97: {  	_ =	strace $0x8FFFFFFF  }
0x98: {  	s19 =	sld [smem:$0x3FDB];
	_ =	sdelay $0x1  }
0x99: {  	s20 =	simm.s32 $_scs_section_size  }
0x9a: {  	s4 =	simm.s32 $_size__tile_overlayer_lowered;
	s5 =	simm.s32 $_tile_overlayer_lowered  }
0x9b: {  	s6 =	simm.s32 $0x1BFF;
	s21 =	sshll.u32 s5, $0x1;
	s3 =	sadd.s32 s20, s19  }
0x9c: {  	s22 =	simm.s32 $0x0;
	s4 =	sshll.u32 s4, $0x1;
	s5 =	sadd.s32 s21, s3  }
0x9d: {  	[timem:s22], [sflag:s6] =	dma.local [hbm:s5], s4  }
0x9e: {  	_ =	swait.ge [sflag:s6], s4  }
0x9f: {  	s4 =	ssub.s32 $0x0, s4;
	[sflag:s6] =	ssyncset.done $0x0  }
0xa0: {  	[sflag:s6] =	ssyncadd.s32 s4;
	_ =	sdelay $0x1  }
0xa1: {  	s23 =	simm.s32 $0x1B8B  }
0xa2: {  	_ =	swait.ge [sflag:s23], $0x1  }
0xa3: {  	[sflag:s23] =	ssyncset.done $0x0  }
0xa4: {  	[sflag:s23] =	ssyncadd.s32 $0xFFFFFFFF  }
0xa5: {  	s4 =	sld [smem:$0x0]  }
0xa6: {  	s5 =	sand.u32 $0xFFFFFFFE, s1  }
0xa7: {  	p0 =	sne.s32 s1, s5  }
0xa8: {  	s5 =	sshll.u32 @p0 s5, $0xE  }
0xa9: {  	s5 =	sadd.s32 @p0 $0x11B8D, s5;
	s6 =	sshll.u32 @p0 s4, $0x11  }
0xaa: {  	s5 =	sor.u32 @p0 s6, s5  }
0xab: {  	[sflag:s5] =	ssyncadd.remote.s32 @p0 $0x1;
	_ =	sdelay $0x1  }
0xac: {  	s5 =	simm.s32 @p0 $0x1B8D  }
0xad: {  	_ =	swait.eq @p0 [sflag:s5], $0x1  }
0xae: {  	[sflag:s5] =	ssyncadd.s32 @p0 $0xFFFFFFFF  }
0xaf: {  	s6 =	sshll.u32 @!p0 s1, $0xE  }
0xb0: {  	s6 =	sor.u32 @!p0 $0x4000, s6;
	s5 =	simm.s32 @!p0 $0x1B8D  }
0xb1: {  	s4 =	sshll.u32 @!p0 s4, $0x11;
	s6 =	sadd.s32 @!p0 $0x11B8D, s6;
	_ =	swait.eq @!p0 [sflag:s5], $0x1  }
0xb2: {  	s4 =	sor.u32 @!p0 s4, s6;
	[sflag:s5] =	ssyncadd.s32 @!p0 $0xFFFFFFFF  }
0xb3: {  	s25 =	simm.s32 $0x1B8E;
	s24 =	sld [smem:$0x3FFE];
	[sflag:s4] =	ssyncadd.remote.s32 @!p0 $0x1  }
0xb4: {  	s26 =	simm.s32 $execute0_lowered;
	[smem:$0x3FD2] =	sst s25  }
0xb5: {  	s5 =	sshll.u32 s26, $0x1;
	_ =	strace $0x80000049;
	[dreg:$0x1] =	wrdreg $0xFFFFFFFF  }
0xb6: {  	s28 =	simm.s32 $_size_execute0_lowered;
	s3 =	sadd.s32 s3, s5;
	[dreg:$0x0] =	wrdreg $0x0  }
0xb7: {  	s5 =	sshll.u32 s28, $0x1;
	[dreg:$0x2] =	wrdreg s3  }
0xb8: {  	[dreg:$0x3] =	wrdreg s5  }
0xb9: {  	[dreg:$0x4] =	wrdreg $0xC0  }
0xba: {  	_ =	task [dreg:s22], $0x5FFFF  }
0xbb: {  	[dreg:$0x1] =	wrdreg $0xFFFFFFFF  }
0xbc: {  	[dreg:$0x0] =	wrdreg $0x60  }
0xbd: {  	[dreg:$0x2] =	wrdreg s24  }
0xbe: {  	[dreg:$0x3] =	wrdreg $0xA  }
0xbf: {  	_ =	task.clear_ibuf [dreg:s22], $0x4FFFF;
	_ =	strace $0x90000049  }
0xc0: {  	s29 =	simm.s32 $0xA;
	_ =	strace $0x8000004B  }
0xc1: {  	_ =	swait.ge [sflag:s29], $0x1  }
0xc2: {  	[sflag:s29] =	ssyncadd.s32 $0xFFFFFFFF  }
0xc3: {  	_ =	strace $0x9000004B  }
0xc4: {  	_ =	sfence  }
0xc5: {  	s30 =	sld [smem:$0x0];
	_ =	sdelay $0x2  }
0xc6: {  	s31 =	sshll.u32 s1, $0xD;
	s1 =	sshrl.u32 s1, $0x2  }
0xc7: {  	s4 =	sand.u32 $0x4000, s31;
	s1 =	sadd.s32 s1, s30  }
0xc8: {  	s0 =	sor.u32 s4, s0;
	s1 =	sshll.u32 s1, $0x11  }
0xc9: {  	s0 =	sor.u32 s1, s0  }
0xca: {  	s0 =	sadd.s32 $0x8F2B, s0  }
0xcb: {  	[sflag:s0] =	ssyncadd.remote.s32 $0x1  }
0xcc: {  	_ =	sfence.sel $0xFFFF  }
0xcd: {  	[dreg:$0x0] =	wrdreg $0xFFFFFFFF;
	(pc) =	sbr.abs _section_cstart, $3  }
0xce: {  	[dreg:$0x1] =	wrdreg $0xFFFFFFFF  }
0xcf: {  	_ =	task.clear_ibuf [dreg:s22], $0x2FFFF;
	_ =	strace $0x9FFFFFFF  }
0xd0: {  	(tm) =	ssettm $0x7FFFFFFF  }
0xd1: {  	_ =	shalt  }
tec
execute0_lowered:
.L_overlay_start_1:
0x0: {  	(tag) =	ssettag $0x1  }
0x1: {  	s1 =	srdreg.scid  }
0x2: {  	s0 =	stileid.u32;
	s5 =	rddreg [dreg:$0x0];
	s13 =	simm.s32 $0x4  }
0x3: {  	s14 =	simm.s32 $0x80;
	s15 =	simm.s32 $0x1C00;
	s16 =	simm.s32 $0x1D00  }
0x4: {  	s17 =	simm.s32 $0x1C80;
	s18 =	simm.s32 $0x3D00;
	s19 =	simm.s32 $0x1  }
0x5: {  	s20 =	simm.s32 $0x2;
	s21 =	simm.s32 $0x3;
	s4 =	sand.u32 $0x1, s1  }
0x6: {  	vm0 =	vcmask $0xF0C;
	vm1 =	vcmask $0x704;
	s22 =	simm.s32 $0x0;
	s31 =	sshll.u32 s0, $0x8;
	s2 =	sshll.u32 s4, $0x7  }
0x7: {  	v0 =	vlaneseq.u32;
	s1 =	rddreg [dreg:$0x1];
	vm0 =	vmor vm1, vm0;
	vm1 =	vcmask $0x1714;
	s7 =	ssub.s32 $0x2, s4;
	s9 =	sor.u32 s2, s31  }
0x8: {  	v1 =	vand.u32 $0x1, v0;
	s4 =	sadd.s32 $0x7800, s5;
	vm0 =	vmor vm0, vm1;
	vm1 =	vcmask $0x1F1C;
	s2 =	simm.s32 $0x0;
	s3 =	smul.u32 $0x7, s9  }
0x9: {  	v1 =	vmul.u32 $0xE00, v1;
	s10 =	sshrl.u32 s7, $0x1;
	vm0 =	vmor vm0, vm1;
	vm1 =	vcmask $0x2724;
	[smem:$0x7FF] =	sst s2;
	s8 =	sshll.u32 s9, $0x3  }
0xa: {  	v2 =	vimm.s32 $0x0;
	s12 =	ssub.s32 s7, s10;
	vm0 =	vmor vm0, vm1;
	vm1 =	vcmask $0x2F2C;
	s6 =	sadd.s32 s3, s5;
	s3 =	sadd.s32 $0x19AE00, s5  }
0xb: {  	v3 =	vor.u32 $0x1A, v1;
	_ =	strace $0x8000004A;
	s12 =	smax.u32 s12, $0x1;
	vm0 =	vmor vm0, vm1;
	vm1 =	vcmask $0x3734;
	s5 =	sadd.s32 s3, s8  }
0xc: {  	v4 =	vor.u32 $0x1B, v1;
	vm0 =	vmor vm0, vm1;
	vm1 =	vcmask $0x3F3C;
	s6 =	sadd.s32 $0x800, s6;
	s8 =	sor.u32 $0x2000, s9;
	s9 =	sor.u32 $0x3000, s9  }
0xd: {  	v5 =	vor.u32 $0x1C, v1;
	v6 =	vor.u32 $0x31, v1;
	vm0 =	vmor vm0, vm1;
	s7 =	sadd.s32 $0x8000, s5;
	s10 =	sadd.s32 $0xB0000, s5;
	s11 =	sadd.s32 $0xB8000, s5  }
.LBB2_1:
0xe: {  	v7 =	vmov s2  }
0xf: {  	vm1 =	veq.s32 v7, v0  }
0x10: {  	v7 =	vor.u32 s2, v0;
	vm1 =	vmand vm1, vm0  }
0x11: {  	v7 =	vshrl.u32 v7, $0x1;
	v8 =	vsel vm1, $0xFFFFFFFF, v2  }
0x12: {  	v7 =	vadd.s32 v8, v7  }
0x13: {  	s23 =	simm.s32 $0x10;
	v7 =	vmul.u32 $0x38, v7  }
0x14: {  	v8 =	vmov s23  }
0x15: {  	vm1 =	veq.s32 v8, v0;
	v7 =	vadd.s32 v3, v7  }
0x16: {  	[tilespmem:s2], [sflag:$0x4] =	stream.linear.gather [hbm4b:s6+s2], $0x1C00, $0x38;
	v8 =	vor.u32 s23, v0;
	vm1 =	vmand vm1, vm0;
	[tilespmem:$0x5D00] =	vst v63  }
0x17: {  	_ =	swait.ge [sflag:s13], $0x1C00;
	v8 =	vshrl.u32 v8, $0x1;
	v9 =	vsel vm1, $0xFFFFFFFF, v2  }
0x18: {  	[sflag:s13] =	ssyncset.done $0x0;
	v8 =	vadd.s32 v9, v8  }
0x19: {  	s31 =	simm.s32 $0x20;
	[sflag:s13] =	ssyncadd.s32 $0xFFFFE400;
	v8 =	vmul.u32 $0x38, v8  }
0x1a: {  	v9 =	vmov s31;
	v7 =	vld.idx.msk [tilespmem:v7+s2+$0x0], $0xffff  }
0x1b: {  	vm1 =	veq.s32 v9, v0;
	v8 =	vadd.s32 v3, v8  }
0x1c: {  	v9 =	vor.u32 s31, v0;
	vm1 =	vmand vm1, vm0  }
0x1d: {  	v9 =	vshrl.u32 v9, $0x1;
	v10 =	vsel vm1, $0xFFFFFFFF, v2  }
0x1e: {  	v9 =	vadd.s32 v10, v9  }
0x1f: {  	v10 =	vmul.u32 $0x38, v9;
	[tilespmem:s15+$0x0] =	vst v7  }
0x20: {  	s23 =	simm.s32 $0x30;
	v7 =	vld.idx.msk [tilespmem:v8+s2+$0x0], $0xffff  }
0x21: {  	s25 =	simm.s32 $0x40;
	s24 =	simm.s32 $0x1C00;
	v9 =	vmov s23;
	v8 =	vadd.s32 v3, v10  }
.LBB2_2:
0x22: {  	p0 =	sne.s32 s25, $0x70;
	vm1 =	veq.s32 v9, v0  }
0x23: {  	v9 =	vor.u32 s23, v0;
	s23 =	smov.u32 s25;
	vm1 =	vmand vm1, vm0  }
.Ltmp0:
0x24: {  	s24 =	sadd.s32 $0x10, s24;
	v9 =	vshrl.u32 v9, $0x1;
	v10 =	vsel vm1, $0xFFFFFFFF, v2;
	(pc) =	sbr.rel @p0 .LBB2_2-.Ltmp0, $3  }
0x25: {  	v9 =	vadd.s32 v10, v9;
	[tilespmem:s24+$0x0] =	vst v7  }
0x26: {  	v10 =	vmul.u32 $0x38, v9;
	v7 =	vld.idx.msk [tilespmem:v8+s2+$0x0], $0xffff;
	_ =	sdelay $0x1  }
0x27: {  	s25 =	sadd.s32 $0x10, s25;
	v9 =	vmov s23;
	v8 =	vadd.s32 v3, v10  }
0x28: {  	vm1 =	veq.s32 v9, v0  }
0x29: {  	v9 =	vor.u32 s23, v0;
	vm1 =	vmand vm1, vm0  }
0x2a: {  	v9 =	vshrl.u32 v9, $0x1;
	v10 =	vsel vm1, $0xFFFFFFFF, v2  }
0x2b: {  	s28 =	sadd.s32 $0x10, s24;
	v9 =	vadd.s32 v10, v9  }
0x2c: {  	[tilespmem:s28+$0x0] =	vst v7;
	v7 =	vmul.u32 $0x38, v9  }
0x2d: {  	s29 =	simm.s32 $0x0;
	v8 =	vld.idx.msk [tilespmem:v8+s2+$0x0], $0xffff  }
0x2e: {  	v9 =	vmov s29;
	v7 =	vadd.s32 v3, v7  }
0x2f: {  	vm1 =	veq.s32 v9, v0  }
0x30: {  	v9 =	vor.u32 s29, v0;
	vm1 =	vmand vm1, vm0  }
0x31: {  	s23 =	sadd.s32 $0x10, s28;
	v9 =	vshrl.u32 v9, $0x1;
	v10 =	vsel vm1, $0xFFFFFFFF, v2  }
0x32: {  	[tilespmem:s23+$0x0] =	vst v8;
	v8 =	vadd.s32 v10, v9  }
0x33: {  	s30 =	simm.s32 $0x10;
	v8 =	vmul.u32 $0x38, v8;
	v7 =	vld.idx.msk [tilespmem:v7+s2+$0x0], $0xffff  }
0x34: {  	v9 =	vmov s30  }
0x35: {  	vm1 =	veq.s32 v9, v0;
	v8 =	vadd.s32 v4, v8  }
0x36: {  	v9 =	vor.u32 s30, v0;
	vm1 =	vmand vm1, vm0  }
0x37: {  	s23 =	sadd.s32 $0x10, s23;
	v9 =	vshrl.u32 v9, $0x1;
	v10 =	vsel vm1, $0xFFFFFFFF, v2  }
0x38: {  	s31 =	simm.s32 $0x20;
	[tilespmem:s23+$0x0] =	vst v7;
	v7 =	vadd.s32 v10, v9  }
0x39: {  	[tilespmem:s16], [sflag:$0x1] =	stream.indirect.gather [hbm4b:s4+s14], $0x40, s15, s14, $0xb8;
	v7 =	vmul.u32 $0x38, v7;
	[tilespmem:$0x5D00] =	vst v63  }
0x3a: {  	v9 =	vmov s31;
	v8 =	vld.idx.msk [tilespmem:v8+s2+$0x0], $0xffff  }
0x3b: {  	vm1 =	veq.s32 v9, v0;
	v7 =	vadd.s32 v4, v7  }
0x3c: {  	v9 =	vor.u32 s31, v0;
	vm1 =	vmand vm1, vm0  }
0x3d: {  	v9 =	vshrl.u32 v9, $0x1;
	v10 =	vsel vm1, $0xFFFFFFFF, v2  }
0x3e: {  	s23 =	simm.s32 $0x1C80;
	v9 =	vadd.s32 v10, v9  }
0x3f: {  	v10 =	vmul.u32 $0x38, v9;
	[tilespmem:s23+$0x0] =	vst v8  }
0x40: {  	s24 =	simm.s32 $0x30;
	v7 =	vld.idx.msk [tilespmem:v7+s2+$0x0], $0xffff  }
0x41: {  	s25 =	simm.s32 $0x40;
	v9 =	vmov s24;
	v8 =	vadd.s32 v4, v10  }
.LBB2_4:
0x42: {  	p0 =	sne.s32 s25, $0x70;
	vm1 =	veq.s32 v9, v0  }
0x43: {  	v9 =	vor.u32 s24, v0;
	s24 =	smov.u32 s25;
	vm1 =	vmand vm1, vm0  }
.Ltmp1:
0x44: {  	s23 =	sadd.s32 $0x10, s23;
	v9 =	vshrl.u32 v9, $0x1;
	v10 =	vsel vm1, $0xFFFFFFFF, v2;
	(pc) =	sbr.rel @p0 .LBB2_4-.Ltmp1, $3  }
0x45: {  	v9 =	vadd.s32 v10, v9;
	[tilespmem:s23+$0x0] =	vst v7  }
0x46: {  	v10 =	vmul.u32 $0x38, v9;
	v7 =	vld.idx.msk [tilespmem:v8+s2+$0x0], $0xffff;
	_ =	sdelay $0x1  }
0x47: {  	s25 =	sadd.s32 $0x10, s25;
	v9 =	vmov s24;
	v8 =	vadd.s32 v4, v10  }
0x48: {  	vm1 =	veq.s32 v9, v0  }
0x49: {  	v9 =	vor.u32 s24, v0;
	vm1 =	vmand vm1, vm0  }
0x4a: {  	v9 =	vshrl.u32 v9, $0x1;
	v10 =	vsel vm1, $0xFFFFFFFF, v2  }
0x4b: {  	s23 =	sadd.s32 $0x10, s23;
	v9 =	vadd.s32 v10, v9  }
0x4c: {  	[tilespmem:s23+$0x0] =	vst v7;
	v7 =	vmul.u32 $0x38, v9  }
0x4d: {  	v8 =	vld.idx.msk [tilespmem:v8+s2+$0x0], $0xffff  }
0x4e: {  	v7 =	vadd.s32 v4, v7;
	_ =	sdelay $0x2  }
0x4f: {  	s30 =	simm.s32 $0x0;
	s23 =	sadd.s32 $0x10, s23  }
0x50: {  	[tilespmem:s23+$0x0] =	vst v8;
	v8 =	vmov s30  }
0x51: {  	vm1 =	veq.s32 v8, v0;
	v7 =	vld.idx.msk [tilespmem:v7+s2+$0x0], $0xffff  }
0x52: {  	v8 =	vor.u32 s30, v0;
	vm1 =	vmand vm1, vm0  }
0x53: {  	v8 =	vshrl.u32 v8, $0x1;
	v9 =	vsel vm1, $0xFFFFFFFF, v2  }
0x54: {  	v8 =	vadd.s32 v9, v8  }
0x55: {  	s25 =	simm.s32 $0x10;
	s23 =	sadd.s32 $0x10, s23;
	v8 =	vmul.u32 $0x38, v8  }
0x56: {  	[tilespmem:s23+$0x0] =	vst v7;
	v7 =	vmov s25  }
0x57: {  	v8 =	vadd.s32 v5, v8;
	[tilespmem:s18], [sflag:$0x1] =	stream.indirect.gather [hbm4b:s4+s14], $0x40, s17, s14, $0xb8;
	vm1 =	veq.s32 v7, v0;
	[tilespmem:$0x5D00] =	vst v63  }
0x58: {  	v7 =	vor.u32 s25, v0;
	_ =	swait.ge [sflag:s19], $0x2000;
	vm1 =	vmand vm1, vm0  }
0x59: {  	v7 =	vshrl.u32 v7, $0x1;
	[sflag:s19] =	ssyncset.done $0x0;
	v9 =	vsel vm1, $0xFFFFFFFF, v2  }
0x5a: {  	s31 =	simm.s32 $0x20;
	[sflag:s19] =	ssyncadd.s32 $0xFFFFE000;
	v7 =	vadd.s32 v9, v7  }
0x5b: {  	[hbm4b:s5+s30] =	stream.linear.scatter [tilespmem:s16], [sflag:$0x2], $0x2000, $0x38;
	v7 =	vmul.u32 $0x38, v7;
	[tilespmem:$0x5D00] =	vst v63  }
0x5c: {  	v9 =	vmov s31;
	v8 =	vld.idx.msk [tilespmem:v8+s2+$0x0], $0xffff  }
0x5d: {  	vm1 =	veq.s32 v9, v0;
	v7 =	vadd.s32 v5, v7  }
0x5e: {  	v9 =	vor.u32 s31, v0;
	vm1 =	vmand vm1, vm0  }
0x5f: {  	v9 =	vshrl.u32 v9, $0x1;
	v10 =	vsel vm1, $0xFFFFFFFF, v2  }
0x60: {  	s23 =	simm.s32 $0x1C00;
	v9 =	vadd.s32 v10, v9  }
0x61: {  	v10 =	vmul.u32 $0x38, v9;
	[tilespmem:s23+$0x0] =	vst v8  }
0x62: {  	s24 =	simm.s32 $0x30;
	v7 =	vld.idx.msk [tilespmem:v7+s2+$0x0], $0xffff  }
0x63: {  	s25 =	simm.s32 $0x40;
	v9 =	vmov s24;
	v8 =	vadd.s32 v5, v10  }
.LBB2_6:
0x64: {  	p0 =	sne.s32 s25, $0x70;
	vm1 =	veq.s32 v9, v0  }
0x65: {  	v9 =	vor.u32 s24, v0;
	s24 =	smov.u32 s25;
	vm1 =	vmand vm1, vm0  }
.Ltmp2:
0x66: {  	s23 =	sadd.s32 $0x10, s23;
	v9 =	vshrl.u32 v9, $0x1;
	v10 =	vsel vm1, $0xFFFFFFFF, v2;
	(pc) =	sbr.rel @p0 .LBB2_6-.Ltmp2, $3  }
0x67: {  	v9 =	vadd.s32 v10, v9;
	[tilespmem:s23+$0x0] =	vst v7  }
0x68: {  	v10 =	vmul.u32 $0x38, v9;
	v7 =	vld.idx.msk [tilespmem:v8+s2+$0x0], $0xffff;
	_ =	sdelay $0x1  }
0x69: {  	s25 =	sadd.s32 $0x10, s25;
	v9 =	vmov s24;
	v8 =	vadd.s32 v5, v10  }
0x6a: {  	vm1 =	veq.s32 v9, v0  }
0x6b: {  	v63 =	vor.u32 s24, v0;
	vm1 =	vmand vm1, vm0  }
0x6c: {  	v9 =	vshrl.u32 v63, $0x1;
	v10 =	vsel vm1, $0xFFFFFFFF, v2  }
0x6d: {  	s23 =	sadd.s32 $0x10, s23;
	v9 =	vadd.s32 v10, v9  }
0x6e: {  	[tilespmem:s23+$0x0] =	vst v7;
	v7 =	vmul.u32 $0x38, v9  }
0x6f: {  	v8 =	vld.idx.msk [tilespmem:v8+s2+$0x0], $0xffff  }
0x70: {  	v7 =	vadd.s32 v5, v7;
	_ =	sdelay $0x2  }
0x71: {  	s23 =	sadd.s32 $0x10, s23  }
0x72: {  	[tilespmem:s23+$0x0] =	vst v8  }
0x73: {  	v7 =	vld.idx.msk [tilespmem:v7+s2+$0x0], $0xffff;
	_ =	sdelay $0x3  }
0x74: {  	s23 =	sadd.s32 $0x10, s23  }
0x75: {  	[tilespmem:s23+$0x0] =	vst v7  }
0x76: {  	[tilespmem:s16], [sflag:$0x1] =	stream.indirect.gather [hbm4b:s4+s14], $0x40, s15, s14, $0xb8;
	[tilespmem:$0x5D00] =	vst v63  }
0x77: {  	_ =	swait.ge [sflag:s19], $0x2000  }
0x78: {  	[sflag:s19] =	ssyncset.done $0x0  }
0x79: {  	s24 =	simm.s32 $0x0;
	s23 =	simm.s32 $0x0;
	[sflag:s19] =	ssyncadd.s32 $0xFFFFE000  }
0x7a: {  	[hbm4b:s7+s23] =	stream.linear.scatter [tilespmem:s18], [sflag:$0x3], $0x2000, $0x38;
	[tilespmem:$0x5D00] =	vst v63  }
.LBB2_8:
0x7b: {  	s25 =	sshll.u32 s24, $0x1;
	v7 =	vmov s23  }
0x7c: {  	s26 =	sadd.s32 $0x1D, s25;
	vm1 =	veq.s32 v7, v0  }
0x7d: {  	v8 =	vor.u32 s23, v0;
	v7 =	vmov s26;
	vm1 =	vmand vm1, vm0  }
0x7e: {  	v8 =	vshrl.u32 v8, $0x1;
	v7 =	vand.u32 $0x3F, v7;
	v9 =	vsel vm1, $0xFFFFFFFF, v2  }
0x7f: {  	v7 =	vbroadcast v7, $0x0;
	v8 =	vadd.s32 v9, v8  }
0x80: {  	s30 =	simm.s32 $0x10;
	v8 =	vmul.u32 $0x38, v8  }
0x81: {  	v9 =	vmov s30;
	v7 =	vor.u32 v1, v7  }
0x82: {  	vm1 =	veq.s32 v9, v0;
	v8 =	vadd.s32 v8, v7  }
0x83: {  	v9 =	vor.u32 s30, v0;
	vm1 =	vmand vm1, vm0  }
0x84: {  	v9 =	vshrl.u32 v9, $0x1;
	v10 =	vsel vm1, $0xFFFFFFFF, v2  }
0x85: {  	v9 =	vadd.s32 v10, v9  }
0x86: {  	s31 =	simm.s32 $0x20;
	v9 =	vmul.u32 $0x38, v9  }
0x87: {  	v10 =	vmov s31;
	v8 =	vld.idx.msk [tilespmem:v8+s2+$0x0], $0xffff  }
0x88: {  	vm1 =	veq.s32 v10, v0;
	v9 =	vadd.s32 v9, v7  }
0x89: {  	v10 =	vor.u32 s31, v0;
	vm1 =	vmand vm1, vm0  }
0x8a: {  	v10 =	vshrl.u32 v10, $0x1;
	v11 =	vsel vm1, $0xFFFFFFFF, v2  }
0x8b: {  	s26 =	simm.s32 $0x1C80;
	v10 =	vadd.s32 v11, v10  }
0x8c: {  	v11 =	vmul.u32 $0x38, v10;
	[tilespmem:s26+$0x0] =	vst v8  }
0x8d: {  	s28 =	simm.s32 $0x30;
	v8 =	vld.idx.msk [tilespmem:v9+s2+$0x0], $0xffff  }
0x8e: {  	s29 =	simm.s32 $0x40;
	v10 =	vmov s28;
	v9 =	vadd.s32 v11, v7  }
.LBB2_9:
0x8f: {  	p0 =	sne.s32 s29, $0x70;
	vm1 =	veq.s32 v10, v0  }
0x90: {  	v10 =	vor.u32 s28, v0;
	s28 =	smov.u32 s29;
	vm1 =	vmand vm1, vm0  }
.Ltmp3:
0x91: {  	s26 =	sadd.s32 $0x10, s26;
	v10 =	vshrl.u32 v10, $0x1;
	v11 =	vsel vm1, $0xFFFFFFFF, v2;
	(pc) =	sbr.rel @p0 .LBB2_9-.Ltmp3, $3  }
0x92: {  	v10 =	vadd.s32 v11, v10;
	[tilespmem:s26+$0x0] =	vst v8  }
0x93: {  	v11 =	vmul.u32 $0x38, v10;
	v8 =	vld.idx.msk [tilespmem:v9+s2+$0x0], $0xffff;
	_ =	sdelay $0x1  }
0x94: {  	s29 =	sadd.s32 $0x10, s29;
	v10 =	vmov s28;
	v9 =	vadd.s32 v11, v7  }
0x95: {  	vm1 =	veq.s32 v10, v0  }
0x96: {  	v10 =	vor.u32 s28, v0;
	vm1 =	vmand vm1, vm0  }
0x97: {  	v10 =	vshrl.u32 v10, $0x1;
	v11 =	vsel vm1, $0xFFFFFFFF, v2  }
0x98: {  	s26 =	sadd.s32 $0x10, s26;
	v10 =	vadd.s32 v11, v10  }
0x99: {  	[tilespmem:s26+$0x0] =	vst v8;
	v8 =	vmul.u32 $0x38, v10  }
0x9a: {  	v9 =	vld.idx.msk [tilespmem:v9+s2+$0x0], $0xffff  }
0x9b: {  	v7 =	vadd.s32 v8, v7;
	_ =	sdelay $0x2  }
0x9c: {  	s26 =	sadd.s32 $0x10, s26  }
0x9d: {  	[tilespmem:s26+$0x0] =	vst v9  }
0x9e: {  	v7 =	vld.idx.msk [tilespmem:v7+s2+$0x0], $0xffff  }
0x9f: {  	s28 =	simm.s32 $0x0  }
0xa0: {  	v8 =	vmov s28  }
0xa1: {  	s25 =	sadd.s32 $0x1E, s25;
	vm1 =	veq.s32 v8, v0  }
0xa2: {  	v8 =	vmov s25;
	s26 =	sadd.s32 $0x10, s26;
	v9 =	vor.u32 s28, v0;
	vm1 =	vmand vm1, vm0  }
0xa3: {  	[tilespmem:s26+$0x0] =	vst v7;
	v7 =	vand.u32 $0x3E, v8;
	v8 =	vshrl.u32 v9, $0x1;
	v9 =	vsel vm1, $0xFFFFFFFF, v2  }
0xa4: {  	[tilespmem:s18], [sflag:$0x1] =	stream.indirect.gather [hbm4b:s4+s14], $0x40, s17, s14, $0xb8;
	v7 =	vbroadcast v7, $0x0;
	v8 =	vadd.s32 v9, v8;
	[tilespmem:$0x5D00] =	vst v63  }
0xa5: {  	s30 =	simm.s32 $0x10;
	_ =	swait.ge [sflag:s19], $0x2000;
	v8 =	vmul.u32 $0x38, v8  }
0xa6: {  	v9 =	vmov s30;
	[sflag:s19] =	ssyncset.done $0x0;
	v7 =	vor.u32 v1, v7  }
0xa7: {  	s25 =	sshll.u32 s24, $0xD;
	vm1 =	veq.s32 v9, v0;
	[sflag:s19] =	ssyncadd.s32 $0xFFFFE000;
	v8 =	vadd.s32 v8, v7  }
0xa8: {  	s29 =	sadd.s32 s8, s25;
	v9 =	vor.u32 s30, v0;
	vm1 =	vmand vm1, vm0;
	_ =	swait.ge [sflag:s20], $0x2000  }
0xa9: {  	s31 =	sshll.u32 s29, $0x3;
	v9 =	vshrl.u32 v9, $0x1;
	v10 =	vsel vm1, $0xFFFFFFFF, v2;
	[sflag:s20] =	ssyncset.done $0x0  }
0xaa: {  	s29 =	simm.s32 $0x20;
	s26 =	sadd.s32 s3, s31;
	v9 =	vadd.s32 v10, v9;
	[sflag:s20] =	ssyncadd.s32 $0xFFFFE000  }
0xab: {  	v9 =	vmul.u32 $0x38, v9;
	[hbm4b:s26+s28] =	stream.linear.scatter [tilespmem:s16], [sflag:$0x2], $0x2000, $0x38;
	[tilespmem:$0x5D00] =	vst v63  }
0xac: {  	v10 =	vmov s29;
	v8 =	vld.idx.msk [tilespmem:v8+s2+$0x0], $0xffff  }
0xad: {  	vm1 =	veq.s32 v10, v0;
	v9 =	vadd.s32 v9, v7  }
0xae: {  	v10 =	vor.u32 s29, v0;
	vm1 =	vmand vm1, vm0  }
0xaf: {  	v10 =	vshrl.u32 v10, $0x1;
	v11 =	vsel vm1, $0xFFFFFFFF, v2  }
0xb0: {  	s26 =	simm.s32 $0x1C00;
	v10 =	vadd.s32 v11, v10  }
0xb1: {  	v11 =	vmul.u32 $0x38, v10;
	[tilespmem:s26+$0x0] =	vst v8  }
0xb2: {  	s28 =	simm.s32 $0x30;
	v8 =	vld.idx.msk [tilespmem:v9+s2+$0x0], $0xffff  }
0xb3: {  	s29 =	simm.s32 $0x40;
	v10 =	vmov s28;
	v9 =	vadd.s32 v11, v7  }
.LBB2_11:
0xb4: {  	p0 =	sne.s32 s29, $0x70;
	vm1 =	veq.s32 v10, v0  }
0xb5: {  	v10 =	vor.u32 s28, v0;
	s28 =	smov.u32 s29;
	vm1 =	vmand vm1, vm0  }
.Ltmp4:
0xb6: {  	s26 =	sadd.s32 $0x10, s26;
	v10 =	vshrl.u32 v10, $0x1;
	v11 =	vsel vm1, $0xFFFFFFFF, v2;
	(pc) =	sbr.rel @p0 .LBB2_11-.Ltmp4, $3  }
0xb7: {  	v10 =	vadd.s32 v11, v10;
	[tilespmem:s26+$0x0] =	vst v8  }
0xb8: {  	v11 =	vmul.u32 $0x38, v10;
	v8 =	vld.idx.msk [tilespmem:v9+s2+$0x0], $0xffff;
	_ =	sdelay $0x1  }
0xb9: {  	s29 =	sadd.s32 $0x10, s29;
	v10 =	vmov s28;
	v9 =	vadd.s32 v11, v7  }
0xba: {  	vm1 =	veq.s32 v10, v0  }
0xbb: {  	v63 =	vor.u32 s28, v0;
	vm1 =	vmand vm1, vm0  }
0xbc: {  	v10 =	vshrl.u32 v63, $0x1;
	v11 =	vsel vm1, $0xFFFFFFFF, v2  }
0xbd: {  	s26 =	sadd.s32 $0x10, s26;
	v10 =	vadd.s32 v11, v10  }
0xbe: {  	[tilespmem:s26+$0x0] =	vst v8;
	v8 =	vmul.u32 $0x38, v10  }
0xbf: {  	v9 =	vld.idx.msk [tilespmem:v9+s2+$0x0], $0xffff  }
0xc0: {  	v7 =	vadd.s32 v8, v7;
	_ =	sdelay $0x2  }
0xc1: {  	s26 =	sadd.s32 $0x10, s26  }
0xc2: {  	[tilespmem:s26+$0x0] =	vst v9  }
0xc3: {  	v7 =	vld.idx.msk [tilespmem:v7+s2+$0x0], $0xffff;
	_ =	sdelay $0x3  }
0xc4: {  	s26 =	sadd.s32 $0x10, s26  }
0xc5: {  	[tilespmem:s26+$0x0] =	vst v7  }
0xc6: {  	[tilespmem:s16], [sflag:$0x1] =	stream.indirect.gather [hbm4b:s4+s14], $0x40, s15, s14, $0xb8;
	[tilespmem:$0x5D00] =	vst v63  }
0xc7: {  	s24 =	sadd.s32 $0x1, s24;
	_ =	swait.ge [sflag:s19], $0x2000  }
0xc8: {  	p0 =	sne.s32 s24, $0xA;
	[sflag:s19] =	ssyncset.done $0x0  }
.Ltmp5:
0xc9: {  	[sflag:s19] =	ssyncadd.s32 $0xFFFFE000;
	(pc) =	sbr.rel @p0 .LBB2_8-.Ltmp5, $4  }
0xca: {  	s25 =	sadd.s32 s9, s25;
	_ =	swait.ge [sflag:s21], $0x2000  }
0xcb: {  	s25 =	sshll.u32 s25, $0x3;
	[sflag:s21] =	ssyncset.done $0x0  }
0xcc: {  	s31 =	sadd.s32 s3, s25;
	s25 =	simm.s32 $0x0;
	[sflag:s21] =	ssyncadd.s32 $0xFFFFE000  }
0xcd: {  	[hbm4b:s31+s25] =	stream.linear.scatter [tilespmem:s18], [sflag:$0x3], $0x2000, $0x38;
	[tilespmem:$0x5D00] =	vst v63  }
0xce: {  	v7 =	vmov s25  }
0xcf: {  	vm1 =	veq.s32 v7, v0  }
0xd0: {  	v7 =	vor.u32 s25, v0;
	vm1 =	vmand vm1, vm0  }
0xd1: {  	v7 =	vshrl.u32 v7, $0x1;
	v8 =	vsel vm1, $0xFFFFFFFF, v2  }
0xd2: {  	v7 =	vadd.s32 v8, v7  }
0xd3: {  	s23 =	simm.s32 $0x10;
	v7 =	vmul.u32 $0x38, v7  }
0xd4: {  	v8 =	vmov s23  }
0xd5: {  	vm1 =	veq.s32 v8, v0;
	v7 =	vadd.s32 v6, v7  }
0xd6: {  	v8 =	vor.u32 s23, v0;
	vm1 =	vmand vm1, vm0  }
0xd7: {  	v8 =	vshrl.u32 v8, $0x1;
	v9 =	vsel vm1, $0xFFFFFFFF, v2  }
0xd8: {  	v8 =	vadd.s32 v9, v8  }
0xd9: {  	s31 =	simm.s32 $0x20;
	v8 =	vmul.u32 $0x38, v8  }
0xda: {  	v9 =	vmov s31;
	v7 =	vld.idx.msk [tilespmem:v7+s2+$0x0], $0xffff  }
0xdb: {  	vm1 =	veq.s32 v9, v0;
	v8 =	vadd.s32 v6, v8  }
0xdc: {  	v9 =	vor.u32 s31, v0;
	vm1 =	vmand vm1, vm0  }
0xdd: {  	v9 =	vshrl.u32 v9, $0x1;
	v10 =	vsel vm1, $0xFFFFFFFF, v2  }
0xde: {  	s23 =	simm.s32 $0x1C80;
	v9 =	vadd.s32 v10, v9  }
0xdf: {  	v10 =	vmul.u32 $0x38, v9;
	[tilespmem:s23+$0x0] =	vst v7  }
0xe0: {  	s24 =	simm.s32 $0x30;
	v7 =	vld.idx.msk [tilespmem:v8+s2+$0x0], $0xffff  }
0xe1: {  	s25 =	simm.s32 $0x40;
	v9 =	vmov s24;
	v8 =	vadd.s32 v6, v10  }
.LBB2_14:
0xe2: {  	p0 =	sne.s32 s25, $0x70;
	vm1 =	veq.s32 v9, v0  }
0xe3: {  	v9 =	vor.u32 s24, v0;
	s24 =	smov.u32 s25;
	vm1 =	vmand vm1, vm0  }
.Ltmp6:
0xe4: {  	s23 =	sadd.s32 $0x10, s23;
	v9 =	vshrl.u32 v9, $0x1;
	v10 =	vsel vm1, $0xFFFFFFFF, v2;
	(pc) =	sbr.rel @p0 .LBB2_14-.Ltmp6, $3  }
0xe5: {  	v9 =	vadd.s32 v10, v9;
	[tilespmem:s23+$0x0] =	vst v7  }
0xe6: {  	v10 =	vmul.u32 $0x38, v9;
	v7 =	vld.idx.msk [tilespmem:v8+s2+$0x0], $0xffff;
	_ =	sdelay $0x1  }
0xe7: {  	s25 =	sadd.s32 $0x10, s25;
	v9 =	vmov s24;
	v8 =	vadd.s32 v6, v10  }
0xe8: {  	vm1 =	veq.s32 v9, v0  }
0xe9: {  	v63 =	vor.u32 s24, v0;
	vm1 =	vmand vm1, vm0  }
0xea: {  	v9 =	vshrl.u32 v63, $0x1;
	v10 =	vsel vm1, $0xFFFFFFFF, v2  }
0xeb: {  	s23 =	sadd.s32 $0x10, s23;
	v9 =	vadd.s32 v10, v9  }
0xec: {  	[tilespmem:s23+$0x0] =	vst v7;
	v7 =	vmul.u32 $0x38, v9  }
0xed: {  	v8 =	vld.idx.msk [tilespmem:v8+s2+$0x0], $0xffff  }
0xee: {  	v7 =	vadd.s32 v6, v7;
	_ =	sdelay $0x2  }
0xef: {  	s23 =	sadd.s32 $0x10, s23  }
0xf0: {  	[tilespmem:s23+$0x0] =	vst v8  }
0xf1: {  	v7 =	vld.idx.msk [tilespmem:v7+s2+$0x0], $0xffff;
	_ =	sdelay $0x3  }
0xf2: {  	s23 =	sadd.s32 $0x10, s23  }
0xf3: {  	[tilespmem:s23+$0x0] =	vst v7  }
0xf4: {  	[tilespmem:s18], [sflag:$0x1] =	stream.indirect.gather [hbm4b:s4+s14], $0x40, s17, s14, $0xb8;
	[tilespmem:$0x5D00] =	vst v63  }
0xf5: {  	_ =	swait.ge [sflag:s19], $0x2000  }
0xf6: {  	[sflag:s19] =	ssyncset.done $0x0  }
0xf7: {  	[sflag:s19] =	ssyncadd.s32 $0xFFFFE000  }
0xf8: {  	_ =	swait.ge [sflag:s20], $0x2000  }
0xf9: {  	[sflag:s20] =	ssyncset.done $0x0  }
0xfa: {  	[sflag:s20] =	ssyncadd.s32 $0xFFFFE000  }
0xfb: {  	[hbm4b:s10+s2] =	stream.linear.scatter [tilespmem:s16], [sflag:$0x2], $0x2000, $0x38;
	[tilespmem:$0x5D00] =	vst v63  }
0xfc: {  	_ =	swait.ge [sflag:s19], $0x2000  }
0xfd: {  	[sflag:s19] =	ssyncset.done $0x0  }
0xfe: {  	[sflag:s19] =	ssyncadd.s32 $0xFFFFE000  }
0xff: {  	_ =	swait.ge [sflag:s21], $0x2000  }
0x100: {  	[sflag:s21] =	ssyncset.done $0x0  }
0x101: {  	s22 =	sadd.s32 $0x1, s22;
	[sflag:s21] =	ssyncadd.s32 $0xFFFFE000  }
0x102: {  	[hbm4b:s11+s2] =	stream.linear.scatter [tilespmem:s18], [sflag:$0x3], $0x2000, $0x38;
	[tilespmem:$0x5D00] =	vst v63  }
0x103: {  	p0 =	sne.s32 s22, s12;
	_ =	swait.ge [sflag:s20], $0x2000  }
.Ltmp7:
0x104: {  	[sflag:s20] =	ssyncset.done $0x0;
	(pc) =	sbr.rel @p0 .LBB2_1-.Ltmp7, $4  }
0x105: {  	[sflag:s20] =	ssyncadd.s32 $0xFFFFE000  }
0x106: {  	_ =	swait.ge [sflag:s21], $0x2000  }
0x107: {  	[sflag:s21] =	ssyncset.done $0x0  }
0x108: {  	[sflag:s21] =	ssyncadd.s32 $0xFFFFE000  }
0x109: {  	_ =	sfence.sel $0x180000  }
0x10a: {  	[bflag:$0x0] =	sbarrier.arrive $0xFFFF  }
0x10b: {  	p0 =	sne.s32 s0, $0x0;
	_ =	strace $0x9000004A  }
0x10c: {  	s0 =	sadd.s32 @!p0 $0x100000, s1;
	[bflag:$0x2] =	sbarrier.arrive $0xFFFF  }
0x10d: {  	[sflag:s0] =	ssyncadd.tile.s32 @!p0 $0x1;
	_ =	shalt  }
.Lfunc_end2:
_tile_overlayer_lowered:
.L_overlay_start_2:
0x10e: {  	(tag) =	ssettag $0x2  }
0x10f: {  	s0 =	rddreg [dreg:$0x0];
	s2 =	stileid.u32  }
0x110: {  	s1 =	rddreg [dreg:$0x1];
	p0 =	sne.s32 s2, $0x0  }
0x111: {  	s3 =	rddreg [dreg:$0x2];
	[bflag:$0x3] =	sbarrier.arrive $0xFFFF;
	s2 =	simm.s32 @!p0 $0x1C04  }
0x112: {  	[timem:s3], [sflag:s2] =	dma.local @!p0 [hbm:s0], s1  }
0x113: {  	s0 =	simm.s32 @!p0 $0x4  }
0x114: {  	_ =	swait.ge @!p0 [sflag:s0], s1  }
0x115: {  	s1 =	ssub.s32 @!p0 $0x0, s1;
	[sflag:s0] =	ssyncset.done @!p0 $0x0  }
0x116: {  	[sflag:s0] =	ssyncadd.s32 @!p0 s1  }
0x117: {  	[bflag:$0x3] =	sbarrier.arrive $0xFFFF  }
0x118: {  	_ =	shalt  }

</sc_bundles>
